<compile_context>
chip_gen: v7x
topology: tpu7x:2x2x1
jax: 0.10.2.dev20260603
libtpu: 0.0.44.dev20260713+nightly
codegen_flags: <defaults>
</compile_context>

<pallas_src>
import functools

import jax
import jax.numpy as jnp
from jax import lax
from jax.experimental import pallas as pl
from jax.experimental.pallas import tpu as pltpu
from jax.experimental.pallas import tpu_sc as plsc

_T_V = 0.1
_T_Q = 0.1
_NEG_IOU = 0.5
_EPS = 1e-12


def _rsqrt_vec(x):
    i = lax.bitcast_convert_type(x, jnp.int32)
    i = jnp.int32(0x5F3759DF) - (i >> 1)
    y = lax.bitcast_convert_type(i, jnp.float32)
    for _ in range(4):
        y = y * (1.5 - 0.5 * x * y * y)
    return y


def _sqrt_vec(x):
    return x * _rsqrt_vec(jnp.maximum(x, 1e-30))


_GATHER_DNUMS = lax.GatherDimensionNumbers(
    offset_dims=(), collapsed_slice_dims=(0,), start_index_map=(0,))


def _lane_permute(v, idx):
    return lax.gather(v, idx[:, None], _GATHER_DNUMS, slice_sizes=(1,),
                      mode=lax.GatherScatterMode.PROMISE_IN_BOUNDS)


def _lane_reduce(v, op, iota):
    for k in (8, 4, 2, 1):
        v = op(v, _lane_permute(v, iota ^ k))
    return v


def _sc_topk_gather_body(iou_hbm, vf_hbm, sf_hbm, out_hbm, iou_row, sfbuf,
                         idx2, vcol, rowout, sem, *, S, C, P):
    m = lax.axis_index("s") * 2 + lax.axis_index("c")
    iota = lax.broadcasted_iota(jnp.int32, (16,), 0)

    pltpu.sync_copy(iou_hbm.at[m], iou_row)
    pltpu.sync_copy(sf_hbm, sfbuf)

    def amax_body(j, carry):
        bv, bi = carry
        v = iou_row[pl.ds(j * 16, 16)]
        upd = v > bv
        return (jnp.where(upd, v, bv),
                jnp.where(upd, iota + j * 16, bi))

    bv, bi = lax.fori_loop(
        0, P // 16, amax_body,
        (jnp.full((16,), -jnp.inf, jnp.float32),
         jnp.full((16,), P, jnp.int32)))
    gmax = _lane_reduce(bv, jnp.maximum, iota)
    gidx = _lane_reduce(jnp.where(bv == gmax, bi, jnp.int32(P)),
                        jnp.minimum, iota)

    base = m * (C * P)

    def idx_body(j, _):
        idx2[0, pl.ds(j * 16, 16)] = base + (iota + j * 16) * P + gidx
        idx2[1, pl.ds(j * 16, 16)] = base + (iota + (j + 8) * 16) * P + gidx
        return 0

    lax.fori_loop(0, C // 32, idx_body, 0)
    pltpu.async_copy(vf_hbm.at[idx2.at[0]], vcol.at[pl.ds(0, 128)], sem).wait()
    pltpu.async_copy(vf_hbm.at[idx2.at[1]], vcol.at[pl.ds(128, 128)], sem).wait()

    def vsq_body(j, acc):
        v = vcol[pl.ds(j * 16, 16)]
        return acc + v * v

    sv = _lane_reduce(lax.fori_loop(0, C // 16, vsq_body,
                                    jnp.zeros((16,), jnp.float32)),
                      jnp.add, iota)
    nv = jnp.maximum(_sqrt_vec(sv), _EPS)

    row0 = jnp.zeros((16,), jnp.float32)
    row1 = jnp.zeros((16,), jnp.float32)
    for s in range(S):
        def dot_body(j, carry, _s=s):
            ad, af = carry
            svec = sfbuf[pl.ds(_s * C + j * 16, 16)]
            vvec = vcol[pl.ds(j * 16, 16)]
            return ad + svec * vvec, af + svec * svec

        ad, af = lax.fori_loop(0, C // 16, dot_body,
                               (jnp.zeros((16,), jnp.float32),
                                jnp.zeros((16,), jnp.float32)))
        ns = jnp.maximum(_sqrt_vec(_lane_reduce(af, jnp.add, iota)), _EPS)
        val = _lane_reduce(ad, jnp.add, iota) / (nv * ns)
        hit = iota == (s % 16)
        if s < 16:
            row0 = jnp.where(hit, val, row0)
        else:
            row1 = jnp.where(hit, val, row1)
    rowout[pl.ds(0, 16)] = row0
    rowout[pl.ds(16, 16)] = row1
    pltpu.sync_copy(rowout, out_hbm.at[m])


def _sc_topk_gather(iou2ds2, vf1, sf1, *, S, C, P):
    mesh = plsc.VectorSubcoreMesh(core_axis_name="c", subcore_axis_name="s")
    kfn = functools.partial(
        pl.kernel,
        mesh=mesh,
        out_type=jax.ShapeDtypeStruct((S, S), jnp.float32),
        scratch_types=[
            pltpu.VMEM((P,), jnp.float32),
            pltpu.VMEM((S * C,), jnp.float32),
            pltpu.VMEM((2, 128), jnp.int32),
            pltpu.VMEM((C,), jnp.float32),
            pltpu.VMEM((S,), jnp.float32),
            pltpu.SemaphoreType.DMA,
        ],
    )(functools.partial(_sc_topk_gather_body, S=S, C=C, P=P))
    return kfn(iou2ds2, vf1, sf1)


def _loss_body(vf_ref, sf_ref, iou2d_ref, va_ref, out_ref, acc_ref,
               sfn_ref, *, B, S, C, P):
    b = pl.program_id(0)

    @pl.when(b == 0)
    def _init():
        acc_ref[...] = jnp.zeros_like(acc_ref)
        sf = sf_ref[...]
        sfn_ref[...] = sf / jnp.maximum(
            jnp.sqrt(jnp.sum(sf * sf, axis=1, keepdims=True)), _EPS)

    v = vf_ref[0]
    sq = jnp.sum(v * v, axis=0, keepdims=True)
    nrm = jnp.maximum(jnp.sqrt(sq), _EPS)
    g = lax.dot_general(
        sfn_ref[...], v, (((1,), (0,)), ((), ())),
        precision=lax.Precision.DEFAULT,
        preferred_element_type=jnp.float32)
    e = jnp.exp(g * ((1.0 / _T_Q) / nrm))

    iou_row = iou2d_ref[pl.ds(b, 1), :]
    s_iota = lax.broadcasted_iota(jnp.int32, (S, 1), 0)
    pos_mask = (s_iota == b) & (iou_row > _NEG_IOU)
    acc_ref[...] += jnp.sum(jnp.where(pos_mask, 0.0, e),
                            axis=1, keepdims=True)

    @pl.when(b == B - 1)
    def _finish():
        va = va_ref[...]
        r_iota = lax.broadcasted_iota(jnp.int32, (S, S), 0)
        c_iota = lax.broadcasted_iota(jnp.int32, (S, S), 1)
        eye = r_iota == c_iota
        pos_c = jnp.sum(jnp.where(eye, va, 0.0), axis=1, keepdims=True)
        ev = jnp.exp(va * (1.0 / _T_V))
        negv = jnp.sum(jnp.where(eye, 0.0, ev), axis=1, keepdims=True)
        pe_v = jnp.exp(pos_c * (1.0 / _T_V))
        loss_v = jnp.mean(-(pos_c * (1.0 / _T_V) - jnp.log(pe_v + negv)))

        pe_q = jnp.exp(pos_c * (1.0 / _T_Q))
        loss_q = jnp.mean(-(pos_c * (1.0 / _T_Q)
                            - jnp.log(pe_q + acc_ref[...])))

        o_r = lax.broadcasted_iota(jnp.int32, (8, 128), 0)
        o_c = lax.broadcasted_iota(jnp.int32, (8, 128), 1)
        out_ref[...] = jnp.where(
            (o_r == 0) & (o_c == 0), loss_v,
            jnp.where((o_r == 0) & (o_c == 1), loss_q, 0.0))


def kernel(video_feats, sents_feats, num_sentences, num_targets, iou2d,
           iou2ds, mask2d):
    B, C, N, _ = video_feats.shape
    S = sents_feats.shape[0]
    P = N * N
    vf3 = video_feats.reshape(B, C, P)
    iou2d2 = iou2d.reshape(S, P)
    iou2ds2 = iou2ds.reshape(S, P)

    va = _sc_topk_gather(iou2ds2, video_feats.reshape(-1),
                         sents_feats.reshape(-1), S=S, C=C, P=P)

    out = pl.pallas_call(
        functools.partial(_loss_body, B=B, S=S, C=C, P=P),
        grid=(B,),
        in_specs=[
            pl.BlockSpec((1, C, P), lambda b: (b, 0, 0)),
            pl.BlockSpec((S, C), lambda b: (0, 0)),
            pl.BlockSpec((S, P), lambda b: (0, 0)),
            pl.BlockSpec((S, S), lambda b: (0, 0)),
        ],
        out_specs=pl.BlockSpec((8, 128), lambda b: (0, 0)),
        out_shape=jax.ShapeDtypeStruct((8, 128), jnp.float32),
        scratch_shapes=[
            pltpu.VMEM((S, 1), jnp.float32),
            pltpu.VMEM((S, C), jnp.float32),
        ],
    )(vf3, sents_feats, iou2d2, va)

    loss_inter_video = out[0, 0]
    loss_inter_query = out[0, 1]
    loss_intra_video = jnp.zeros((), dtype=jnp.float32)
    return (loss_inter_video, loss_inter_query, loss_intra_video)

# --- scband reference (transcript-rebuilt; emitter-appended) ---
"""Pipeline reference for scband-contrastive-loss-7035156431246 (READ-ONLY COPY).

The authoritative reference and input builder live on the scoring server;
editing this copy changes nothing except your own understanding.
"""

import jax, jax.numpy as jnp
import numpy as np

T_V = 0.1
T_Q = 0.1
NEG_IOU = 0.5
POS_TOPK = 1
MARGIN = 0.0


def _normalize(x, axis=-1, eps=1e-12):
    n = jnp.sqrt(jnp.sum(x * x, axis=axis, keepdims=True))
    return x / jnp.maximum(n, eps)


def _log_cross_entropy(pos_score, all_score, neg_mask, t, m=0.0):
    pos_exp = jnp.exp((pos_score - m) / t)
    neg_exp_sum = jnp.sum(jnp.exp(all_score / t) * neg_mask, axis=-1)
    all_exp_sum = pos_exp + neg_exp_sum
    loss = -((pos_score - m) / t - jnp.log(all_exp_sum))
    return loss.mean()


def setup_inputs(seed: int = 0) -> dict:
    key = jax.random.key(seed)
    B, C, N = 32, 256, 64
    k1, k2, k3, k4 = jax.random.split(key, 4)
    video_feats = jax.random.normal(k1, (B, C, N, N), dtype=jnp.float32)
    num_sentences = jnp.ones((B,), dtype=jnp.int32)
    S = B
    num_targets = jnp.ones((S,), dtype=jnp.int32)
    M = S
    sents_feats = jax.random.normal(k2, (S, C), dtype=jnp.float32)
    iou2d = jax.random.uniform(k3, (S, N, N), dtype=jnp.float32)
    iou2ds = jax.random.uniform(k4, (M, N, N), dtype=jnp.float32)
    mask2d = jnp.ones((N, N), dtype=bool)
    return {
        'video_feats': video_feats,
        'sents_feats': sents_feats,
        'num_sentences': num_sentences,
        'num_targets': num_targets,
        'iou2d': iou2d,
        'iou2ds': iou2ds,
        'mask2d': mask2d,
    }


def reference(video_feats, sents_feats, num_sentences, num_targets, iou2d, iou2ds, mask2d):
    B, C, N, _ = video_feats.shape
    S = sents_feats.shape[0]
    M = iou2ds.shape[0]
    K = POS_TOPK
    sel = jnp.nonzero(mask2d.reshape(-1), size=N * N)[0]
    P = sel.shape[0]

    scatter_s2v = jnp.repeat(jnp.arange(B), num_sentences, total_repeat_length=S)  # [S]
    scatter_m2s = jnp.repeat(jnp.arange(S), num_targets, total_repeat_length=M)    # [M]
    scatter_m2v = scatter_s2v[scatter_m2s]                          # [M]

    vf = jnp.take(video_feats.reshape(B, C, -1), sel, axis=2)      # [B, C, P]
    vf = jnp.transpose(vf, (0, 2, 1))                               # [B, P, C]
    iou2d_f = jnp.take(iou2d.reshape(S, -1), sel, axis=1)           # [S, P]
    iou2ds_f = jnp.take(iou2ds.reshape(M, -1), sel, axis=1)         # [M, P]

    vf = _normalize(vf, axis=-1)
    sf = _normalize(sents_feats, axis=-1)

    # inter video (video -> query)
    _, topk_idxs = jax.lax.top_k(iou2ds_f, K)                       # [M, K]
    allm_video_feats = vf[scatter_m2v]                              # [M, P, C]
    topk_video_feats = jnp.take_along_axis(
        allm_video_feats, topk_idxs[:, :, None], axis=1)            # [M, K, C]
    inter_video_pos = jnp.sum(
        topk_video_feats * sf[scatter_m2s][:, None, :], axis=-1)    # [M, K]
    inter_video_all = jnp.einsum('mkc,sc->mks', topk_video_feats, sf)  # [M, K, S]
    eye_mask = ~jnp.eye(S, dtype=bool)
    inter_video_neg_mask = eye_mask[scatter_m2s][:, None, :]        # [M, 1, S]
    loss_inter_video = _log_cross_entropy(
        inter_video_pos, inter_video_all, inter_video_neg_mask, T_V, MARGIN)

    # inter query (query -> video)
    inter_query_pos = inter_video_pos                               # [M, K]
    inter_query_all = (sf @ vf.reshape(-1, C).T)[:, None, :]        # [S, 1, B*P]
    block = (jnp.arange(B)[None, :] == scatter_s2v[:, None])        # [S, B]
    s2v_pos_mask = iou2d_f > NEG_IOU                                # [S, P]
    pos_mask = (block[:, :, None] & s2v_pos_mask[:, None, :]).reshape(S, -1)  # [S, B*P]
    inter_query_neg_mask = ~pos_mask[:, None, :]                    # [S, 1, B*P]
    loss_inter_query = _log_cross_entropy(
        inter_query_pos,
        inter_query_all[scatter_m2s],
        inter_query_neg_mask[scatter_m2s],
        T_Q, MARGIN)

    loss_intra_video = jnp.zeros((), dtype=jnp.float32)
    return (loss_inter_video, loss_inter_query, loss_intra_video)

if __name__ == "__main__":
    import jax
    _d = setup_inputs()
    print(jax.jit(kernel)(*tuple(_d.values())))

</pallas_src>

<mosaic_0001>
#map = affine_map<(d0, d1) -> (0, 0)>
#map1 = affine_map<(d0, d1) -> (0)>
module attributes {stable_mosaic.version = 14 : i64} {
  func.func @_sc_topk_gather_body(%arg0: i32, %arg1: i32, %arg2: memref<32x4096xf32, #tpu.memory_space<hbm>>, %arg3: memref<33554432xf32, #tpu.memory_space<hbm>>, %arg4: memref<8192xf32, #tpu.memory_space<hbm>>, %arg5: memref<32x32xf32, #tpu.memory_space<hbm>>, %arg6: memref<4096xf32, #tpu.memory_space<vmem>>, %arg7: memref<8192xf32, #tpu.memory_space<vmem>>, %arg8: memref<2x128xi32, #tpu.memory_space<vmem>>, %arg9: memref<256xf32, #tpu.memory_space<vmem>>, %arg10: memref<32xf32, #tpu.memory_space<vmem>>, %arg11: memref<!tpu.dma_semaphore, #tpu.memory_space<semaphore_mem>>) attributes {dimension_semantics = [#tpu.dimension_semantics<core_parallel>, #tpu.dimension_semantics<subcore_parallel>], iteration_bounds = array<i64: 2, 16>, scalar_prefetch = 0 : i64, scratch_operands = 6 : i64, tpu.core_type = #tpu.core_type<sc_vector_subcore>, window_params = [{transform_indices = #map}, {transform_indices = #map1}, {transform_indices = #map1}, {transform_indices = #map}]} {
    %mul3A = arith.constant 2 : i32
    %mul3A_0 = arith.muli %arg1, %mul3A : i32
    %add3A = arith.addi %mul3A_0, %arg0 : i32
    %iota3A = tpu.iota {dimensions = array<i32: 0>} : vector<16xi32>
    "tpu.region"() ({
      %run_scoped3A = tpu.sem_alloc : memref<!tpu.dma_semaphore, #tpu.memory_space<semaphore_mem>>
      %dma_start3A_4131 = arith.constant 0 : i32
      %dma_start3A_4132 = tpu.memref_slice %arg2[%add3A, %dma_start3A_4131] : memref<32x4096xf32, #tpu.memory_space<hbm>> -> memref<1x4096xf32, #tpu.memory_space<hbm>>
      %dma_start3A_4133 = tpu.memref_squeeze %dma_start3A_4132 : memref<1x4096xf32, #tpu.memory_space<hbm>> -> memref<4096xf32, #tpu.memory_space<hbm>>
      %dma_start3A_4134 = arith.constant 0 : i32
      %dma_start3A_4135 = tpu.memref_slice %arg2[%add3A, %dma_start3A_4134] : memref<32x4096xf32, #tpu.memory_space<hbm>> -> memref<1x4096xf32, #tpu.memory_space<hbm>>
      %dma_start3A_4136 = tpu.memref_squeeze %dma_start3A_4135 : memref<1x4096xf32, #tpu.memory_space<hbm>> -> memref<4096xf32, #tpu.memory_space<hbm>>
      tpu.enqueue_dma source(%dma_start3A_4136 : memref<4096xf32, #tpu.memory_space<hbm>>) target(%arg6 : memref<4096xf32, #tpu.memory_space<vmem>>) target_semaphore(%run_scoped3A : memref<!tpu.dma_semaphore, #tpu.memory_space<semaphore_mem>>)
      %dma_wait3A_4137 = arith.constant 0 : i32
      %dma_wait3A_4138 = tpu.memref_slice %arg2[%add3A, %dma_wait3A_4137] : memref<32x4096xf32, #tpu.memory_space<hbm>> -> memref<1x4096xf32, #tpu.memory_space<hbm>>
      %dma_wait3A_4139 = tpu.memref_squeeze %dma_wait3A_4138 : memref<1x4096xf32, #tpu.memory_space<hbm>> -> memref<4096xf32, #tpu.memory_space<hbm>>
      %dma_wait3A_4140 = arith.constant 0 : i32
      %dma_wait3A_4141 = tpu.memref_slice %arg2[%add3A, %dma_wait3A_4140] : memref<32x4096xf32, #tpu.memory_space<hbm>> -> memref<1x4096xf32, #tpu.memory_space<hbm>>
      %dma_wait3A_4142 = tpu.memref_squeeze %dma_wait3A_4141 : memref<1x4096xf32, #tpu.memory_space<hbm>> -> memref<4096xf32, #tpu.memory_space<hbm>>
      tpu.wait_dma2 semaphore(%run_scoped3A : memref<!tpu.dma_semaphore, #tpu.memory_space<semaphore_mem>>) src(%dma_wait3A_4142 : memref<4096xf32, #tpu.memory_space<hbm>>) dst(%arg6 : memref<4096xf32, #tpu.memory_space<vmem>>)
      tpu.yield
    }) : () -> ()
    "tpu.region"() ({
      %run_scoped3A = tpu.sem_alloc : memref<!tpu.dma_semaphore, #tpu.memory_space<semaphore_mem>>
      tpu.enqueue_dma source(%arg4 : memref<8192xf32, #tpu.memory_space<hbm>>) target(%arg7 : memref<8192xf32, #tpu.memory_space<vmem>>) target_semaphore(%run_scoped3A : memref<!tpu.dma_semaphore, #tpu.memory_space<semaphore_mem>>)
      tpu.wait_dma2 semaphore(%run_scoped3A : memref<!tpu.dma_semaphore, #tpu.memory_space<semaphore_mem>>) src(%arg4 : memref<8192xf32, #tpu.memory_space<hbm>>) dst(%arg7 : memref<8192xf32, #tpu.memory_space<vmem>>)
      tpu.yield
    }) : () -> ()
    %broadcast_in_dim3A = arith.constant 0xFF800000 : f32
    %broadcast_in_dim3A_1 = vector.broadcast %broadcast_in_dim3A : f32 to vector<16xf32>
    %broadcast_in_dim3A_2 = arith.constant 4096 : i32
    %broadcast_in_dim3A_3 = vector.broadcast %broadcast_in_dim3A_2 : i32 to vector<16xi32>
    %scan3A = arith.constant 0 : i32
    %scan3A_4 = arith.constant 256 : i32
    %scan3A_5 = arith.addi %scan3A, %scan3A_4 : i32
    %scan3A_6 = arith.constant 1 : i32
    %scan3A_7:2 = scf.for %scan3A_4131 = %scan3A to %scan3A_5 step %scan3A_6 iter_args(%scan3A_4132 = %broadcast_in_dim3A_1, %scan3A_4133 = %broadcast_in_dim3A_3) -> (vector<16xf32>, vector<16xi32>)  : i32 {
      %mul3A_4134 = arith.constant 16 : i32
      %mul3A_4135 = arith.muli %scan3A_4131, %mul3A_4134 : i32
      %get3A = arith.index_cast %mul3A_4135 : i32 to index
      %get3A_4136 = tpu.vector_load %arg6[%get3A] {strides = array<i32>} : memref<4096xf32, #tpu.memory_space<vmem>>, vector<16xf32>,
      %get3A_4137 = vector.shape_cast %get3A_4136 : vector<16xf32> to vector<16xf32>
      %gt3A = arith.cmpf ogt, %get3A_4137, %scan3A_4132 : vector<16xf32>
      %select_n3A_4138 = arith.select %gt3A, %get3A_4137, %scan3A_4132 : vector<16xi1>, vector<16xf32>
      %mul3A_4139 = arith.constant 16 : i32
      %mul3A_4140 = arith.muli %scan3A_4131, %mul3A_4139 : i32
      %add3A_4141 = vector.broadcast %mul3A_4140 : i32 to vector<16xi32>
      %add3A_4142 = arith.addi %iota3A, %add3A_4141 : vector<16xi32>
      %select_n3A_4143 = arith.select %gt3A, %add3A_4142, %scan3A_4133 : vector<16xi1>, vector<16xi32>
      scf.yield %select_n3A_4138, %select_n3A_4143 : vector<16xf32>, vector<16xi32>
    }
    %scan3A_8 = arith.constant 256 : i32
    %xor3A = arith.constant 8 : i32
    %xor3A_9 = vector.broadcast %xor3A : i32 to vector<16xi32>
    %xor3A_10 = arith.xori %iota3A, %xor3A_9 : vector<16xi32>
    %broadcast_in_dim3A_11 = vector.shape_cast %xor3A_10 : vector<16xi32> to vector<16x1xi32>
    %gather3A = vector.shape_cast %broadcast_in_dim3A_11 : vector<16x1xi32> to vector<16xi32>
    %gather3A_12 = tpu.dynamic_gather %scan3A_7#0[%gather3A] in [0] : vector<16xf32>, vector<16xi32> -> vector<16xf32>
    %max3A = arith.maximumf %scan3A_7#0, %gather3A_12 : vector<16xf32>
    %xor3A_13 = arith.constant 4 : i32
    %xor3A_14 = vector.broadcast %xor3A_13 : i32 to vector<16xi32>
    %xor3A_15 = arith.xori %iota3A, %xor3A_14 : vector<16xi32>
    %broadcast_in_dim3A_16 = vector.shape_cast %xor3A_15 : vector<16xi32> to vector<16x1xi32>
    %gather3A_17 = vector.shape_cast %broadcast_in_dim3A_16 : vector<16x1xi32> to vector<16xi32>
    %gather3A_18 = tpu.dynamic_gather %max3A[%gather3A_17] in [0] : vector<16xf32>, vector<16xi32> -> vector<16xf32>
    %max3A_19 = arith.maximumf %max3A, %gather3A_18 : vector<16xf32>
    %xor3A_20 = arith.constant 2 : i32
    %xor3A_21 = vector.broadcast %xor3A_20 : i32 to vector<16xi32>
    %xor3A_22 = arith.xori %iota3A, %xor3A_21 : vector<16xi32>
    %broadcast_in_dim3A_23 = vector.shape_cast %xor3A_22 : vector<16xi32> to vector<16x1xi32>
    %gather3A_24 = vector.shape_cast %broadcast_in_dim3A_23 : vector<16x1xi32> to vector<16xi32>
    %gather3A_25 = tpu.dynamic_gather %max3A_19[%gather3A_24] in [0] : vector<16xf32>, vector<16xi32> -> vector<16xf32>
    %max3A_26 = arith.maximumf %max3A_19, %gather3A_25 : vector<16xf32>
    %xor3A_27 = arith.constant 1 : i32
    %xor3A_28 = vector.broadcast %xor3A_27 : i32 to vector<16xi32>
    %xor3A_29 = arith.xori %iota3A, %xor3A_28 : vector<16xi32>
    %broadcast_in_dim3A_30 = vector.shape_cast %xor3A_29 : vector<16xi32> to vector<16x1xi32>
    %gather3A_31 = vector.shape_cast %broadcast_in_dim3A_30 : vector<16x1xi32> to vector<16xi32>
    %gather3A_32 = tpu.dynamic_gather %max3A_26[%gather3A_31] in [0] : vector<16xf32>, vector<16xi32> -> vector<16xf32>
    %max3A_33 = arith.maximumf %max3A_26, %gather3A_32 : vector<16xf32>
    %eq3A = arith.cmpf oeq, %scan3A_7#0, %max3A_33 : vector<16xf32>
    %jit3A = arith.constant 4096 : i32
    %broadcast_in_dim3A_34 = vector.broadcast %jit3A : i32 to vector<16xi32>
    %select_n3A = arith.select %eq3A, %scan3A_7#1, %broadcast_in_dim3A_34 : vector<16xi1>, vector<16xi32>
    %xor3A_35 = arith.constant 8 : i32
    %xor3A_36 = vector.broadcast %xor3A_35 : i32 to vector<16xi32>
    %xor3A_37 = arith.xori %iota3A, %xor3A_36 : vector<16xi32>
    %broadcast_in_dim3A_38 = vector.shape_cast %xor3A_37 : vector<16xi32> to vector<16x1xi32>
    %gather3A_39 = vector.shape_cast %broadcast_in_dim3A_38 : vector<16x1xi32> to vector<16xi32>
    %gather3A_40 = tpu.dynamic_gather %select_n3A[%gather3A_39] in [0] : vector<16xi32>, vector<16xi32> -> vector<16xi32>
    %min3A = arith.minsi %select_n3A, %gather3A_40 : vector<16xi32>
    %xor3A_41 = arith.constant 4 : i32
    %xor3A_42 = vector.broadcast %xor3A_41 : i32 to vector<16xi32>
    %xor3A_43 = arith.xori %iota3A, %xor3A_42 : vector<16xi32>
    %broadcast_in_dim3A_44 = vector.shape_cast %xor3A_43 : vector<16xi32> to vector<16x1xi32>
    %gather3A_45 = vector.shape_cast %broadcast_in_dim3A_44 : vector<16x1xi32> to vector<16xi32>
    %gather3A_46 = tpu.dynamic_gather %min3A[%gather3A_45] in [0] : vector<16xi32>, vector<16xi32> -> vector<16xi32>
    %min3A_47 = arith.minsi %min3A, %gather3A_46 : vector<16xi32>
    %xor3A_48 = arith.constant 2 : i32
    %xor3A_49 = vector.broadcast %xor3A_48 : i32 to vector<16xi32>
    %xor3A_50 = arith.xori %iota3A, %xor3A_49 : vector<16xi32>
    %broadcast_in_dim3A_51 = vector.shape_cast %xor3A_50 : vector<16xi32> to vector<16x1xi32>
    %gather3A_52 = vector.shape_cast %broadcast_in_dim3A_51 : vector<16x1xi32> to vector<16xi32>
    %gather3A_53 = tpu.dynamic_gather %min3A_47[%gather3A_52] in [0] : vector<16xi32>, vector<16xi32> -> vector<16xi32>
    %min3A_54 = arith.minsi %min3A_47, %gather3A_53 : vector<16xi32>
    %xor3A_55 = arith.constant 1 : i32
    %xor3A_56 = vector.broadcast %xor3A_55 : i32 to vector<16xi32>
    %xor3A_57 = arith.xori %iota3A, %xor3A_56 : vector<16xi32>
    %broadcast_in_dim3A_58 = vector.shape_cast %xor3A_57 : vector<16xi32> to vector<16x1xi32>
    %gather3A_59 = vector.shape_cast %broadcast_in_dim3A_58 : vector<16x1xi32> to vector<16xi32>
    %gather3A_60 = tpu.dynamic_gather %min3A_54[%gather3A_59] in [0] : vector<16xi32>, vector<16xi32> -> vector<16xi32>
    %min3A_61 = arith.minsi %min3A_54, %gather3A_60 : vector<16xi32>
    %mul3A_62 = arith.constant 1048576 : i32
    %mul3A_63 = arith.muli %add3A, %mul3A_62 : i32
    %scan3A_64 = arith.constant 0 : i32
    %scan3A_65 = arith.constant 0 : i32
    %scan3A_66 = arith.constant 8 : i32
    %scan3A_67 = arith.addi %scan3A_65, %scan3A_66 : i32
    %scan3A_68 = arith.constant 1 : i32
    %scan3A_69 = scf.for %scan3A_4131 = %scan3A_65 to %scan3A_67 step %scan3A_68 iter_args(%scan3A_4132 = %scan3A_64) -> (i32)  : i32 {
      %mul3A_4133 = arith.constant 16 : i32
      %mul3A_4134 = arith.muli %scan3A_4131, %mul3A_4133 : i32
      %add3A_4135 = vector.broadcast %mul3A_4134 : i32 to vector<16xi32>
      %add3A_4136 = arith.addi %iota3A, %add3A_4135 : vector<16xi32>
      %mul3A_4137 = arith.constant 4096 : i32
      %mul3A_4138 = vector.broadcast %mul3A_4137 : i32 to vector<16xi32>
      %mul3A_4139 = arith.muli %add3A_4136, %mul3A_4138 : vector<16xi32>
      %add3A_4140 = vector.broadcast %mul3A_63 : i32 to vector<16xi32>
      %add3A_4141 = arith.addi %add3A_4140, %mul3A_4139 : vector<16xi32>
      %add3A_4142 = arith.addi %add3A_4141, %min3A_61 : vector<16xi32>
      %mul3A_4143 = arith.constant 16 : i32
      %mul3A_4144 = arith.muli %scan3A_4131, %mul3A_4143 : i32
      %swap3A_4145 = arith.constant 0 : i32
      %swap3A_4146 = arith.index_cast %swap3A_4145 : i32 to index
      %swap3A_4147 = arith.index_cast %mul3A_4144 : i32 to index
      %swap3A_4148 = tpu.vector_load %arg8[%swap3A_4146, %swap3A_4147] {strides = array<i32>} : memref<2x128xi32, #tpu.memory_space<vmem>>, vector<1x16xi32>,
      %swap3A_4149 = vector.shape_cast %swap3A_4148 : vector<1x16xi32> to vector<16xi32>
      %swap3A_4150 = vector.shape_cast %add3A_4142 : vector<16xi32> to vector<1x16xi32>
      tpu.vector_store %arg8[%swap3A_4146, %swap3A_4147], %swap3A_4150 {strides = array<i32>} : memref<2x128xi32, #tpu.memory_space<vmem>>, vector<1x16xi32>,
      %add3A_4151 = arith.constant 8 : i32
      %add3A_4152 = arith.addi %scan3A_4131, %add3A_4151 : i32
      %mul3A_4153 = arith.constant 16 : i32
      %mul3A_4154 = arith.muli %add3A_4152, %mul3A_4153 : i32
      %add3A_4155 = vector.broadcast %mul3A_4154 : i32 to vector<16xi32>
      %add3A_4156 = arith.addi %iota3A, %add3A_4155 : vector<16xi32>
      %mul3A_4157 = arith.constant 4096 : i32
      %mul3A_4158 = vector.broadcast %mul3A_4157 : i32 to vector<16xi32>
      %mul3A_4159 = arith.muli %add3A_4156, %mul3A_4158 : vector<16xi32>
      %add3A_4160 = vector.broadcast %mul3A_63 : i32 to vector<16xi32>
      %add3A_4161 = arith.addi %add3A_4160, %mul3A_4159 : vector<16xi32>
      %add3A_4162 = arith.addi %add3A_4161, %min3A_61 : vector<16xi32>
      %mul3A_4163 = arith.constant 16 : i32
      %mul3A_4164 = arith.muli %scan3A_4131, %mul3A_4163 : i32
      %swap3A_4165 = arith.constant 1 : i32
      %swap3A_4166 = arith.index_cast %swap3A_4165 : i32 to index
      %swap3A_4167 = arith.index_cast %mul3A_4164 : i32 to index
      %swap3A_4168 = tpu.vector_load %arg8[%swap3A_4166, %swap3A_4167] {strides = array<i32>} : memref<2x128xi32, #tpu.memory_space<vmem>>, vector<1x16xi32>,
      %swap3A_4169 = vector.shape_cast %swap3A_4168 : vector<1x16xi32> to vector<16xi32>
      %swap3A_4170 = vector.shape_cast %add3A_4162 : vector<16xi32> to vector<1x16xi32>
      tpu.vector_store %arg8[%swap3A_4166, %swap3A_4167], %swap3A_4170 {strides = array<i32>} : memref<2x128xi32, #tpu.memory_space<vmem>>, vector<1x16xi32>,
      %scan3A_4171 = arith.constant 0 : i32
      scf.yield %scan3A_4171 : i32
    }
    %scan3A_70 = arith.constant 8 : i32
    %dma_start3A = arith.constant 0 : i32
    %dma_start3A_71 = arith.constant 0 : i32
    %dma_start3A_72 = tpu.memref_slice %arg9[%dma_start3A_71] : memref<256xf32, #tpu.memory_space<vmem>> -> memref<128xf32, #tpu.memory_space<vmem>>
    %dma_start3A_73 = arith.constant 0 : i32
    %dma_start3A_74 = tpu.memref_slice %arg8[%dma_start3A, %dma_start3A_73] : memref<2x128xi32, #tpu.memory_space<vmem>> -> memref<1x128xi32, #tpu.memory_space<vmem>>
    %dma_start3A_75 = tpu.memref_squeeze %dma_start3A_74 : memref<1x128xi32, #tpu.memory_space<vmem>> -> memref<128xi32, #tpu.memory_space<vmem>>
    %dma_start3A_76 = arith.constant 0 : i32
    %dma_start3A_77 = tpu.memref_slice %arg3[%dma_start3A_76] : memref<33554432xf32, #tpu.memory_space<hbm>> -> memref<33554432xf32, #tpu.memory_space<hbm>>
    tpu.enqueue_indirect_dma source(%dma_start3A_77 : memref<33554432xf32, #tpu.memory_space<hbm>>) target(%dma_start3A_72 : memref<128xf32, #tpu.memory_space<vmem>>) offsets(%dma_start3A_75 : memref<128xi32, #tpu.memory_space<vmem>>) semaphore(%arg11 : memref<!tpu.dma_semaphore, #tpu.memory_space<semaphore_mem>>)
    %dma_wait3A = arith.constant 0 : i32
    %dma_wait3A_78 = arith.constant 0 : i32
    %dma_wait3A_79 = tpu.memref_slice %arg9[%dma_wait3A_78] : memref<256xf32, #tpu.memory_space<vmem>> -> memref<128xf32, #tpu.memory_space<vmem>>
    %dma_wait3A_80 = arith.constant 0 : i32
    %dma_wait3A_81 = tpu.memref_slice %arg8[%dma_wait3A, %dma_wait3A_80] : memref<2x128xi32, #tpu.memory_space<vmem>> -> memref<1x128xi32, #tpu.memory_space<vmem>>
    %dma_wait3A_82 = tpu.memref_squeeze %dma_wait3A_81 : memref<1x128xi32, #tpu.memory_space<vmem>> -> memref<128xi32, #tpu.memory_space<vmem>>
    %dma_wait3A_83 = arith.constant 0 : i32
    %dma_wait3A_84 = tpu.memref_slice %arg3[%dma_wait3A_83] : memref<33554432xf32, #tpu.memory_space<hbm>> -> memref<33554432xf32, #tpu.memory_space<hbm>>
    tpu.wait_indirect_dma semaphore(%arg11 : memref<!tpu.dma_semaphore, #tpu.memory_space<semaphore_mem>>) src(%dma_wait3A_84 : memref<33554432xf32, #tpu.memory_space<hbm>>) dst(%dma_wait3A_79 : memref<128xf32, #tpu.memory_space<vmem>>)
    %dma_start3A_85 = arith.constant 1 : i32
    %dma_start3A_86 = arith.constant 128 : i32
    %dma_start3A_87 = tpu.memref_slice %arg9[%dma_start3A_86] : memref<256xf32, #tpu.memory_space<vmem>> -> memref<128xf32, #tpu.memory_space<vmem>>
    %dma_start3A_88 = arith.constant 0 : i32
    %dma_start3A_89 = tpu.memref_slice %arg8[%dma_start3A_85, %dma_start3A_88] : memref<2x128xi32, #tpu.memory_space<vmem>> -> memref<1x128xi32, #tpu.memory_space<vmem>>
    %dma_start3A_90 = tpu.memref_squeeze %dma_start3A_89 : memref<1x128xi32, #tpu.memory_space<vmem>> -> memref<128xi32, #tpu.memory_space<vmem>>
    %dma_start3A_91 = arith.constant 0 : i32
    %dma_start3A_92 = tpu.memref_slice %arg3[%dma_start3A_91] : memref<33554432xf32, #tpu.memory_space<hbm>> -> memref<33554432xf32, #tpu.memory_space<hbm>>
    tpu.enqueue_indirect_dma source(%dma_start3A_92 : memref<33554432xf32, #tpu.memory_space<hbm>>) target(%dma_start3A_87 : memref<128xf32, #tpu.memory_space<vmem>>) offsets(%dma_start3A_90 : memref<128xi32, #tpu.memory_space<vmem>>) semaphore(%arg11 : memref<!tpu.dma_semaphore, #tpu.memory_space<semaphore_mem>>)
    %dma_wait3A_93 = arith.constant 1 : i32
    %dma_wait3A_94 = arith.constant 128 : i32
    %dma_wait3A_95 = tpu.memref_slice %arg9[%dma_wait3A_94] : memref<256xf32, #tpu.memory_space<vmem>> -> memref<128xf32, #tpu.memory_space<vmem>>
    %dma_wait3A_96 = arith.constant 0 : i32
    %dma_wait3A_97 = tpu.memref_slice %arg8[%dma_wait3A_93, %dma_wait3A_96] : memref<2x128xi32, #tpu.memory_space<vmem>> -> memref<1x128xi32, #tpu.memory_space<vmem>>
    %dma_wait3A_98 = tpu.memref_squeeze %dma_wait3A_97 : memref<1x128xi32, #tpu.memory_space<vmem>> -> memref<128xi32, #tpu.memory_space<vmem>>
    %dma_wait3A_99 = arith.constant 0 : i32
    %dma_wait3A_100 = tpu.memref_slice %arg3[%dma_wait3A_99] : memref<33554432xf32, #tpu.memory_space<hbm>> -> memref<33554432xf32, #tpu.memory_space<hbm>>
    tpu.wait_indirect_dma semaphore(%arg11 : memref<!tpu.dma_semaphore, #tpu.memory_space<semaphore_mem>>) src(%dma_wait3A_100 : memref<33554432xf32, #tpu.memory_space<hbm>>) dst(%dma_wait3A_95 : memref<128xf32, #tpu.memory_space<vmem>>)
    %broadcast_in_dim3A_101 = arith.constant 0.000000e+00 : f32
    %broadcast_in_dim3A_102 = vector.broadcast %broadcast_in_dim3A_101 : f32 to vector<16xf32>
    %scan3A_103 = arith.constant 0 : i32
    %scan3A_104 = arith.constant 16 : i32
    %scan3A_105 = arith.addi %scan3A_103, %scan3A_104 : i32
    %scan3A_106 = arith.constant 1 : i32
    %scan3A_107 = scf.for %scan3A_4131 = %scan3A_103 to %scan3A_105 step %scan3A_106 iter_args(%scan3A_4132 = %broadcast_in_dim3A_102) -> (vector<16xf32>)  : i32 {
      %mul3A_4133 = arith.constant 16 : i32
      %mul3A_4134 = arith.muli %scan3A_4131, %mul3A_4133 : i32
      %get3A = arith.index_cast %mul3A_4134 : i32 to index
      %get3A_4135 = tpu.vector_load %arg9[%get3A] {strides = array<i32>} : memref<256xf32, #tpu.memory_space<vmem>>, vector<16xf32>,
      %get3A_4136 = vector.shape_cast %get3A_4135 : vector<16xf32> to vector<16xf32>
      %mul3A_4137 = arith.mulf %get3A_4136, %get3A_4136 : vector<16xf32>
      %add3A_4138 = arith.addf %scan3A_4132, %mul3A_4137 : vector<16xf32>
      scf.yield %add3A_4138 : vector<16xf32>
    }
    %scan3A_108 = arith.constant 16 : i32
    %xor3A_109 = arith.constant 8 : i32
    %xor3A_110 = vector.broadcast %xor3A_109 : i32 to vector<16xi32>
    %xor3A_111 = arith.xori %iota3A, %xor3A_110 : vector<16xi32>
    %broadcast_in_dim3A_112 = vector.shape_cast %xor3A_111 : vector<16xi32> to vector<16x1xi32>
    %gather3A_113 = vector.shape_cast %broadcast_in_dim3A_112 : vector<16x1xi32> to vector<16xi32>
    %gather3A_114 = tpu.dynamic_gather %scan3A_107[%gather3A_113] in [0] : vector<16xf32>, vector<16xi32> -> vector<16xf32>
    %add3A_115 = arith.addf %scan3A_107, %gather3A_114 : vector<16xf32>
    %xor3A_116 = arith.constant 4 : i32
    %xor3A_117 = vector.broadcast %xor3A_116 : i32 to vector<16xi32>
    %xor3A_118 = arith.xori %iota3A, %xor3A_117 : vector<16xi32>
    %broadcast_in_dim3A_119 = vector.shape_cast %xor3A_118 : vector<16xi32> to vector<16x1xi32>
    %gather3A_120 = vector.shape_cast %broadcast_in_dim3A_119 : vector<16x1xi32> to vector<16xi32>
    %gather3A_121 = tpu.dynamic_gather %add3A_115[%gather3A_120] in [0] : vector<16xf32>, vector<16xi32> -> vector<16xf32>
    %add3A_122 = arith.addf %add3A_115, %gather3A_121 : vector<16xf32>
    %xor3A_123 = arith.constant 2 : i32
    %xor3A_124 = vector.broadcast %xor3A_123 : i32 to vector<16xi32>
    %xor3A_125 = arith.xori %iota3A, %xor3A_124 : vector<16xi32>
    %broadcast_in_dim3A_126 = vector.shape_cast %xor3A_125 : vector<16xi32> to vector<16x1xi32>
    %gather3A_127 = vector.shape_cast %broadcast_in_dim3A_126 : vector<16x1xi32> to vector<16xi32>
    %gather3A_128 = tpu.dynamic_gather %add3A_122[%gather3A_127] in [0] : vector<16xf32>, vector<16xi32> -> vector<16xf32>
    %add3A_129 = arith.addf %add3A_122, %gather3A_128 : vector<16xf32>
    %xor3A_130 = arith.constant 1 : i32
    %xor3A_131 = vector.broadcast %xor3A_130 : i32 to vector<16xi32>
    %xor3A_132 = arith.xori %iota3A, %xor3A_131 : vector<16xi32>
    %broadcast_in_dim3A_133 = vector.shape_cast %xor3A_132 : vector<16xi32> to vector<16x1xi32>
    %gather3A_134 = vector.shape_cast %broadcast_in_dim3A_133 : vector<16x1xi32> to vector<16xi32>
    %gather3A_135 = tpu.dynamic_gather %add3A_129[%gather3A_134] in [0] : vector<16xf32>, vector<16xi32> -> vector<16xf32>
    %add3A_136 = arith.addf %add3A_129, %gather3A_135 : vector<16xf32>
    %max3A_137 = arith.constant 1.000000e-30 : f32
    %max3A_138 = vector.broadcast %max3A_137 : f32 to vector<16xf32>
    %max3A_139 = arith.maximumf %add3A_136, %max3A_138 : vector<16xf32>
    %bitcast_convert_type3A = tpu.bitcast %max3A_139 : vector<16xf32> -> vector<16xi32>
    %shift_right_arithmetic3A = arith.constant 1 : i32
    %shift_right_arithmetic3A_140 = vector.broadcast %shift_right_arithmetic3A : i32 to vector<16xi32>
    %shift_right_arithmetic3A_141 = arith.shrsi %bitcast_convert_type3A, %shift_right_arithmetic3A_140 : vector<16xi32>
    %sub3A = arith.constant 1597463007 : i32
    %sub3A_142 = vector.broadcast %sub3A : i32 to vector<16xi32>
    %sub3A_143 = arith.subi %sub3A_142, %shift_right_arithmetic3A_141 : vector<16xi32>
    %bitcast_convert_type3A_144 = tpu.bitcast %sub3A_143 : vector<16xi32> -> vector<16xf32>
    %mul3A_145 = arith.constant 5.000000e-01 : f32
    %mul3A_146 = vector.broadcast %mul3A_145 : f32 to vector<16xf32>
    %mul3A_147 = arith.mulf %mul3A_146, %max3A_139 : vector<16xf32>
    %mul3A_148 = arith.mulf %mul3A_147, %bitcast_convert_type3A_144 : vector<16xf32>
    %mul3A_149 = arith.mulf %mul3A_148, %bitcast_convert_type3A_144 : vector<16xf32>
    %sub3A_150 = arith.constant 1.500000e+00 : f32
    %sub3A_151 = vector.broadcast %sub3A_150 : f32 to vector<16xf32>
    %sub3A_152 = arith.subf %sub3A_151, %mul3A_149 : vector<16xf32>
    %mul3A_153 = arith.mulf %bitcast_convert_type3A_144, %sub3A_152 : vector<16xf32>
    %mul3A_154 = arith.constant 5.000000e-01 : f32
    %mul3A_155 = vector.broadcast %mul3A_154 : f32 to vector<16xf32>
    %mul3A_156 = arith.mulf %mul3A_155, %max3A_139 : vector<16xf32>
    %mul3A_157 = arith.mulf %mul3A_156, %mul3A_153 : vector<16xf32>
    %mul3A_158 = arith.mulf %mul3A_157, %mul3A_153 : vector<16xf32>
    %sub3A_159 = arith.constant 1.500000e+00 : f32
    %sub3A_160 = vector.broadcast %sub3A_159 : f32 to vector<16xf32>
    %sub3A_161 = arith.subf %sub3A_160, %mul3A_158 : vector<16xf32>
    %mul3A_162 = arith.mulf %mul3A_153, %sub3A_161 : vector<16xf32>
    %mul3A_163 = arith.constant 5.000000e-01 : f32
    %mul3A_164 = vector.broadcast %mul3A_163 : f32 to vector<16xf32>
    %mul3A_165 = arith.mulf %mul3A_164, %max3A_139 : vector<16xf32>
    %mul3A_166 = arith.mulf %mul3A_165, %mul3A_162 : vector<16xf32>
    %mul3A_167 = arith.mulf %mul3A_166, %mul3A_162 : vector<16xf32>
    %sub3A_168 = arith.constant 1.500000e+00 : f32
    %sub3A_169 = vector.broadcast %sub3A_168 : f32 to vector<16xf32>
    %sub3A_170 = arith.subf %sub3A_169, %mul3A_167 : vector<16xf32>
    %mul3A_171 = arith.mulf %mul3A_162, %sub3A_170 : vector<16xf32>
    %mul3A_172 = arith.constant 5.000000e-01 : f32
    %mul3A_173 = vector.broadcast %mul3A_172 : f32 to vector<16xf32>
    %mul3A_174 = arith.mulf %mul3A_173, %max3A_139 : vector<16xf32>
    %mul3A_175 = arith.mulf %mul3A_174, %mul3A_171 : vector<16xf32>
    %mul3A_176 = arith.mulf %mul3A_175, %mul3A_171 : vector<16xf32>
    %sub3A_177 = arith.constant 1.500000e+00 : f32
    %sub3A_178 = vector.broadcast %sub3A_177 : f32 to vector<16xf32>
    %sub3A_179 = arith.subf %sub3A_178, %mul3A_176 : vector<16xf32>
    %mul3A_180 = arith.mulf %mul3A_171, %sub3A_179 : vector<16xf32>
    %mul3A_181 = arith.mulf %add3A_136, %mul3A_180 : vector<16xf32>
    %max3A_182 = arith.constant 9.99999996E-13 : f32
    %max3A_183 = vector.broadcast %max3A_182 : f32 to vector<16xf32>
    %max3A_184 = arith.maximumf %mul3A_181, %max3A_183 : vector<16xf32>
    %broadcast_in_dim3A_185 = arith.constant 0.000000e+00 : f32
    %broadcast_in_dim3A_186 = vector.broadcast %broadcast_in_dim3A_185 : f32 to vector<16xf32>
    %broadcast_in_dim3A_187 = arith.constant 0.000000e+00 : f32
    %broadcast_in_dim3A_188 = vector.broadcast %broadcast_in_dim3A_187 : f32 to vector<16xf32>
    %broadcast_in_dim3A_189 = arith.constant 0.000000e+00 : f32
    %broadcast_in_dim3A_190 = vector.broadcast %broadcast_in_dim3A_189 : f32 to vector<16xf32>
    %broadcast_in_dim3A_191 = arith.constant 0.000000e+00 : f32
    %broadcast_in_dim3A_192 = vector.broadcast %broadcast_in_dim3A_191 : f32 to vector<16xf32>
    %scan3A_193 = arith.constant 0 : i32
    %scan3A_194 = arith.constant 16 : i32
    %scan3A_195 = arith.addi %scan3A_193, %scan3A_194 : i32
    %scan3A_196 = arith.constant 1 : i32
    %scan3A_197:2 = scf.for %scan3A_4131 = %scan3A_193 to %scan3A_195 step %scan3A_196 iter_args(%scan3A_4132 = %broadcast_in_dim3A_190, %scan3A_4133 = %broadcast_in_dim3A_192) -> (vector<16xf32>, vector<16xf32>)  : i32 {
      %mul3A_4134 = arith.constant 16 : i32
      %mul3A_4135 = arith.muli %scan3A_4131, %mul3A_4134 : i32
      %add3A_4136 = arith.constant 0 : i32
      %add3A_4137 = arith.addi %add3A_4136, %mul3A_4135 : i32
      %get3A = arith.index_cast %add3A_4137 : i32 to index
      %get3A_4138 = tpu.vector_load %arg7[%get3A] {strides = array<i32>} : memref<8192xf32, #tpu.memory_space<vmem>>, vector<16xf32>,
      %get3A_4139 = vector.shape_cast %get3A_4138 : vector<16xf32> to vector<16xf32>
      %mul3A_4140 = arith.constant 16 : i32
      %mul3A_4141 = arith.muli %scan3A_4131, %mul3A_4140 : i32
      %get3A_4142 = arith.index_cast %mul3A_4141 : i32 to index
      %get3A_4143 = tpu.vector_load %arg9[%get3A_4142] {strides = array<i32>} : memref<256xf32, #tpu.memory_space<vmem>>, vector<16xf32>,
      %get3A_4144 = vector.shape_cast %get3A_4143 : vector<16xf32> to vector<16xf32>
      %mul3A_4145 = arith.mulf %get3A_4139, %get3A_4144 : vector<16xf32>
      %add3A_4146 = arith.addf %scan3A_4132, %mul3A_4145 : vector<16xf32>
      %mul3A_4147 = arith.mulf %get3A_4139, %get3A_4139 : vector<16xf32>
      %add3A_4148 = arith.addf %scan3A_4133, %mul3A_4147 : vector<16xf32>
      scf.yield %add3A_4146, %add3A_4148 : vector<16xf32>, vector<16xf32>
    }
    %scan3A_198 = arith.constant 16 : i32
    %xor3A_199 = arith.constant 8 : i32
    %xor3A_200 = vector.broadcast %xor3A_199 : i32 to vector<16xi32>
    %xor3A_201 = arith.xori %iota3A, %xor3A_200 : vector<16xi32>
    %broadcast_in_dim3A_202 = vector.shape_cast %xor3A_201 : vector<16xi32> to vector<16x1xi32>
    %gather3A_203 = vector.shape_cast %broadcast_in_dim3A_202 : vector<16x1xi32> to vector<16xi32>
    %gather3A_204 = tpu.dynamic_gather %scan3A_197#1[%gather3A_203] in [0] : vector<16xf32>, vector<16xi32> -> vector<16xf32>
    %add3A_205 = arith.addf %scan3A_197#1, %gather3A_204 : vector<16xf32>
    %xor3A_206 = arith.constant 4 : i32
    %xor3A_207 = vector.broadcast %xor3A_206 : i32 to vector<16xi32>
    %xor3A_208 = arith.xori %iota3A, %xor3A_207 : vector<16xi32>
    %broadcast_in_dim3A_209 = vector.shape_cast %xor3A_208 : vector<16xi32> to vector<16x1xi32>
    %gather3A_210 = vector.shape_cast %broadcast_in_dim3A_209 : vector<16x1xi32> to vector<16xi32>
    %gather3A_211 = tpu.dynamic_gather %add3A_205[%gather3A_210] in [0] : vector<16xf32>, vector<16xi32> -> vector<16xf32>
    %add3A_212 = arith.addf %add3A_205, %gather3A_211 : vector<16xf32>
    %xor3A_213 = arith.constant 2 : i32
    %xor3A_214 = vector.broadcast %xor3A_213 : i32 to vector<16xi32>
    %xor3A_215 = arith.xori %iota3A, %xor3A_214 : vector<16xi32>
    %broadcast_in_dim3A_216 = vector.shape_cast %xor3A_215 : vector<16xi32> to vector<16x1xi32>
    %gather3A_217 = vector.shape_cast %broadcast_in_dim3A_216 : vector<16x1xi32> to vector<16xi32>
    %gather3A_218 = tpu.dynamic_gather %add3A_212[%gather3A_217] in [0] : vector<16xf32>, vector<16xi32> -> vector<16xf32>
    %add3A_219 = arith.addf %add3A_212, %gather3A_218 : vector<16xf32>
    %xor3A_220 = arith.constant 1 : i32
    %xor3A_221 = vector.broadcast %xor3A_220 : i32 to vector<16xi32>
    %xor3A_222 = arith.xori %iota3A, %xor3A_221 : vector<16xi32>
    %broadcast_in_dim3A_223 = vector.shape_cast %xor3A_222 : vector<16xi32> to vector<16x1xi32>
    %gather3A_224 = vector.shape_cast %broadcast_in_dim3A_223 : vector<16x1xi32> to vector<16xi32>
    %gather3A_225 = tpu.dynamic_gather %add3A_219[%gather3A_224] in [0] : vector<16xf32>, vector<16xi32> -> vector<16xf32>
    %add3A_226 = arith.addf %add3A_219, %gather3A_225 : vector<16xf32>
    %max3A_227 = arith.constant 1.000000e-30 : f32
    %max3A_228 = vector.broadcast %max3A_227 : f32 to vector<16xf32>
    %max3A_229 = arith.maximumf %add3A_226, %max3A_228 : vector<16xf32>
    %bitcast_convert_type3A_230 = tpu.bitcast %max3A_229 : vector<16xf32> -> vector<16xi32>
    %shift_right_arithmetic3A_231 = arith.constant 1 : i32
    %shift_right_arithmetic3A_232 = vector.broadcast %shift_right_arithmetic3A_231 : i32 to vector<16xi32>
    %shift_right_arithmetic3A_233 = arith.shrsi %bitcast_convert_type3A_230, %shift_right_arithmetic3A_232 : vector<16xi32>
    %sub3A_234 = arith.constant 1597463007 : i32
    %sub3A_235 = vector.broadcast %sub3A_234 : i32 to vector<16xi32>
    %sub3A_236 = arith.subi %sub3A_235, %shift_right_arithmetic3A_233 : vector<16xi32>
    %bitcast_convert_type3A_237 = tpu.bitcast %sub3A_236 : vector<16xi32> -> vector<16xf32>
    %mul3A_238 = arith.constant 5.000000e-01 : f32
    %mul3A_239 = vector.broadcast %mul3A_238 : f32 to vector<16xf32>
    %mul3A_240 = arith.mulf %mul3A_239, %max3A_229 : vector<16xf32>
    %mul3A_241 = arith.mulf %mul3A_240, %bitcast_convert_type3A_237 : vector<16xf32>
    %mul3A_242 = arith.mulf %mul3A_241, %bitcast_convert_type3A_237 : vector<16xf32>
    %sub3A_243 = arith.constant 1.500000e+00 : f32
    %sub3A_244 = vector.broadcast %sub3A_243 : f32 to vector<16xf32>
    %sub3A_245 = arith.subf %sub3A_244, %mul3A_242 : vector<16xf32>
    %mul3A_246 = arith.mulf %bitcast_convert_type3A_237, %sub3A_245 : vector<16xf32>
    %mul3A_247 = arith.constant 5.000000e-01 : f32
    %mul3A_248 = vector.broadcast %mul3A_247 : f32 to vector<16xf32>
    %mul3A_249 = arith.mulf %mul3A_248, %max3A_229 : vector<16xf32>
    %mul3A_250 = arith.mulf %mul3A_249, %mul3A_246 : vector<16xf32>
    %mul3A_251 = arith.mulf %mul3A_250, %mul3A_246 : vector<16xf32>
    %sub3A_252 = arith.constant 1.500000e+00 : f32
    %sub3A_253 = vector.broadcast %sub3A_252 : f32 to vector<16xf32>
    %sub3A_254 = arith.subf %sub3A_253, %mul3A_251 : vector<16xf32>
    %mul3A_255 = arith.mulf %mul3A_246, %sub3A_254 : vector<16xf32>
    %mul3A_256 = arith.constant 5.000000e-01 : f32
    %mul3A_257 = vector.broadcast %mul3A_256 : f32 to vector<16xf32>
    %mul3A_258 = arith.mulf %mul3A_257, %max3A_229 : vector<16xf32>
    %mul3A_259 = arith.mulf %mul3A_258, %mul3A_255 : vector<16xf32>
    %mul3A_260 = arith.mulf %mul3A_259, %mul3A_255 : vector<16xf32>
    %sub3A_261 = arith.constant 1.500000e+00 : f32
    %sub3A_262 = vector.broadcast %sub3A_261 : f32 to vector<16xf32>
    %sub3A_263 = arith.subf %sub3A_262, %mul3A_260 : vector<16xf32>
    %mul3A_264 = arith.mulf %mul3A_255, %sub3A_263 : vector<16xf32>
    %mul3A_265 = arith.constant 5.000000e-01 : f32
    %mul3A_266 = vector.broadcast %mul3A_265 : f32 to vector<16xf32>
    %mul3A_267 = arith.mulf %mul3A_266, %max3A_229 : vector<16xf32>
    %mul3A_268 = arith.mulf %mul3A_267, %mul3A_264 : vector<16xf32>
    %mul3A_269 = arith.mulf %mul3A_268, %mul3A_264 : vector<16xf32>
    %sub3A_270 = arith.constant 1.500000e+00 : f32
    %sub3A_271 = vector.broadcast %sub3A_270 : f32 to vector<16xf32>
    %sub3A_272 = arith.subf %sub3A_271, %mul3A_269 : vector<16xf32>
    %mul3A_273 = arith.mulf %mul3A_264, %sub3A_272 : vector<16xf32>
    %mul3A_274 = arith.mulf %add3A_226, %mul3A_273 : vector<16xf32>
    %max3A_275 = arith.constant 9.99999996E-13 : f32
    %max3A_276 = vector.broadcast %max3A_275 : f32 to vector<16xf32>
    %max3A_277 = arith.maximumf %mul3A_274, %max3A_276 : vector<16xf32>
    %xor3A_278 = arith.constant 8 : i32
    %xor3A_279 = vector.broadcast %xor3A_278 : i32 to vector<16xi32>
    %xor3A_280 = arith.xori %iota3A, %xor3A_279 : vector<16xi32>
    %broadcast_in_dim3A_281 = vector.shape_cast %xor3A_280 : vector<16xi32> to vector<16x1xi32>
    %gather3A_282 = vector.shape_cast %broadcast_in_dim3A_281 : vector<16x1xi32> to vector<16xi32>
    %gather3A_283 = tpu.dynamic_gather %scan3A_197#0[%gather3A_282] in [0] : vector<16xf32>, vector<16xi32> -> vector<16xf32>
    %add3A_284 = arith.addf %scan3A_197#0, %gather3A_283 : vector<16xf32>
    %xor3A_285 = arith.constant 4 : i32
    %xor3A_286 = vector.broadcast %xor3A_285 : i32 to vector<16xi32>
    %xor3A_287 = arith.xori %iota3A, %xor3A_286 : vector<16xi32>
    %broadcast_in_dim3A_288 = vector.shape_cast %xor3A_287 : vector<16xi32> to vector<16x1xi32>
    %gather3A_289 = vector.shape_cast %broadcast_in_dim3A_288 : vector<16x1xi32> to vector<16xi32>
    %gather3A_290 = tpu.dynamic_gather %add3A_284[%gather3A_289] in [0] : vector<16xf32>, vector<16xi32> -> vector<16xf32>
    %add3A_291 = arith.addf %add3A_284, %gather3A_290 : vector<16xf32>
    %xor3A_292 = arith.constant 2 : i32
    %xor3A_293 = vector.broadcast %xor3A_292 : i32 to vector<16xi32>
    %xor3A_294 = arith.xori %iota3A, %xor3A_293 : vector<16xi32>
    %broadcast_in_dim3A_295 = vector.shape_cast %xor3A_294 : vector<16xi32> to vector<16x1xi32>
    %gather3A_296 = vector.shape_cast %broadcast_in_dim3A_295 : vector<16x1xi32> to vector<16xi32>
    %gather3A_297 = tpu.dynamic_gather %add3A_291[%gather3A_296] in [0] : vector<16xf32>, vector<16xi32> -> vector<16xf32>
    %add3A_298 = arith.addf %add3A_291, %gather3A_297 : vector<16xf32>
    %xor3A_299 = arith.constant 1 : i32
    %xor3A_300 = vector.broadcast %xor3A_299 : i32 to vector<16xi32>
    %xor3A_301 = arith.xori %iota3A, %xor3A_300 : vector<16xi32>
    %broadcast_in_dim3A_302 = vector.shape_cast %xor3A_301 : vector<16xi32> to vector<16x1xi32>
    %gather3A_303 = vector.shape_cast %broadcast_in_dim3A_302 : vector<16x1xi32> to vector<16xi32>
    %gather3A_304 = tpu.dynamic_gather %add3A_298[%gather3A_303] in [0] : vector<16xf32>, vector<16xi32> -> vector<16xf32>
    %add3A_305 = arith.addf %add3A_298, %gather3A_304 : vector<16xf32>
    %mul3A_306 = arith.mulf %max3A_184, %max3A_277 : vector<16xf32>
    %div3A = arith.divf %add3A_305, %mul3A_306 : vector<16xf32>
    %eq3A_307 = arith.constant 0 : i32
    %eq3A_308 = vector.broadcast %eq3A_307 : i32 to vector<16xi32>
    %eq3A_309 = arith.cmpi eq, %iota3A, %eq3A_308 : vector<16xi32>
    %select_n3A_310 = arith.select %eq3A_309, %div3A, %broadcast_in_dim3A_186 : vector<16xi1>, vector<16xf32>
    %broadcast_in_dim3A_311 = arith.constant 0.000000e+00 : f32
    %broadcast_in_dim3A_312 = vector.broadcast %broadcast_in_dim3A_311 : f32 to vector<16xf32>
    %broadcast_in_dim3A_313 = arith.constant 0.000000e+00 : f32
    %broadcast_in_dim3A_314 = vector.broadcast %broadcast_in_dim3A_313 : f32 to vector<16xf32>
    %scan3A_315 = arith.constant 0 : i32
    %scan3A_316 = arith.constant 16 : i32
    %scan3A_317 = arith.addi %scan3A_315, %scan3A_316 : i32
    %scan3A_318 = arith.constant 1 : i32
    %scan3A_319:2 = scf.for %scan3A_4131 = %scan3A_315 to %scan3A_317 step %scan3A_318 iter_args(%scan3A_4132 = %broadcast_in_dim3A_312, %scan3A_4133 = %broadcast_in_dim3A_314) -> (vector<16xf32>, vector<16xf32>)  : i32 {
      %mul3A_4134 = arith.constant 16 : i32
      %mul3A_4135 = arith.muli %scan3A_4131, %mul3A_4134 : i32
      %add3A_4136 = arith.constant 256 : i32
      %add3A_4137 = arith.addi %add3A_4136, %mul3A_4135 : i32
      %get3A = arith.index_cast %add3A_4137 : i32 to index
      %get3A_4138 = tpu.vector_load %arg7[%get3A] {strides = array<i32>} : memref<8192xf32, #tpu.memory_space<vmem>>, vector<16xf32>,
      %get3A_4139 = vector.shape_cast %get3A_4138 : vector<16xf32> to vector<16xf32>
      %mul3A_4140 = arith.constant 16 : i32
      %mul3A_4141 = arith.muli %scan3A_4131, %mul3A_4140 : i32
      %get3A_4142 = arith.index_cast %mul3A_4141 : i32 to index
      %get3A_4143 = tpu.vector_load %arg9[%get3A_4142] {strides = array<i32>} : memref<256xf32, #tpu.memory_space<vmem>>, vector<16xf32>,
      %get3A_4144 = vector.shape_cast %get3A_4143 : vector<16xf32> to vector<16xf32>
      %mul3A_4145 = arith.mulf %get3A_4139, %get3A_4144 : vector<16xf32>
      %add3A_4146 = arith.addf %scan3A_4132, %mul3A_4145 : vector<16xf32>
      %mul3A_4147 = arith.mulf %get3A_4139, %get3A_4139 : vector<16xf32>
      %add3A_4148 = arith.addf %scan3A_4133, %mul3A_4147 : vector<16xf32>
      scf.yield %add3A_4146, %add3A_4148 : vector<16xf32>, vector<16xf32>
    }
    %scan3A_320 = arith.constant 16 : i32
    %xor3A_321 = arith.constant 8 : i32
    %xor3A_322 = vector.broadcast %xor3A_321 : i32 to vector<16xi32>
    %xor3A_323 = arith.xori %iota3A, %xor3A_322 : vector<16xi32>
    %broadcast_in_dim3A_324 = vector.shape_cast %xor3A_323 : vector<16xi32> to vector<16x1xi32>
    %gather3A_325 = vector.shape_cast %broadcast_in_dim3A_324 : vector<16x1xi32> to vector<16xi32>
    %gather3A_326 = tpu.dynamic_gather %scan3A_319#1[%gather3A_325] in [0] : vector<16xf32>, vector<16xi32> -> vector<16xf32>
    %add3A_327 = arith.addf %scan3A_319#1, %gather3A_326 : vector<16xf32>
    %xor3A_328 = arith.constant 4 : i32
    %xor3A_329 = vector.broadcast %xor3A_328 : i32 to vector<16xi32>
    %xor3A_330 = arith.xori %iota3A, %xor3A_329 : vector<16xi32>
    %broadcast_in_dim3A_331 = vector.shape_cast %xor3A_330 : vector<16xi32> to vector<16x1xi32>
    %gather3A_332 = vector.shape_cast %broadcast_in_dim3A_331 : vector<16x1xi32> to vector<16xi32>
    %gather3A_333 = tpu.dynamic_gather %add3A_327[%gather3A_332] in [0] : vector<16xf32>, vector<16xi32> -> vector<16xf32>
    %add3A_334 = arith.addf %add3A_327, %gather3A_333 : vector<16xf32>
    %xor3A_335 = arith.constant 2 : i32
    %xor3A_336 = vector.broadcast %xor3A_335 : i32 to vector<16xi32>
    %xor3A_337 = arith.xori %iota3A, %xor3A_336 : vector<16xi32>
    %broadcast_in_dim3A_338 = vector.shape_cast %xor3A_337 : vector<16xi32> to vector<16x1xi32>
    %gather3A_339 = vector.shape_cast %broadcast_in_dim3A_338 : vector<16x1xi32> to vector<16xi32>
    %gather3A_340 = tpu.dynamic_gather %add3A_334[%gather3A_339] in [0] : vector<16xf32>, vector<16xi32> -> vector<16xf32>
    %add3A_341 = arith.addf %add3A_334, %gather3A_340 : vector<16xf32>
    %xor3A_342 = arith.constant 1 : i32
    %xor3A_343 = vector.broadcast %xor3A_342 : i32 to vector<16xi32>
    %xor3A_344 = arith.xori %iota3A, %xor3A_343 : vector<16xi32>
    %broadcast_in_dim3A_345 = vector.shape_cast %xor3A_344 : vector<16xi32> to vector<16x1xi32>
    %gather3A_346 = vector.shape_cast %broadcast_in_dim3A_345 : vector<16x1xi32> to vector<16xi32>
    %gather3A_347 = tpu.dynamic_gather %add3A_341[%gather3A_346] in [0] : vector<16xf32>, vector<16xi32> -> vector<16xf32>
    %add3A_348 = arith.addf %add3A_341, %gather3A_347 : vector<16xf32>
    %max3A_349 = arith.constant 1.000000e-30 : f32
    %max3A_350 = vector.broadcast %max3A_349 : f32 to vector<16xf32>
    %max3A_351 = arith.maximumf %add3A_348, %max3A_350 : vector<16xf32>
    %bitcast_convert_type3A_352 = tpu.bitcast %max3A_351 : vector<16xf32> -> vector<16xi32>
    %shift_right_arithmetic3A_353 = arith.constant 1 : i32
    %shift_right_arithmetic3A_354 = vector.broadcast %shift_right_arithmetic3A_353 : i32 to vector<16xi32>
    %shift_right_arithmetic3A_355 = arith.shrsi %bitcast_convert_type3A_352, %shift_right_arithmetic3A_354 : vector<16xi32>
    %sub3A_356 = arith.constant 1597463007 : i32
    %sub3A_357 = vector.broadcast %sub3A_356 : i32 to vector<16xi32>
    %sub3A_358 = arith.subi %sub3A_357, %shift_right_arithmetic3A_355 : vector<16xi32>
    %bitcast_convert_type3A_359 = tpu.bitcast %sub3A_358 : vector<16xi32> -> vector<16xf32>
    %mul3A_360 = arith.constant 5.000000e-01 : f32
    %mul3A_361 = vector.broadcast %mul3A_360 : f32 to vector<16xf32>
    %mul3A_362 = arith.mulf %mul3A_361, %max3A_351 : vector<16xf32>
    %mul3A_363 = arith.mulf %mul3A_362, %bitcast_convert_type3A_359 : vector<16xf32>
    %mul3A_364 = arith.mulf %mul3A_363, %bitcast_convert_type3A_359 : vector<16xf32>
    %sub3A_365 = arith.constant 1.500000e+00 : f32
    %sub3A_366 = vector.broadcast %sub3A_365 : f32 to vector<16xf32>
    %sub3A_367 = arith.subf %sub3A_366, %mul3A_364 : vector<16xf32>
    %mul3A_368 = arith.mulf %bitcast_convert_type3A_359, %sub3A_367 : vector<16xf32>
    %mul3A_369 = arith.constant 5.000000e-01 : f32
    %mul3A_370 = vector.broadcast %mul3A_369 : f32 to vector<16xf32>
    %mul3A_371 = arith.mulf %mul3A_370, %max3A_351 : vector<16xf32>
    %mul3A_372 = arith.mulf %mul3A_371, %mul3A_368 : vector<16xf32>
    %mul3A_373 = arith.mulf %mul3A_372, %mul3A_368 : vector<16xf32>
    %sub3A_374 = arith.constant 1.500000e+00 : f32
    %sub3A_375 = vector.broadcast %sub3A_374 : f32 to vector<16xf32>
    %sub3A_376 = arith.subf %sub3A_375, %mul3A_373 : vector<16xf32>
    %mul3A_377 = arith.mulf %mul3A_368, %sub3A_376 : vector<16xf32>
    %mul3A_378 = arith.constant 5.000000e-01 : f32
    %mul3A_379 = vector.broadcast %mul3A_378 : f32 to vector<16xf32>
    %mul3A_380 = arith.mulf %mul3A_379, %max3A_351 : vector<16xf32>
    %mul3A_381 = arith.mulf %mul3A_380, %mul3A_377 : vector<16xf32>
    %mul3A_382 = arith.mulf %mul3A_381, %mul3A_377 : vector<16xf32>
    %sub3A_383 = arith.constant 1.500000e+00 : f32
    %sub3A_384 = vector.broadcast %sub3A_383 : f32 to vector<16xf32>
    %sub3A_385 = arith.subf %sub3A_384, %mul3A_382 : vector<16xf32>
    %mul3A_386 = arith.mulf %mul3A_377, %sub3A_385 : vector<16xf32>
    %mul3A_387 = arith.constant 5.000000e-01 : f32
    %mul3A_388 = vector.broadcast %mul3A_387 : f32 to vector<16xf32>
    %mul3A_389 = arith.mulf %mul3A_388, %max3A_351 : vector<16xf32>
    %mul3A_390 = arith.mulf %mul3A_389, %mul3A_386 : vector<16xf32>
    %mul3A_391 = arith.mulf %mul3A_390, %mul3A_386 : vector<16xf32>
    %sub3A_392 = arith.constant 1.500000e+00 : f32
    %sub3A_393 = vector.broadcast %sub3A_392 : f32 to vector<16xf32>
    %sub3A_394 = arith.subf %sub3A_393, %mul3A_391 : vector<16xf32>
    %mul3A_395 = arith.mulf %mul3A_386, %sub3A_394 : vector<16xf32>
    %mul3A_396 = arith.mulf %add3A_348, %mul3A_395 : vector<16xf32>
    %max3A_397 = arith.constant 9.99999996E-13 : f32
    %max3A_398 = vector.broadcast %max3A_397 : f32 to vector<16xf32>
    %max3A_399 = arith.maximumf %mul3A_396, %max3A_398 : vector<16xf32>
    %xor3A_400 = arith.constant 8 : i32
    %xor3A_401 = vector.broadcast %xor3A_400 : i32 to vector<16xi32>
    %xor3A_402 = arith.xori %iota3A, %xor3A_401 : vector<16xi32>
    %broadcast_in_dim3A_403 = vector.shape_cast %xor3A_402 : vector<16xi32> to vector<16x1xi32>
    %gather3A_404 = vector.shape_cast %broadcast_in_dim3A_403 : vector<16x1xi32> to vector<16xi32>
    %gather3A_405 = tpu.dynamic_gather %scan3A_319#0[%gather3A_404] in [0] : vector<16xf32>, vector<16xi32> -> vector<16xf32>
    %add3A_406 = arith.addf %scan3A_319#0, %gather3A_405 : vector<16xf32>
    %xor3A_407 = arith.constant 4 : i32
    %xor3A_408 = vector.broadcast %xor3A_407 : i32 to vector<16xi32>
    %xor3A_409 = arith.xori %iota3A, %xor3A_408 : vector<16xi32>
    %broadcast_in_dim3A_410 = vector.shape_cast %xor3A_409 : vector<16xi32> to vector<16x1xi32>
    %gather3A_411 = vector.shape_cast %broadcast_in_dim3A_410 : vector<16x1xi32> to vector<16xi32>
    %gather3A_412 = tpu.dynamic_gather %add3A_406[%gather3A_411] in [0] : vector<16xf32>, vector<16xi32> -> vector<16xf32>
    %add3A_413 = arith.addf %add3A_406, %gather3A_412 : vector<16xf32>
    %xor3A_414 = arith.constant 2 : i32
    %xor3A_415 = vector.broadcast %xor3A_414 : i32 to vector<16xi32>
    %xor3A_416 = arith.xori %iota3A, %xor3A_415 : vector<16xi32>
    %broadcast_in_dim3A_417 = vector.shape_cast %xor3A_416 : vector<16xi32> to vector<16x1xi32>
    %gather3A_418 = vector.shape_cast %broadcast_in_dim3A_417 : vector<16x1xi32> to vector<16xi32>
    %gather3A_419 = tpu.dynamic_gather %add3A_413[%gather3A_418] in [0] : vector<16xf32>, vector<16xi32> -> vector<16xf32>
    %add3A_420 = arith.addf %add3A_413, %gather3A_419 : vector<16xf32>
    %xor3A_421 = arith.constant 1 : i32
    %xor3A_422 = vector.broadcast %xor3A_421 : i32 to vector<16xi32>
    %xor3A_423 = arith.xori %iota3A, %xor3A_422 : vector<16xi32>
    %broadcast_in_dim3A_424 = vector.shape_cast %xor3A_423 : vector<16xi32> to vector<16x1xi32>
    %gather3A_425 = vector.shape_cast %broadcast_in_dim3A_424 : vector<16x1xi32> to vector<16xi32>
    %gather3A_426 = tpu.dynamic_gather %add3A_420[%gather3A_425] in [0] : vector<16xf32>, vector<16xi32> -> vector<16xf32>
    %add3A_427 = arith.addf %add3A_420, %gather3A_426 : vector<16xf32>
    %mul3A_428 = arith.mulf %max3A_184, %max3A_399 : vector<16xf32>
    %div3A_429 = arith.divf %add3A_427, %mul3A_428 : vector<16xf32>
    %eq3A_430 = arith.constant 1 : i32
    %eq3A_431 = vector.broadcast %eq3A_430 : i32 to vector<16xi32>
    %eq3A_432 = arith.cmpi eq, %iota3A, %eq3A_431 : vector<16xi32>
    %select_n3A_433 = arith.select %eq3A_432, %div3A_429, %select_n3A_310 : vector<16xi1>, vector<16xf32>
    %broadcast_in_dim3A_434 = arith.constant 0.000000e+00 : f32
    %broadcast_in_dim3A_435 = vector.broadcast %broadcast_in_dim3A_434 : f32 to vector<16xf32>
    %broadcast_in_dim3A_436 = arith.constant 0.000000e+00 : f32
    %broadcast_in_dim3A_437 = vector.broadcast %broadcast_in_dim3A_436 : f32 to vector<16xf32>
    %scan3A_438 = arith.constant 0 : i32
    %scan3A_439 = arith.constant 16 : i32
    %scan3A_440 = arith.addi %scan3A_438, %scan3A_439 : i32
    %scan3A_441 = arith.constant 1 : i32
    %scan3A_442:2 = scf.for %scan3A_4131 = %scan3A_438 to %scan3A_440 step %scan3A_441 iter_args(%scan3A_4132 = %broadcast_in_dim3A_435, %scan3A_4133 = %broadcast_in_dim3A_437) -> (vector<16xf32>, vector<16xf32>)  : i32 {
      %mul3A_4134 = arith.constant 16 : i32
      %mul3A_4135 = arith.muli %scan3A_4131, %mul3A_4134 : i32
      %add3A_4136 = arith.constant 512 : i32
      %add3A_4137 = arith.addi %add3A_4136, %mul3A_4135 : i32
      %get3A = arith.index_cast %add3A_4137 : i32 to index
      %get3A_4138 = tpu.vector_load %arg7[%get3A] {strides = array<i32>} : memref<8192xf32, #tpu.memory_space<vmem>>, vector<16xf32>,
      %get3A_4139 = vector.shape_cast %get3A_4138 : vector<16xf32> to vector<16xf32>
      %mul3A_4140 = arith.constant 16 : i32
      %mul3A_4141 = arith.muli %scan3A_4131, %mul3A_4140 : i32
      %get3A_4142 = arith.index_cast %mul3A_4141 : i32 to index
      %get3A_4143 = tpu.vector_load %arg9[%get3A_4142] {strides = array<i32>} : memref<256xf32, #tpu.memory_space<vmem>>, vector<16xf32>,
      %get3A_4144 = vector.shape_cast %get3A_4143 : vector<16xf32> to vector<16xf32>
      %mul3A_4145 = arith.mulf %get3A_4139, %get3A_4144 : vector<16xf32>
      %add3A_4146 = arith.addf %scan3A_4132, %mul3A_4145 : vector<16xf32>
      %mul3A_4147 = arith.mulf %get3A_4139, %get3A_4139 : vector<16xf32>
      %add3A_4148 = arith.addf %scan3A_4133, %mul3A_4147 : vector<16xf32>
      scf.yield %add3A_4146, %add3A_4148 : vector<16xf32>, vector<16xf32>
    }
    %scan3A_443 = arith.constant 16 : i32
    %xor3A_444 = arith.constant 8 : i32
    %xor3A_445 = vector.broadcast %xor3A_444 : i32 to vector<16xi32>
    %xor3A_446 = arith.xori %iota3A, %xor3A_445 : vector<16xi32>
    %broadcast_in_dim3A_447 = vector.shape_cast %xor3A_446 : vector<16xi32> to vector<16x1xi32>
    %gather3A_448 = vector.shape_cast %broadcast_in_dim3A_447 : vector<16x1xi32> to vector<16xi32>
    %gather3A_449 = tpu.dynamic_gather %scan3A_442#1[%gather3A_448] in [0] : vector<16xf32>, vector<16xi32> -> vector<16xf32>
    %add3A_450 = arith.addf %scan3A_442#1, %gather3A_449 : vector<16xf32>
    %xor3A_451 = arith.constant 4 : i32
    %xor3A_452 = vector.broadcast %xor3A_451 : i32 to vector<16xi32>
    %xor3A_453 = arith.xori %iota3A, %xor3A_452 : vector<16xi32>
    %broadcast_in_dim3A_454 = vector.shape_cast %xor3A_453 : vector<16xi32> to vector<16x1xi32>
    %gather3A_455 = vector.shape_cast %broadcast_in_dim3A_454 : vector<16x1xi32> to vector<16xi32>
    %gather3A_456 = tpu.dynamic_gather %add3A_450[%gather3A_455] in [0] : vector<16xf32>, vector<16xi32> -> vector<16xf32>
    %add3A_457 = arith.addf %add3A_450, %gather3A_456 : vector<16xf32>
    %xor3A_458 = arith.constant 2 : i32
    %xor3A_459 = vector.broadcast %xor3A_458 : i32 to vector<16xi32>
    %xor3A_460 = arith.xori %iota3A, %xor3A_459 : vector<16xi32>
    %broadcast_in_dim3A_461 = vector.shape_cast %xor3A_460 : vector<16xi32> to vector<16x1xi32>
    %gather3A_462 = vector.shape_cast %broadcast_in_dim3A_461 : vector<16x1xi32> to vector<16xi32>
    %gather3A_463 = tpu.dynamic_gather %add3A_457[%gather3A_462] in [0] : vector<16xf32>, vector<16xi32> -> vector<16xf32>
    %add3A_464 = arith.addf %add3A_457, %gather3A_463 : vector<16xf32>
    %xor3A_465 = arith.constant 1 : i32
    %xor3A_466 = vector.broadcast %xor3A_465 : i32 to vector<16xi32>
    %xor3A_467 = arith.xori %iota3A, %xor3A_466 : vector<16xi32>
    %broadcast_in_dim3A_468 = vector.shape_cast %xor3A_467 : vector<16xi32> to vector<16x1xi32>
    %gather3A_469 = vector.shape_cast %broadcast_in_dim3A_468 : vector<16x1xi32> to vector<16xi32>
    %gather3A_470 = tpu.dynamic_gather %add3A_464[%gather3A_469] in [0] : vector<16xf32>, vector<16xi32> -> vector<16xf32>
    %add3A_471 = arith.addf %add3A_464, %gather3A_470 : vector<16xf32>
    %max3A_472 = arith.constant 1.000000e-30 : f32
    %max3A_473 = vector.broadcast %max3A_472 : f32 to vector<16xf32>
    %max3A_474 = arith.maximumf %add3A_471, %max3A_473 : vector<16xf32>
    %bitcast_convert_type3A_475 = tpu.bitcast %max3A_474 : vector<16xf32> -> vector<16xi32>
    %shift_right_arithmetic3A_476 = arith.constant 1 : i32
    %shift_right_arithmetic3A_477 = vector.broadcast %shift_right_arithmetic3A_476 : i32 to vector<16xi32>
    %shift_right_arithmetic3A_478 = arith.shrsi %bitcast_convert_type3A_475, %shift_right_arithmetic3A_477 : vector<16xi32>
    %sub3A_479 = arith.constant 1597463007 : i32
    %sub3A_480 = vector.broadcast %sub3A_479 : i32 to vector<16xi32>
    %sub3A_481 = arith.subi %sub3A_480, %shift_right_arithmetic3A_478 : vector<16xi32>
    %bitcast_convert_type3A_482 = tpu.bitcast %sub3A_481 : vector<16xi32> -> vector<16xf32>
    %mul3A_483 = arith.constant 5.000000e-01 : f32
    %mul3A_484 = vector.broadcast %mul3A_483 : f32 to vector<16xf32>
    %mul3A_485 = arith.mulf %mul3A_484, %max3A_474 : vector<16xf32>
    %mul3A_486 = arith.mulf %mul3A_485, %bitcast_convert_type3A_482 : vector<16xf32>
    %mul3A_487 = arith.mulf %mul3A_486, %bitcast_convert_type3A_482 : vector<16xf32>
    %sub3A_488 = arith.constant 1.500000e+00 : f32
    %sub3A_489 = vector.broadcast %sub3A_488 : f32 to vector<16xf32>
    %sub3A_490 = arith.subf %sub3A_489, %mul3A_487 : vector<16xf32>
    %mul3A_491 = arith.mulf %bitcast_convert_type3A_482, %sub3A_490 : vector<16xf32>
    %mul3A_492 = arith.constant 5.000000e-01 : f32
    %mul3A_493 = vector.broadcast %mul3A_492 : f32 to vector<16xf32>
    %mul3A_494 = arith.mulf %mul3A_493, %max3A_474 : vector<16xf32>
    %mul3A_495 = arith.mulf %mul3A_494, %mul3A_491 : vector<16xf32>
    %mul3A_496 = arith.mulf %mul3A_495, %mul3A_491 : vector<16xf32>
    %sub3A_497 = arith.constant 1.500000e+00 : f32
    %sub3A_498 = vector.broadcast %sub3A_497 : f32 to vector<16xf32>
    %sub3A_499 = arith.subf %sub3A_498, %mul3A_496 : vector<16xf32>
    %mul3A_500 = arith.mulf %mul3A_491, %sub3A_499 : vector<16xf32>
    %mul3A_501 = arith.constant 5.000000e-01 : f32
    %mul3A_502 = vector.broadcast %mul3A_501 : f32 to vector<16xf32>
    %mul3A_503 = arith.mulf %mul3A_502, %max3A_474 : vector<16xf32>
    %mul3A_504 = arith.mulf %mul3A_503, %mul3A_500 : vector<16xf32>
    %mul3A_505 = arith.mulf %mul3A_504, %mul3A_500 : vector<16xf32>
    %sub3A_506 = arith.constant 1.500000e+00 : f32
    %sub3A_507 = vector.broadcast %sub3A_506 : f32 to vector<16xf32>
    %sub3A_508 = arith.subf %sub3A_507, %mul3A_505 : vector<16xf32>
    %mul3A_509 = arith.mulf %mul3A_500, %sub3A_508 : vector<16xf32>
    %mul3A_510 = arith.constant 5.000000e-01 : f32
    %mul3A_511 = vector.broadcast %mul3A_510 : f32 to vector<16xf32>
    %mul3A_512 = arith.mulf %mul3A_511, %max3A_474 : vector<16xf32>
    %mul3A_513 = arith.mulf %mul3A_512, %mul3A_509 : vector<16xf32>
    %mul3A_514 = arith.mulf %mul3A_513, %mul3A_509 : vector<16xf32>
    %sub3A_515 = arith.constant 1.500000e+00 : f32
    %sub3A_516 = vector.broadcast %sub3A_515 : f32 to vector<16xf32>
    %sub3A_517 = arith.subf %sub3A_516, %mul3A_514 : vector<16xf32>
    %mul3A_518 = arith.mulf %mul3A_509, %sub3A_517 : vector<16xf32>
    %mul3A_519 = arith.mulf %add3A_471, %mul3A_518 : vector<16xf32>
    %max3A_520 = arith.constant 9.99999996E-13 : f32
    %max3A_521 = vector.broadcast %max3A_520 : f32 to vector<16xf32>
    %max3A_522 = arith.maximumf %mul3A_519, %max3A_521 : vector<16xf32>
    %xor3A_523 = arith.constant 8 : i32
    %xor3A_524 = vector.broadcast %xor3A_523 : i32 to vector<16xi32>
    %xor3A_525 = arith.xori %iota3A, %xor3A_524 : vector<16xi32>
    %broadcast_in_dim3A_526 = vector.shape_cast %xor3A_525 : vector<16xi32> to vector<16x1xi32>
    %gather3A_527 = vector.shape_cast %broadcast_in_dim3A_526 : vector<16x1xi32> to vector<16xi32>
    %gather3A_528 = tpu.dynamic_gather %scan3A_442#0[%gather3A_527] in [0] : vector<16xf32>, vector<16xi32> -> vector<16xf32>
    %add3A_529 = arith.addf %scan3A_442#0, %gather3A_528 : vector<16xf32>
    %xor3A_530 = arith.constant 4 : i32
    %xor3A_531 = vector.broadcast %xor3A_530 : i32 to vector<16xi32>
    %xor3A_532 = arith.xori %iota3A, %xor3A_531 : vector<16xi32>
    %broadcast_in_dim3A_533 = vector.shape_cast %xor3A_532 : vector<16xi32> to vector<16x1xi32>
    %gather3A_534 = vector.shape_cast %broadcast_in_dim3A_533 : vector<16x1xi32> to vector<16xi32>
    %gather3A_535 = tpu.dynamic_gather %add3A_529[%gather3A_534] in [0] : vector<16xf32>, vector<16xi32> -> vector<16xf32>
    %add3A_536 = arith.addf %add3A_529, %gather3A_535 : vector<16xf32>
    %xor3A_537 = arith.constant 2 : i32
    %xor3A_538 = vector.broadcast %xor3A_537 : i32 to vector<16xi32>
    %xor3A_539 = arith.xori %iota3A, %xor3A_538 : vector<16xi32>
    %broadcast_in_dim3A_540 = vector.shape_cast %xor3A_539 : vector<16xi32> to vector<16x1xi32>
    %gather3A_541 = vector.shape_cast %broadcast_in_dim3A_540 : vector<16x1xi32> to vector<16xi32>
    %gather3A_542 = tpu.dynamic_gather %add3A_536[%gather3A_541] in [0] : vector<16xf32>, vector<16xi32> -> vector<16xf32>
    %add3A_543 = arith.addf %add3A_536, %gather3A_542 : vector<16xf32>
    %xor3A_544 = arith.constant 1 : i32
    %xor3A_545 = vector.broadcast %xor3A_544 : i32 to vector<16xi32>
    %xor3A_546 = arith.xori %iota3A, %xor3A_545 : vector<16xi32>
    %broadcast_in_dim3A_547 = vector.shape_cast %xor3A_546 : vector<16xi32> to vector<16x1xi32>
    %gather3A_548 = vector.shape_cast %broadcast_in_dim3A_547 : vector<16x1xi32> to vector<16xi32>
    %gather3A_549 = tpu.dynamic_gather %add3A_543[%gather3A_548] in [0] : vector<16xf32>, vector<16xi32> -> vector<16xf32>
    %add3A_550 = arith.addf %add3A_543, %gather3A_549 : vector<16xf32>
    %mul3A_551 = arith.mulf %max3A_184, %max3A_522 : vector<16xf32>
    %div3A_552 = arith.divf %add3A_550, %mul3A_551 : vector<16xf32>
    %eq3A_553 = arith.constant 2 : i32
    %eq3A_554 = vector.broadcast %eq3A_553 : i32 to vector<16xi32>
    %eq3A_555 = arith.cmpi eq, %iota3A, %eq3A_554 : vector<16xi32>
    %select_n3A_556 = arith.select %eq3A_555, %div3A_552, %select_n3A_433 : vector<16xi1>, vector<16xf32>
    %broadcast_in_dim3A_557 = arith.constant 0.000000e+00 : f32
    %broadcast_in_dim3A_558 = vector.broadcast %broadcast_in_dim3A_557 : f32 to vector<16xf32>
    %broadcast_in_dim3A_559 = arith.constant 0.000000e+00 : f32
    %broadcast_in_dim3A_560 = vector.broadcast %broadcast_in_dim3A_559 : f32 to vector<16xf32>
    %scan3A_561 = arith.constant 0 : i32
    %scan3A_562 = arith.constant 16 : i32
    %scan3A_563 = arith.addi %scan3A_561, %scan3A_562 : i32
    %scan3A_564 = arith.constant 1 : i32
    %scan3A_565:2 = scf.for %scan3A_4131 = %scan3A_561 to %scan3A_563 step %scan3A_564 iter_args(%scan3A_4132 = %broadcast_in_dim3A_558, %scan3A_4133 = %broadcast_in_dim3A_560) -> (vector<16xf32>, vector<16xf32>)  : i32 {
      %mul3A_4134 = arith.constant 16 : i32
      %mul3A_4135 = arith.muli %scan3A_4131, %mul3A_4134 : i32
      %add3A_4136 = arith.constant 768 : i32
      %add3A_4137 = arith.addi %add3A_4136, %mul3A_4135 : i32
      %get3A = arith.index_cast %add3A_4137 : i32 to index
      %get3A_4138 = tpu.vector_load %arg7[%get3A] {strides = array<i32>} : memref<8192xf32, #tpu.memory_space<vmem>>, vector<16xf32>,
      %get3A_4139 = vector.shape_cast %get3A_4138 : vector<16xf32> to vector<16xf32>
      %mul3A_4140 = arith.constant 16 : i32
      %mul3A_4141 = arith.muli %scan3A_4131, %mul3A_4140 : i32
      %get3A_4142 = arith.index_cast %mul3A_4141 : i32 to index
      %get3A_4143 = tpu.vector_load %arg9[%get3A_4142] {strides = array<i32>} : memref<256xf32, #tpu.memory_space<vmem>>, vector<16xf32>,
      %get3A_4144 = vector.shape_cast %get3A_4143 : vector<16xf32> to vector<16xf32>
      %mul3A_4145 = arith.mulf %get3A_4139, %get3A_4144 : vector<16xf32>
      %add3A_4146 = arith.addf %scan3A_4132, %mul3A_4145 : vector<16xf32>
      %mul3A_4147 = arith.mulf %get3A_4139, %get3A_4139 : vector<16xf32>
      %add3A_4148 = arith.addf %scan3A_4133, %mul3A_4147 : vector<16xf32>
      scf.yield %add3A_4146, %add3A_4148 : vector<16xf32>, vector<16xf32>
    }
    %scan3A_566 = arith.constant 16 : i32
    %xor3A_567 = arith.constant 8 : i32
    %xor3A_568 = vector.broadcast %xor3A_567 : i32 to vector<16xi32>
    %xor3A_569 = arith.xori %iota3A, %xor3A_568 : vector<16xi32>
    %broadcast_in_dim3A_570 = vector.shape_cast %xor3A_569 : vector<16xi32> to vector<16x1xi32>
    %gather3A_571 = vector.shape_cast %broadcast_in_dim3A_570 : vector<16x1xi32> to vector<16xi32>
    %gather3A_572 = tpu.dynamic_gather %scan3A_565#1[%gather3A_571] in [0] : vector<16xf32>, vector<16xi32> -> vector<16xf32>
    %add3A_573 = arith.addf %scan3A_565#1, %gather3A_572 : vector<16xf32>
    %xor3A_574 = arith.constant 4 : i32
    %xor3A_575 = vector.broadcast %xor3A_574 : i32 to vector<16xi32>
    %xor3A_576 = arith.xori %iota3A, %xor3A_575 : vector<16xi32>
    %broadcast_in_dim3A_577 = vector.shape_cast %xor3A_576 : vector<16xi32> to vector<16x1xi32>
    %gather3A_578 = vector.shape_cast %broadcast_in_dim3A_577 : vector<16x1xi32> to vector<16xi32>
    %gather3A_579 = tpu.dynamic_gather %add3A_573[%gather3A_578] in [0] : vector<16xf32>, vector<16xi32> -> vector<16xf32>
    %add3A_580 = arith.addf %add3A_573, %gather3A_579 : vector<16xf32>
    %xor3A_581 = arith.constant 2 : i32
    %xor3A_582 = vector.broadcast %xor3A_581 : i32 to vector<16xi32>
    %xor3A_583 = arith.xori %iota3A, %xor3A_582 : vector<16xi32>
    %broadcast_in_dim3A_584 = vector.shape_cast %xor3A_583 : vector<16xi32> to vector<16x1xi32>
    %gather3A_585 = vector.shape_cast %broadcast_in_dim3A_584 : vector<16x1xi32> to vector<16xi32>
    %gather3A_586 = tpu.dynamic_gather %add3A_580[%gather3A_585] in [0] : vector<16xf32>, vector<16xi32> -> vector<16xf32>
    %add3A_587 = arith.addf %add3A_580, %gather3A_586 : vector<16xf32>
    %xor3A_588 = arith.constant 1 : i32
    %xor3A_589 = vector.broadcast %xor3A_588 : i32 to vector<16xi32>
    %xor3A_590 = arith.xori %iota3A, %xor3A_589 : vector<16xi32>
    %broadcast_in_dim3A_591 = vector.shape_cast %xor3A_590 : vector<16xi32> to vector<16x1xi32>
    %gather3A_592 = vector.shape_cast %broadcast_in_dim3A_591 : vector<16x1xi32> to vector<16xi32>
    %gather3A_593 = tpu.dynamic_gather %add3A_587[%gather3A_592] in [0] : vector<16xf32>, vector<16xi32> -> vector<16xf32>
    %add3A_594 = arith.addf %add3A_587, %gather3A_593 : vector<16xf32>
    %max3A_595 = arith.constant 1.000000e-30 : f32
    %max3A_596 = vector.broadcast %max3A_595 : f32 to vector<16xf32>
    %max3A_597 = arith.maximumf %add3A_594, %max3A_596 : vector<16xf32>
    %bitcast_convert_type3A_598 = tpu.bitcast %max3A_597 : vector<16xf32> -> vector<16xi32>
    %shift_right_arithmetic3A_599 = arith.constant 1 : i32
    %shift_right_arithmetic3A_600 = vector.broadcast %shift_right_arithmetic3A_599 : i32 to vector<16xi32>
    %shift_right_arithmetic3A_601 = arith.shrsi %bitcast_convert_type3A_598, %shift_right_arithmetic3A_600 : vector<16xi32>
    %sub3A_602 = arith.constant 1597463007 : i32
    %sub3A_603 = vector.broadcast %sub3A_602 : i32 to vector<16xi32>
    %sub3A_604 = arith.subi %sub3A_603, %shift_right_arithmetic3A_601 : vector<16xi32>
    %bitcast_convert_type3A_605 = tpu.bitcast %sub3A_604 : vector<16xi32> -> vector<16xf32>
    %mul3A_606 = arith.constant 5.000000e-01 : f32
    %mul3A_607 = vector.broadcast %mul3A_606 : f32 to vector<16xf32>
    %mul3A_608 = arith.mulf %mul3A_607, %max3A_597 : vector<16xf32>
    %mul3A_609 = arith.mulf %mul3A_608, %bitcast_convert_type3A_605 : vector<16xf32>
    %mul3A_610 = arith.mulf %mul3A_609, %bitcast_convert_type3A_605 : vector<16xf32>
    %sub3A_611 = arith.constant 1.500000e+00 : f32
    %sub3A_612 = vector.broadcast %sub3A_611 : f32 to vector<16xf32>
    %sub3A_613 = arith.subf %sub3A_612, %mul3A_610 : vector<16xf32>
    %mul3A_614 = arith.mulf %bitcast_convert_type3A_605, %sub3A_613 : vector<16xf32>
    %mul3A_615 = arith.constant 5.000000e-01 : f32
    %mul3A_616 = vector.broadcast %mul3A_615 : f32 to vector<16xf32>
    %mul3A_617 = arith.mulf %mul3A_616, %max3A_597 : vector<16xf32>
    %mul3A_618 = arith.mulf %mul3A_617, %mul3A_614 : vector<16xf32>
    %mul3A_619 = arith.mulf %mul3A_618, %mul3A_614 : vector<16xf32>
    %sub3A_620 = arith.constant 1.500000e+00 : f32
    %sub3A_621 = vector.broadcast %sub3A_620 : f32 to vector<16xf32>
    %sub3A_622 = arith.subf %sub3A_621, %mul3A_619 : vector<16xf32>
    %mul3A_623 = arith.mulf %mul3A_614, %sub3A_622 : vector<16xf32>
    %mul3A_624 = arith.constant 5.000000e-01 : f32
    %mul3A_625 = vector.broadcast %mul3A_624 : f32 to vector<16xf32>
    %mul3A_626 = arith.mulf %mul3A_625, %max3A_597 : vector<16xf32>
    %mul3A_627 = arith.mulf %mul3A_626, %mul3A_623 : vector<16xf32>
    %mul3A_628 = arith.mulf %mul3A_627, %mul3A_623 : vector<16xf32>
    %sub3A_629 = arith.constant 1.500000e+00 : f32
    %sub3A_630 = vector.broadcast %sub3A_629 : f32 to vector<16xf32>
    %sub3A_631 = arith.subf %sub3A_630, %mul3A_628 : vector<16xf32>
    %mul3A_632 = arith.mulf %mul3A_623, %sub3A_631 : vector<16xf32>
    %mul3A_633 = arith.constant 5.000000e-01 : f32
    %mul3A_634 = vector.broadcast %mul3A_633 : f32 to vector<16xf32>
    %mul3A_635 = arith.mulf %mul3A_634, %max3A_597 : vector<16xf32>
    %mul3A_636 = arith.mulf %mul3A_635, %mul3A_632 : vector<16xf32>
    %mul3A_637 = arith.mulf %mul3A_636, %mul3A_632 : vector<16xf32>
    %sub3A_638 = arith.constant 1.500000e+00 : f32
    %sub3A_639 = vector.broadcast %sub3A_638 : f32 to vector<16xf32>
    %sub3A_640 = arith.subf %sub3A_639, %mul3A_637 : vector<16xf32>
    %mul3A_641 = arith.mulf %mul3A_632, %sub3A_640 : vector<16xf32>
    %mul3A_642 = arith.mulf %add3A_594, %mul3A_641 : vector<16xf32>
    %max3A_643 = arith.constant 9.99999996E-13 : f32
    %max3A_644 = vector.broadcast %max3A_643 : f32 to vector<16xf32>
    %max3A_645 = arith.maximumf %mul3A_642, %max3A_644 : vector<16xf32>
    %xor3A_646 = arith.constant 8 : i32
    %xor3A_647 = vector.broadcast %xor3A_646 : i32 to vector<16xi32>
    %xor3A_648 = arith.xori %iota3A, %xor3A_647 : vector<16xi32>
    %broadcast_in_dim3A_649 = vector.shape_cast %xor3A_648 : vector<16xi32> to vector<16x1xi32>
    %gather3A_650 = vector.shape_cast %broadcast_in_dim3A_649 : vector<16x1xi32> to vector<16xi32>
    %gather3A_651 = tpu.dynamic_gather %scan3A_565#0[%gather3A_650] in [0] : vector<16xf32>, vector<16xi32> -> vector<16xf32>
    %add3A_652 = arith.addf %scan3A_565#0, %gather3A_651 : vector<16xf32>
    %xor3A_653 = arith.constant 4 : i32
    %xor3A_654 = vector.broadcast %xor3A_653 : i32 to vector<16xi32>
    %xor3A_655 = arith.xori %iota3A, %xor3A_654 : vector<16xi32>
    %broadcast_in_dim3A_656 = vector.shape_cast %xor3A_655 : vector<16xi32> to vector<16x1xi32>
    %gather3A_657 = vector.shape_cast %broadcast_in_dim3A_656 : vector<16x1xi32> to vector<16xi32>
    %gather3A_658 = tpu.dynamic_gather %add3A_652[%gather3A_657] in [0] : vector<16xf32>, vector<16xi32> -> vector<16xf32>
    %add3A_659 = arith.addf %add3A_652, %gather3A_658 : vector<16xf32>
    %xor3A_660 = arith.constant 2 : i32
    %xor3A_661 = vector.broadcast %xor3A_660 : i32 to vector<16xi32>
    %xor3A_662 = arith.xori %iota3A, %xor3A_661 : vector<16xi32>
    %broadcast_in_dim3A_663 = vector.shape_cast %xor3A_662 : vector<16xi32> to vector<16x1xi32>
    %gather3A_664 = vector.shape_cast %broadcast_in_dim3A_663 : vector<16x1xi32> to vector<16xi32>
    %gather3A_665 = tpu.dynamic_gather %add3A_659[%gather3A_664] in [0] : vector<16xf32>, vector<16xi32> -> vector<16xf32>
    %add3A_666 = arith.addf %add3A_659, %gather3A_665 : vector<16xf32>
    %xor3A_667 = arith.constant 1 : i32
    %xor3A_668 = vector.broadcast %xor3A_667 : i32 to vector<16xi32>
    %xor3A_669 = arith.xori %iota3A, %xor3A_668 : vector<16xi32>
    %broadcast_in_dim3A_670 = vector.shape_cast %xor3A_669 : vector<16xi32> to vector<16x1xi32>
    %gather3A_671 = vector.shape_cast %broadcast_in_dim3A_670 : vector<16x1xi32> to vector<16xi32>
    %gather3A_672 = tpu.dynamic_gather %add3A_666[%gather3A_671] in [0] : vector<16xf32>, vector<16xi32> -> vector<16xf32>
    %add3A_673 = arith.addf %add3A_666, %gather3A_672 : vector<16xf32>
    %mul3A_674 = arith.mulf %max3A_184, %max3A_645 : vector<16xf32>
    %div3A_675 = arith.divf %add3A_673, %mul3A_674 : vector<16xf32>
    %eq3A_676 = arith.constant 3 : i32
    %eq3A_677 = vector.broadcast %eq3A_676 : i32 to vector<16xi32>
    %eq3A_678 = arith.cmpi eq, %iota3A, %eq3A_677 : vector<16xi32>
    %select_n3A_679 = arith.select %eq3A_678, %div3A_675, %select_n3A_556 : vector<16xi1>, vector<16xf32>
    %broadcast_in_dim3A_680 = arith.constant 0.000000e+00 : f32
    %broadcast_in_dim3A_681 = vector.broadcast %broadcast_in_dim3A_680 : f32 to vector<16xf32>
    %broadcast_in_dim3A_682 = arith.constant 0.000000e+00 : f32
    %broadcast_in_dim3A_683 = vector.broadcast %broadcast_in_dim3A_682 : f32 to vector<16xf32>
    %scan3A_684 = arith.constant 0 : i32
    %scan3A_685 = arith.constant 16 : i32
    %scan3A_686 = arith.addi %scan3A_684, %scan3A_685 : i32
    %scan3A_687 = arith.constant 1 : i32
    %scan3A_688:2 = scf.for %scan3A_4131 = %scan3A_684 to %scan3A_686 step %scan3A_687 iter_args(%scan3A_4132 = %broadcast_in_dim3A_681, %scan3A_4133 = %broadcast_in_dim3A_683) -> (vector<16xf32>, vector<16xf32>)  : i32 {
      %mul3A_4134 = arith.constant 16 : i32
      %mul3A_4135 = arith.muli %scan3A_4131, %mul3A_4134 : i32
      %add3A_4136 = arith.constant 1024 : i32
      %add3A_4137 = arith.addi %add3A_4136, %mul3A_4135 : i32
      %get3A = arith.index_cast %add3A_4137 : i32 to index
      %get3A_4138 = tpu.vector_load %arg7[%get3A] {strides = array<i32>} : memref<8192xf32, #tpu.memory_space<vmem>>, vector<16xf32>,
      %get3A_4139 = vector.shape_cast %get3A_4138 : vector<16xf32> to vector<16xf32>
      %mul3A_4140 = arith.constant 16 : i32
      %mul3A_4141 = arith.muli %scan3A_4131, %mul3A_4140 : i32
      %get3A_4142 = arith.index_cast %mul3A_4141 : i32 to index
      %get3A_4143 = tpu.vector_load %arg9[%get3A_4142] {strides = array<i32>} : memref<256xf32, #tpu.memory_space<vmem>>, vector<16xf32>,
      %get3A_4144 = vector.shape_cast %get3A_4143 : vector<16xf32> to vector<16xf32>
      %mul3A_4145 = arith.mulf %get3A_4139, %get3A_4144 : vector<16xf32>
      %add3A_4146 = arith.addf %scan3A_4132, %mul3A_4145 : vector<16xf32>
      %mul3A_4147 = arith.mulf %get3A_4139, %get3A_4139 : vector<16xf32>
      %add3A_4148 = arith.addf %scan3A_4133, %mul3A_4147 : vector<16xf32>
      scf.yield %add3A_4146, %add3A_4148 : vector<16xf32>, vector<16xf32>
    }
    %scan3A_689 = arith.constant 16 : i32
    %xor3A_690 = arith.constant 8 : i32
    %xor3A_691 = vector.broadcast %xor3A_690 : i32 to vector<16xi32>
    %xor3A_692 = arith.xori %iota3A, %xor3A_691 : vector<16xi32>
    %broadcast_in_dim3A_693 = vector.shape_cast %xor3A_692 : vector<16xi32> to vector<16x1xi32>
    %gather3A_694 = vector.shape_cast %broadcast_in_dim3A_693 : vector<16x1xi32> to vector<16xi32>
    %gather3A_695 = tpu.dynamic_gather %scan3A_688#1[%gather3A_694] in [0] : vector<16xf32>, vector<16xi32> -> vector<16xf32>
    %add3A_696 = arith.addf %scan3A_688#1, %gather3A_695 : vector<16xf32>
    %xor3A_697 = arith.constant 4 : i32
    %xor3A_698 = vector.broadcast %xor3A_697 : i32 to vector<16xi32>
    %xor3A_699 = arith.xori %iota3A, %xor3A_698 : vector<16xi32>
    %broadcast_in_dim3A_700 = vector.shape_cast %xor3A_699 : vector<16xi32> to vector<16x1xi32>
    %gather3A_701 = vector.shape_cast %broadcast_in_dim3A_700 : vector<16x1xi32> to vector<16xi32>
    %gather3A_702 = tpu.dynamic_gather %add3A_696[%gather3A_701] in [0] : vector<16xf32>, vector<16xi32> -> vector<16xf32>
    %add3A_703 = arith.addf %add3A_696, %gather3A_702 : vector<16xf32>
    %xor3A_704 = arith.constant 2 : i32
    %xor3A_705 = vector.broadcast %xor3A_704 : i32 to vector<16xi32>
    %xor3A_706 = arith.xori %iota3A, %xor3A_705 : vector<16xi32>
    %broadcast_in_dim3A_707 = vector.shape_cast %xor3A_706 : vector<16xi32> to vector<16x1xi32>
    %gather3A_708 = vector.shape_cast %broadcast_in_dim3A_707 : vector<16x1xi32> to vector<16xi32>
    %gather3A_709 = tpu.dynamic_gather %add3A_703[%gather3A_708] in [0] : vector<16xf32>, vector<16xi32> -> vector<16xf32>
    %add3A_710 = arith.addf %add3A_703, %gather3A_709 : vector<16xf32>
    %xor3A_711 = arith.constant 1 : i32
    %xor3A_712 = vector.broadcast %xor3A_711 : i32 to vector<16xi32>
    %xor3A_713 = arith.xori %iota3A, %xor3A_712 : vector<16xi32>
    %broadcast_in_dim3A_714 = vector.shape_cast %xor3A_713 : vector<16xi32> to vector<16x1xi32>
    %gather3A_715 = vector.shape_cast %broadcast_in_dim3A_714 : vector<16x1xi32> to vector<16xi32>
    %gather3A_716 = tpu.dynamic_gather %add3A_710[%gather3A_715] in [0] : vector<16xf32>, vector<16xi32> -> vector<16xf32>
    %add3A_717 = arith.addf %add3A_710, %gather3A_716 : vector<16xf32>
    %max3A_718 = arith.constant 1.000000e-30 : f32
    %max3A_719 = vector.broadcast %max3A_718 : f32 to vector<16xf32>
    %max3A_720 = arith.maximumf %add3A_717, %max3A_719 : vector<16xf32>
    %bitcast_convert_type3A_721 = tpu.bitcast %max3A_720 : vector<16xf32> -> vector<16xi32>
    %shift_right_arithmetic3A_722 = arith.constant 1 : i32
    %shift_right_arithmetic3A_723 = vector.broadcast %shift_right_arithmetic3A_722 : i32 to vector<16xi32>
    %shift_right_arithmetic3A_724 = arith.shrsi %bitcast_convert_type3A_721, %shift_right_arithmetic3A_723 : vector<16xi32>
    %sub3A_725 = arith.constant 1597463007 : i32
    %sub3A_726 = vector.broadcast %sub3A_725 : i32 to vector<16xi32>
    %sub3A_727 = arith.subi %sub3A_726, %shift_right_arithmetic3A_724 : vector<16xi32>
    %bitcast_convert_type3A_728 = tpu.bitcast %sub3A_727 : vector<16xi32> -> vector<16xf32>
    %mul3A_729 = arith.constant 5.000000e-01 : f32
    %mul3A_730 = vector.broadcast %mul3A_729 : f32 to vector<16xf32>
    %mul3A_731 = arith.mulf %mul3A_730, %max3A_720 : vector<16xf32>
    %mul3A_732 = arith.mulf %mul3A_731, %bitcast_convert_type3A_728 : vector<16xf32>
    %mul3A_733 = arith.mulf %mul3A_732, %bitcast_convert_type3A_728 : vector<16xf32>
    %sub3A_734 = arith.constant 1.500000e+00 : f32
    %sub3A_735 = vector.broadcast %sub3A_734 : f32 to vector<16xf32>
    %sub3A_736 = arith.subf %sub3A_735, %mul3A_733 : vector<16xf32>
    %mul3A_737 = arith.mulf %bitcast_convert_type3A_728, %sub3A_736 : vector<16xf32>
    %mul3A_738 = arith.constant 5.000000e-01 : f32
    %mul3A_739 = vector.broadcast %mul3A_738 : f32 to vector<16xf32>
    %mul3A_740 = arith.mulf %mul3A_739, %max3A_720 : vector<16xf32>
    %mul3A_741 = arith.mulf %mul3A_740, %mul3A_737 : vector<16xf32>
    %mul3A_742 = arith.mulf %mul3A_741, %mul3A_737 : vector<16xf32>
    %sub3A_743 = arith.constant 1.500000e+00 : f32
    %sub3A_744 = vector.broadcast %sub3A_743 : f32 to vector<16xf32>
    %sub3A_745 = arith.subf %sub3A_744, %mul3A_742 : vector<16xf32>
    %mul3A_746 = arith.mulf %mul3A_737, %sub3A_745 : vector<16xf32>
    %mul3A_747 = arith.constant 5.000000e-01 : f32
    %mul3A_748 = vector.broadcast %mul3A_747 : f32 to vector<16xf32>
    %mul3A_749 = arith.mulf %mul3A_748, %max3A_720 : vector<16xf32>
    %mul3A_750 = arith.mulf %mul3A_749, %mul3A_746 : vector<16xf32>
    %mul3A_751 = arith.mulf %mul3A_750, %mul3A_746 : vector<16xf32>
    %sub3A_752 = arith.constant 1.500000e+00 : f32
    %sub3A_753 = vector.broadcast %sub3A_752 : f32 to vector<16xf32>
    %sub3A_754 = arith.subf %sub3A_753, %mul3A_751 : vector<16xf32>
    %mul3A_755 = arith.mulf %mul3A_746, %sub3A_754 : vector<16xf32>
    %mul3A_756 = arith.constant 5.000000e-01 : f32
    %mul3A_757 = vector.broadcast %mul3A_756 : f32 to vector<16xf32>
    %mul3A_758 = arith.mulf %mul3A_757, %max3A_720 : vector<16xf32>
    %mul3A_759 = arith.mulf %mul3A_758, %mul3A_755 : vector<16xf32>
    %mul3A_760 = arith.mulf %mul3A_759, %mul3A_755 : vector<16xf32>
    %sub3A_761 = arith.constant 1.500000e+00 : f32
    %sub3A_762 = vector.broadcast %sub3A_761 : f32 to vector<16xf32>
    %sub3A_763 = arith.subf %sub3A_762, %mul3A_760 : vector<16xf32>
    %mul3A_764 = arith.mulf %mul3A_755, %sub3A_763 : vector<16xf32>
    %mul3A_765 = arith.mulf %add3A_717, %mul3A_764 : vector<16xf32>
    %max3A_766 = arith.constant 9.99999996E-13 : f32
    %max3A_767 = vector.broadcast %max3A_766 : f32 to vector<16xf32>
    %max3A_768 = arith.maximumf %mul3A_765, %max3A_767 : vector<16xf32>
    %xor3A_769 = arith.constant 8 : i32
    %xor3A_770 = vector.broadcast %xor3A_769 : i32 to vector<16xi32>
    %xor3A_771 = arith.xori %iota3A, %xor3A_770 : vector<16xi32>
    %broadcast_in_dim3A_772 = vector.shape_cast %xor3A_771 : vector<16xi32> to vector<16x1xi32>
    %gather3A_773 = vector.shape_cast %broadcast_in_dim3A_772 : vector<16x1xi32> to vector<16xi32>
    %gather3A_774 = tpu.dynamic_gather %scan3A_688#0[%gather3A_773] in [0] : vector<16xf32>, vector<16xi32> -> vector<16xf32>
    %add3A_775 = arith.addf %scan3A_688#0, %gather3A_774 : vector<16xf32>
    %xor3A_776 = arith.constant 4 : i32
    %xor3A_777 = vector.broadcast %xor3A_776 : i32 to vector<16xi32>
    %xor3A_778 = arith.xori %iota3A, %xor3A_777 : vector<16xi32>
    %broadcast_in_dim3A_779 = vector.shape_cast %xor3A_778 : vector<16xi32> to vector<16x1xi32>
    %gather3A_780 = vector.shape_cast %broadcast_in_dim3A_779 : vector<16x1xi32> to vector<16xi32>
    %gather3A_781 = tpu.dynamic_gather %add3A_775[%gather3A_780] in [0] : vector<16xf32>, vector<16xi32> -> vector<16xf32>
    %add3A_782 = arith.addf %add3A_775, %gather3A_781 : vector<16xf32>
    %xor3A_783 = arith.constant 2 : i32
    %xor3A_784 = vector.broadcast %xor3A_783 : i32 to vector<16xi32>
    %xor3A_785 = arith.xori %iota3A, %xor3A_784 : vector<16xi32>
    %broadcast_in_dim3A_786 = vector.shape_cast %xor3A_785 : vector<16xi32> to vector<16x1xi32>
    %gather3A_787 = vector.shape_cast %broadcast_in_dim3A_786 : vector<16x1xi32> to vector<16xi32>
    %gather3A_788 = tpu.dynamic_gather %add3A_782[%gather3A_787] in [0] : vector<16xf32>, vector<16xi32> -> vector<16xf32>
    %add3A_789 = arith.addf %add3A_782, %gather3A_788 : vector<16xf32>
    %xor3A_790 = arith.constant 1 : i32
    %xor3A_791 = vector.broadcast %xor3A_790 : i32 to vector<16xi32>
    %xor3A_792 = arith.xori %iota3A, %xor3A_791 : vector<16xi32>
    %broadcast_in_dim3A_793 = vector.shape_cast %xor3A_792 : vector<16xi32> to vector<16x1xi32>
    %gather3A_794 = vector.shape_cast %broadcast_in_dim3A_793 : vector<16x1xi32> to vector<16xi32>
    %gather3A_795 = tpu.dynamic_gather %add3A_789[%gather3A_794] in [0] : vector<16xf32>, vector<16xi32> -> vector<16xf32>
    %add3A_796 = arith.addf %add3A_789, %gather3A_795 : vector<16xf32>
    %mul3A_797 = arith.mulf %max3A_184, %max3A_768 : vector<16xf32>
    %div3A_798 = arith.divf %add3A_796, %mul3A_797 : vector<16xf32>
    %eq3A_799 = arith.constant 4 : i32
    %eq3A_800 = vector.broadcast %eq3A_799 : i32 to vector<16xi32>
    %eq3A_801 = arith.cmpi eq, %iota3A, %eq3A_800 : vector<16xi32>
    %select_n3A_802 = arith.select %eq3A_801, %div3A_798, %select_n3A_679 : vector<16xi1>, vector<16xf32>
    %broadcast_in_dim3A_803 = arith.constant 0.000000e+00 : f32
    %broadcast_in_dim3A_804 = vector.broadcast %broadcast_in_dim3A_803 : f32 to vector<16xf32>
    %broadcast_in_dim3A_805 = arith.constant 0.000000e+00 : f32
    %broadcast_in_dim3A_806 = vector.broadcast %broadcast_in_dim3A_805 : f32 to vector<16xf32>
    %scan3A_807 = arith.constant 0 : i32
    %scan3A_808 = arith.constant 16 : i32
    %scan3A_809 = arith.addi %scan3A_807, %scan3A_808 : i32
    %scan3A_810 = arith.constant 1 : i32
    %scan3A_811:2 = scf.for %scan3A_4131 = %scan3A_807 to %scan3A_809 step %scan3A_810 iter_args(%scan3A_4132 = %broadcast_in_dim3A_804, %scan3A_4133 = %broadcast_in_dim3A_806) -> (vector<16xf32>, vector<16xf32>)  : i32 {
      %mul3A_4134 = arith.constant 16 : i32
      %mul3A_4135 = arith.muli %scan3A_4131, %mul3A_4134 : i32
      %add3A_4136 = arith.constant 1280 : i32
      %add3A_4137 = arith.addi %add3A_4136, %mul3A_4135 : i32
      %get3A = arith.index_cast %add3A_4137 : i32 to index
      %get3A_4138 = tpu.vector_load %arg7[%get3A] {strides = array<i32>} : memref<8192xf32, #tpu.memory_space<vmem>>, vector<16xf32>,
      %get3A_4139 = vector.shape_cast %get3A_4138 : vector<16xf32> to vector<16xf32>
      %mul3A_4140 = arith.constant 16 : i32
      %mul3A_4141 = arith.muli %scan3A_4131, %mul3A_4140 : i32
      %get3A_4142 = arith.index_cast %mul3A_4141 : i32 to index
      %get3A_4143 = tpu.vector_load %arg9[%get3A_4142] {strides = array<i32>} : memref<256xf32, #tpu.memory_space<vmem>>, vector<16xf32>,
      %get3A_4144 = vector.shape_cast %get3A_4143 : vector<16xf32> to vector<16xf32>
      %mul3A_4145 = arith.mulf %get3A_4139, %get3A_4144 : vector<16xf32>
      %add3A_4146 = arith.addf %scan3A_4132, %mul3A_4145 : vector<16xf32>
      %mul3A_4147 = arith.mulf %get3A_4139, %get3A_4139 : vector<16xf32>
      %add3A_4148 = arith.addf %scan3A_4133, %mul3A_4147 : vector<16xf32>
      scf.yield %add3A_4146, %add3A_4148 : vector<16xf32>, vector<16xf32>
    }
    %scan3A_812 = arith.constant 16 : i32
    %xor3A_813 = arith.constant 8 : i32
    %xor3A_814 = vector.broadcast %xor3A_813 : i32 to vector<16xi32>
    %xor3A_815 = arith.xori %iota3A, %xor3A_814 : vector<16xi32>
    %broadcast_in_dim3A_816 = vector.shape_cast %xor3A_815 : vector<16xi32> to vector<16x1xi32>
    %gather3A_817 = vector.shape_cast %broadcast_in_dim3A_816 : vector<16x1xi32> to vector<16xi32>
    %gather3A_818 = tpu.dynamic_gather %scan3A_811#1[%gather3A_817] in [0] : vector<16xf32>, vector<16xi32> -> vector<16xf32>
    %add3A_819 = arith.addf %scan3A_811#1, %gather3A_818 : vector<16xf32>
    %xor3A_820 = arith.constant 4 : i32
    %xor3A_821 = vector.broadcast %xor3A_820 : i32 to vector<16xi32>
    %xor3A_822 = arith.xori %iota3A, %xor3A_821 : vector<16xi32>
    %broadcast_in_dim3A_823 = vector.shape_cast %xor3A_822 : vector<16xi32> to vector<16x1xi32>
    %gather3A_824 = vector.shape_cast %broadcast_in_dim3A_823 : vector<16x1xi32> to vector<16xi32>
    %gather3A_825 = tpu.dynamic_gather %add3A_819[%gather3A_824] in [0] : vector<16xf32>, vector<16xi32> -> vector<16xf32>
    %add3A_826 = arith.addf %add3A_819, %gather3A_825 : vector<16xf32>
    %xor3A_827 = arith.constant 2 : i32
    %xor3A_828 = vector.broadcast %xor3A_827 : i32 to vector<16xi32>
    %xor3A_829 = arith.xori %iota3A, %xor3A_828 : vector<16xi32>
    %broadcast_in_dim3A_830 = vector.shape_cast %xor3A_829 : vector<16xi32> to vector<16x1xi32>
    %gather3A_831 = vector.shape_cast %broadcast_in_dim3A_830 : vector<16x1xi32> to vector<16xi32>
    %gather3A_832 = tpu.dynamic_gather %add3A_826[%gather3A_831] in [0] : vector<16xf32>, vector<16xi32> -> vector<16xf32>
    %add3A_833 = arith.addf %add3A_826, %gather3A_832 : vector<16xf32>
    %xor3A_834 = arith.constant 1 : i32
    %xor3A_835 = vector.broadcast %xor3A_834 : i32 to vector<16xi32>
    %xor3A_836 = arith.xori %iota3A, %xor3A_835 : vector<16xi32>
    %broadcast_in_dim3A_837 = vector.shape_cast %xor3A_836 : vector<16xi32> to vector<16x1xi32>
    %gather3A_838 = vector.shape_cast %broadcast_in_dim3A_837 : vector<16x1xi32> to vector<16xi32>
    %gather3A_839 = tpu.dynamic_gather %add3A_833[%gather3A_838] in [0] : vector<16xf32>, vector<16xi32> -> vector<16xf32>
    %add3A_840 = arith.addf %add3A_833, %gather3A_839 : vector<16xf32>
    %max3A_841 = arith.constant 1.000000e-30 : f32
    %max3A_842 = vector.broadcast %max3A_841 : f32 to vector<16xf32>
    %max3A_843 = arith.maximumf %add3A_840, %max3A_842 : vector<16xf32>
    %bitcast_convert_type3A_844 = tpu.bitcast %max3A_843 : vector<16xf32> -> vector<16xi32>
    %shift_right_arithmetic3A_845 = arith.constant 1 : i32
    %shift_right_arithmetic3A_846 = vector.broadcast %shift_right_arithmetic3A_845 : i32 to vector<16xi32>
    %shift_right_arithmetic3A_847 = arith.shrsi %bitcast_convert_type3A_844, %shift_right_arithmetic3A_846 : vector<16xi32>
    %sub3A_848 = arith.constant 1597463007 : i32
    %sub3A_849 = vector.broadcast %sub3A_848 : i32 to vector<16xi32>
    %sub3A_850 = arith.subi %sub3A_849, %shift_right_arithmetic3A_847 : vector<16xi32>
    %bitcast_convert_type3A_851 = tpu.bitcast %sub3A_850 : vector<16xi32> -> vector<16xf32>
    %mul3A_852 = arith.constant 5.000000e-01 : f32
    %mul3A_853 = vector.broadcast %mul3A_852 : f32 to vector<16xf32>
    %mul3A_854 = arith.mulf %mul3A_853, %max3A_843 : vector<16xf32>
    %mul3A_855 = arith.mulf %mul3A_854, %bitcast_convert_type3A_851 : vector<16xf32>
    %mul3A_856 = arith.mulf %mul3A_855, %bitcast_convert_type3A_851 : vector<16xf32>
    %sub3A_857 = arith.constant 1.500000e+00 : f32
    %sub3A_858 = vector.broadcast %sub3A_857 : f32 to vector<16xf32>
    %sub3A_859 = arith.subf %sub3A_858, %mul3A_856 : vector<16xf32>
    %mul3A_860 = arith.mulf %bitcast_convert_type3A_851, %sub3A_859 : vector<16xf32>
    %mul3A_861 = arith.constant 5.000000e-01 : f32
    %mul3A_862 = vector.broadcast %mul3A_861 : f32 to vector<16xf32>
    %mul3A_863 = arith.mulf %mul3A_862, %max3A_843 : vector<16xf32>
    %mul3A_864 = arith.mulf %mul3A_863, %mul3A_860 : vector<16xf32>
    %mul3A_865 = arith.mulf %mul3A_864, %mul3A_860 : vector<16xf32>
    %sub3A_866 = arith.constant 1.500000e+00 : f32
    %sub3A_867 = vector.broadcast %sub3A_866 : f32 to vector<16xf32>
    %sub3A_868 = arith.subf %sub3A_867, %mul3A_865 : vector<16xf32>
    %mul3A_869 = arith.mulf %mul3A_860, %sub3A_868 : vector<16xf32>
    %mul3A_870 = arith.constant 5.000000e-01 : f32
    %mul3A_871 = vector.broadcast %mul3A_870 : f32 to vector<16xf32>
    %mul3A_872 = arith.mulf %mul3A_871, %max3A_843 : vector<16xf32>
    %mul3A_873 = arith.mulf %mul3A_872, %mul3A_869 : vector<16xf32>
    %mul3A_874 = arith.mulf %mul3A_873, %mul3A_869 : vector<16xf32>
    %sub3A_875 = arith.constant 1.500000e+00 : f32
    %sub3A_876 = vector.broadcast %sub3A_875 : f32 to vector<16xf32>
    %sub3A_877 = arith.subf %sub3A_876, %mul3A_874 : vector<16xf32>
    %mul3A_878 = arith.mulf %mul3A_869, %sub3A_877 : vector<16xf32>
    %mul3A_879 = arith.constant 5.000000e-01 : f32
    %mul3A_880 = vector.broadcast %mul3A_879 : f32 to vector<16xf32>
    %mul3A_881 = arith.mulf %mul3A_880, %max3A_843 : vector<16xf32>
    %mul3A_882 = arith.mulf %mul3A_881, %mul3A_878 : vector<16xf32>
    %mul3A_883 = arith.mulf %mul3A_882, %mul3A_878 : vector<16xf32>
    %sub3A_884 = arith.constant 1.500000e+00 : f32
    %sub3A_885 = vector.broadcast %sub3A_884 : f32 to vector<16xf32>
    %sub3A_886 = arith.subf %sub3A_885, %mul3A_883 : vector<16xf32>
    %mul3A_887 = arith.mulf %mul3A_878, %sub3A_886 : vector<16xf32>
    %mul3A_888 = arith.mulf %add3A_840, %mul3A_887 : vector<16xf32>
    %max3A_889 = arith.constant 9.99999996E-13 : f32
    %max3A_890 = vector.broadcast %max3A_889 : f32 to vector<16xf32>
    %max3A_891 = arith.maximumf %mul3A_888, %max3A_890 : vector<16xf32>
    %xor3A_892 = arith.constant 8 : i32
    %xor3A_893 = vector.broadcast %xor3A_892 : i32 to vector<16xi32>
    %xor3A_894 = arith.xori %iota3A, %xor3A_893 : vector<16xi32>
    %broadcast_in_dim3A_895 = vector.shape_cast %xor3A_894 : vector<16xi32> to vector<16x1xi32>
    %gather3A_896 = vector.shape_cast %broadcast_in_dim3A_895 : vector<16x1xi32> to vector<16xi32>
    %gather3A_897 = tpu.dynamic_gather %scan3A_811#0[%gather3A_896] in [0] : vector<16xf32>, vector<16xi32> -> vector<16xf32>
    %add3A_898 = arith.addf %scan3A_811#0, %gather3A_897 : vector<16xf32>
    %xor3A_899 = arith.constant 4 : i32
    %xor3A_900 = vector.broadcast %xor3A_899 : i32 to vector<16xi32>
    %xor3A_901 = arith.xori %iota3A, %xor3A_900 : vector<16xi32>
    %broadcast_in_dim3A_902 = vector.shape_cast %xor3A_901 : vector<16xi32> to vector<16x1xi32>
    %gather3A_903 = vector.shape_cast %broadcast_in_dim3A_902 : vector<16x1xi32> to vector<16xi32>
    %gather3A_904 = tpu.dynamic_gather %add3A_898[%gather3A_903] in [0] : vector<16xf32>, vector<16xi32> -> vector<16xf32>
    %add3A_905 = arith.addf %add3A_898, %gather3A_904 : vector<16xf32>
    %xor3A_906 = arith.constant 2 : i32
    %xor3A_907 = vector.broadcast %xor3A_906 : i32 to vector<16xi32>
    %xor3A_908 = arith.xori %iota3A, %xor3A_907 : vector<16xi32>
    %broadcast_in_dim3A_909 = vector.shape_cast %xor3A_908 : vector<16xi32> to vector<16x1xi32>
    %gather3A_910 = vector.shape_cast %broadcast_in_dim3A_909 : vector<16x1xi32> to vector<16xi32>
    %gather3A_911 = tpu.dynamic_gather %add3A_905[%gather3A_910] in [0] : vector<16xf32>, vector<16xi32> -> vector<16xf32>
    %add3A_912 = arith.addf %add3A_905, %gather3A_911 : vector<16xf32>
    %xor3A_913 = arith.constant 1 : i32
    %xor3A_914 = vector.broadcast %xor3A_913 : i32 to vector<16xi32>
    %xor3A_915 = arith.xori %iota3A, %xor3A_914 : vector<16xi32>
    %broadcast_in_dim3A_916 = vector.shape_cast %xor3A_915 : vector<16xi32> to vector<16x1xi32>
    %gather3A_917 = vector.shape_cast %broadcast_in_dim3A_916 : vector<16x1xi32> to vector<16xi32>
    %gather3A_918 = tpu.dynamic_gather %add3A_912[%gather3A_917] in [0] : vector<16xf32>, vector<16xi32> -> vector<16xf32>
    %add3A_919 = arith.addf %add3A_912, %gather3A_918 : vector<16xf32>
    %mul3A_920 = arith.mulf %max3A_184, %max3A_891 : vector<16xf32>
    %div3A_921 = arith.divf %add3A_919, %mul3A_920 : vector<16xf32>
    %eq3A_922 = arith.constant 5 : i32
    %eq3A_923 = vector.broadcast %eq3A_922 : i32 to vector<16xi32>
    %eq3A_924 = arith.cmpi eq, %iota3A, %eq3A_923 : vector<16xi32>
    %select_n3A_925 = arith.select %eq3A_924, %div3A_921, %select_n3A_802 : vector<16xi1>, vector<16xf32>
    %broadcast_in_dim3A_926 = arith.constant 0.000000e+00 : f32
    %broadcast_in_dim3A_927 = vector.broadcast %broadcast_in_dim3A_926 : f32 to vector<16xf32>
    %broadcast_in_dim3A_928 = arith.constant 0.000000e+00 : f32
    %broadcast_in_dim3A_929 = vector.broadcast %broadcast_in_dim3A_928 : f32 to vector<16xf32>
    %scan3A_930 = arith.constant 0 : i32
    %scan3A_931 = arith.constant 16 : i32
    %scan3A_932 = arith.addi %scan3A_930, %scan3A_931 : i32
    %scan3A_933 = arith.constant 1 : i32
    %scan3A_934:2 = scf.for %scan3A_4131 = %scan3A_930 to %scan3A_932 step %scan3A_933 iter_args(%scan3A_4132 = %broadcast_in_dim3A_927, %scan3A_4133 = %broadcast_in_dim3A_929) -> (vector<16xf32>, vector<16xf32>)  : i32 {
      %mul3A_4134 = arith.constant 16 : i32
      %mul3A_4135 = arith.muli %scan3A_4131, %mul3A_4134 : i32
      %add3A_4136 = arith.constant 1536 : i32
      %add3A_4137 = arith.addi %add3A_4136, %mul3A_4135 : i32
      %get3A = arith.index_cast %add3A_4137 : i32 to index
      %get3A_4138 = tpu.vector_load %arg7[%get3A] {strides = array<i32>} : memref<8192xf32, #tpu.memory_space<vmem>>, vector<16xf32>,
      %get3A_4139 = vector.shape_cast %get3A_4138 : vector<16xf32> to vector<16xf32>
      %mul3A_4140 = arith.constant 16 : i32
      %mul3A_4141 = arith.muli %scan3A_4131, %mul3A_4140 : i32
      %get3A_4142 = arith.index_cast %mul3A_4141 : i32 to index
      %get3A_4143 = tpu.vector_load %arg9[%get3A_4142] {strides = array<i32>} : memref<256xf32, #tpu.memory_space<vmem>>, vector<16xf32>,
      %get3A_4144 = vector.shape_cast %get3A_4143 : vector<16xf32> to vector<16xf32>
      %mul3A_4145 = arith.mulf %get3A_4139, %get3A_4144 : vector<16xf32>
      %add3A_4146 = arith.addf %scan3A_4132, %mul3A_4145 : vector<16xf32>
      %mul3A_4147 = arith.mulf %get3A_4139, %get3A_4139 : vector<16xf32>
      %add3A_4148 = arith.addf %scan3A_4133, %mul3A_4147 : vector<16xf32>
      scf.yield %add3A_4146, %add3A_4148 : vector<16xf32>, vector<16xf32>
    }
    %scan3A_935 = arith.constant 16 : i32
    %xor3A_936 = arith.constant 8 : i32
    %xor3A_937 = vector.broadcast %xor3A_936 : i32 to vector<16xi32>
    %xor3A_938 = arith.xori %iota3A, %xor3A_937 : vector<16xi32>
    %broadcast_in_dim3A_939 = vector.shape_cast %xor3A_938 : vector<16xi32> to vector<16x1xi32>
    %gather3A_940 = vector.shape_cast %broadcast_in_dim3A_939 : vector<16x1xi32> to vector<16xi32>
    %gather3A_941 = tpu.dynamic_gather %scan3A_934#1[%gather3A_940] in [0] : vector<16xf32>, vector<16xi32> -> vector<16xf32>
    %add3A_942 = arith.addf %scan3A_934#1, %gather3A_941 : vector<16xf32>
    %xor3A_943 = arith.constant 4 : i32
    %xor3A_944 = vector.broadcast %xor3A_943 : i32 to vector<16xi32>
    %xor3A_945 = arith.xori %iota3A, %xor3A_944 : vector<16xi32>
    %broadcast_in_dim3A_946 = vector.shape_cast %xor3A_945 : vector<16xi32> to vector<16x1xi32>
    %gather3A_947 = vector.shape_cast %broadcast_in_dim3A_946 : vector<16x1xi32> to vector<16xi32>
    %gather3A_948 = tpu.dynamic_gather %add3A_942[%gather3A_947] in [0] : vector<16xf32>, vector<16xi32> -> vector<16xf32>
    %add3A_949 = arith.addf %add3A_942, %gather3A_948 : vector<16xf32>
    %xor3A_950 = arith.constant 2 : i32
    %xor3A_951 = vector.broadcast %xor3A_950 : i32 to vector<16xi32>
    %xor3A_952 = arith.xori %iota3A, %xor3A_951 : vector<16xi32>
    %broadcast_in_dim3A_953 = vector.shape_cast %xor3A_952 : vector<16xi32> to vector<16x1xi32>
    %gather3A_954 = vector.shape_cast %broadcast_in_dim3A_953 : vector<16x1xi32> to vector<16xi32>
    %gather3A_955 = tpu.dynamic_gather %add3A_949[%gather3A_954] in [0] : vector<16xf32>, vector<16xi32> -> vector<16xf32>
    %add3A_956 = arith.addf %add3A_949, %gather3A_955 : vector<16xf32>
    %xor3A_957 = arith.constant 1 : i32
    %xor3A_958 = vector.broadcast %xor3A_957 : i32 to vector<16xi32>
    %xor3A_959 = arith.xori %iota3A, %xor3A_958 : vector<16xi32>
    %broadcast_in_dim3A_960 = vector.shape_cast %xor3A_959 : vector<16xi32> to vector<16x1xi32>
    %gather3A_961 = vector.shape_cast %broadcast_in_dim3A_960 : vector<16x1xi32> to vector<16xi32>
    %gather3A_962 = tpu.dynamic_gather %add3A_956[%gather3A_961] in [0] : vector<16xf32>, vector<16xi32> -> vector<16xf32>
    %add3A_963 = arith.addf %add3A_956, %gather3A_962 : vector<16xf32>
    %max3A_964 = arith.constant 1.000000e-30 : f32
    %max3A_965 = vector.broadcast %max3A_964 : f32 to vector<16xf32>
    %max3A_966 = arith.maximumf %add3A_963, %max3A_965 : vector<16xf32>
    %bitcast_convert_type3A_967 = tpu.bitcast %max3A_966 : vector<16xf32> -> vector<16xi32>
    %shift_right_arithmetic3A_968 = arith.constant 1 : i32
    %shift_right_arithmetic3A_969 = vector.broadcast %shift_right_arithmetic3A_968 : i32 to vector<16xi32>
    %shift_right_arithmetic3A_970 = arith.shrsi %bitcast_convert_type3A_967, %shift_right_arithmetic3A_969 : vector<16xi32>
    %sub3A_971 = arith.constant 1597463007 : i32
    %sub3A_972 = vector.broadcast %sub3A_971 : i32 to vector<16xi32>
    %sub3A_973 = arith.subi %sub3A_972, %shift_right_arithmetic3A_970 : vector<16xi32>
    %bitcast_convert_type3A_974 = tpu.bitcast %sub3A_973 : vector<16xi32> -> vector<16xf32>
    %mul3A_975 = arith.constant 5.000000e-01 : f32
    %mul3A_976 = vector.broadcast %mul3A_975 : f32 to vector<16xf32>
    %mul3A_977 = arith.mulf %mul3A_976, %max3A_966 : vector<16xf32>
    %mul3A_978 = arith.mulf %mul3A_977, %bitcast_convert_type3A_974 : vector<16xf32>
    %mul3A_979 = arith.mulf %mul3A_978, %bitcast_convert_type3A_974 : vector<16xf32>
    %sub3A_980 = arith.constant 1.500000e+00 : f32
    %sub3A_981 = vector.broadcast %sub3A_980 : f32 to vector<16xf32>
    %sub3A_982 = arith.subf %sub3A_981, %mul3A_979 : vector<16xf32>
    %mul3A_983 = arith.mulf %bitcast_convert_type3A_974, %sub3A_982 : vector<16xf32>
    %mul3A_984 = arith.constant 5.000000e-01 : f32
    %mul3A_985 = vector.broadcast %mul3A_984 : f32 to vector<16xf32>
    %mul3A_986 = arith.mulf %mul3A_985, %max3A_966 : vector<16xf32>
    %mul3A_987 = arith.mulf %mul3A_986, %mul3A_983 : vector<16xf32>
    %mul3A_988 = arith.mulf %mul3A_987, %mul3A_983 : vector<16xf32>
    %sub3A_989 = arith.constant 1.500000e+00 : f32
    %sub3A_990 = vector.broadcast %sub3A_989 : f32 to vector<16xf32>
    %sub3A_991 = arith.subf %sub3A_990, %mul3A_988 : vector<16xf32>
    %mul3A_992 = arith.mulf %mul3A_983, %sub3A_991 : vector<16xf32>
    %mul3A_993 = arith.constant 5.000000e-01 : f32
    %mul3A_994 = vector.broadcast %mul3A_993 : f32 to vector<16xf32>
    %mul3A_995 = arith.mulf %mul3A_994, %max3A_966 : vector<16xf32>
    %mul3A_996 = arith.mulf %mul3A_995, %mul3A_992 : vector<16xf32>
    %mul3A_997 = arith.mulf %mul3A_996, %mul3A_992 : vector<16xf32>
    %sub3A_998 = arith.constant 1.500000e+00 : f32
    %sub3A_999 = vector.broadcast %sub3A_998 : f32 to vector<16xf32>
    %sub3A_1000 = arith.subf %sub3A_999, %mul3A_997 : vector<16xf32>
    %mul3A_1001 = arith.mulf %mul3A_992, %sub3A_1000 : vector<16xf32>
    %mul3A_1002 = arith.constant 5.000000e-01 : f32
    %mul3A_1003 = vector.broadcast %mul3A_1002 : f32 to vector<16xf32>
    %mul3A_1004 = arith.mulf %mul3A_1003, %max3A_966 : vector<16xf32>
    %mul3A_1005 = arith.mulf %mul3A_1004, %mul3A_1001 : vector<16xf32>
    %mul3A_1006 = arith.mulf %mul3A_1005, %mul3A_1001 : vector<16xf32>
    %sub3A_1007 = arith.constant 1.500000e+00 : f32
    %sub3A_1008 = vector.broadcast %sub3A_1007 : f32 to vector<16xf32>
    %sub3A_1009 = arith.subf %sub3A_1008, %mul3A_1006 : vector<16xf32>
    %mul3A_1010 = arith.mulf %mul3A_1001, %sub3A_1009 : vector<16xf32>
    %mul3A_1011 = arith.mulf %add3A_963, %mul3A_1010 : vector<16xf32>
    %max3A_1012 = arith.constant 9.99999996E-13 : f32
    %max3A_1013 = vector.broadcast %max3A_1012 : f32 to vector<16xf32>
    %max3A_1014 = arith.maximumf %mul3A_1011, %max3A_1013 : vector<16xf32>
    %xor3A_1015 = arith.constant 8 : i32
    %xor3A_1016 = vector.broadcast %xor3A_1015 : i32 to vector<16xi32>
    %xor3A_1017 = arith.xori %iota3A, %xor3A_1016 : vector<16xi32>
    %broadcast_in_dim3A_1018 = vector.shape_cast %xor3A_1017 : vector<16xi32> to vector<16x1xi32>
    %gather3A_1019 = vector.shape_cast %broadcast_in_dim3A_1018 : vector<16x1xi32> to vector<16xi32>
    %gather3A_1020 = tpu.dynamic_gather %scan3A_934#0[%gather3A_1019] in [0] : vector<16xf32>, vector<16xi32> -> vector<16xf32>
    %add3A_1021 = arith.addf %scan3A_934#0, %gather3A_1020 : vector<16xf32>
    %xor3A_1022 = arith.constant 4 : i32
    %xor3A_1023 = vector.broadcast %xor3A_1022 : i32 to vector<16xi32>
    %xor3A_1024 = arith.xori %iota3A, %xor3A_1023 : vector<16xi32>
    %broadcast_in_dim3A_1025 = vector.shape_cast %xor3A_1024 : vector<16xi32> to vector<16x1xi32>
    %gather3A_1026 = vector.shape_cast %broadcast_in_dim3A_1025 : vector<16x1xi32> to vector<16xi32>
    %gather3A_1027 = tpu.dynamic_gather %add3A_1021[%gather3A_1026] in [0] : vector<16xf32>, vector<16xi32> -> vector<16xf32>
    %add3A_1028 = arith.addf %add3A_1021, %gather3A_1027 : vector<16xf32>
    %xor3A_1029 = arith.constant 2 : i32
    %xor3A_1030 = vector.broadcast %xor3A_1029 : i32 to vector<16xi32>
    %xor3A_1031 = arith.xori %iota3A, %xor3A_1030 : vector<16xi32>
    %broadcast_in_dim3A_1032 = vector.shape_cast %xor3A_1031 : vector<16xi32> to vector<16x1xi32>
    %gather3A_1033 = vector.shape_cast %broadcast_in_dim3A_1032 : vector<16x1xi32> to vector<16xi32>
    %gather3A_1034 = tpu.dynamic_gather %add3A_1028[%gather3A_1033] in [0] : vector<16xf32>, vector<16xi32> -> vector<16xf32>
    %add3A_1035 = arith.addf %add3A_1028, %gather3A_1034 : vector<16xf32>
    %xor3A_1036 = arith.constant 1 : i32
    %xor3A_1037 = vector.broadcast %xor3A_1036 : i32 to vector<16xi32>
    %xor3A_1038 = arith.xori %iota3A, %xor3A_1037 : vector<16xi32>
    %broadcast_in_dim3A_1039 = vector.shape_cast %xor3A_1038 : vector<16xi32> to vector<16x1xi32>
    %gather3A_1040 = vector.shape_cast %broadcast_in_dim3A_1039 : vector<16x1xi32> to vector<16xi32>
    %gather3A_1041 = tpu.dynamic_gather %add3A_1035[%gather3A_1040] in [0] : vector<16xf32>, vector<16xi32> -> vector<16xf32>
    %add3A_1042 = arith.addf %add3A_1035, %gather3A_1041 : vector<16xf32>
    %mul3A_1043 = arith.mulf %max3A_184, %max3A_1014 : vector<16xf32>
    %div3A_1044 = arith.divf %add3A_1042, %mul3A_1043 : vector<16xf32>
    %eq3A_1045 = arith.constant 6 : i32
    %eq3A_1046 = vector.broadcast %eq3A_1045 : i32 to vector<16xi32>
    %eq3A_1047 = arith.cmpi eq, %iota3A, %eq3A_1046 : vector<16xi32>
    %select_n3A_1048 = arith.select %eq3A_1047, %div3A_1044, %select_n3A_925 : vector<16xi1>, vector<16xf32>
    %broadcast_in_dim3A_1049 = arith.constant 0.000000e+00 : f32
    %broadcast_in_dim3A_1050 = vector.broadcast %broadcast_in_dim3A_1049 : f32 to vector<16xf32>
    %broadcast_in_dim3A_1051 = arith.constant 0.000000e+00 : f32
    %broadcast_in_dim3A_1052 = vector.broadcast %broadcast_in_dim3A_1051 : f32 to vector<16xf32>
    %scan3A_1053 = arith.constant 0 : i32
    %scan3A_1054 = arith.constant 16 : i32
    %scan3A_1055 = arith.addi %scan3A_1053, %scan3A_1054 : i32
    %scan3A_1056 = arith.constant 1 : i32
    %scan3A_1057:2 = scf.for %scan3A_4131 = %scan3A_1053 to %scan3A_1055 step %scan3A_1056 iter_args(%scan3A_4132 = %broadcast_in_dim3A_1050, %scan3A_4133 = %broadcast_in_dim3A_1052) -> (vector<16xf32>, vector<16xf32>)  : i32 {
      %mul3A_4134 = arith.constant 16 : i32
      %mul3A_4135 = arith.muli %scan3A_4131, %mul3A_4134 : i32
      %add3A_4136 = arith.constant 1792 : i32
      %add3A_4137 = arith.addi %add3A_4136, %mul3A_4135 : i32
      %get3A = arith.index_cast %add3A_4137 : i32 to index
      %get3A_4138 = tpu.vector_load %arg7[%get3A] {strides = array<i32>} : memref<8192xf32, #tpu.memory_space<vmem>>, vector<16xf32>,
      %get3A_4139 = vector.shape_cast %get3A_4138 : vector<16xf32> to vector<16xf32>
      %mul3A_4140 = arith.constant 16 : i32
      %mul3A_4141 = arith.muli %scan3A_4131, %mul3A_4140 : i32
      %get3A_4142 = arith.index_cast %mul3A_4141 : i32 to index
      %get3A_4143 = tpu.vector_load %arg9[%get3A_4142] {strides = array<i32>} : memref<256xf32, #tpu.memory_space<vmem>>, vector<16xf32>,
      %get3A_4144 = vector.shape_cast %get3A_4143 : vector<16xf32> to vector<16xf32>
      %mul3A_4145 = arith.mulf %get3A_4139, %get3A_4144 : vector<16xf32>
      %add3A_4146 = arith.addf %scan3A_4132, %mul3A_4145 : vector<16xf32>
      %mul3A_4147 = arith.mulf %get3A_4139, %get3A_4139 : vector<16xf32>
      %add3A_4148 = arith.addf %scan3A_4133, %mul3A_4147 : vector<16xf32>
      scf.yield %add3A_4146, %add3A_4148 : vector<16xf32>, vector<16xf32>
    }
    %scan3A_1058 = arith.constant 16 : i32
    %xor3A_1059 = arith.constant 8 : i32
    %xor3A_1060 = vector.broadcast %xor3A_1059 : i32 to vector<16xi32>
    %xor3A_1061 = arith.xori %iota3A, %xor3A_1060 : vector<16xi32>
    %broadcast_in_dim3A_1062 = vector.shape_cast %xor3A_1061 : vector<16xi32> to vector<16x1xi32>
    %gather3A_1063 = vector.shape_cast %broadcast_in_dim3A_1062 : vector<16x1xi32> to vector<16xi32>
    %gather3A_1064 = tpu.dynamic_gather %scan3A_1057#1[%gather3A_1063] in [0] : vector<16xf32>, vector<16xi32> -> vector<16xf32>
    %add3A_1065 = arith.addf %scan3A_1057#1, %gather3A_1064 : vector<16xf32>
    %xor3A_1066 = arith.constant 4 : i32
    %xor3A_1067 = vector.broadcast %xor3A_1066 : i32 to vector<16xi32>
    %xor3A_1068 = arith.xori %iota3A, %xor3A_1067 : vector<16xi32>
    %broadcast_in_dim3A_1069 = vector.shape_cast %xor3A_1068 : vector<16xi32> to vector<16x1xi32>
    %gather3A_1070 = vector.shape_cast %broadcast_in_dim3A_1069 : vector<16x1xi32> to vector<16xi32>
    %gather3A_1071 = tpu.dynamic_gather %add3A_1065[%gather3A_1070] in [0] : vector<16xf32>, vector<16xi32> -> vector<16xf32>
    %add3A_1072 = arith.addf %add3A_1065, %gather3A_1071 : vector<16xf32>
    %xor3A_1073 = arith.constant 2 : i32
    %xor3A_1074 = vector.broadcast %xor3A_1073 : i32 to vector<16xi32>
    %xor3A_1075 = arith.xori %iota3A, %xor3A_1074 : vector<16xi32>
    %broadcast_in_dim3A_1076 = vector.shape_cast %xor3A_1075 : vector<16xi32> to vector<16x1xi32>
    %gather3A_1077 = vector.shape_cast %broadcast_in_dim3A_1076 : vector<16x1xi32> to vector<16xi32>
    %gather3A_1078 = tpu.dynamic_gather %add3A_1072[%gather3A_1077] in [0] : vector<16xf32>, vector<16xi32> -> vector<16xf32>
    %add3A_1079 = arith.addf %add3A_1072, %gather3A_1078 : vector<16xf32>
    %xor3A_1080 = arith.constant 1 : i32
    %xor3A_1081 = vector.broadcast %xor3A_1080 : i32 to vector<16xi32>
    %xor3A_1082 = arith.xori %iota3A, %xor3A_1081 : vector<16xi32>
    %broadcast_in_dim3A_1083 = vector.shape_cast %xor3A_1082 : vector<16xi32> to vector<16x1xi32>
    %gather3A_1084 = vector.shape_cast %broadcast_in_dim3A_1083 : vector<16x1xi32> to vector<16xi32>
    %gather3A_1085 = tpu.dynamic_gather %add3A_1079[%gather3A_1084] in [0] : vector<16xf32>, vector<16xi32> -> vector<16xf32>
    %add3A_1086 = arith.addf %add3A_1079, %gather3A_1085 : vector<16xf32>
    %max3A_1087 = arith.constant 1.000000e-30 : f32
    %max3A_1088 = vector.broadcast %max3A_1087 : f32 to vector<16xf32>
    %max3A_1089 = arith.maximumf %add3A_1086, %max3A_1088 : vector<16xf32>
    %bitcast_convert_type3A_1090 = tpu.bitcast %max3A_1089 : vector<16xf32> -> vector<16xi32>
    %shift_right_arithmetic3A_1091 = arith.constant 1 : i32
    %shift_right_arithmetic3A_1092 = vector.broadcast %shift_right_arithmetic3A_1091 : i32 to vector<16xi32>
    %shift_right_arithmetic3A_1093 = arith.shrsi %bitcast_convert_type3A_1090, %shift_right_arithmetic3A_1092 : vector<16xi32>
    %sub3A_1094 = arith.constant 1597463007 : i32
    %sub3A_1095 = vector.broadcast %sub3A_1094 : i32 to vector<16xi32>
    %sub3A_1096 = arith.subi %sub3A_1095, %shift_right_arithmetic3A_1093 : vector<16xi32>
    %bitcast_convert_type3A_1097 = tpu.bitcast %sub3A_1096 : vector<16xi32> -> vector<16xf32>
    %mul3A_1098 = arith.constant 5.000000e-01 : f32
    %mul3A_1099 = vector.broadcast %mul3A_1098 : f32 to vector<16xf32>
    %mul3A_1100 = arith.mulf %mul3A_1099, %max3A_1089 : vector<16xf32>
    %mul3A_1101 = arith.mulf %mul3A_1100, %bitcast_convert_type3A_1097 : vector<16xf32>
    %mul3A_1102 = arith.mulf %mul3A_1101, %bitcast_convert_type3A_1097 : vector<16xf32>
    %sub3A_1103 = arith.constant 1.500000e+00 : f32
    %sub3A_1104 = vector.broadcast %sub3A_1103 : f32 to vector<16xf32>
    %sub3A_1105 = arith.subf %sub3A_1104, %mul3A_1102 : vector<16xf32>
    %mul3A_1106 = arith.mulf %bitcast_convert_type3A_1097, %sub3A_1105 : vector<16xf32>
    %mul3A_1107 = arith.constant 5.000000e-01 : f32
    %mul3A_1108 = vector.broadcast %mul3A_1107 : f32 to vector<16xf32>
    %mul3A_1109 = arith.mulf %mul3A_1108, %max3A_1089 : vector<16xf32>
    %mul3A_1110 = arith.mulf %mul3A_1109, %mul3A_1106 : vector<16xf32>
    %mul3A_1111 = arith.mulf %mul3A_1110, %mul3A_1106 : vector<16xf32>
    %sub3A_1112 = arith.constant 1.500000e+00 : f32
    %sub3A_1113 = vector.broadcast %sub3A_1112 : f32 to vector<16xf32>
    %sub3A_1114 = arith.subf %sub3A_1113, %mul3A_1111 : vector<16xf32>
    %mul3A_1115 = arith.mulf %mul3A_1106, %sub3A_1114 : vector<16xf32>
    %mul3A_1116 = arith.constant 5.000000e-01 : f32
    %mul3A_1117 = vector.broadcast %mul3A_1116 : f32 to vector<16xf32>
    %mul3A_1118 = arith.mulf %mul3A_1117, %max3A_1089 : vector<16xf32>
    %mul3A_1119 = arith.mulf %mul3A_1118, %mul3A_1115 : vector<16xf32>
    %mul3A_1120 = arith.mulf %mul3A_1119, %mul3A_1115 : vector<16xf32>
    %sub3A_1121 = arith.constant 1.500000e+00 : f32
    %sub3A_1122 = vector.broadcast %sub3A_1121 : f32 to vector<16xf32>
    %sub3A_1123 = arith.subf %sub3A_1122, %mul3A_1120 : vector<16xf32>
    %mul3A_1124 = arith.mulf %mul3A_1115, %sub3A_1123 : vector<16xf32>
    %mul3A_1125 = arith.constant 5.000000e-01 : f32
    %mul3A_1126 = vector.broadcast %mul3A_1125 : f32 to vector<16xf32>
    %mul3A_1127 = arith.mulf %mul3A_1126, %max3A_1089 : vector<16xf32>
    %mul3A_1128 = arith.mulf %mul3A_1127, %mul3A_1124 : vector<16xf32>
    %mul3A_1129 = arith.mulf %mul3A_1128, %mul3A_1124 : vector<16xf32>
    %sub3A_1130 = arith.constant 1.500000e+00 : f32
    %sub3A_1131 = vector.broadcast %sub3A_1130 : f32 to vector<16xf32>
    %sub3A_1132 = arith.subf %sub3A_1131, %mul3A_1129 : vector<16xf32>
    %mul3A_1133 = arith.mulf %mul3A_1124, %sub3A_1132 : vector<16xf32>
    %mul3A_1134 = arith.mulf %add3A_1086, %mul3A_1133 : vector<16xf32>
    %max3A_1135 = arith.constant 9.99999996E-13 : f32
    %max3A_1136 = vector.broadcast %max3A_1135 : f32 to vector<16xf32>
    %max3A_1137 = arith.maximumf %mul3A_1134, %max3A_1136 : vector<16xf32>
    %xor3A_1138 = arith.constant 8 : i32
    %xor3A_1139 = vector.broadcast %xor3A_1138 : i32 to vector<16xi32>
    %xor3A_1140 = arith.xori %iota3A, %xor3A_1139 : vector<16xi32>
    %broadcast_in_dim3A_1141 = vector.shape_cast %xor3A_1140 : vector<16xi32> to vector<16x1xi32>
    %gather3A_1142 = vector.shape_cast %broadcast_in_dim3A_1141 : vector<16x1xi32> to vector<16xi32>
    %gather3A_1143 = tpu.dynamic_gather %scan3A_1057#0[%gather3A_1142] in [0] : vector<16xf32>, vector<16xi32> -> vector<16xf32>
    %add3A_1144 = arith.addf %scan3A_1057#0, %gather3A_1143 : vector<16xf32>
    %xor3A_1145 = arith.constant 4 : i32
    %xor3A_1146 = vector.broadcast %xor3A_1145 : i32 to vector<16xi32>
    %xor3A_1147 = arith.xori %iota3A, %xor3A_1146 : vector<16xi32>
    %broadcast_in_dim3A_1148 = vector.shape_cast %xor3A_1147 : vector<16xi32> to vector<16x1xi32>
    %gather3A_1149 = vector.shape_cast %broadcast_in_dim3A_1148 : vector<16x1xi32> to vector<16xi32>
    %gather3A_1150 = tpu.dynamic_gather %add3A_1144[%gather3A_1149] in [0] : vector<16xf32>, vector<16xi32> -> vector<16xf32>
    %add3A_1151 = arith.addf %add3A_1144, %gather3A_1150 : vector<16xf32>
    %xor3A_1152 = arith.constant 2 : i32
    %xor3A_1153 = vector.broadcast %xor3A_1152 : i32 to vector<16xi32>
    %xor3A_1154 = arith.xori %iota3A, %xor3A_1153 : vector<16xi32>
    %broadcast_in_dim3A_1155 = vector.shape_cast %xor3A_1154 : vector<16xi32> to vector<16x1xi32>
    %gather3A_1156 = vector.shape_cast %broadcast_in_dim3A_1155 : vector<16x1xi32> to vector<16xi32>
    %gather3A_1157 = tpu.dynamic_gather %add3A_1151[%gather3A_1156] in [0] : vector<16xf32>, vector<16xi32> -> vector<16xf32>
    %add3A_1158 = arith.addf %add3A_1151, %gather3A_1157 : vector<16xf32>
    %xor3A_1159 = arith.constant 1 : i32
    %xor3A_1160 = vector.broadcast %xor3A_1159 : i32 to vector<16xi32>
    %xor3A_1161 = arith.xori %iota3A, %xor3A_1160 : vector<16xi32>
    %broadcast_in_dim3A_1162 = vector.shape_cast %xor3A_1161 : vector<16xi32> to vector<16x1xi32>
    %gather3A_1163 = vector.shape_cast %broadcast_in_dim3A_1162 : vector<16x1xi32> to vector<16xi32>
    %gather3A_1164 = tpu.dynamic_gather %add3A_1158[%gather3A_1163] in [0] : vector<16xf32>, vector<16xi32> -> vector<16xf32>
    %add3A_1165 = arith.addf %add3A_1158, %gather3A_1164 : vector<16xf32>
    %mul3A_1166 = arith.mulf %max3A_184, %max3A_1137 : vector<16xf32>
    %div3A_1167 = arith.divf %add3A_1165, %mul3A_1166 : vector<16xf32>
    %eq3A_1168 = arith.constant 7 : i32
    %eq3A_1169 = vector.broadcast %eq3A_1168 : i32 to vector<16xi32>
    %eq3A_1170 = arith.cmpi eq, %iota3A, %eq3A_1169 : vector<16xi32>
    %select_n3A_1171 = arith.select %eq3A_1170, %div3A_1167, %select_n3A_1048 : vector<16xi1>, vector<16xf32>
    %broadcast_in_dim3A_1172 = arith.constant 0.000000e+00 : f32
    %broadcast_in_dim3A_1173 = vector.broadcast %broadcast_in_dim3A_1172 : f32 to vector<16xf32>
    %broadcast_in_dim3A_1174 = arith.constant 0.000000e+00 : f32
    %broadcast_in_dim3A_1175 = vector.broadcast %broadcast_in_dim3A_1174 : f32 to vector<16xf32>
    %scan3A_1176 = arith.constant 0 : i32
    %scan3A_1177 = arith.constant 16 : i32
    %scan3A_1178 = arith.addi %scan3A_1176, %scan3A_1177 : i32
    %scan3A_1179 = arith.constant 1 : i32
    %scan3A_1180:2 = scf.for %scan3A_4131 = %scan3A_1176 to %scan3A_1178 step %scan3A_1179 iter_args(%scan3A_4132 = %broadcast_in_dim3A_1173, %scan3A_4133 = %broadcast_in_dim3A_1175) -> (vector<16xf32>, vector<16xf32>)  : i32 {
      %mul3A_4134 = arith.constant 16 : i32
      %mul3A_4135 = arith.muli %scan3A_4131, %mul3A_4134 : i32
      %add3A_4136 = arith.constant 2048 : i32
      %add3A_4137 = arith.addi %add3A_4136, %mul3A_4135 : i32
      %get3A = arith.index_cast %add3A_4137 : i32 to index
      %get3A_4138 = tpu.vector_load %arg7[%get3A] {strides = array<i32>} : memref<8192xf32, #tpu.memory_space<vmem>>, vector<16xf32>,
      %get3A_4139 = vector.shape_cast %get3A_4138 : vector<16xf32> to vector<16xf32>
      %mul3A_4140 = arith.constant 16 : i32
      %mul3A_4141 = arith.muli %scan3A_4131, %mul3A_4140 : i32
      %get3A_4142 = arith.index_cast %mul3A_4141 : i32 to index
      %get3A_4143 = tpu.vector_load %arg9[%get3A_4142] {strides = array<i32>} : memref<256xf32, #tpu.memory_space<vmem>>, vector<16xf32>,
      %get3A_4144 = vector.shape_cast %get3A_4143 : vector<16xf32> to vector<16xf32>
      %mul3A_4145 = arith.mulf %get3A_4139, %get3A_4144 : vector<16xf32>
      %add3A_4146 = arith.addf %scan3A_4132, %mul3A_4145 : vector<16xf32>
      %mul3A_4147 = arith.mulf %get3A_4139, %get3A_4139 : vector<16xf32>
      %add3A_4148 = arith.addf %scan3A_4133, %mul3A_4147 : vector<16xf32>
      scf.yield %add3A_4146, %add3A_4148 : vector<16xf32>, vector<16xf32>
    }
    %scan3A_1181 = arith.constant 16 : i32
    %xor3A_1182 = arith.constant 8 : i32
    %xor3A_1183 = vector.broadcast %xor3A_1182 : i32 to vector<16xi32>
    %xor3A_1184 = arith.xori %iota3A, %xor3A_1183 : vector<16xi32>
    %broadcast_in_dim3A_1185 = vector.shape_cast %xor3A_1184 : vector<16xi32> to vector<16x1xi32>
    %gather3A_1186 = vector.shape_cast %broadcast_in_dim3A_1185 : vector<16x1xi32> to vector<16xi32>
    %gather3A_1187 = tpu.dynamic_gather %scan3A_1180#1[%gather3A_1186] in [0] : vector<16xf32>, vector<16xi32> -> vector<16xf32>
    %add3A_1188 = arith.addf %scan3A_1180#1, %gather3A_1187 : vector<16xf32>
    %xor3A_1189 = arith.constant 4 : i32
    %xor3A_1190 = vector.broadcast %xor3A_1189 : i32 to vector<16xi32>
    %xor3A_1191 = arith.xori %iota3A, %xor3A_1190 : vector<16xi32>
    %broadcast_in_dim3A_1192 = vector.shape_cast %xor3A_1191 : vector<16xi32> to vector<16x1xi32>
    %gather3A_1193 = vector.shape_cast %broadcast_in_dim3A_1192 : vector<16x1xi32> to vector<16xi32>
    %gather3A_1194 = tpu.dynamic_gather %add3A_1188[%gather3A_1193] in [0] : vector<16xf32>, vector<16xi32> -> vector<16xf32>
    %add3A_1195 = arith.addf %add3A_1188, %gather3A_1194 : vector<16xf32>
    %xor3A_1196 = arith.constant 2 : i32
    %xor3A_1197 = vector.broadcast %xor3A_1196 : i32 to vector<16xi32>
    %xor3A_1198 = arith.xori %iota3A, %xor3A_1197 : vector<16xi32>
    %broadcast_in_dim3A_1199 = vector.shape_cast %xor3A_1198 : vector<16xi32> to vector<16x1xi32>
    %gather3A_1200 = vector.shape_cast %broadcast_in_dim3A_1199 : vector<16x1xi32> to vector<16xi32>
    %gather3A_1201 = tpu.dynamic_gather %add3A_1195[%gather3A_1200] in [0] : vector<16xf32>, vector<16xi32> -> vector<16xf32>
    %add3A_1202 = arith.addf %add3A_1195, %gather3A_1201 : vector<16xf32>
    %xor3A_1203 = arith.constant 1 : i32
    %xor3A_1204 = vector.broadcast %xor3A_1203 : i32 to vector<16xi32>
    %xor3A_1205 = arith.xori %iota3A, %xor3A_1204 : vector<16xi32>
    %broadcast_in_dim3A_1206 = vector.shape_cast %xor3A_1205 : vector<16xi32> to vector<16x1xi32>
    %gather3A_1207 = vector.shape_cast %broadcast_in_dim3A_1206 : vector<16x1xi32> to vector<16xi32>
    %gather3A_1208 = tpu.dynamic_gather %add3A_1202[%gather3A_1207] in [0] : vector<16xf32>, vector<16xi32> -> vector<16xf32>
    %add3A_1209 = arith.addf %add3A_1202, %gather3A_1208 : vector<16xf32>
    %max3A_1210 = arith.constant 1.000000e-30 : f32
    %max3A_1211 = vector.broadcast %max3A_1210 : f32 to vector<16xf32>
    %max3A_1212 = arith.maximumf %add3A_1209, %max3A_1211 : vector<16xf32>
    %bitcast_convert_type3A_1213 = tpu.bitcast %max3A_1212 : vector<16xf32> -> vector<16xi32>
    %shift_right_arithmetic3A_1214 = arith.constant 1 : i32
    %shift_right_arithmetic3A_1215 = vector.broadcast %shift_right_arithmetic3A_1214 : i32 to vector<16xi32>
    %shift_right_arithmetic3A_1216 = arith.shrsi %bitcast_convert_type3A_1213, %shift_right_arithmetic3A_1215 : vector<16xi32>
    %sub3A_1217 = arith.constant 1597463007 : i32
    %sub3A_1218 = vector.broadcast %sub3A_1217 : i32 to vector<16xi32>
    %sub3A_1219 = arith.subi %sub3A_1218, %shift_right_arithmetic3A_1216 : vector<16xi32>
    %bitcast_convert_type3A_1220 = tpu.bitcast %sub3A_1219 : vector<16xi32> -> vector<16xf32>
    %mul3A_1221 = arith.constant 5.000000e-01 : f32
    %mul3A_1222 = vector.broadcast %mul3A_1221 : f32 to vector<16xf32>
    %mul3A_1223 = arith.mulf %mul3A_1222, %max3A_1212 : vector<16xf32>
    %mul3A_1224 = arith.mulf %mul3A_1223, %bitcast_convert_type3A_1220 : vector<16xf32>
    %mul3A_1225 = arith.mulf %mul3A_1224, %bitcast_convert_type3A_1220 : vector<16xf32>
    %sub3A_1226 = arith.constant 1.500000e+00 : f32
    %sub3A_1227 = vector.broadcast %sub3A_1226 : f32 to vector<16xf32>
    %sub3A_1228 = arith.subf %sub3A_1227, %mul3A_1225 : vector<16xf32>
    %mul3A_1229 = arith.mulf %bitcast_convert_type3A_1220, %sub3A_1228 : vector<16xf32>
    %mul3A_1230 = arith.constant 5.000000e-01 : f32
    %mul3A_1231 = vector.broadcast %mul3A_1230 : f32 to vector<16xf32>
    %mul3A_1232 = arith.mulf %mul3A_1231, %max3A_1212 : vector<16xf32>
    %mul3A_1233 = arith.mulf %mul3A_1232, %mul3A_1229 : vector<16xf32>
    %mul3A_1234 = arith.mulf %mul3A_1233, %mul3A_1229 : vector<16xf32>
    %sub3A_1235 = arith.constant 1.500000e+00 : f32
    %sub3A_1236 = vector.broadcast %sub3A_1235 : f32 to vector<16xf32>
    %sub3A_1237 = arith.subf %sub3A_1236, %mul3A_1234 : vector<16xf32>
    %mul3A_1238 = arith.mulf %mul3A_1229, %sub3A_1237 : vector<16xf32>
    %mul3A_1239 = arith.constant 5.000000e-01 : f32
    %mul3A_1240 = vector.broadcast %mul3A_1239 : f32 to vector<16xf32>
    %mul3A_1241 = arith.mulf %mul3A_1240, %max3A_1212 : vector<16xf32>
    %mul3A_1242 = arith.mulf %mul3A_1241, %mul3A_1238 : vector<16xf32>
    %mul3A_1243 = arith.mulf %mul3A_1242, %mul3A_1238 : vector<16xf32>
    %sub3A_1244 = arith.constant 1.500000e+00 : f32
    %sub3A_1245 = vector.broadcast %sub3A_1244 : f32 to vector<16xf32>
    %sub3A_1246 = arith.subf %sub3A_1245, %mul3A_1243 : vector<16xf32>
    %mul3A_1247 = arith.mulf %mul3A_1238, %sub3A_1246 : vector<16xf32>
    %mul3A_1248 = arith.constant 5.000000e-01 : f32
    %mul3A_1249 = vector.broadcast %mul3A_1248 : f32 to vector<16xf32>
    %mul3A_1250 = arith.mulf %mul3A_1249, %max3A_1212 : vector<16xf32>
    %mul3A_1251 = arith.mulf %mul3A_1250, %mul3A_1247 : vector<16xf32>
    %mul3A_1252 = arith.mulf %mul3A_1251, %mul3A_1247 : vector<16xf32>
    %sub3A_1253 = arith.constant 1.500000e+00 : f32
    %sub3A_1254 = vector.broadcast %sub3A_1253 : f32 to vector<16xf32>
    %sub3A_1255 = arith.subf %sub3A_1254, %mul3A_1252 : vector<16xf32>
    %mul3A_1256 = arith.mulf %mul3A_1247, %sub3A_1255 : vector<16xf32>
    %mul3A_1257 = arith.mulf %add3A_1209, %mul3A_1256 : vector<16xf32>
    %max3A_1258 = arith.constant 9.99999996E-13 : f32
    %max3A_1259 = vector.broadcast %max3A_1258 : f32 to vector<16xf32>
    %max3A_1260 = arith.maximumf %mul3A_1257, %max3A_1259 : vector<16xf32>
    %xor3A_1261 = arith.constant 8 : i32
    %xor3A_1262 = vector.broadcast %xor3A_1261 : i32 to vector<16xi32>
    %xor3A_1263 = arith.xori %iota3A, %xor3A_1262 : vector<16xi32>
    %broadcast_in_dim3A_1264 = vector.shape_cast %xor3A_1263 : vector<16xi32> to vector<16x1xi32>
    %gather3A_1265 = vector.shape_cast %broadcast_in_dim3A_1264 : vector<16x1xi32> to vector<16xi32>
    %gather3A_1266 = tpu.dynamic_gather %scan3A_1180#0[%gather3A_1265] in [0] : vector<16xf32>, vector<16xi32> -> vector<16xf32>
    %add3A_1267 = arith.addf %scan3A_1180#0, %gather3A_1266 : vector<16xf32>
    %xor3A_1268 = arith.constant 4 : i32
    %xor3A_1269 = vector.broadcast %xor3A_1268 : i32 to vector<16xi32>
    %xor3A_1270 = arith.xori %iota3A, %xor3A_1269 : vector<16xi32>
    %broadcast_in_dim3A_1271 = vector.shape_cast %xor3A_1270 : vector<16xi32> to vector<16x1xi32>
    %gather3A_1272 = vector.shape_cast %broadcast_in_dim3A_1271 : vector<16x1xi32> to vector<16xi32>
    %gather3A_1273 = tpu.dynamic_gather %add3A_1267[%gather3A_1272] in [0] : vector<16xf32>, vector<16xi32> -> vector<16xf32>
    %add3A_1274 = arith.addf %add3A_1267, %gather3A_1273 : vector<16xf32>
    %xor3A_1275 = arith.constant 2 : i32
    %xor3A_1276 = vector.broadcast %xor3A_1275 : i32 to vector<16xi32>
    %xor3A_1277 = arith.xori %iota3A, %xor3A_1276 : vector<16xi32>
    %broadcast_in_dim3A_1278 = vector.shape_cast %xor3A_1277 : vector<16xi32> to vector<16x1xi32>
    %gather3A_1279 = vector.shape_cast %broadcast_in_dim3A_1278 : vector<16x1xi32> to vector<16xi32>
    %gather3A_1280 = tpu.dynamic_gather %add3A_1274[%gather3A_1279] in [0] : vector<16xf32>, vector<16xi32> -> vector<16xf32>
    %add3A_1281 = arith.addf %add3A_1274, %gather3A_1280 : vector<16xf32>
    %xor3A_1282 = arith.constant 1 : i32
    %xor3A_1283 = vector.broadcast %xor3A_1282 : i32 to vector<16xi32>
    %xor3A_1284 = arith.xori %iota3A, %xor3A_1283 : vector<16xi32>
    %broadcast_in_dim3A_1285 = vector.shape_cast %xor3A_1284 : vector<16xi32> to vector<16x1xi32>
    %gather3A_1286 = vector.shape_cast %broadcast_in_dim3A_1285 : vector<16x1xi32> to vector<16xi32>
    %gather3A_1287 = tpu.dynamic_gather %add3A_1281[%gather3A_1286] in [0] : vector<16xf32>, vector<16xi32> -> vector<16xf32>
    %add3A_1288 = arith.addf %add3A_1281, %gather3A_1287 : vector<16xf32>
    %mul3A_1289 = arith.mulf %max3A_184, %max3A_1260 : vector<16xf32>
    %div3A_1290 = arith.divf %add3A_1288, %mul3A_1289 : vector<16xf32>
    %eq3A_1291 = arith.constant 8 : i32
    %eq3A_1292 = vector.broadcast %eq3A_1291 : i32 to vector<16xi32>
    %eq3A_1293 = arith.cmpi eq, %iota3A, %eq3A_1292 : vector<16xi32>
    %select_n3A_1294 = arith.select %eq3A_1293, %div3A_1290, %select_n3A_1171 : vector<16xi1>, vector<16xf32>
    %broadcast_in_dim3A_1295 = arith.constant 0.000000e+00 : f32
    %broadcast_in_dim3A_1296 = vector.broadcast %broadcast_in_dim3A_1295 : f32 to vector<16xf32>
    %broadcast_in_dim3A_1297 = arith.constant 0.000000e+00 : f32
    %broadcast_in_dim3A_1298 = vector.broadcast %broadcast_in_dim3A_1297 : f32 to vector<16xf32>
    %scan3A_1299 = arith.constant 0 : i32
    %scan3A_1300 = arith.constant 16 : i32
    %scan3A_1301 = arith.addi %scan3A_1299, %scan3A_1300 : i32
    %scan3A_1302 = arith.constant 1 : i32
    %scan3A_1303:2 = scf.for %scan3A_4131 = %scan3A_1299 to %scan3A_1301 step %scan3A_1302 iter_args(%scan3A_4132 = %broadcast_in_dim3A_1296, %scan3A_4133 = %broadcast_in_dim3A_1298) -> (vector<16xf32>, vector<16xf32>)  : i32 {
      %mul3A_4134 = arith.constant 16 : i32
      %mul3A_4135 = arith.muli %scan3A_4131, %mul3A_4134 : i32
      %add3A_4136 = arith.constant 2304 : i32
      %add3A_4137 = arith.addi %add3A_4136, %mul3A_4135 : i32
      %get3A = arith.index_cast %add3A_4137 : i32 to index
      %get3A_4138 = tpu.vector_load %arg7[%get3A] {strides = array<i32>} : memref<8192xf32, #tpu.memory_space<vmem>>, vector<16xf32>,
      %get3A_4139 = vector.shape_cast %get3A_4138 : vector<16xf32> to vector<16xf32>
      %mul3A_4140 = arith.constant 16 : i32
      %mul3A_4141 = arith.muli %scan3A_4131, %mul3A_4140 : i32
      %get3A_4142 = arith.index_cast %mul3A_4141 : i32 to index
      %get3A_4143 = tpu.vector_load %arg9[%get3A_4142] {strides = array<i32>} : memref<256xf32, #tpu.memory_space<vmem>>, vector<16xf32>,
      %get3A_4144 = vector.shape_cast %get3A_4143 : vector<16xf32> to vector<16xf32>
      %mul3A_4145 = arith.mulf %get3A_4139, %get3A_4144 : vector<16xf32>
      %add3A_4146 = arith.addf %scan3A_4132, %mul3A_4145 : vector<16xf32>
      %mul3A_4147 = arith.mulf %get3A_4139, %get3A_4139 : vector<16xf32>
      %add3A_4148 = arith.addf %scan3A_4133, %mul3A_4147 : vector<16xf32>
      scf.yield %add3A_4146, %add3A_4148 : vector<16xf32>, vector<16xf32>
    }
    %scan3A_1304 = arith.constant 16 : i32
    %xor3A_1305 = arith.constant 8 : i32
    %xor3A_1306 = vector.broadcast %xor3A_1305 : i32 to vector<16xi32>
    %xor3A_1307 = arith.xori %iota3A, %xor3A_1306 : vector<16xi32>
    %broadcast_in_dim3A_1308 = vector.shape_cast %xor3A_1307 : vector<16xi32> to vector<16x1xi32>
    %gather3A_1309 = vector.shape_cast %broadcast_in_dim3A_1308 : vector<16x1xi32> to vector<16xi32>
    %gather3A_1310 = tpu.dynamic_gather %scan3A_1303#1[%gather3A_1309] in [0] : vector<16xf32>, vector<16xi32> -> vector<16xf32>
    %add3A_1311 = arith.addf %scan3A_1303#1, %gather3A_1310 : vector<16xf32>
    %xor3A_1312 = arith.constant 4 : i32
    %xor3A_1313 = vector.broadcast %xor3A_1312 : i32 to vector<16xi32>
    %xor3A_1314 = arith.xori %iota3A, %xor3A_1313 : vector<16xi32>
    %broadcast_in_dim3A_1315 = vector.shape_cast %xor3A_1314 : vector<16xi32> to vector<16x1xi32>
    %gather3A_1316 = vector.shape_cast %broadcast_in_dim3A_1315 : vector<16x1xi32> to vector<16xi32>
    %gather3A_1317 = tpu.dynamic_gather %add3A_1311[%gather3A_1316] in [0] : vector<16xf32>, vector<16xi32> -> vector<16xf32>
    %add3A_1318 = arith.addf %add3A_1311, %gather3A_1317 : vector<16xf32>
    %xor3A_1319 = arith.constant 2 : i32
    %xor3A_1320 = vector.broadcast %xor3A_1319 : i32 to vector<16xi32>
    %xor3A_1321 = arith.xori %iota3A, %xor3A_1320 : vector<16xi32>
    %broadcast_in_dim3A_1322 = vector.shape_cast %xor3A_1321 : vector<16xi32> to vector<16x1xi32>
    %gather3A_1323 = vector.shape_cast %broadcast_in_dim3A_1322 : vector<16x1xi32> to vector<16xi32>
    %gather3A_1324 = tpu.dynamic_gather %add3A_1318[%gather3A_1323] in [0] : vector<16xf32>, vector<16xi32> -> vector<16xf32>
    %add3A_1325 = arith.addf %add3A_1318, %gather3A_1324 : vector<16xf32>
    %xor3A_1326 = arith.constant 1 : i32
    %xor3A_1327 = vector.broadcast %xor3A_1326 : i32 to vector<16xi32>
    %xor3A_1328 = arith.xori %iota3A, %xor3A_1327 : vector<16xi32>
    %broadcast_in_dim3A_1329 = vector.shape_cast %xor3A_1328 : vector<16xi32> to vector<16x1xi32>
    %gather3A_1330 = vector.shape_cast %broadcast_in_dim3A_1329 : vector<16x1xi32> to vector<16xi32>
    %gather3A_1331 = tpu.dynamic_gather %add3A_1325[%gather3A_1330] in [0] : vector<16xf32>, vector<16xi32> -> vector<16xf32>
    %add3A_1332 = arith.addf %add3A_1325, %gather3A_1331 : vector<16xf32>
    %max3A_1333 = arith.constant 1.000000e-30 : f32
    %max3A_1334 = vector.broadcast %max3A_1333 : f32 to vector<16xf32>
    %max3A_1335 = arith.maximumf %add3A_1332, %max3A_1334 : vector<16xf32>
    %bitcast_convert_type3A_1336 = tpu.bitcast %max3A_1335 : vector<16xf32> -> vector<16xi32>
    %shift_right_arithmetic3A_1337 = arith.constant 1 : i32
    %shift_right_arithmetic3A_1338 = vector.broadcast %shift_right_arithmetic3A_1337 : i32 to vector<16xi32>
    %shift_right_arithmetic3A_1339 = arith.shrsi %bitcast_convert_type3A_1336, %shift_right_arithmetic3A_1338 : vector<16xi32>
    %sub3A_1340 = arith.constant 1597463007 : i32
    %sub3A_1341 = vector.broadcast %sub3A_1340 : i32 to vector<16xi32>
    %sub3A_1342 = arith.subi %sub3A_1341, %shift_right_arithmetic3A_1339 : vector<16xi32>
    %bitcast_convert_type3A_1343 = tpu.bitcast %sub3A_1342 : vector<16xi32> -> vector<16xf32>
    %mul3A_1344 = arith.constant 5.000000e-01 : f32
    %mul3A_1345 = vector.broadcast %mul3A_1344 : f32 to vector<16xf32>
    %mul3A_1346 = arith.mulf %mul3A_1345, %max3A_1335 : vector<16xf32>
    %mul3A_1347 = arith.mulf %mul3A_1346, %bitcast_convert_type3A_1343 : vector<16xf32>
    %mul3A_1348 = arith.mulf %mul3A_1347, %bitcast_convert_type3A_1343 : vector<16xf32>
    %sub3A_1349 = arith.constant 1.500000e+00 : f32
    %sub3A_1350 = vector.broadcast %sub3A_1349 : f32 to vector<16xf32>
    %sub3A_1351 = arith.subf %sub3A_1350, %mul3A_1348 : vector<16xf32>
    %mul3A_1352 = arith.mulf %bitcast_convert_type3A_1343, %sub3A_1351 : vector<16xf32>
    %mul3A_1353 = arith.constant 5.000000e-01 : f32
    %mul3A_1354 = vector.broadcast %mul3A_1353 : f32 to vector<16xf32>
    %mul3A_1355 = arith.mulf %mul3A_1354, %max3A_1335 : vector<16xf32>
    %mul3A_1356 = arith.mulf %mul3A_1355, %mul3A_1352 : vector<16xf32>
    %mul3A_1357 = arith.mulf %mul3A_1356, %mul3A_1352 : vector<16xf32>
    %sub3A_1358 = arith.constant 1.500000e+00 : f32
    %sub3A_1359 = vector.broadcast %sub3A_1358 : f32 to vector<16xf32>
    %sub3A_1360 = arith.subf %sub3A_1359, %mul3A_1357 : vector<16xf32>
    %mul3A_1361 = arith.mulf %mul3A_1352, %sub3A_1360 : vector<16xf32>
    %mul3A_1362 = arith.constant 5.000000e-01 : f32
    %mul3A_1363 = vector.broadcast %mul3A_1362 : f32 to vector<16xf32>
    %mul3A_1364 = arith.mulf %mul3A_1363, %max3A_1335 : vector<16xf32>
    %mul3A_1365 = arith.mulf %mul3A_1364, %mul3A_1361 : vector<16xf32>
    %mul3A_1366 = arith.mulf %mul3A_1365, %mul3A_1361 : vector<16xf32>
    %sub3A_1367 = arith.constant 1.500000e+00 : f32
    %sub3A_1368 = vector.broadcast %sub3A_1367 : f32 to vector<16xf32>
    %sub3A_1369 = arith.subf %sub3A_1368, %mul3A_1366 : vector<16xf32>
    %mul3A_1370 = arith.mulf %mul3A_1361, %sub3A_1369 : vector<16xf32>
    %mul3A_1371 = arith.constant 5.000000e-01 : f32
    %mul3A_1372 = vector.broadcast %mul3A_1371 : f32 to vector<16xf32>
    %mul3A_1373 = arith.mulf %mul3A_1372, %max3A_1335 : vector<16xf32>
    %mul3A_1374 = arith.mulf %mul3A_1373, %mul3A_1370 : vector<16xf32>
    %mul3A_1375 = arith.mulf %mul3A_1374, %mul3A_1370 : vector<16xf32>
    %sub3A_1376 = arith.constant 1.500000e+00 : f32
    %sub3A_1377 = vector.broadcast %sub3A_1376 : f32 to vector<16xf32>
    %sub3A_1378 = arith.subf %sub3A_1377, %mul3A_1375 : vector<16xf32>
    %mul3A_1379 = arith.mulf %mul3A_1370, %sub3A_1378 : vector<16xf32>
    %mul3A_1380 = arith.mulf %add3A_1332, %mul3A_1379 : vector<16xf32>
    %max3A_1381 = arith.constant 9.99999996E-13 : f32
    %max3A_1382 = vector.broadcast %max3A_1381 : f32 to vector<16xf32>
    %max3A_1383 = arith.maximumf %mul3A_1380, %max3A_1382 : vector<16xf32>
    %xor3A_1384 = arith.constant 8 : i32
    %xor3A_1385 = vector.broadcast %xor3A_1384 : i32 to vector<16xi32>
    %xor3A_1386 = arith.xori %iota3A, %xor3A_1385 : vector<16xi32>
    %broadcast_in_dim3A_1387 = vector.shape_cast %xor3A_1386 : vector<16xi32> to vector<16x1xi32>
    %gather3A_1388 = vector.shape_cast %broadcast_in_dim3A_1387 : vector<16x1xi32> to vector<16xi32>
    %gather3A_1389 = tpu.dynamic_gather %scan3A_1303#0[%gather3A_1388] in [0] : vector<16xf32>, vector<16xi32> -> vector<16xf32>
    %add3A_1390 = arith.addf %scan3A_1303#0, %gather3A_1389 : vector<16xf32>
    %xor3A_1391 = arith.constant 4 : i32
    %xor3A_1392 = vector.broadcast %xor3A_1391 : i32 to vector<16xi32>
    %xor3A_1393 = arith.xori %iota3A, %xor3A_1392 : vector<16xi32>
    %broadcast_in_dim3A_1394 = vector.shape_cast %xor3A_1393 : vector<16xi32> to vector<16x1xi32>
    %gather3A_1395 = vector.shape_cast %broadcast_in_dim3A_1394 : vector<16x1xi32> to vector<16xi32>
    %gather3A_1396 = tpu.dynamic_gather %add3A_1390[%gather3A_1395] in [0] : vector<16xf32>, vector<16xi32> -> vector<16xf32>
    %add3A_1397 = arith.addf %add3A_1390, %gather3A_1396 : vector<16xf32>
    %xor3A_1398 = arith.constant 2 : i32
    %xor3A_1399 = vector.broadcast %xor3A_1398 : i32 to vector<16xi32>
    %xor3A_1400 = arith.xori %iota3A, %xor3A_1399 : vector<16xi32>
    %broadcast_in_dim3A_1401 = vector.shape_cast %xor3A_1400 : vector<16xi32> to vector<16x1xi32>
    %gather3A_1402 = vector.shape_cast %broadcast_in_dim3A_1401 : vector<16x1xi32> to vector<16xi32>
    %gather3A_1403 = tpu.dynamic_gather %add3A_1397[%gather3A_1402] in [0] : vector<16xf32>, vector<16xi32> -> vector<16xf32>
    %add3A_1404 = arith.addf %add3A_1397, %gather3A_1403 : vector<16xf32>
    %xor3A_1405 = arith.constant 1 : i32
    %xor3A_1406 = vector.broadcast %xor3A_1405 : i32 to vector<16xi32>
    %xor3A_1407 = arith.xori %iota3A, %xor3A_1406 : vector<16xi32>
    %broadcast_in_dim3A_1408 = vector.shape_cast %xor3A_1407 : vector<16xi32> to vector<16x1xi32>
    %gather3A_1409 = vector.shape_cast %broadcast_in_dim3A_1408 : vector<16x1xi32> to vector<16xi32>
    %gather3A_1410 = tpu.dynamic_gather %add3A_1404[%gather3A_1409] in [0] : vector<16xf32>, vector<16xi32> -> vector<16xf32>
    %add3A_1411 = arith.addf %add3A_1404, %gather3A_1410 : vector<16xf32>
    %mul3A_1412 = arith.mulf %max3A_184, %max3A_1383 : vector<16xf32>
    %div3A_1413 = arith.divf %add3A_1411, %mul3A_1412 : vector<16xf32>
    %eq3A_1414 = arith.constant 9 : i32
    %eq3A_1415 = vector.broadcast %eq3A_1414 : i32 to vector<16xi32>
    %eq3A_1416 = arith.cmpi eq, %iota3A, %eq3A_1415 : vector<16xi32>
    %select_n3A_1417 = arith.select %eq3A_1416, %div3A_1413, %select_n3A_1294 : vector<16xi1>, vector<16xf32>
    %broadcast_in_dim3A_1418 = arith.constant 0.000000e+00 : f32
    %broadcast_in_dim3A_1419 = vector.broadcast %broadcast_in_dim3A_1418 : f32 to vector<16xf32>
    %broadcast_in_dim3A_1420 = arith.constant 0.000000e+00 : f32
    %broadcast_in_dim3A_1421 = vector.broadcast %broadcast_in_dim3A_1420 : f32 to vector<16xf32>
    %scan3A_1422 = arith.constant 0 : i32
    %scan3A_1423 = arith.constant 16 : i32
    %scan3A_1424 = arith.addi %scan3A_1422, %scan3A_1423 : i32
    %scan3A_1425 = arith.constant 1 : i32
    %scan3A_1426:2 = scf.for %scan3A_4131 = %scan3A_1422 to %scan3A_1424 step %scan3A_1425 iter_args(%scan3A_4132 = %broadcast_in_dim3A_1419, %scan3A_4133 = %broadcast_in_dim3A_1421) -> (vector<16xf32>, vector<16xf32>)  : i32 {
      %mul3A_4134 = arith.constant 16 : i32
      %mul3A_4135 = arith.muli %scan3A_4131, %mul3A_4134 : i32
      %add3A_4136 = arith.constant 2560 : i32
      %add3A_4137 = arith.addi %add3A_4136, %mul3A_4135 : i32
      %get3A = arith.index_cast %add3A_4137 : i32 to index
      %get3A_4138 = tpu.vector_load %arg7[%get3A] {strides = array<i32>} : memref<8192xf32, #tpu.memory_space<vmem>>, vector<16xf32>,
      %get3A_4139 = vector.shape_cast %get3A_4138 : vector<16xf32> to vector<16xf32>
      %mul3A_4140 = arith.constant 16 : i32
      %mul3A_4141 = arith.muli %scan3A_4131, %mul3A_4140 : i32
      %get3A_4142 = arith.index_cast %mul3A_4141 : i32 to index
      %get3A_4143 = tpu.vector_load %arg9[%get3A_4142] {strides = array<i32>} : memref<256xf32, #tpu.memory_space<vmem>>, vector<16xf32>,
      %get3A_4144 = vector.shape_cast %get3A_4143 : vector<16xf32> to vector<16xf32>
      %mul3A_4145 = arith.mulf %get3A_4139, %get3A_4144 : vector<16xf32>
      %add3A_4146 = arith.addf %scan3A_4132, %mul3A_4145 : vector<16xf32>
      %mul3A_4147 = arith.mulf %get3A_4139, %get3A_4139 : vector<16xf32>
      %add3A_4148 = arith.addf %scan3A_4133, %mul3A_4147 : vector<16xf32>
      scf.yield %add3A_4146, %add3A_4148 : vector<16xf32>, vector<16xf32>
    }
    %scan3A_1427 = arith.constant 16 : i32
    %xor3A_1428 = arith.constant 8 : i32
    %xor3A_1429 = vector.broadcast %xor3A_1428 : i32 to vector<16xi32>
    %xor3A_1430 = arith.xori %iota3A, %xor3A_1429 : vector<16xi32>
    %broadcast_in_dim3A_1431 = vector.shape_cast %xor3A_1430 : vector<16xi32> to vector<16x1xi32>
    %gather3A_1432 = vector.shape_cast %broadcast_in_dim3A_1431 : vector<16x1xi32> to vector<16xi32>
    %gather3A_1433 = tpu.dynamic_gather %scan3A_1426#1[%gather3A_1432] in [0] : vector<16xf32>, vector<16xi32> -> vector<16xf32>
    %add3A_1434 = arith.addf %scan3A_1426#1, %gather3A_1433 : vector<16xf32>
    %xor3A_1435 = arith.constant 4 : i32
    %xor3A_1436 = vector.broadcast %xor3A_1435 : i32 to vector<16xi32>
    %xor3A_1437 = arith.xori %iota3A, %xor3A_1436 : vector<16xi32>
    %broadcast_in_dim3A_1438 = vector.shape_cast %xor3A_1437 : vector<16xi32> to vector<16x1xi32>
    %gather3A_1439 = vector.shape_cast %broadcast_in_dim3A_1438 : vector<16x1xi32> to vector<16xi32>
    %gather3A_1440 = tpu.dynamic_gather %add3A_1434[%gather3A_1439] in [0] : vector<16xf32>, vector<16xi32> -> vector<16xf32>
    %add3A_1441 = arith.addf %add3A_1434, %gather3A_1440 : vector<16xf32>
    %xor3A_1442 = arith.constant 2 : i32
    %xor3A_1443 = vector.broadcast %xor3A_1442 : i32 to vector<16xi32>
    %xor3A_1444 = arith.xori %iota3A, %xor3A_1443 : vector<16xi32>
    %broadcast_in_dim3A_1445 = vector.shape_cast %xor3A_1444 : vector<16xi32> to vector<16x1xi32>
    %gather3A_1446 = vector.shape_cast %broadcast_in_dim3A_1445 : vector<16x1xi32> to vector<16xi32>
    %gather3A_1447 = tpu.dynamic_gather %add3A_1441[%gather3A_1446] in [0] : vector<16xf32>, vector<16xi32> -> vector<16xf32>
    %add3A_1448 = arith.addf %add3A_1441, %gather3A_1447 : vector<16xf32>
    %xor3A_1449 = arith.constant 1 : i32
    %xor3A_1450 = vector.broadcast %xor3A_1449 : i32 to vector<16xi32>
    %xor3A_1451 = arith.xori %iota3A, %xor3A_1450 : vector<16xi32>
    %broadcast_in_dim3A_1452 = vector.shape_cast %xor3A_1451 : vector<16xi32> to vector<16x1xi32>
    %gather3A_1453 = vector.shape_cast %broadcast_in_dim3A_1452 : vector<16x1xi32> to vector<16xi32>
    %gather3A_1454 = tpu.dynamic_gather %add3A_1448[%gather3A_1453] in [0] : vector<16xf32>, vector<16xi32> -> vector<16xf32>
    %add3A_1455 = arith.addf %add3A_1448, %gather3A_1454 : vector<16xf32>
    %max3A_1456 = arith.constant 1.000000e-30 : f32
    %max3A_1457 = vector.broadcast %max3A_1456 : f32 to vector<16xf32>
    %max3A_1458 = arith.maximumf %add3A_1455, %max3A_1457 : vector<16xf32>
    %bitcast_convert_type3A_1459 = tpu.bitcast %max3A_1458 : vector<16xf32> -> vector<16xi32>
    %shift_right_arithmetic3A_1460 = arith.constant 1 : i32
    %shift_right_arithmetic3A_1461 = vector.broadcast %shift_right_arithmetic3A_1460 : i32 to vector<16xi32>
    %shift_right_arithmetic3A_1462 = arith.shrsi %bitcast_convert_type3A_1459, %shift_right_arithmetic3A_1461 : vector<16xi32>
    %sub3A_1463 = arith.constant 1597463007 : i32
    %sub3A_1464 = vector.broadcast %sub3A_1463 : i32 to vector<16xi32>
    %sub3A_1465 = arith.subi %sub3A_1464, %shift_right_arithmetic3A_1462 : vector<16xi32>
    %bitcast_convert_type3A_1466 = tpu.bitcast %sub3A_1465 : vector<16xi32> -> vector<16xf32>
    %mul3A_1467 = arith.constant 5.000000e-01 : f32
    %mul3A_1468 = vector.broadcast %mul3A_1467 : f32 to vector<16xf32>
    %mul3A_1469 = arith.mulf %mul3A_1468, %max3A_1458 : vector<16xf32>
    %mul3A_1470 = arith.mulf %mul3A_1469, %bitcast_convert_type3A_1466 : vector<16xf32>
    %mul3A_1471 = arith.mulf %mul3A_1470, %bitcast_convert_type3A_1466 : vector<16xf32>
    %sub3A_1472 = arith.constant 1.500000e+00 : f32
    %sub3A_1473 = vector.broadcast %sub3A_1472 : f32 to vector<16xf32>
    %sub3A_1474 = arith.subf %sub3A_1473, %mul3A_1471 : vector<16xf32>
    %mul3A_1475 = arith.mulf %bitcast_convert_type3A_1466, %sub3A_1474 : vector<16xf32>
    %mul3A_1476 = arith.constant 5.000000e-01 : f32
    %mul3A_1477 = vector.broadcast %mul3A_1476 : f32 to vector<16xf32>
    %mul3A_1478 = arith.mulf %mul3A_1477, %max3A_1458 : vector<16xf32>
    %mul3A_1479 = arith.mulf %mul3A_1478, %mul3A_1475 : vector<16xf32>
    %mul3A_1480 = arith.mulf %mul3A_1479, %mul3A_1475 : vector<16xf32>
    %sub3A_1481 = arith.constant 1.500000e+00 : f32
    %sub3A_1482 = vector.broadcast %sub3A_1481 : f32 to vector<16xf32>
    %sub3A_1483 = arith.subf %sub3A_1482, %mul3A_1480 : vector<16xf32>
    %mul3A_1484 = arith.mulf %mul3A_1475, %sub3A_1483 : vector<16xf32>
    %mul3A_1485 = arith.constant 5.000000e-01 : f32
    %mul3A_1486 = vector.broadcast %mul3A_1485 : f32 to vector<16xf32>
    %mul3A_1487 = arith.mulf %mul3A_1486, %max3A_1458 : vector<16xf32>
    %mul3A_1488 = arith.mulf %mul3A_1487, %mul3A_1484 : vector<16xf32>
    %mul3A_1489 = arith.mulf %mul3A_1488, %mul3A_1484 : vector<16xf32>
    %sub3A_1490 = arith.constant 1.500000e+00 : f32
    %sub3A_1491 = vector.broadcast %sub3A_1490 : f32 to vector<16xf32>
    %sub3A_1492 = arith.subf %sub3A_1491, %mul3A_1489 : vector<16xf32>
    %mul3A_1493 = arith.mulf %mul3A_1484, %sub3A_1492 : vector<16xf32>
    %mul3A_1494 = arith.constant 5.000000e-01 : f32
    %mul3A_1495 = vector.broadcast %mul3A_1494 : f32 to vector<16xf32>
    %mul3A_1496 = arith.mulf %mul3A_1495, %max3A_1458 : vector<16xf32>
    %mul3A_1497 = arith.mulf %mul3A_1496, %mul3A_1493 : vector<16xf32>
    %mul3A_1498 = arith.mulf %mul3A_1497, %mul3A_1493 : vector<16xf32>
    %sub3A_1499 = arith.constant 1.500000e+00 : f32
    %sub3A_1500 = vector.broadcast %sub3A_1499 : f32 to vector<16xf32>
    %sub3A_1501 = arith.subf %sub3A_1500, %mul3A_1498 : vector<16xf32>
    %mul3A_1502 = arith.mulf %mul3A_1493, %sub3A_1501 : vector<16xf32>
    %mul3A_1503 = arith.mulf %add3A_1455, %mul3A_1502 : vector<16xf32>
    %max3A_1504 = arith.constant 9.99999996E-13 : f32
    %max3A_1505 = vector.broadcast %max3A_1504 : f32 to vector<16xf32>
    %max3A_1506 = arith.maximumf %mul3A_1503, %max3A_1505 : vector<16xf32>
    %xor3A_1507 = arith.constant 8 : i32
    %xor3A_1508 = vector.broadcast %xor3A_1507 : i32 to vector<16xi32>
    %xor3A_1509 = arith.xori %iota3A, %xor3A_1508 : vector<16xi32>
    %broadcast_in_dim3A_1510 = vector.shape_cast %xor3A_1509 : vector<16xi32> to vector<16x1xi32>
    %gather3A_1511 = vector.shape_cast %broadcast_in_dim3A_1510 : vector<16x1xi32> to vector<16xi32>
    %gather3A_1512 = tpu.dynamic_gather %scan3A_1426#0[%gather3A_1511] in [0] : vector<16xf32>, vector<16xi32> -> vector<16xf32>
    %add3A_1513 = arith.addf %scan3A_1426#0, %gather3A_1512 : vector<16xf32>
    %xor3A_1514 = arith.constant 4 : i32
    %xor3A_1515 = vector.broadcast %xor3A_1514 : i32 to vector<16xi32>
    %xor3A_1516 = arith.xori %iota3A, %xor3A_1515 : vector<16xi32>
    %broadcast_in_dim3A_1517 = vector.shape_cast %xor3A_1516 : vector<16xi32> to vector<16x1xi32>
    %gather3A_1518 = vector.shape_cast %broadcast_in_dim3A_1517 : vector<16x1xi32> to vector<16xi32>
    %gather3A_1519 = tpu.dynamic_gather %add3A_1513[%gather3A_1518] in [0] : vector<16xf32>, vector<16xi32> -> vector<16xf32>
    %add3A_1520 = arith.addf %add3A_1513, %gather3A_1519 : vector<16xf32>
    %xor3A_1521 = arith.constant 2 : i32
    %xor3A_1522 = vector.broadcast %xor3A_1521 : i32 to vector<16xi32>
    %xor3A_1523 = arith.xori %iota3A, %xor3A_1522 : vector<16xi32>
    %broadcast_in_dim3A_1524 = vector.shape_cast %xor3A_1523 : vector<16xi32> to vector<16x1xi32>
    %gather3A_1525 = vector.shape_cast %broadcast_in_dim3A_1524 : vector<16x1xi32> to vector<16xi32>
    %gather3A_1526 = tpu.dynamic_gather %add3A_1520[%gather3A_1525] in [0] : vector<16xf32>, vector<16xi32> -> vector<16xf32>
    %add3A_1527 = arith.addf %add3A_1520, %gather3A_1526 : vector<16xf32>
    %xor3A_1528 = arith.constant 1 : i32
    %xor3A_1529 = vector.broadcast %xor3A_1528 : i32 to vector<16xi32>
    %xor3A_1530 = arith.xori %iota3A, %xor3A_1529 : vector<16xi32>
    %broadcast_in_dim3A_1531 = vector.shape_cast %xor3A_1530 : vector<16xi32> to vector<16x1xi32>
    %gather3A_1532 = vector.shape_cast %broadcast_in_dim3A_1531 : vector<16x1xi32> to vector<16xi32>
    %gather3A_1533 = tpu.dynamic_gather %add3A_1527[%gather3A_1532] in [0] : vector<16xf32>, vector<16xi32> -> vector<16xf32>
    %add3A_1534 = arith.addf %add3A_1527, %gather3A_1533 : vector<16xf32>
    %mul3A_1535 = arith.mulf %max3A_184, %max3A_1506 : vector<16xf32>
    %div3A_1536 = arith.divf %add3A_1534, %mul3A_1535 : vector<16xf32>
    %eq3A_1537 = arith.constant 10 : i32
    %eq3A_1538 = vector.broadcast %eq3A_1537 : i32 to vector<16xi32>
    %eq3A_1539 = arith.cmpi eq, %iota3A, %eq3A_1538 : vector<16xi32>
    %select_n3A_1540 = arith.select %eq3A_1539, %div3A_1536, %select_n3A_1417 : vector<16xi1>, vector<16xf32>
    %broadcast_in_dim3A_1541 = arith.constant 0.000000e+00 : f32
    %broadcast_in_dim3A_1542 = vector.broadcast %broadcast_in_dim3A_1541 : f32 to vector<16xf32>
    %broadcast_in_dim3A_1543 = arith.constant 0.000000e+00 : f32
    %broadcast_in_dim3A_1544 = vector.broadcast %broadcast_in_dim3A_1543 : f32 to vector<16xf32>
    %scan3A_1545 = arith.constant 0 : i32
    %scan3A_1546 = arith.constant 16 : i32
    %scan3A_1547 = arith.addi %scan3A_1545, %scan3A_1546 : i32
    %scan3A_1548 = arith.constant 1 : i32
    %scan3A_1549:2 = scf.for %scan3A_4131 = %scan3A_1545 to %scan3A_1547 step %scan3A_1548 iter_args(%scan3A_4132 = %broadcast_in_dim3A_1542, %scan3A_4133 = %broadcast_in_dim3A_1544) -> (vector<16xf32>, vector<16xf32>)  : i32 {
      %mul3A_4134 = arith.constant 16 : i32
      %mul3A_4135 = arith.muli %scan3A_4131, %mul3A_4134 : i32
      %add3A_4136 = arith.constant 2816 : i32
      %add3A_4137 = arith.addi %add3A_4136, %mul3A_4135 : i32
      %get3A = arith.index_cast %add3A_4137 : i32 to index
      %get3A_4138 = tpu.vector_load %arg7[%get3A] {strides = array<i32>} : memref<8192xf32, #tpu.memory_space<vmem>>, vector<16xf32>,
      %get3A_4139 = vector.shape_cast %get3A_4138 : vector<16xf32> to vector<16xf32>
      %mul3A_4140 = arith.constant 16 : i32
      %mul3A_4141 = arith.muli %scan3A_4131, %mul3A_4140 : i32
      %get3A_4142 = arith.index_cast %mul3A_4141 : i32 to index
      %get3A_4143 = tpu.vector_load %arg9[%get3A_4142] {strides = array<i32>} : memref<256xf32, #tpu.memory_space<vmem>>, vector<16xf32>,
      %get3A_4144 = vector.shape_cast %get3A_4143 : vector<16xf32> to vector<16xf32>
      %mul3A_4145 = arith.mulf %get3A_4139, %get3A_4144 : vector<16xf32>
      %add3A_4146 = arith.addf %scan3A_4132, %mul3A_4145 : vector<16xf32>
      %mul3A_4147 = arith.mulf %get3A_4139, %get3A_4139 : vector<16xf32>
      %add3A_4148 = arith.addf %scan3A_4133, %mul3A_4147 : vector<16xf32>
      scf.yield %add3A_4146, %add3A_4148 : vector<16xf32>, vector<16xf32>
    }
    %scan3A_1550 = arith.constant 16 : i32
    %xor3A_1551 = arith.constant 8 : i32
    %xor3A_1552 = vector.broadcast %xor3A_1551 : i32 to vector<16xi32>
    %xor3A_1553 = arith.xori %iota3A, %xor3A_1552 : vector<16xi32>
    %broadcast_in_dim3A_1554 = vector.shape_cast %xor3A_1553 : vector<16xi32> to vector<16x1xi32>
    %gather3A_1555 = vector.shape_cast %broadcast_in_dim3A_1554 : vector<16x1xi32> to vector<16xi32>
    %gather3A_1556 = tpu.dynamic_gather %scan3A_1549#1[%gather3A_1555] in [0] : vector<16xf32>, vector<16xi32> -> vector<16xf32>
    %add3A_1557 = arith.addf %scan3A_1549#1, %gather3A_1556 : vector<16xf32>
    %xor3A_1558 = arith.constant 4 : i32
    %xor3A_1559 = vector.broadcast %xor3A_1558 : i32 to vector<16xi32>
    %xor3A_1560 = arith.xori %iota3A, %xor3A_1559 : vector<16xi32>
    %broadcast_in_dim3A_1561 = vector.shape_cast %xor3A_1560 : vector<16xi32> to vector<16x1xi32>
    %gather3A_1562 = vector.shape_cast %broadcast_in_dim3A_1561 : vector<16x1xi32> to vector<16xi32>
    %gather3A_1563 = tpu.dynamic_gather %add3A_1557[%gather3A_1562] in [0] : vector<16xf32>, vector<16xi32> -> vector<16xf32>
    %add3A_1564 = arith.addf %add3A_1557, %gather3A_1563 : vector<16xf32>
    %xor3A_1565 = arith.constant 2 : i32
    %xor3A_1566 = vector.broadcast %xor3A_1565 : i32 to vector<16xi32>
    %xor3A_1567 = arith.xori %iota3A, %xor3A_1566 : vector<16xi32>
    %broadcast_in_dim3A_1568 = vector.shape_cast %xor3A_1567 : vector<16xi32> to vector<16x1xi32>
    %gather3A_1569 = vector.shape_cast %broadcast_in_dim3A_1568 : vector<16x1xi32> to vector<16xi32>
    %gather3A_1570 = tpu.dynamic_gather %add3A_1564[%gather3A_1569] in [0] : vector<16xf32>, vector<16xi32> -> vector<16xf32>
    %add3A_1571 = arith.addf %add3A_1564, %gather3A_1570 : vector<16xf32>
    %xor3A_1572 = arith.constant 1 : i32
    %xor3A_1573 = vector.broadcast %xor3A_1572 : i32 to vector<16xi32>
    %xor3A_1574 = arith.xori %iota3A, %xor3A_1573 : vector<16xi32>
    %broadcast_in_dim3A_1575 = vector.shape_cast %xor3A_1574 : vector<16xi32> to vector<16x1xi32>
    %gather3A_1576 = vector.shape_cast %broadcast_in_dim3A_1575 : vector<16x1xi32> to vector<16xi32>
    %gather3A_1577 = tpu.dynamic_gather %add3A_1571[%gather3A_1576] in [0] : vector<16xf32>, vector<16xi32> -> vector<16xf32>
    %add3A_1578 = arith.addf %add3A_1571, %gather3A_1577 : vector<16xf32>
    %max3A_1579 = arith.constant 1.000000e-30 : f32
    %max3A_1580 = vector.broadcast %max3A_1579 : f32 to vector<16xf32>
    %max3A_1581 = arith.maximumf %add3A_1578, %max3A_1580 : vector<16xf32>
    %bitcast_convert_type3A_1582 = tpu.bitcast %max3A_1581 : vector<16xf32> -> vector<16xi32>
    %shift_right_arithmetic3A_1583 = arith.constant 1 : i32
    %shift_right_arithmetic3A_1584 = vector.broadcast %shift_right_arithmetic3A_1583 : i32 to vector<16xi32>
    %shift_right_arithmetic3A_1585 = arith.shrsi %bitcast_convert_type3A_1582, %shift_right_arithmetic3A_1584 : vector<16xi32>
    %sub3A_1586 = arith.constant 1597463007 : i32
    %sub3A_1587 = vector.broadcast %sub3A_1586 : i32 to vector<16xi32>
    %sub3A_1588 = arith.subi %sub3A_1587, %shift_right_arithmetic3A_1585 : vector<16xi32>
    %bitcast_convert_type3A_1589 = tpu.bitcast %sub3A_1588 : vector<16xi32> -> vector<16xf32>
    %mul3A_1590 = arith.constant 5.000000e-01 : f32
    %mul3A_1591 = vector.broadcast %mul3A_1590 : f32 to vector<16xf32>
    %mul3A_1592 = arith.mulf %mul3A_1591, %max3A_1581 : vector<16xf32>
    %mul3A_1593 = arith.mulf %mul3A_1592, %bitcast_convert_type3A_1589 : vector<16xf32>
    %mul3A_1594 = arith.mulf %mul3A_1593, %bitcast_convert_type3A_1589 : vector<16xf32>
    %sub3A_1595 = arith.constant 1.500000e+00 : f32
    %sub3A_1596 = vector.broadcast %sub3A_1595 : f32 to vector<16xf32>
    %sub3A_1597 = arith.subf %sub3A_1596, %mul3A_1594 : vector<16xf32>
    %mul3A_1598 = arith.mulf %bitcast_convert_type3A_1589, %sub3A_1597 : vector<16xf32>
    %mul3A_1599 = arith.constant 5.000000e-01 : f32
    %mul3A_1600 = vector.broadcast %mul3A_1599 : f32 to vector<16xf32>
    %mul3A_1601 = arith.mulf %mul3A_1600, %max3A_1581 : vector<16xf32>
    %mul3A_1602 = arith.mulf %mul3A_1601, %mul3A_1598 : vector<16xf32>
    %mul3A_1603 = arith.mulf %mul3A_1602, %mul3A_1598 : vector<16xf32>
    %sub3A_1604 = arith.constant 1.500000e+00 : f32
    %sub3A_1605 = vector.broadcast %sub3A_1604 : f32 to vector<16xf32>
    %sub3A_1606 = arith.subf %sub3A_1605, %mul3A_1603 : vector<16xf32>
    %mul3A_1607 = arith.mulf %mul3A_1598, %sub3A_1606 : vector<16xf32>
    %mul3A_1608 = arith.constant 5.000000e-01 : f32
    %mul3A_1609 = vector.broadcast %mul3A_1608 : f32 to vector<16xf32>
    %mul3A_1610 = arith.mulf %mul3A_1609, %max3A_1581 : vector<16xf32>
    %mul3A_1611 = arith.mulf %mul3A_1610, %mul3A_1607 : vector<16xf32>
    %mul3A_1612 = arith.mulf %mul3A_1611, %mul3A_1607 : vector<16xf32>
    %sub3A_1613 = arith.constant 1.500000e+00 : f32
    %sub3A_1614 = vector.broadcast %sub3A_1613 : f32 to vector<16xf32>
    %sub3A_1615 = arith.subf %sub3A_1614, %mul3A_1612 : vector<16xf32>
    %mul3A_1616 = arith.mulf %mul3A_1607, %sub3A_1615 : vector<16xf32>
    %mul3A_1617 = arith.constant 5.000000e-01 : f32
    %mul3A_1618 = vector.broadcast %mul3A_1617 : f32 to vector<16xf32>
    %mul3A_1619 = arith.mulf %mul3A_1618, %max3A_1581 : vector<16xf32>
    %mul3A_1620 = arith.mulf %mul3A_1619, %mul3A_1616 : vector<16xf32>
    %mul3A_1621 = arith.mulf %mul3A_1620, %mul3A_1616 : vector<16xf32>
    %sub3A_1622 = arith.constant 1.500000e+00 : f32
    %sub3A_1623 = vector.broadcast %sub3A_1622 : f32 to vector<16xf32>
    %sub3A_1624 = arith.subf %sub3A_1623, %mul3A_1621 : vector<16xf32>
    %mul3A_1625 = arith.mulf %mul3A_1616, %sub3A_1624 : vector<16xf32>
    %mul3A_1626 = arith.mulf %add3A_1578, %mul3A_1625 : vector<16xf32>
    %max3A_1627 = arith.constant 9.99999996E-13 : f32
    %max3A_1628 = vector.broadcast %max3A_1627 : f32 to vector<16xf32>
    %max3A_1629 = arith.maximumf %mul3A_1626, %max3A_1628 : vector<16xf32>
    %xor3A_1630 = arith.constant 8 : i32
    %xor3A_1631 = vector.broadcast %xor3A_1630 : i32 to vector<16xi32>
    %xor3A_1632 = arith.xori %iota3A, %xor3A_1631 : vector<16xi32>
    %broadcast_in_dim3A_1633 = vector.shape_cast %xor3A_1632 : vector<16xi32> to vector<16x1xi32>
    %gather3A_1634 = vector.shape_cast %broadcast_in_dim3A_1633 : vector<16x1xi32> to vector<16xi32>
    %gather3A_1635 = tpu.dynamic_gather %scan3A_1549#0[%gather3A_1634] in [0] : vector<16xf32>, vector<16xi32> -> vector<16xf32>
    %add3A_1636 = arith.addf %scan3A_1549#0, %gather3A_1635 : vector<16xf32>
    %xor3A_1637 = arith.constant 4 : i32
    %xor3A_1638 = vector.broadcast %xor3A_1637 : i32 to vector<16xi32>
    %xor3A_1639 = arith.xori %iota3A, %xor3A_1638 : vector<16xi32>
    %broadcast_in_dim3A_1640 = vector.shape_cast %xor3A_1639 : vector<16xi32> to vector<16x1xi32>
    %gather3A_1641 = vector.shape_cast %broadcast_in_dim3A_1640 : vector<16x1xi32> to vector<16xi32>
    %gather3A_1642 = tpu.dynamic_gather %add3A_1636[%gather3A_1641] in [0] : vector<16xf32>, vector<16xi32> -> vector<16xf32>
    %add3A_1643 = arith.addf %add3A_1636, %gather3A_1642 : vector<16xf32>
    %xor3A_1644 = arith.constant 2 : i32
    %xor3A_1645 = vector.broadcast %xor3A_1644 : i32 to vector<16xi32>
    %xor3A_1646 = arith.xori %iota3A, %xor3A_1645 : vector<16xi32>
    %broadcast_in_dim3A_1647 = vector.shape_cast %xor3A_1646 : vector<16xi32> to vector<16x1xi32>
    %gather3A_1648 = vector.shape_cast %broadcast_in_dim3A_1647 : vector<16x1xi32> to vector<16xi32>
    %gather3A_1649 = tpu.dynamic_gather %add3A_1643[%gather3A_1648] in [0] : vector<16xf32>, vector<16xi32> -> vector<16xf32>
    %add3A_1650 = arith.addf %add3A_1643, %gather3A_1649 : vector<16xf32>
    %xor3A_1651 = arith.constant 1 : i32
    %xor3A_1652 = vector.broadcast %xor3A_1651 : i32 to vector<16xi32>
    %xor3A_1653 = arith.xori %iota3A, %xor3A_1652 : vector<16xi32>
    %broadcast_in_dim3A_1654 = vector.shape_cast %xor3A_1653 : vector<16xi32> to vector<16x1xi32>
    %gather3A_1655 = vector.shape_cast %broadcast_in_dim3A_1654 : vector<16x1xi32> to vector<16xi32>
    %gather3A_1656 = tpu.dynamic_gather %add3A_1650[%gather3A_1655] in [0] : vector<16xf32>, vector<16xi32> -> vector<16xf32>
    %add3A_1657 = arith.addf %add3A_1650, %gather3A_1656 : vector<16xf32>
    %mul3A_1658 = arith.mulf %max3A_184, %max3A_1629 : vector<16xf32>
    %div3A_1659 = arith.divf %add3A_1657, %mul3A_1658 : vector<16xf32>
    %eq3A_1660 = arith.constant 11 : i32
    %eq3A_1661 = vector.broadcast %eq3A_1660 : i32 to vector<16xi32>
    %eq3A_1662 = arith.cmpi eq, %iota3A, %eq3A_1661 : vector<16xi32>
    %select_n3A_1663 = arith.select %eq3A_1662, %div3A_1659, %select_n3A_1540 : vector<16xi1>, vector<16xf32>
    %broadcast_in_dim3A_1664 = arith.constant 0.000000e+00 : f32
    %broadcast_in_dim3A_1665 = vector.broadcast %broadcast_in_dim3A_1664 : f32 to vector<16xf32>
    %broadcast_in_dim3A_1666 = arith.constant 0.000000e+00 : f32
    %broadcast_in_dim3A_1667 = vector.broadcast %broadcast_in_dim3A_1666 : f32 to vector<16xf32>
    %scan3A_1668 = arith.constant 0 : i32
    %scan3A_1669 = arith.constant 16 : i32
    %scan3A_1670 = arith.addi %scan3A_1668, %scan3A_1669 : i32
    %scan3A_1671 = arith.constant 1 : i32
    %scan3A_1672:2 = scf.for %scan3A_4131 = %scan3A_1668 to %scan3A_1670 step %scan3A_1671 iter_args(%scan3A_4132 = %broadcast_in_dim3A_1665, %scan3A_4133 = %broadcast_in_dim3A_1667) -> (vector<16xf32>, vector<16xf32>)  : i32 {
      %mul3A_4134 = arith.constant 16 : i32
      %mul3A_4135 = arith.muli %scan3A_4131, %mul3A_4134 : i32
      %add3A_4136 = arith.constant 3072 : i32
      %add3A_4137 = arith.addi %add3A_4136, %mul3A_4135 : i32
      %get3A = arith.index_cast %add3A_4137 : i32 to index
      %get3A_4138 = tpu.vector_load %arg7[%get3A] {strides = array<i32>} : memref<8192xf32, #tpu.memory_space<vmem>>, vector<16xf32>,
      %get3A_4139 = vector.shape_cast %get3A_4138 : vector<16xf32> to vector<16xf32>
      %mul3A_4140 = arith.constant 16 : i32
      %mul3A_4141 = arith.muli %scan3A_4131, %mul3A_4140 : i32
      %get3A_4142 = arith.index_cast %mul3A_4141 : i32 to index
      %get3A_4143 = tpu.vector_load %arg9[%get3A_4142] {strides = array<i32>} : memref<256xf32, #tpu.memory_space<vmem>>, vector<16xf32>,
      %get3A_4144 = vector.shape_cast %get3A_4143 : vector<16xf32> to vector<16xf32>
      %mul3A_4145 = arith.mulf %get3A_4139, %get3A_4144 : vector<16xf32>
      %add3A_4146 = arith.addf %scan3A_4132, %mul3A_4145 : vector<16xf32>
      %mul3A_4147 = arith.mulf %get3A_4139, %get3A_4139 : vector<16xf32>
      %add3A_4148 = arith.addf %scan3A_4133, %mul3A_4147 : vector<16xf32>
      scf.yield %add3A_4146, %add3A_4148 : vector<16xf32>, vector<16xf32>
    }
    %scan3A_1673 = arith.constant 16 : i32
    %xor3A_1674 = arith.constant 8 : i32
    %xor3A_1675 = vector.broadcast %xor3A_1674 : i32 to vector<16xi32>
    %xor3A_1676 = arith.xori %iota3A, %xor3A_1675 : vector<16xi32>
    %broadcast_in_dim3A_1677 = vector.shape_cast %xor3A_1676 : vector<16xi32> to vector<16x1xi32>
    %gather3A_1678 = vector.shape_cast %broadcast_in_dim3A_1677 : vector<16x1xi32> to vector<16xi32>
    %gather3A_1679 = tpu.dynamic_gather %scan3A_1672#1[%gather3A_1678] in [0] : vector<16xf32>, vector<16xi32> -> vector<16xf32>
    %add3A_1680 = arith.addf %scan3A_1672#1, %gather3A_1679 : vector<16xf32>
    %xor3A_1681 = arith.constant 4 : i32
    %xor3A_1682 = vector.broadcast %xor3A_1681 : i32 to vector<16xi32>
    %xor3A_1683 = arith.xori %iota3A, %xor3A_1682 : vector<16xi32>
    %broadcast_in_dim3A_1684 = vector.shape_cast %xor3A_1683 : vector<16xi32> to vector<16x1xi32>
    %gather3A_1685 = vector.shape_cast %broadcast_in_dim3A_1684 : vector<16x1xi32> to vector<16xi32>
    %gather3A_1686 = tpu.dynamic_gather %add3A_1680[%gather3A_1685] in [0] : vector<16xf32>, vector<16xi32> -> vector<16xf32>
    %add3A_1687 = arith.addf %add3A_1680, %gather3A_1686 : vector<16xf32>
    %xor3A_1688 = arith.constant 2 : i32
    %xor3A_1689 = vector.broadcast %xor3A_1688 : i32 to vector<16xi32>
    %xor3A_1690 = arith.xori %iota3A, %xor3A_1689 : vector<16xi32>
    %broadcast_in_dim3A_1691 = vector.shape_cast %xor3A_1690 : vector<16xi32> to vector<16x1xi32>
    %gather3A_1692 = vector.shape_cast %broadcast_in_dim3A_1691 : vector<16x1xi32> to vector<16xi32>
    %gather3A_1693 = tpu.dynamic_gather %add3A_1687[%gather3A_1692] in [0] : vector<16xf32>, vector<16xi32> -> vector<16xf32>
    %add3A_1694 = arith.addf %add3A_1687, %gather3A_1693 : vector<16xf32>
    %xor3A_1695 = arith.constant 1 : i32
    %xor3A_1696 = vector.broadcast %xor3A_1695 : i32 to vector<16xi32>
    %xor3A_1697 = arith.xori %iota3A, %xor3A_1696 : vector<16xi32>
    %broadcast_in_dim3A_1698 = vector.shape_cast %xor3A_1697 : vector<16xi32> to vector<16x1xi32>
    %gather3A_1699 = vector.shape_cast %broadcast_in_dim3A_1698 : vector<16x1xi32> to vector<16xi32>
    %gather3A_1700 = tpu.dynamic_gather %add3A_1694[%gather3A_1699] in [0] : vector<16xf32>, vector<16xi32> -> vector<16xf32>
    %add3A_1701 = arith.addf %add3A_1694, %gather3A_1700 : vector<16xf32>
    %max3A_1702 = arith.constant 1.000000e-30 : f32
    %max3A_1703 = vector.broadcast %max3A_1702 : f32 to vector<16xf32>
    %max3A_1704 = arith.maximumf %add3A_1701, %max3A_1703 : vector<16xf32>
    %bitcast_convert_type3A_1705 = tpu.bitcast %max3A_1704 : vector<16xf32> -> vector<16xi32>
    %shift_right_arithmetic3A_1706 = arith.constant 1 : i32
    %shift_right_arithmetic3A_1707 = vector.broadcast %shift_right_arithmetic3A_1706 : i32 to vector<16xi32>
    %shift_right_arithmetic3A_1708 = arith.shrsi %bitcast_convert_type3A_1705, %shift_right_arithmetic3A_1707 : vector<16xi32>
    %sub3A_1709 = arith.constant 1597463007 : i32
    %sub3A_1710 = vector.broadcast %sub3A_1709 : i32 to vector<16xi32>
    %sub3A_1711 = arith.subi %sub3A_1710, %shift_right_arithmetic3A_1708 : vector<16xi32>
    %bitcast_convert_type3A_1712 = tpu.bitcast %sub3A_1711 : vector<16xi32> -> vector<16xf32>
    %mul3A_1713 = arith.constant 5.000000e-01 : f32
    %mul3A_1714 = vector.broadcast %mul3A_1713 : f32 to vector<16xf32>
    %mul3A_1715 = arith.mulf %mul3A_1714, %max3A_1704 : vector<16xf32>
    %mul3A_1716 = arith.mulf %mul3A_1715, %bitcast_convert_type3A_1712 : vector<16xf32>
    %mul3A_1717 = arith.mulf %mul3A_1716, %bitcast_convert_type3A_1712 : vector<16xf32>
    %sub3A_1718 = arith.constant 1.500000e+00 : f32
    %sub3A_1719 = vector.broadcast %sub3A_1718 : f32 to vector<16xf32>
    %sub3A_1720 = arith.subf %sub3A_1719, %mul3A_1717 : vector<16xf32>
    %mul3A_1721 = arith.mulf %bitcast_convert_type3A_1712, %sub3A_1720 : vector<16xf32>
    %mul3A_1722 = arith.constant 5.000000e-01 : f32
    %mul3A_1723 = vector.broadcast %mul3A_1722 : f32 to vector<16xf32>
    %mul3A_1724 = arith.mulf %mul3A_1723, %max3A_1704 : vector<16xf32>
    %mul3A_1725 = arith.mulf %mul3A_1724, %mul3A_1721 : vector<16xf32>
    %mul3A_1726 = arith.mulf %mul3A_1725, %mul3A_1721 : vector<16xf32>
    %sub3A_1727 = arith.constant 1.500000e+00 : f32
    %sub3A_1728 = vector.broadcast %sub3A_1727 : f32 to vector<16xf32>
    %sub3A_1729 = arith.subf %sub3A_1728, %mul3A_1726 : vector<16xf32>
    %mul3A_1730 = arith.mulf %mul3A_1721, %sub3A_1729 : vector<16xf32>
    %mul3A_1731 = arith.constant 5.000000e-01 : f32
    %mul3A_1732 = vector.broadcast %mul3A_1731 : f32 to vector<16xf32>
    %mul3A_1733 = arith.mulf %mul3A_1732, %max3A_1704 : vector<16xf32>
    %mul3A_1734 = arith.mulf %mul3A_1733, %mul3A_1730 : vector<16xf32>
    %mul3A_1735 = arith.mulf %mul3A_1734, %mul3A_1730 : vector<16xf32>
    %sub3A_1736 = arith.constant 1.500000e+00 : f32
    %sub3A_1737 = vector.broadcast %sub3A_1736 : f32 to vector<16xf32>
    %sub3A_1738 = arith.subf %sub3A_1737, %mul3A_1735 : vector<16xf32>
    %mul3A_1739 = arith.mulf %mul3A_1730, %sub3A_1738 : vector<16xf32>
    %mul3A_1740 = arith.constant 5.000000e-01 : f32
    %mul3A_1741 = vector.broadcast %mul3A_1740 : f32 to vector<16xf32>
    %mul3A_1742 = arith.mulf %mul3A_1741, %max3A_1704 : vector<16xf32>
    %mul3A_1743 = arith.mulf %mul3A_1742, %mul3A_1739 : vector<16xf32>
    %mul3A_1744 = arith.mulf %mul3A_1743, %mul3A_1739 : vector<16xf32>
    %sub3A_1745 = arith.constant 1.500000e+00 : f32
    %sub3A_1746 = vector.broadcast %sub3A_1745 : f32 to vector<16xf32>
    %sub3A_1747 = arith.subf %sub3A_1746, %mul3A_1744 : vector<16xf32>
    %mul3A_1748 = arith.mulf %mul3A_1739, %sub3A_1747 : vector<16xf32>
    %mul3A_1749 = arith.mulf %add3A_1701, %mul3A_1748 : vector<16xf32>
    %max3A_1750 = arith.constant 9.99999996E-13 : f32
    %max3A_1751 = vector.broadcast %max3A_1750 : f32 to vector<16xf32>
    %max3A_1752 = arith.maximumf %mul3A_1749, %max3A_1751 : vector<16xf32>
    %xor3A_1753 = arith.constant 8 : i32
    %xor3A_1754 = vector.broadcast %xor3A_1753 : i32 to vector<16xi32>
    %xor3A_1755 = arith.xori %iota3A, %xor3A_1754 : vector<16xi32>
    %broadcast_in_dim3A_1756 = vector.shape_cast %xor3A_1755 : vector<16xi32> to vector<16x1xi32>
    %gather3A_1757 = vector.shape_cast %broadcast_in_dim3A_1756 : vector<16x1xi32> to vector<16xi32>
    %gather3A_1758 = tpu.dynamic_gather %scan3A_1672#0[%gather3A_1757] in [0] : vector<16xf32>, vector<16xi32> -> vector<16xf32>
    %add3A_1759 = arith.addf %scan3A_1672#0, %gather3A_1758 : vector<16xf32>
    %xor3A_1760 = arith.constant 4 : i32
    %xor3A_1761 = vector.broadcast %xor3A_1760 : i32 to vector<16xi32>
    %xor3A_1762 = arith.xori %iota3A, %xor3A_1761 : vector<16xi32>
    %broadcast_in_dim3A_1763 = vector.shape_cast %xor3A_1762 : vector<16xi32> to vector<16x1xi32>
    %gather3A_1764 = vector.shape_cast %broadcast_in_dim3A_1763 : vector<16x1xi32> to vector<16xi32>
    %gather3A_1765 = tpu.dynamic_gather %add3A_1759[%gather3A_1764] in [0] : vector<16xf32>, vector<16xi32> -> vector<16xf32>
    %add3A_1766 = arith.addf %add3A_1759, %gather3A_1765 : vector<16xf32>
    %xor3A_1767 = arith.constant 2 : i32
    %xor3A_1768 = vector.broadcast %xor3A_1767 : i32 to vector<16xi32>
    %xor3A_1769 = arith.xori %iota3A, %xor3A_1768 : vector<16xi32>
    %broadcast_in_dim3A_1770 = vector.shape_cast %xor3A_1769 : vector<16xi32> to vector<16x1xi32>
    %gather3A_1771 = vector.shape_cast %broadcast_in_dim3A_1770 : vector<16x1xi32> to vector<16xi32>
    %gather3A_1772 = tpu.dynamic_gather %add3A_1766[%gather3A_1771] in [0] : vector<16xf32>, vector<16xi32> -> vector<16xf32>
    %add3A_1773 = arith.addf %add3A_1766, %gather3A_1772 : vector<16xf32>
    %xor3A_1774 = arith.constant 1 : i32
    %xor3A_1775 = vector.broadcast %xor3A_1774 : i32 to vector<16xi32>
    %xor3A_1776 = arith.xori %iota3A, %xor3A_1775 : vector<16xi32>
    %broadcast_in_dim3A_1777 = vector.shape_cast %xor3A_1776 : vector<16xi32> to vector<16x1xi32>
    %gather3A_1778 = vector.shape_cast %broadcast_in_dim3A_1777 : vector<16x1xi32> to vector<16xi32>
    %gather3A_1779 = tpu.dynamic_gather %add3A_1773[%gather3A_1778] in [0] : vector<16xf32>, vector<16xi32> -> vector<16xf32>
    %add3A_1780 = arith.addf %add3A_1773, %gather3A_1779 : vector<16xf32>
    %mul3A_1781 = arith.mulf %max3A_184, %max3A_1752 : vector<16xf32>
    %div3A_1782 = arith.divf %add3A_1780, %mul3A_1781 : vector<16xf32>
    %eq3A_1783 = arith.constant 12 : i32
    %eq3A_1784 = vector.broadcast %eq3A_1783 : i32 to vector<16xi32>
    %eq3A_1785 = arith.cmpi eq, %iota3A, %eq3A_1784 : vector<16xi32>
    %select_n3A_1786 = arith.select %eq3A_1785, %div3A_1782, %select_n3A_1663 : vector<16xi1>, vector<16xf32>
    %broadcast_in_dim3A_1787 = arith.constant 0.000000e+00 : f32
    %broadcast_in_dim3A_1788 = vector.broadcast %broadcast_in_dim3A_1787 : f32 to vector<16xf32>
    %broadcast_in_dim3A_1789 = arith.constant 0.000000e+00 : f32
    %broadcast_in_dim3A_1790 = vector.broadcast %broadcast_in_dim3A_1789 : f32 to vector<16xf32>
    %scan3A_1791 = arith.constant 0 : i32
    %scan3A_1792 = arith.constant 16 : i32
    %scan3A_1793 = arith.addi %scan3A_1791, %scan3A_1792 : i32
    %scan3A_1794 = arith.constant 1 : i32
    %scan3A_1795:2 = scf.for %scan3A_4131 = %scan3A_1791 to %scan3A_1793 step %scan3A_1794 iter_args(%scan3A_4132 = %broadcast_in_dim3A_1788, %scan3A_4133 = %broadcast_in_dim3A_1790) -> (vector<16xf32>, vector<16xf32>)  : i32 {
      %mul3A_4134 = arith.constant 16 : i32
      %mul3A_4135 = arith.muli %scan3A_4131, %mul3A_4134 : i32
      %add3A_4136 = arith.constant 3328 : i32
      %add3A_4137 = arith.addi %add3A_4136, %mul3A_4135 : i32
      %get3A = arith.index_cast %add3A_4137 : i32 to index
      %get3A_4138 = tpu.vector_load %arg7[%get3A] {strides = array<i32>} : memref<8192xf32, #tpu.memory_space<vmem>>, vector<16xf32>,
      %get3A_4139 = vector.shape_cast %get3A_4138 : vector<16xf32> to vector<16xf32>
      %mul3A_4140 = arith.constant 16 : i32
      %mul3A_4141 = arith.muli %scan3A_4131, %mul3A_4140 : i32
      %get3A_4142 = arith.index_cast %mul3A_4141 : i32 to index
      %get3A_4143 = tpu.vector_load %arg9[%get3A_4142] {strides = array<i32>} : memref<256xf32, #tpu.memory_space<vmem>>, vector<16xf32>,
      %get3A_4144 = vector.shape_cast %get3A_4143 : vector<16xf32> to vector<16xf32>
      %mul3A_4145 = arith.mulf %get3A_4139, %get3A_4144 : vector<16xf32>
      %add3A_4146 = arith.addf %scan3A_4132, %mul3A_4145 : vector<16xf32>
      %mul3A_4147 = arith.mulf %get3A_4139, %get3A_4139 : vector<16xf32>
      %add3A_4148 = arith.addf %scan3A_4133, %mul3A_4147 : vector<16xf32>
      scf.yield %add3A_4146, %add3A_4148 : vector<16xf32>, vector<16xf32>
    }
    %scan3A_1796 = arith.constant 16 : i32
    %xor3A_1797 = arith.constant 8 : i32
    %xor3A_1798 = vector.broadcast %xor3A_1797 : i32 to vector<16xi32>
    %xor3A_1799 = arith.xori %iota3A, %xor3A_1798 : vector<16xi32>
    %broadcast_in_dim3A_1800 = vector.shape_cast %xor3A_1799 : vector<16xi32> to vector<16x1xi32>
    %gather3A_1801 = vector.shape_cast %broadcast_in_dim3A_1800 : vector<16x1xi32> to vector<16xi32>
    %gather3A_1802 = tpu.dynamic_gather %scan3A_1795#1[%gather3A_1801] in [0] : vector<16xf32>, vector<16xi32> -> vector<16xf32>
    %add3A_1803 = arith.addf %scan3A_1795#1, %gather3A_1802 : vector<16xf32>
    %xor3A_1804 = arith.constant 4 : i32
    %xor3A_1805 = vector.broadcast %xor3A_1804 : i32 to vector<16xi32>
    %xor3A_1806 = arith.xori %iota3A, %xor3A_1805 : vector<16xi32>
    %broadcast_in_dim3A_1807 = vector.shape_cast %xor3A_1806 : vector<16xi32> to vector<16x1xi32>
    %gather3A_1808 = vector.shape_cast %broadcast_in_dim3A_1807 : vector<16x1xi32> to vector<16xi32>
    %gather3A_1809 = tpu.dynamic_gather %add3A_1803[%gather3A_1808] in [0] : vector<16xf32>, vector<16xi32> -> vector<16xf32>
    %add3A_1810 = arith.addf %add3A_1803, %gather3A_1809 : vector<16xf32>
    %xor3A_1811 = arith.constant 2 : i32
    %xor3A_1812 = vector.broadcast %xor3A_1811 : i32 to vector<16xi32>
    %xor3A_1813 = arith.xori %iota3A, %xor3A_1812 : vector<16xi32>
    %broadcast_in_dim3A_1814 = vector.shape_cast %xor3A_1813 : vector<16xi32> to vector<16x1xi32>
    %gather3A_1815 = vector.shape_cast %broadcast_in_dim3A_1814 : vector<16x1xi32> to vector<16xi32>
    %gather3A_1816 = tpu.dynamic_gather %add3A_1810[%gather3A_1815] in [0] : vector<16xf32>, vector<16xi32> -> vector<16xf32>
    %add3A_1817 = arith.addf %add3A_1810, %gather3A_1816 : vector<16xf32>
    %xor3A_1818 = arith.constant 1 : i32
    %xor3A_1819 = vector.broadcast %xor3A_1818 : i32 to vector<16xi32>
    %xor3A_1820 = arith.xori %iota3A, %xor3A_1819 : vector<16xi32>
    %broadcast_in_dim3A_1821 = vector.shape_cast %xor3A_1820 : vector<16xi32> to vector<16x1xi32>
    %gather3A_1822 = vector.shape_cast %broadcast_in_dim3A_1821 : vector<16x1xi32> to vector<16xi32>
    %gather3A_1823 = tpu.dynamic_gather %add3A_1817[%gather3A_1822] in [0] : vector<16xf32>, vector<16xi32> -> vector<16xf32>
    %add3A_1824 = arith.addf %add3A_1817, %gather3A_1823 : vector<16xf32>
    %max3A_1825 = arith.constant 1.000000e-30 : f32
    %max3A_1826 = vector.broadcast %max3A_1825 : f32 to vector<16xf32>
    %max3A_1827 = arith.maximumf %add3A_1824, %max3A_1826 : vector<16xf32>
    %bitcast_convert_type3A_1828 = tpu.bitcast %max3A_1827 : vector<16xf32> -> vector<16xi32>
    %shift_right_arithmetic3A_1829 = arith.constant 1 : i32
    %shift_right_arithmetic3A_1830 = vector.broadcast %shift_right_arithmetic3A_1829 : i32 to vector<16xi32>
    %shift_right_arithmetic3A_1831 = arith.shrsi %bitcast_convert_type3A_1828, %shift_right_arithmetic3A_1830 : vector<16xi32>
    %sub3A_1832 = arith.constant 1597463007 : i32
    %sub3A_1833 = vector.broadcast %sub3A_1832 : i32 to vector<16xi32>
    %sub3A_1834 = arith.subi %sub3A_1833, %shift_right_arithmetic3A_1831 : vector<16xi32>
    %bitcast_convert_type3A_1835 = tpu.bitcast %sub3A_1834 : vector<16xi32> -> vector<16xf32>
    %mul3A_1836 = arith.constant 5.000000e-01 : f32
    %mul3A_1837 = vector.broadcast %mul3A_1836 : f32 to vector<16xf32>
    %mul3A_1838 = arith.mulf %mul3A_1837, %max3A_1827 : vector<16xf32>
    %mul3A_1839 = arith.mulf %mul3A_1838, %bitcast_convert_type3A_1835 : vector<16xf32>
    %mul3A_1840 = arith.mulf %mul3A_1839, %bitcast_convert_type3A_1835 : vector<16xf32>
    %sub3A_1841 = arith.constant 1.500000e+00 : f32
    %sub3A_1842 = vector.broadcast %sub3A_1841 : f32 to vector<16xf32>
    %sub3A_1843 = arith.subf %sub3A_1842, %mul3A_1840 : vector<16xf32>
    %mul3A_1844 = arith.mulf %bitcast_convert_type3A_1835, %sub3A_1843 : vector<16xf32>
    %mul3A_1845 = arith.constant 5.000000e-01 : f32
    %mul3A_1846 = vector.broadcast %mul3A_1845 : f32 to vector<16xf32>
    %mul3A_1847 = arith.mulf %mul3A_1846, %max3A_1827 : vector<16xf32>
    %mul3A_1848 = arith.mulf %mul3A_1847, %mul3A_1844 : vector<16xf32>
    %mul3A_1849 = arith.mulf %mul3A_1848, %mul3A_1844 : vector<16xf32>
    %sub3A_1850 = arith.constant 1.500000e+00 : f32
    %sub3A_1851 = vector.broadcast %sub3A_1850 : f32 to vector<16xf32>
    %sub3A_1852 = arith.subf %sub3A_1851, %mul3A_1849 : vector<16xf32>
    %mul3A_1853 = arith.mulf %mul3A_1844, %sub3A_1852 : vector<16xf32>
    %mul3A_1854 = arith.constant 5.000000e-01 : f32
    %mul3A_1855 = vector.broadcast %mul3A_1854 : f32 to vector<16xf32>
    %mul3A_1856 = arith.mulf %mul3A_1855, %max3A_1827 : vector<16xf32>
    %mul3A_1857 = arith.mulf %mul3A_1856, %mul3A_1853 : vector<16xf32>
    %mul3A_1858 = arith.mulf %mul3A_1857, %mul3A_1853 : vector<16xf32>
    %sub3A_1859 = arith.constant 1.500000e+00 : f32
    %sub3A_1860 = vector.broadcast %sub3A_1859 : f32 to vector<16xf32>
    %sub3A_1861 = arith.subf %sub3A_1860, %mul3A_1858 : vector<16xf32>
    %mul3A_1862 = arith.mulf %mul3A_1853, %sub3A_1861 : vector<16xf32>
    %mul3A_1863 = arith.constant 5.000000e-01 : f32
    %mul3A_1864 = vector.broadcast %mul3A_1863 : f32 to vector<16xf32>
    %mul3A_1865 = arith.mulf %mul3A_1864, %max3A_1827 : vector<16xf32>
    %mul3A_1866 = arith.mulf %mul3A_1865, %mul3A_1862 : vector<16xf32>
    %mul3A_1867 = arith.mulf %mul3A_1866, %mul3A_1862 : vector<16xf32>
    %sub3A_1868 = arith.constant 1.500000e+00 : f32
    %sub3A_1869 = vector.broadcast %sub3A_1868 : f32 to vector<16xf32>
    %sub3A_1870 = arith.subf %sub3A_1869, %mul3A_1867 : vector<16xf32>
    %mul3A_1871 = arith.mulf %mul3A_1862, %sub3A_1870 : vector<16xf32>
    %mul3A_1872 = arith.mulf %add3A_1824, %mul3A_1871 : vector<16xf32>
    %max3A_1873 = arith.constant 9.99999996E-13 : f32
    %max3A_1874 = vector.broadcast %max3A_1873 : f32 to vector<16xf32>
    %max3A_1875 = arith.maximumf %mul3A_1872, %max3A_1874 : vector<16xf32>
    %xor3A_1876 = arith.constant 8 : i32
    %xor3A_1877 = vector.broadcast %xor3A_1876 : i32 to vector<16xi32>
    %xor3A_1878 = arith.xori %iota3A, %xor3A_1877 : vector<16xi32>
    %broadcast_in_dim3A_1879 = vector.shape_cast %xor3A_1878 : vector<16xi32> to vector<16x1xi32>
    %gather3A_1880 = vector.shape_cast %broadcast_in_dim3A_1879 : vector<16x1xi32> to vector<16xi32>
    %gather3A_1881 = tpu.dynamic_gather %scan3A_1795#0[%gather3A_1880] in [0] : vector<16xf32>, vector<16xi32> -> vector<16xf32>
    %add3A_1882 = arith.addf %scan3A_1795#0, %gather3A_1881 : vector<16xf32>
    %xor3A_1883 = arith.constant 4 : i32
    %xor3A_1884 = vector.broadcast %xor3A_1883 : i32 to vector<16xi32>
    %xor3A_1885 = arith.xori %iota3A, %xor3A_1884 : vector<16xi32>
    %broadcast_in_dim3A_1886 = vector.shape_cast %xor3A_1885 : vector<16xi32> to vector<16x1xi32>
    %gather3A_1887 = vector.shape_cast %broadcast_in_dim3A_1886 : vector<16x1xi32> to vector<16xi32>
    %gather3A_1888 = tpu.dynamic_gather %add3A_1882[%gather3A_1887] in [0] : vector<16xf32>, vector<16xi32> -> vector<16xf32>
    %add3A_1889 = arith.addf %add3A_1882, %gather3A_1888 : vector<16xf32>
    %xor3A_1890 = arith.constant 2 : i32
    %xor3A_1891 = vector.broadcast %xor3A_1890 : i32 to vector<16xi32>
    %xor3A_1892 = arith.xori %iota3A, %xor3A_1891 : vector<16xi32>
    %broadcast_in_dim3A_1893 = vector.shape_cast %xor3A_1892 : vector<16xi32> to vector<16x1xi32>
    %gather3A_1894 = vector.shape_cast %broadcast_in_dim3A_1893 : vector<16x1xi32> to vector<16xi32>
    %gather3A_1895 = tpu.dynamic_gather %add3A_1889[%gather3A_1894] in [0] : vector<16xf32>, vector<16xi32> -> vector<16xf32>
    %add3A_1896 = arith.addf %add3A_1889, %gather3A_1895 : vector<16xf32>
    %xor3A_1897 = arith.constant 1 : i32
    %xor3A_1898 = vector.broadcast %xor3A_1897 : i32 to vector<16xi32>
    %xor3A_1899 = arith.xori %iota3A, %xor3A_1898 : vector<16xi32>
    %broadcast_in_dim3A_1900 = vector.shape_cast %xor3A_1899 : vector<16xi32> to vector<16x1xi32>
    %gather3A_1901 = vector.shape_cast %broadcast_in_dim3A_1900 : vector<16x1xi32> to vector<16xi32>
    %gather3A_1902 = tpu.dynamic_gather %add3A_1896[%gather3A_1901] in [0] : vector<16xf32>, vector<16xi32> -> vector<16xf32>
    %add3A_1903 = arith.addf %add3A_1896, %gather3A_1902 : vector<16xf32>
    %mul3A_1904 = arith.mulf %max3A_184, %max3A_1875 : vector<16xf32>
    %div3A_1905 = arith.divf %add3A_1903, %mul3A_1904 : vector<16xf32>
    %eq3A_1906 = arith.constant 13 : i32
    %eq3A_1907 = vector.broadcast %eq3A_1906 : i32 to vector<16xi32>
    %eq3A_1908 = arith.cmpi eq, %iota3A, %eq3A_1907 : vector<16xi32>
    %select_n3A_1909 = arith.select %eq3A_1908, %div3A_1905, %select_n3A_1786 : vector<16xi1>, vector<16xf32>
    %broadcast_in_dim3A_1910 = arith.constant 0.000000e+00 : f32
    %broadcast_in_dim3A_1911 = vector.broadcast %broadcast_in_dim3A_1910 : f32 to vector<16xf32>
    %broadcast_in_dim3A_1912 = arith.constant 0.000000e+00 : f32
    %broadcast_in_dim3A_1913 = vector.broadcast %broadcast_in_dim3A_1912 : f32 to vector<16xf32>
    %scan3A_1914 = arith.constant 0 : i32
    %scan3A_1915 = arith.constant 16 : i32
    %scan3A_1916 = arith.addi %scan3A_1914, %scan3A_1915 : i32
    %scan3A_1917 = arith.constant 1 : i32
    %scan3A_1918:2 = scf.for %scan3A_4131 = %scan3A_1914 to %scan3A_1916 step %scan3A_1917 iter_args(%scan3A_4132 = %broadcast_in_dim3A_1911, %scan3A_4133 = %broadcast_in_dim3A_1913) -> (vector<16xf32>, vector<16xf32>)  : i32 {
      %mul3A_4134 = arith.constant 16 : i32
      %mul3A_4135 = arith.muli %scan3A_4131, %mul3A_4134 : i32
      %add3A_4136 = arith.constant 3584 : i32
      %add3A_4137 = arith.addi %add3A_4136, %mul3A_4135 : i32
      %get3A = arith.index_cast %add3A_4137 : i32 to index
      %get3A_4138 = tpu.vector_load %arg7[%get3A] {strides = array<i32>} : memref<8192xf32, #tpu.memory_space<vmem>>, vector<16xf32>,
      %get3A_4139 = vector.shape_cast %get3A_4138 : vector<16xf32> to vector<16xf32>
      %mul3A_4140 = arith.constant 16 : i32
      %mul3A_4141 = arith.muli %scan3A_4131, %mul3A_4140 : i32
      %get3A_4142 = arith.index_cast %mul3A_4141 : i32 to index
      %get3A_4143 = tpu.vector_load %arg9[%get3A_4142] {strides = array<i32>} : memref<256xf32, #tpu.memory_space<vmem>>, vector<16xf32>,
      %get3A_4144 = vector.shape_cast %get3A_4143 : vector<16xf32> to vector<16xf32>
      %mul3A_4145 = arith.mulf %get3A_4139, %get3A_4144 : vector<16xf32>
      %add3A_4146 = arith.addf %scan3A_4132, %mul3A_4145 : vector<16xf32>
      %mul3A_4147 = arith.mulf %get3A_4139, %get3A_4139 : vector<16xf32>
      %add3A_4148 = arith.addf %scan3A_4133, %mul3A_4147 : vector<16xf32>
      scf.yield %add3A_4146, %add3A_4148 : vector<16xf32>, vector<16xf32>
    }
    %scan3A_1919 = arith.constant 16 : i32
    %xor3A_1920 = arith.constant 8 : i32
    %xor3A_1921 = vector.broadcast %xor3A_1920 : i32 to vector<16xi32>
    %xor3A_1922 = arith.xori %iota3A, %xor3A_1921 : vector<16xi32>
    %broadcast_in_dim3A_1923 = vector.shape_cast %xor3A_1922 : vector<16xi32> to vector<16x1xi32>
    %gather3A_1924 = vector.shape_cast %broadcast_in_dim3A_1923 : vector<16x1xi32> to vector<16xi32>
    %gather3A_1925 = tpu.dynamic_gather %scan3A_1918#1[%gather3A_1924] in [0] : vector<16xf32>, vector<16xi32> -> vector<16xf32>
    %add3A_1926 = arith.addf %scan3A_1918#1, %gather3A_1925 : vector<16xf32>
    %xor3A_1927 = arith.constant 4 : i32
    %xor3A_1928 = vector.broadcast %xor3A_1927 : i32 to vector<16xi32>
    %xor3A_1929 = arith.xori %iota3A, %xor3A_1928 : vector<16xi32>
    %broadcast_in_dim3A_1930 = vector.shape_cast %xor3A_1929 : vector<16xi32> to vector<16x1xi32>
    %gather3A_1931 = vector.shape_cast %broadcast_in_dim3A_1930 : vector<16x1xi32> to vector<16xi32>
    %gather3A_1932 = tpu.dynamic_gather %add3A_1926[%gather3A_1931] in [0] : vector<16xf32>, vector<16xi32> -> vector<16xf32>
    %add3A_1933 = arith.addf %add3A_1926, %gather3A_1932 : vector<16xf32>
    %xor3A_1934 = arith.constant 2 : i32
    %xor3A_1935 = vector.broadcast %xor3A_1934 : i32 to vector<16xi32>
    %xor3A_1936 = arith.xori %iota3A, %xor3A_1935 : vector<16xi32>
    %broadcast_in_dim3A_1937 = vector.shape_cast %xor3A_1936 : vector<16xi32> to vector<16x1xi32>
    %gather3A_1938 = vector.shape_cast %broadcast_in_dim3A_1937 : vector<16x1xi32> to vector<16xi32>
    %gather3A_1939 = tpu.dynamic_gather %add3A_1933[%gather3A_1938] in [0] : vector<16xf32>, vector<16xi32> -> vector<16xf32>
    %add3A_1940 = arith.addf %add3A_1933, %gather3A_1939 : vector<16xf32>
    %xor3A_1941 = arith.constant 1 : i32
    %xor3A_1942 = vector.broadcast %xor3A_1941 : i32 to vector<16xi32>
    %xor3A_1943 = arith.xori %iota3A, %xor3A_1942 : vector<16xi32>
    %broadcast_in_dim3A_1944 = vector.shape_cast %xor3A_1943 : vector<16xi32> to vector<16x1xi32>
    %gather3A_1945 = vector.shape_cast %broadcast_in_dim3A_1944 : vector<16x1xi32> to vector<16xi32>
    %gather3A_1946 = tpu.dynamic_gather %add3A_1940[%gather3A_1945] in [0] : vector<16xf32>, vector<16xi32> -> vector<16xf32>
    %add3A_1947 = arith.addf %add3A_1940, %gather3A_1946 : vector<16xf32>
    %max3A_1948 = arith.constant 1.000000e-30 : f32
    %max3A_1949 = vector.broadcast %max3A_1948 : f32 to vector<16xf32>
    %max3A_1950 = arith.maximumf %add3A_1947, %max3A_1949 : vector<16xf32>
    %bitcast_convert_type3A_1951 = tpu.bitcast %max3A_1950 : vector<16xf32> -> vector<16xi32>
    %shift_right_arithmetic3A_1952 = arith.constant 1 : i32
    %shift_right_arithmetic3A_1953 = vector.broadcast %shift_right_arithmetic3A_1952 : i32 to vector<16xi32>
    %shift_right_arithmetic3A_1954 = arith.shrsi %bitcast_convert_type3A_1951, %shift_right_arithmetic3A_1953 : vector<16xi32>
    %sub3A_1955 = arith.constant 1597463007 : i32
    %sub3A_1956 = vector.broadcast %sub3A_1955 : i32 to vector<16xi32>
    %sub3A_1957 = arith.subi %sub3A_1956, %shift_right_arithmetic3A_1954 : vector<16xi32>
    %bitcast_convert_type3A_1958 = tpu.bitcast %sub3A_1957 : vector<16xi32> -> vector<16xf32>
    %mul3A_1959 = arith.constant 5.000000e-01 : f32
    %mul3A_1960 = vector.broadcast %mul3A_1959 : f32 to vector<16xf32>
    %mul3A_1961 = arith.mulf %mul3A_1960, %max3A_1950 : vector<16xf32>
    %mul3A_1962 = arith.mulf %mul3A_1961, %bitcast_convert_type3A_1958 : vector<16xf32>
    %mul3A_1963 = arith.mulf %mul3A_1962, %bitcast_convert_type3A_1958 : vector<16xf32>
    %sub3A_1964 = arith.constant 1.500000e+00 : f32
    %sub3A_1965 = vector.broadcast %sub3A_1964 : f32 to vector<16xf32>
    %sub3A_1966 = arith.subf %sub3A_1965, %mul3A_1963 : vector<16xf32>
    %mul3A_1967 = arith.mulf %bitcast_convert_type3A_1958, %sub3A_1966 : vector<16xf32>
    %mul3A_1968 = arith.constant 5.000000e-01 : f32
    %mul3A_1969 = vector.broadcast %mul3A_1968 : f32 to vector<16xf32>
    %mul3A_1970 = arith.mulf %mul3A_1969, %max3A_1950 : vector<16xf32>
    %mul3A_1971 = arith.mulf %mul3A_1970, %mul3A_1967 : vector<16xf32>
    %mul3A_1972 = arith.mulf %mul3A_1971, %mul3A_1967 : vector<16xf32>
    %sub3A_1973 = arith.constant 1.500000e+00 : f32
    %sub3A_1974 = vector.broadcast %sub3A_1973 : f32 to vector<16xf32>
    %sub3A_1975 = arith.subf %sub3A_1974, %mul3A_1972 : vector<16xf32>
    %mul3A_1976 = arith.mulf %mul3A_1967, %sub3A_1975 : vector<16xf32>
    %mul3A_1977 = arith.constant 5.000000e-01 : f32
    %mul3A_1978 = vector.broadcast %mul3A_1977 : f32 to vector<16xf32>
    %mul3A_1979 = arith.mulf %mul3A_1978, %max3A_1950 : vector<16xf32>
    %mul3A_1980 = arith.mulf %mul3A_1979, %mul3A_1976 : vector<16xf32>
    %mul3A_1981 = arith.mulf %mul3A_1980, %mul3A_1976 : vector<16xf32>
    %sub3A_1982 = arith.constant 1.500000e+00 : f32
    %sub3A_1983 = vector.broadcast %sub3A_1982 : f32 to vector<16xf32>
    %sub3A_1984 = arith.subf %sub3A_1983, %mul3A_1981 : vector<16xf32>
    %mul3A_1985 = arith.mulf %mul3A_1976, %sub3A_1984 : vector<16xf32>
    %mul3A_1986 = arith.constant 5.000000e-01 : f32
    %mul3A_1987 = vector.broadcast %mul3A_1986 : f32 to vector<16xf32>
    %mul3A_1988 = arith.mulf %mul3A_1987, %max3A_1950 : vector<16xf32>
    %mul3A_1989 = arith.mulf %mul3A_1988, %mul3A_1985 : vector<16xf32>
    %mul3A_1990 = arith.mulf %mul3A_1989, %mul3A_1985 : vector<16xf32>
    %sub3A_1991 = arith.constant 1.500000e+00 : f32
    %sub3A_1992 = vector.broadcast %sub3A_1991 : f32 to vector<16xf32>
    %sub3A_1993 = arith.subf %sub3A_1992, %mul3A_1990 : vector<16xf32>
    %mul3A_1994 = arith.mulf %mul3A_1985, %sub3A_1993 : vector<16xf32>
    %mul3A_1995 = arith.mulf %add3A_1947, %mul3A_1994 : vector<16xf32>
    %max3A_1996 = arith.constant 9.99999996E-13 : f32
    %max3A_1997 = vector.broadcast %max3A_1996 : f32 to vector<16xf32>
    %max3A_1998 = arith.maximumf %mul3A_1995, %max3A_1997 : vector<16xf32>
    %xor3A_1999 = arith.constant 8 : i32
    %xor3A_2000 = vector.broadcast %xor3A_1999 : i32 to vector<16xi32>
    %xor3A_2001 = arith.xori %iota3A, %xor3A_2000 : vector<16xi32>
    %broadcast_in_dim3A_2002 = vector.shape_cast %xor3A_2001 : vector<16xi32> to vector<16x1xi32>
    %gather3A_2003 = vector.shape_cast %broadcast_in_dim3A_2002 : vector<16x1xi32> to vector<16xi32>
    %gather3A_2004 = tpu.dynamic_gather %scan3A_1918#0[%gather3A_2003] in [0] : vector<16xf32>, vector<16xi32> -> vector<16xf32>
    %add3A_2005 = arith.addf %scan3A_1918#0, %gather3A_2004 : vector<16xf32>
    %xor3A_2006 = arith.constant 4 : i32
    %xor3A_2007 = vector.broadcast %xor3A_2006 : i32 to vector<16xi32>
    %xor3A_2008 = arith.xori %iota3A, %xor3A_2007 : vector<16xi32>
    %broadcast_in_dim3A_2009 = vector.shape_cast %xor3A_2008 : vector<16xi32> to vector<16x1xi32>
    %gather3A_2010 = vector.shape_cast %broadcast_in_dim3A_2009 : vector<16x1xi32> to vector<16xi32>
    %gather3A_2011 = tpu.dynamic_gather %add3A_2005[%gather3A_2010] in [0] : vector<16xf32>, vector<16xi32> -> vector<16xf32>
    %add3A_2012 = arith.addf %add3A_2005, %gather3A_2011 : vector<16xf32>
    %xor3A_2013 = arith.constant 2 : i32
    %xor3A_2014 = vector.broadcast %xor3A_2013 : i32 to vector<16xi32>
    %xor3A_2015 = arith.xori %iota3A, %xor3A_2014 : vector<16xi32>
    %broadcast_in_dim3A_2016 = vector.shape_cast %xor3A_2015 : vector<16xi32> to vector<16x1xi32>
    %gather3A_2017 = vector.shape_cast %broadcast_in_dim3A_2016 : vector<16x1xi32> to vector<16xi32>
    %gather3A_2018 = tpu.dynamic_gather %add3A_2012[%gather3A_2017] in [0] : vector<16xf32>, vector<16xi32> -> vector<16xf32>
    %add3A_2019 = arith.addf %add3A_2012, %gather3A_2018 : vector<16xf32>
    %xor3A_2020 = arith.constant 1 : i32
    %xor3A_2021 = vector.broadcast %xor3A_2020 : i32 to vector<16xi32>
    %xor3A_2022 = arith.xori %iota3A, %xor3A_2021 : vector<16xi32>
    %broadcast_in_dim3A_2023 = vector.shape_cast %xor3A_2022 : vector<16xi32> to vector<16x1xi32>
    %gather3A_2024 = vector.shape_cast %broadcast_in_dim3A_2023 : vector<16x1xi32> to vector<16xi32>
    %gather3A_2025 = tpu.dynamic_gather %add3A_2019[%gather3A_2024] in [0] : vector<16xf32>, vector<16xi32> -> vector<16xf32>
    %add3A_2026 = arith.addf %add3A_2019, %gather3A_2025 : vector<16xf32>
    %mul3A_2027 = arith.mulf %max3A_184, %max3A_1998 : vector<16xf32>
    %div3A_2028 = arith.divf %add3A_2026, %mul3A_2027 : vector<16xf32>
    %eq3A_2029 = arith.constant 14 : i32
    %eq3A_2030 = vector.broadcast %eq3A_2029 : i32 to vector<16xi32>
    %eq3A_2031 = arith.cmpi eq, %iota3A, %eq3A_2030 : vector<16xi32>
    %select_n3A_2032 = arith.select %eq3A_2031, %div3A_2028, %select_n3A_1909 : vector<16xi1>, vector<16xf32>
    %broadcast_in_dim3A_2033 = arith.constant 0.000000e+00 : f32
    %broadcast_in_dim3A_2034 = vector.broadcast %broadcast_in_dim3A_2033 : f32 to vector<16xf32>
    %broadcast_in_dim3A_2035 = arith.constant 0.000000e+00 : f32
    %broadcast_in_dim3A_2036 = vector.broadcast %broadcast_in_dim3A_2035 : f32 to vector<16xf32>
    %scan3A_2037 = arith.constant 0 : i32
    %scan3A_2038 = arith.constant 16 : i32
    %scan3A_2039 = arith.addi %scan3A_2037, %scan3A_2038 : i32
    %scan3A_2040 = arith.constant 1 : i32
    %scan3A_2041:2 = scf.for %scan3A_4131 = %scan3A_2037 to %scan3A_2039 step %scan3A_2040 iter_args(%scan3A_4132 = %broadcast_in_dim3A_2034, %scan3A_4133 = %broadcast_in_dim3A_2036) -> (vector<16xf32>, vector<16xf32>)  : i32 {
      %mul3A_4134 = arith.constant 16 : i32
      %mul3A_4135 = arith.muli %scan3A_4131, %mul3A_4134 : i32
      %add3A_4136 = arith.constant 3840 : i32
      %add3A_4137 = arith.addi %add3A_4136, %mul3A_4135 : i32
      %get3A = arith.index_cast %add3A_4137 : i32 to index
      %get3A_4138 = tpu.vector_load %arg7[%get3A] {strides = array<i32>} : memref<8192xf32, #tpu.memory_space<vmem>>, vector<16xf32>,
      %get3A_4139 = vector.shape_cast %get3A_4138 : vector<16xf32> to vector<16xf32>
      %mul3A_4140 = arith.constant 16 : i32
      %mul3A_4141 = arith.muli %scan3A_4131, %mul3A_4140 : i32
      %get3A_4142 = arith.index_cast %mul3A_4141 : i32 to index
      %get3A_4143 = tpu.vector_load %arg9[%get3A_4142] {strides = array<i32>} : memref<256xf32, #tpu.memory_space<vmem>>, vector<16xf32>,
      %get3A_4144 = vector.shape_cast %get3A_4143 : vector<16xf32> to vector<16xf32>
      %mul3A_4145 = arith.mulf %get3A_4139, %get3A_4144 : vector<16xf32>
      %add3A_4146 = arith.addf %scan3A_4132, %mul3A_4145 : vector<16xf32>
      %mul3A_4147 = arith.mulf %get3A_4139, %get3A_4139 : vector<16xf32>
      %add3A_4148 = arith.addf %scan3A_4133, %mul3A_4147 : vector<16xf32>
      scf.yield %add3A_4146, %add3A_4148 : vector<16xf32>, vector<16xf32>
    }
    %scan3A_2042 = arith.constant 16 : i32
    %xor3A_2043 = arith.constant 8 : i32
    %xor3A_2044 = vector.broadcast %xor3A_2043 : i32 to vector<16xi32>
    %xor3A_2045 = arith.xori %iota3A, %xor3A_2044 : vector<16xi32>
    %broadcast_in_dim3A_2046 = vector.shape_cast %xor3A_2045 : vector<16xi32> to vector<16x1xi32>
    %gather3A_2047 = vector.shape_cast %broadcast_in_dim3A_2046 : vector<16x1xi32> to vector<16xi32>
    %gather3A_2048 = tpu.dynamic_gather %scan3A_2041#1[%gather3A_2047] in [0] : vector<16xf32>, vector<16xi32> -> vector<16xf32>
    %add3A_2049 = arith.addf %scan3A_2041#1, %gather3A_2048 : vector<16xf32>
    %xor3A_2050 = arith.constant 4 : i32
    %xor3A_2051 = vector.broadcast %xor3A_2050 : i32 to vector<16xi32>
    %xor3A_2052 = arith.xori %iota3A, %xor3A_2051 : vector<16xi32>
    %broadcast_in_dim3A_2053 = vector.shape_cast %xor3A_2052 : vector<16xi32> to vector<16x1xi32>
    %gather3A_2054 = vector.shape_cast %broadcast_in_dim3A_2053 : vector<16x1xi32> to vector<16xi32>
    %gather3A_2055 = tpu.dynamic_gather %add3A_2049[%gather3A_2054] in [0] : vector<16xf32>, vector<16xi32> -> vector<16xf32>
    %add3A_2056 = arith.addf %add3A_2049, %gather3A_2055 : vector<16xf32>
    %xor3A_2057 = arith.constant 2 : i32
    %xor3A_2058 = vector.broadcast %xor3A_2057 : i32 to vector<16xi32>
    %xor3A_2059 = arith.xori %iota3A, %xor3A_2058 : vector<16xi32>
    %broadcast_in_dim3A_2060 = vector.shape_cast %xor3A_2059 : vector<16xi32> to vector<16x1xi32>
    %gather3A_2061 = vector.shape_cast %broadcast_in_dim3A_2060 : vector<16x1xi32> to vector<16xi32>
    %gather3A_2062 = tpu.dynamic_gather %add3A_2056[%gather3A_2061] in [0] : vector<16xf32>, vector<16xi32> -> vector<16xf32>
    %add3A_2063 = arith.addf %add3A_2056, %gather3A_2062 : vector<16xf32>
    %xor3A_2064 = arith.constant 1 : i32
    %xor3A_2065 = vector.broadcast %xor3A_2064 : i32 to vector<16xi32>
    %xor3A_2066 = arith.xori %iota3A, %xor3A_2065 : vector<16xi32>
    %broadcast_in_dim3A_2067 = vector.shape_cast %xor3A_2066 : vector<16xi32> to vector<16x1xi32>
    %gather3A_2068 = vector.shape_cast %broadcast_in_dim3A_2067 : vector<16x1xi32> to vector<16xi32>
    %gather3A_2069 = tpu.dynamic_gather %add3A_2063[%gather3A_2068] in [0] : vector<16xf32>, vector<16xi32> -> vector<16xf32>
    %add3A_2070 = arith.addf %add3A_2063, %gather3A_2069 : vector<16xf32>
    %max3A_2071 = arith.constant 1.000000e-30 : f32
    %max3A_2072 = vector.broadcast %max3A_2071 : f32 to vector<16xf32>
    %max3A_2073 = arith.maximumf %add3A_2070, %max3A_2072 : vector<16xf32>
    %bitcast_convert_type3A_2074 = tpu.bitcast %max3A_2073 : vector<16xf32> -> vector<16xi32>
    %shift_right_arithmetic3A_2075 = arith.constant 1 : i32
    %shift_right_arithmetic3A_2076 = vector.broadcast %shift_right_arithmetic3A_2075 : i32 to vector<16xi32>
    %shift_right_arithmetic3A_2077 = arith.shrsi %bitcast_convert_type3A_2074, %shift_right_arithmetic3A_2076 : vector<16xi32>
    %sub3A_2078 = arith.constant 1597463007 : i32
    %sub3A_2079 = vector.broadcast %sub3A_2078 : i32 to vector<16xi32>
    %sub3A_2080 = arith.subi %sub3A_2079, %shift_right_arithmetic3A_2077 : vector<16xi32>
    %bitcast_convert_type3A_2081 = tpu.bitcast %sub3A_2080 : vector<16xi32> -> vector<16xf32>
    %mul3A_2082 = arith.constant 5.000000e-01 : f32
    %mul3A_2083 = vector.broadcast %mul3A_2082 : f32 to vector<16xf32>
    %mul3A_2084 = arith.mulf %mul3A_2083, %max3A_2073 : vector<16xf32>
    %mul3A_2085 = arith.mulf %mul3A_2084, %bitcast_convert_type3A_2081 : vector<16xf32>
    %mul3A_2086 = arith.mulf %mul3A_2085, %bitcast_convert_type3A_2081 : vector<16xf32>
    %sub3A_2087 = arith.constant 1.500000e+00 : f32
    %sub3A_2088 = vector.broadcast %sub3A_2087 : f32 to vector<16xf32>
    %sub3A_2089 = arith.subf %sub3A_2088, %mul3A_2086 : vector<16xf32>
    %mul3A_2090 = arith.mulf %bitcast_convert_type3A_2081, %sub3A_2089 : vector<16xf32>
    %mul3A_2091 = arith.constant 5.000000e-01 : f32
    %mul3A_2092 = vector.broadcast %mul3A_2091 : f32 to vector<16xf32>
    %mul3A_2093 = arith.mulf %mul3A_2092, %max3A_2073 : vector<16xf32>
    %mul3A_2094 = arith.mulf %mul3A_2093, %mul3A_2090 : vector<16xf32>
    %mul3A_2095 = arith.mulf %mul3A_2094, %mul3A_2090 : vector<16xf32>
    %sub3A_2096 = arith.constant 1.500000e+00 : f32
    %sub3A_2097 = vector.broadcast %sub3A_2096 : f32 to vector<16xf32>
    %sub3A_2098 = arith.subf %sub3A_2097, %mul3A_2095 : vector<16xf32>
    %mul3A_2099 = arith.mulf %mul3A_2090, %sub3A_2098 : vector<16xf32>
    %mul3A_2100 = arith.constant 5.000000e-01 : f32
    %mul3A_2101 = vector.broadcast %mul3A_2100 : f32 to vector<16xf32>
    %mul3A_2102 = arith.mulf %mul3A_2101, %max3A_2073 : vector<16xf32>
    %mul3A_2103 = arith.mulf %mul3A_2102, %mul3A_2099 : vector<16xf32>
    %mul3A_2104 = arith.mulf %mul3A_2103, %mul3A_2099 : vector<16xf32>
    %sub3A_2105 = arith.constant 1.500000e+00 : f32
    %sub3A_2106 = vector.broadcast %sub3A_2105 : f32 to vector<16xf32>
    %sub3A_2107 = arith.subf %sub3A_2106, %mul3A_2104 : vector<16xf32>
    %mul3A_2108 = arith.mulf %mul3A_2099, %sub3A_2107 : vector<16xf32>
    %mul3A_2109 = arith.constant 5.000000e-01 : f32
    %mul3A_2110 = vector.broadcast %mul3A_2109 : f32 to vector<16xf32>
    %mul3A_2111 = arith.mulf %mul3A_2110, %max3A_2073 : vector<16xf32>
    %mul3A_2112 = arith.mulf %mul3A_2111, %mul3A_2108 : vector<16xf32>
    %mul3A_2113 = arith.mulf %mul3A_2112, %mul3A_2108 : vector<16xf32>
    %sub3A_2114 = arith.constant 1.500000e+00 : f32
    %sub3A_2115 = vector.broadcast %sub3A_2114 : f32 to vector<16xf32>
    %sub3A_2116 = arith.subf %sub3A_2115, %mul3A_2113 : vector<16xf32>
    %mul3A_2117 = arith.mulf %mul3A_2108, %sub3A_2116 : vector<16xf32>
    %mul3A_2118 = arith.mulf %add3A_2070, %mul3A_2117 : vector<16xf32>
    %max3A_2119 = arith.constant 9.99999996E-13 : f32
    %max3A_2120 = vector.broadcast %max3A_2119 : f32 to vector<16xf32>
    %max3A_2121 = arith.maximumf %mul3A_2118, %max3A_2120 : vector<16xf32>
    %xor3A_2122 = arith.constant 8 : i32
    %xor3A_2123 = vector.broadcast %xor3A_2122 : i32 to vector<16xi32>
    %xor3A_2124 = arith.xori %iota3A, %xor3A_2123 : vector<16xi32>
    %broadcast_in_dim3A_2125 = vector.shape_cast %xor3A_2124 : vector<16xi32> to vector<16x1xi32>
    %gather3A_2126 = vector.shape_cast %broadcast_in_dim3A_2125 : vector<16x1xi32> to vector<16xi32>
    %gather3A_2127 = tpu.dynamic_gather %scan3A_2041#0[%gather3A_2126] in [0] : vector<16xf32>, vector<16xi32> -> vector<16xf32>
    %add3A_2128 = arith.addf %scan3A_2041#0, %gather3A_2127 : vector<16xf32>
    %xor3A_2129 = arith.constant 4 : i32
    %xor3A_2130 = vector.broadcast %xor3A_2129 : i32 to vector<16xi32>
    %xor3A_2131 = arith.xori %iota3A, %xor3A_2130 : vector<16xi32>
    %broadcast_in_dim3A_2132 = vector.shape_cast %xor3A_2131 : vector<16xi32> to vector<16x1xi32>
    %gather3A_2133 = vector.shape_cast %broadcast_in_dim3A_2132 : vector<16x1xi32> to vector<16xi32>
    %gather3A_2134 = tpu.dynamic_gather %add3A_2128[%gather3A_2133] in [0] : vector<16xf32>, vector<16xi32> -> vector<16xf32>
    %add3A_2135 = arith.addf %add3A_2128, %gather3A_2134 : vector<16xf32>
    %xor3A_2136 = arith.constant 2 : i32
    %xor3A_2137 = vector.broadcast %xor3A_2136 : i32 to vector<16xi32>
    %xor3A_2138 = arith.xori %iota3A, %xor3A_2137 : vector<16xi32>
    %broadcast_in_dim3A_2139 = vector.shape_cast %xor3A_2138 : vector<16xi32> to vector<16x1xi32>
    %gather3A_2140 = vector.shape_cast %broadcast_in_dim3A_2139 : vector<16x1xi32> to vector<16xi32>
    %gather3A_2141 = tpu.dynamic_gather %add3A_2135[%gather3A_2140] in [0] : vector<16xf32>, vector<16xi32> -> vector<16xf32>
    %add3A_2142 = arith.addf %add3A_2135, %gather3A_2141 : vector<16xf32>
    %xor3A_2143 = arith.constant 1 : i32
    %xor3A_2144 = vector.broadcast %xor3A_2143 : i32 to vector<16xi32>
    %xor3A_2145 = arith.xori %iota3A, %xor3A_2144 : vector<16xi32>
    %broadcast_in_dim3A_2146 = vector.shape_cast %xor3A_2145 : vector<16xi32> to vector<16x1xi32>
    %gather3A_2147 = vector.shape_cast %broadcast_in_dim3A_2146 : vector<16x1xi32> to vector<16xi32>
    %gather3A_2148 = tpu.dynamic_gather %add3A_2142[%gather3A_2147] in [0] : vector<16xf32>, vector<16xi32> -> vector<16xf32>
    %add3A_2149 = arith.addf %add3A_2142, %gather3A_2148 : vector<16xf32>
    %mul3A_2150 = arith.mulf %max3A_184, %max3A_2121 : vector<16xf32>
    %div3A_2151 = arith.divf %add3A_2149, %mul3A_2150 : vector<16xf32>
    %eq3A_2152 = arith.constant 15 : i32
    %eq3A_2153 = vector.broadcast %eq3A_2152 : i32 to vector<16xi32>
    %eq3A_2154 = arith.cmpi eq, %iota3A, %eq3A_2153 : vector<16xi32>
    %select_n3A_2155 = arith.select %eq3A_2154, %div3A_2151, %select_n3A_2032 : vector<16xi1>, vector<16xf32>
    %broadcast_in_dim3A_2156 = arith.constant 0.000000e+00 : f32
    %broadcast_in_dim3A_2157 = vector.broadcast %broadcast_in_dim3A_2156 : f32 to vector<16xf32>
    %broadcast_in_dim3A_2158 = arith.constant 0.000000e+00 : f32
    %broadcast_in_dim3A_2159 = vector.broadcast %broadcast_in_dim3A_2158 : f32 to vector<16xf32>
    %scan3A_2160 = arith.constant 0 : i32
    %scan3A_2161 = arith.constant 16 : i32
    %scan3A_2162 = arith.addi %scan3A_2160, %scan3A_2161 : i32
    %scan3A_2163 = arith.constant 1 : i32
    %scan3A_2164:2 = scf.for %scan3A_4131 = %scan3A_2160 to %scan3A_2162 step %scan3A_2163 iter_args(%scan3A_4132 = %broadcast_in_dim3A_2157, %scan3A_4133 = %broadcast_in_dim3A_2159) -> (vector<16xf32>, vector<16xf32>)  : i32 {
      %mul3A_4134 = arith.constant 16 : i32
      %mul3A_4135 = arith.muli %scan3A_4131, %mul3A_4134 : i32
      %add3A_4136 = arith.constant 4096 : i32
      %add3A_4137 = arith.addi %add3A_4136, %mul3A_4135 : i32
      %get3A = arith.index_cast %add3A_4137 : i32 to index
      %get3A_4138 = tpu.vector_load %arg7[%get3A] {strides = array<i32>} : memref<8192xf32, #tpu.memory_space<vmem>>, vector<16xf32>,
      %get3A_4139 = vector.shape_cast %get3A_4138 : vector<16xf32> to vector<16xf32>
      %mul3A_4140 = arith.constant 16 : i32
      %mul3A_4141 = arith.muli %scan3A_4131, %mul3A_4140 : i32
      %get3A_4142 = arith.index_cast %mul3A_4141 : i32 to index
      %get3A_4143 = tpu.vector_load %arg9[%get3A_4142] {strides = array<i32>} : memref<256xf32, #tpu.memory_space<vmem>>, vector<16xf32>,
      %get3A_4144 = vector.shape_cast %get3A_4143 : vector<16xf32> to vector<16xf32>
      %mul3A_4145 = arith.mulf %get3A_4139, %get3A_4144 : vector<16xf32>
      %add3A_4146 = arith.addf %scan3A_4132, %mul3A_4145 : vector<16xf32>
      %mul3A_4147 = arith.mulf %get3A_4139, %get3A_4139 : vector<16xf32>
      %add3A_4148 = arith.addf %scan3A_4133, %mul3A_4147 : vector<16xf32>
      scf.yield %add3A_4146, %add3A_4148 : vector<16xf32>, vector<16xf32>
    }
    %scan3A_2165 = arith.constant 16 : i32
    %xor3A_2166 = arith.constant 8 : i32
    %xor3A_2167 = vector.broadcast %xor3A_2166 : i32 to vector<16xi32>
    %xor3A_2168 = arith.xori %iota3A, %xor3A_2167 : vector<16xi32>
    %broadcast_in_dim3A_2169 = vector.shape_cast %xor3A_2168 : vector<16xi32> to vector<16x1xi32>
    %gather3A_2170 = vector.shape_cast %broadcast_in_dim3A_2169 : vector<16x1xi32> to vector<16xi32>
    %gather3A_2171 = tpu.dynamic_gather %scan3A_2164#1[%gather3A_2170] in [0] : vector<16xf32>, vector<16xi32> -> vector<16xf32>
    %add3A_2172 = arith.addf %scan3A_2164#1, %gather3A_2171 : vector<16xf32>
    %xor3A_2173 = arith.constant 4 : i32
    %xor3A_2174 = vector.broadcast %xor3A_2173 : i32 to vector<16xi32>
    %xor3A_2175 = arith.xori %iota3A, %xor3A_2174 : vector<16xi32>
    %broadcast_in_dim3A_2176 = vector.shape_cast %xor3A_2175 : vector<16xi32> to vector<16x1xi32>
    %gather3A_2177 = vector.shape_cast %broadcast_in_dim3A_2176 : vector<16x1xi32> to vector<16xi32>
    %gather3A_2178 = tpu.dynamic_gather %add3A_2172[%gather3A_2177] in [0] : vector<16xf32>, vector<16xi32> -> vector<16xf32>
    %add3A_2179 = arith.addf %add3A_2172, %gather3A_2178 : vector<16xf32>
    %xor3A_2180 = arith.constant 2 : i32
    %xor3A_2181 = vector.broadcast %xor3A_2180 : i32 to vector<16xi32>
    %xor3A_2182 = arith.xori %iota3A, %xor3A_2181 : vector<16xi32>
    %broadcast_in_dim3A_2183 = vector.shape_cast %xor3A_2182 : vector<16xi32> to vector<16x1xi32>
    %gather3A_2184 = vector.shape_cast %broadcast_in_dim3A_2183 : vector<16x1xi32> to vector<16xi32>
    %gather3A_2185 = tpu.dynamic_gather %add3A_2179[%gather3A_2184] in [0] : vector<16xf32>, vector<16xi32> -> vector<16xf32>
    %add3A_2186 = arith.addf %add3A_2179, %gather3A_2185 : vector<16xf32>
    %xor3A_2187 = arith.constant 1 : i32
    %xor3A_2188 = vector.broadcast %xor3A_2187 : i32 to vector<16xi32>
    %xor3A_2189 = arith.xori %iota3A, %xor3A_2188 : vector<16xi32>
    %broadcast_in_dim3A_2190 = vector.shape_cast %xor3A_2189 : vector<16xi32> to vector<16x1xi32>
    %gather3A_2191 = vector.shape_cast %broadcast_in_dim3A_2190 : vector<16x1xi32> to vector<16xi32>
    %gather3A_2192 = tpu.dynamic_gather %add3A_2186[%gather3A_2191] in [0] : vector<16xf32>, vector<16xi32> -> vector<16xf32>
    %add3A_2193 = arith.addf %add3A_2186, %gather3A_2192 : vector<16xf32>
    %max3A_2194 = arith.constant 1.000000e-30 : f32
    %max3A_2195 = vector.broadcast %max3A_2194 : f32 to vector<16xf32>
    %max3A_2196 = arith.maximumf %add3A_2193, %max3A_2195 : vector<16xf32>
    %bitcast_convert_type3A_2197 = tpu.bitcast %max3A_2196 : vector<16xf32> -> vector<16xi32>
    %shift_right_arithmetic3A_2198 = arith.constant 1 : i32
    %shift_right_arithmetic3A_2199 = vector.broadcast %shift_right_arithmetic3A_2198 : i32 to vector<16xi32>
    %shift_right_arithmetic3A_2200 = arith.shrsi %bitcast_convert_type3A_2197, %shift_right_arithmetic3A_2199 : vector<16xi32>
    %sub3A_2201 = arith.constant 1597463007 : i32
    %sub3A_2202 = vector.broadcast %sub3A_2201 : i32 to vector<16xi32>
    %sub3A_2203 = arith.subi %sub3A_2202, %shift_right_arithmetic3A_2200 : vector<16xi32>
    %bitcast_convert_type3A_2204 = tpu.bitcast %sub3A_2203 : vector<16xi32> -> vector<16xf32>
    %mul3A_2205 = arith.constant 5.000000e-01 : f32
    %mul3A_2206 = vector.broadcast %mul3A_2205 : f32 to vector<16xf32>
    %mul3A_2207 = arith.mulf %mul3A_2206, %max3A_2196 : vector<16xf32>
    %mul3A_2208 = arith.mulf %mul3A_2207, %bitcast_convert_type3A_2204 : vector<16xf32>
    %mul3A_2209 = arith.mulf %mul3A_2208, %bitcast_convert_type3A_2204 : vector<16xf32>
    %sub3A_2210 = arith.constant 1.500000e+00 : f32
    %sub3A_2211 = vector.broadcast %sub3A_2210 : f32 to vector<16xf32>
    %sub3A_2212 = arith.subf %sub3A_2211, %mul3A_2209 : vector<16xf32>
    %mul3A_2213 = arith.mulf %bitcast_convert_type3A_2204, %sub3A_2212 : vector<16xf32>
    %mul3A_2214 = arith.constant 5.000000e-01 : f32
    %mul3A_2215 = vector.broadcast %mul3A_2214 : f32 to vector<16xf32>
    %mul3A_2216 = arith.mulf %mul3A_2215, %max3A_2196 : vector<16xf32>
    %mul3A_2217 = arith.mulf %mul3A_2216, %mul3A_2213 : vector<16xf32>
    %mul3A_2218 = arith.mulf %mul3A_2217, %mul3A_2213 : vector<16xf32>
    %sub3A_2219 = arith.constant 1.500000e+00 : f32
    %sub3A_2220 = vector.broadcast %sub3A_2219 : f32 to vector<16xf32>
    %sub3A_2221 = arith.subf %sub3A_2220, %mul3A_2218 : vector<16xf32>
    %mul3A_2222 = arith.mulf %mul3A_2213, %sub3A_2221 : vector<16xf32>
    %mul3A_2223 = arith.constant 5.000000e-01 : f32
    %mul3A_2224 = vector.broadcast %mul3A_2223 : f32 to vector<16xf32>
    %mul3A_2225 = arith.mulf %mul3A_2224, %max3A_2196 : vector<16xf32>
    %mul3A_2226 = arith.mulf %mul3A_2225, %mul3A_2222 : vector<16xf32>
    %mul3A_2227 = arith.mulf %mul3A_2226, %mul3A_2222 : vector<16xf32>
    %sub3A_2228 = arith.constant 1.500000e+00 : f32
    %sub3A_2229 = vector.broadcast %sub3A_2228 : f32 to vector<16xf32>
    %sub3A_2230 = arith.subf %sub3A_2229, %mul3A_2227 : vector<16xf32>
    %mul3A_2231 = arith.mulf %mul3A_2222, %sub3A_2230 : vector<16xf32>
    %mul3A_2232 = arith.constant 5.000000e-01 : f32
    %mul3A_2233 = vector.broadcast %mul3A_2232 : f32 to vector<16xf32>
    %mul3A_2234 = arith.mulf %mul3A_2233, %max3A_2196 : vector<16xf32>
    %mul3A_2235 = arith.mulf %mul3A_2234, %mul3A_2231 : vector<16xf32>
    %mul3A_2236 = arith.mulf %mul3A_2235, %mul3A_2231 : vector<16xf32>
    %sub3A_2237 = arith.constant 1.500000e+00 : f32
    %sub3A_2238 = vector.broadcast %sub3A_2237 : f32 to vector<16xf32>
    %sub3A_2239 = arith.subf %sub3A_2238, %mul3A_2236 : vector<16xf32>
    %mul3A_2240 = arith.mulf %mul3A_2231, %sub3A_2239 : vector<16xf32>
    %mul3A_2241 = arith.mulf %add3A_2193, %mul3A_2240 : vector<16xf32>
    %max3A_2242 = arith.constant 9.99999996E-13 : f32
    %max3A_2243 = vector.broadcast %max3A_2242 : f32 to vector<16xf32>
    %max3A_2244 = arith.maximumf %mul3A_2241, %max3A_2243 : vector<16xf32>
    %xor3A_2245 = arith.constant 8 : i32
    %xor3A_2246 = vector.broadcast %xor3A_2245 : i32 to vector<16xi32>
    %xor3A_2247 = arith.xori %iota3A, %xor3A_2246 : vector<16xi32>
    %broadcast_in_dim3A_2248 = vector.shape_cast %xor3A_2247 : vector<16xi32> to vector<16x1xi32>
    %gather3A_2249 = vector.shape_cast %broadcast_in_dim3A_2248 : vector<16x1xi32> to vector<16xi32>
    %gather3A_2250 = tpu.dynamic_gather %scan3A_2164#0[%gather3A_2249] in [0] : vector<16xf32>, vector<16xi32> -> vector<16xf32>
    %add3A_2251 = arith.addf %scan3A_2164#0, %gather3A_2250 : vector<16xf32>
    %xor3A_2252 = arith.constant 4 : i32
    %xor3A_2253 = vector.broadcast %xor3A_2252 : i32 to vector<16xi32>
    %xor3A_2254 = arith.xori %iota3A, %xor3A_2253 : vector<16xi32>
    %broadcast_in_dim3A_2255 = vector.shape_cast %xor3A_2254 : vector<16xi32> to vector<16x1xi32>
    %gather3A_2256 = vector.shape_cast %broadcast_in_dim3A_2255 : vector<16x1xi32> to vector<16xi32>
    %gather3A_2257 = tpu.dynamic_gather %add3A_2251[%gather3A_2256] in [0] : vector<16xf32>, vector<16xi32> -> vector<16xf32>
    %add3A_2258 = arith.addf %add3A_2251, %gather3A_2257 : vector<16xf32>
    %xor3A_2259 = arith.constant 2 : i32
    %xor3A_2260 = vector.broadcast %xor3A_2259 : i32 to vector<16xi32>
    %xor3A_2261 = arith.xori %iota3A, %xor3A_2260 : vector<16xi32>
    %broadcast_in_dim3A_2262 = vector.shape_cast %xor3A_2261 : vector<16xi32> to vector<16x1xi32>
    %gather3A_2263 = vector.shape_cast %broadcast_in_dim3A_2262 : vector<16x1xi32> to vector<16xi32>
    %gather3A_2264 = tpu.dynamic_gather %add3A_2258[%gather3A_2263] in [0] : vector<16xf32>, vector<16xi32> -> vector<16xf32>
    %add3A_2265 = arith.addf %add3A_2258, %gather3A_2264 : vector<16xf32>
    %xor3A_2266 = arith.constant 1 : i32
    %xor3A_2267 = vector.broadcast %xor3A_2266 : i32 to vector<16xi32>
    %xor3A_2268 = arith.xori %iota3A, %xor3A_2267 : vector<16xi32>
    %broadcast_in_dim3A_2269 = vector.shape_cast %xor3A_2268 : vector<16xi32> to vector<16x1xi32>
    %gather3A_2270 = vector.shape_cast %broadcast_in_dim3A_2269 : vector<16x1xi32> to vector<16xi32>
    %gather3A_2271 = tpu.dynamic_gather %add3A_2265[%gather3A_2270] in [0] : vector<16xf32>, vector<16xi32> -> vector<16xf32>
    %add3A_2272 = arith.addf %add3A_2265, %gather3A_2271 : vector<16xf32>
    %mul3A_2273 = arith.mulf %max3A_184, %max3A_2244 : vector<16xf32>
    %div3A_2274 = arith.divf %add3A_2272, %mul3A_2273 : vector<16xf32>
    %eq3A_2275 = arith.constant 0 : i32
    %eq3A_2276 = vector.broadcast %eq3A_2275 : i32 to vector<16xi32>
    %eq3A_2277 = arith.cmpi eq, %iota3A, %eq3A_2276 : vector<16xi32>
    %select_n3A_2278 = arith.select %eq3A_2277, %div3A_2274, %broadcast_in_dim3A_188 : vector<16xi1>, vector<16xf32>
    %broadcast_in_dim3A_2279 = arith.constant 0.000000e+00 : f32
    %broadcast_in_dim3A_2280 = vector.broadcast %broadcast_in_dim3A_2279 : f32 to vector<16xf32>
    %broadcast_in_dim3A_2281 = arith.constant 0.000000e+00 : f32
    %broadcast_in_dim3A_2282 = vector.broadcast %broadcast_in_dim3A_2281 : f32 to vector<16xf32>
    %scan3A_2283 = arith.constant 0 : i32
    %scan3A_2284 = arith.constant 16 : i32
    %scan3A_2285 = arith.addi %scan3A_2283, %scan3A_2284 : i32
    %scan3A_2286 = arith.constant 1 : i32
    %scan3A_2287:2 = scf.for %scan3A_4131 = %scan3A_2283 to %scan3A_2285 step %scan3A_2286 iter_args(%scan3A_4132 = %broadcast_in_dim3A_2280, %scan3A_4133 = %broadcast_in_dim3A_2282) -> (vector<16xf32>, vector<16xf32>)  : i32 {
      %mul3A_4134 = arith.constant 16 : i32
      %mul3A_4135 = arith.muli %scan3A_4131, %mul3A_4134 : i32
      %add3A_4136 = arith.constant 4352 : i32
      %add3A_4137 = arith.addi %add3A_4136, %mul3A_4135 : i32
      %get3A = arith.index_cast %add3A_4137 : i32 to index
      %get3A_4138 = tpu.vector_load %arg7[%get3A] {strides = array<i32>} : memref<8192xf32, #tpu.memory_space<vmem>>, vector<16xf32>,
      %get3A_4139 = vector.shape_cast %get3A_4138 : vector<16xf32> to vector<16xf32>
      %mul3A_4140 = arith.constant 16 : i32
      %mul3A_4141 = arith.muli %scan3A_4131, %mul3A_4140 : i32
      %get3A_4142 = arith.index_cast %mul3A_4141 : i32 to index
      %get3A_4143 = tpu.vector_load %arg9[%get3A_4142] {strides = array<i32>} : memref<256xf32, #tpu.memory_space<vmem>>, vector<16xf32>,
      %get3A_4144 = vector.shape_cast %get3A_4143 : vector<16xf32> to vector<16xf32>
      %mul3A_4145 = arith.mulf %get3A_4139, %get3A_4144 : vector<16xf32>
      %add3A_4146 = arith.addf %scan3A_4132, %mul3A_4145 : vector<16xf32>
      %mul3A_4147 = arith.mulf %get3A_4139, %get3A_4139 : vector<16xf32>
      %add3A_4148 = arith.addf %scan3A_4133, %mul3A_4147 : vector<16xf32>
      scf.yield %add3A_4146, %add3A_4148 : vector<16xf32>, vector<16xf32>
    }
    %scan3A_2288 = arith.constant 16 : i32
    %xor3A_2289 = arith.constant 8 : i32
    %xor3A_2290 = vector.broadcast %xor3A_2289 : i32 to vector<16xi32>
    %xor3A_2291 = arith.xori %iota3A, %xor3A_2290 : vector<16xi32>
    %broadcast_in_dim3A_2292 = vector.shape_cast %xor3A_2291 : vector<16xi32> to vector<16x1xi32>
    %gather3A_2293 = vector.shape_cast %broadcast_in_dim3A_2292 : vector<16x1xi32> to vector<16xi32>
    %gather3A_2294 = tpu.dynamic_gather %scan3A_2287#1[%gather3A_2293] in [0] : vector<16xf32>, vector<16xi32> -> vector<16xf32>
    %add3A_2295 = arith.addf %scan3A_2287#1, %gather3A_2294 : vector<16xf32>
    %xor3A_2296 = arith.constant 4 : i32
    %xor3A_2297 = vector.broadcast %xor3A_2296 : i32 to vector<16xi32>
    %xor3A_2298 = arith.xori %iota3A, %xor3A_2297 : vector<16xi32>
    %broadcast_in_dim3A_2299 = vector.shape_cast %xor3A_2298 : vector<16xi32> to vector<16x1xi32>
    %gather3A_2300 = vector.shape_cast %broadcast_in_dim3A_2299 : vector<16x1xi32> to vector<16xi32>
    %gather3A_2301 = tpu.dynamic_gather %add3A_2295[%gather3A_2300] in [0] : vector<16xf32>, vector<16xi32> -> vector<16xf32>
    %add3A_2302 = arith.addf %add3A_2295, %gather3A_2301 : vector<16xf32>
    %xor3A_2303 = arith.constant 2 : i32
    %xor3A_2304 = vector.broadcast %xor3A_2303 : i32 to vector<16xi32>
    %xor3A_2305 = arith.xori %iota3A, %xor3A_2304 : vector<16xi32>
    %broadcast_in_dim3A_2306 = vector.shape_cast %xor3A_2305 : vector<16xi32> to vector<16x1xi32>
    %gather3A_2307 = vector.shape_cast %broadcast_in_dim3A_2306 : vector<16x1xi32> to vector<16xi32>
    %gather3A_2308 = tpu.dynamic_gather %add3A_2302[%gather3A_2307] in [0] : vector<16xf32>, vector<16xi32> -> vector<16xf32>
    %add3A_2309 = arith.addf %add3A_2302, %gather3A_2308 : vector<16xf32>
    %xor3A_2310 = arith.constant 1 : i32
    %xor3A_2311 = vector.broadcast %xor3A_2310 : i32 to vector<16xi32>
    %xor3A_2312 = arith.xori %iota3A, %xor3A_2311 : vector<16xi32>
    %broadcast_in_dim3A_2313 = vector.shape_cast %xor3A_2312 : vector<16xi32> to vector<16x1xi32>
    %gather3A_2314 = vector.shape_cast %broadcast_in_dim3A_2313 : vector<16x1xi32> to vector<16xi32>
    %gather3A_2315 = tpu.dynamic_gather %add3A_2309[%gather3A_2314] in [0] : vector<16xf32>, vector<16xi32> -> vector<16xf32>
    %add3A_2316 = arith.addf %add3A_2309, %gather3A_2315 : vector<16xf32>
    %max3A_2317 = arith.constant 1.000000e-30 : f32
    %max3A_2318 = vector.broadcast %max3A_2317 : f32 to vector<16xf32>
    %max3A_2319 = arith.maximumf %add3A_2316, %max3A_2318 : vector<16xf32>
    %bitcast_convert_type3A_2320 = tpu.bitcast %max3A_2319 : vector<16xf32> -> vector<16xi32>
    %shift_right_arithmetic3A_2321 = arith.constant 1 : i32
    %shift_right_arithmetic3A_2322 = vector.broadcast %shift_right_arithmetic3A_2321 : i32 to vector<16xi32>
    %shift_right_arithmetic3A_2323 = arith.shrsi %bitcast_convert_type3A_2320, %shift_right_arithmetic3A_2322 : vector<16xi32>
    %sub3A_2324 = arith.constant 1597463007 : i32
    %sub3A_2325 = vector.broadcast %sub3A_2324 : i32 to vector<16xi32>
    %sub3A_2326 = arith.subi %sub3A_2325, %shift_right_arithmetic3A_2323 : vector<16xi32>
    %bitcast_convert_type3A_2327 = tpu.bitcast %sub3A_2326 : vector<16xi32> -> vector<16xf32>
    %mul3A_2328 = arith.constant 5.000000e-01 : f32
    %mul3A_2329 = vector.broadcast %mul3A_2328 : f32 to vector<16xf32>
    %mul3A_2330 = arith.mulf %mul3A_2329, %max3A_2319 : vector<16xf32>
    %mul3A_2331 = arith.mulf %mul3A_2330, %bitcast_convert_type3A_2327 : vector<16xf32>
    %mul3A_2332 = arith.mulf %mul3A_2331, %bitcast_convert_type3A_2327 : vector<16xf32>
    %sub3A_2333 = arith.constant 1.500000e+00 : f32
    %sub3A_2334 = vector.broadcast %sub3A_2333 : f32 to vector<16xf32>
    %sub3A_2335 = arith.subf %sub3A_2334, %mul3A_2332 : vector<16xf32>
    %mul3A_2336 = arith.mulf %bitcast_convert_type3A_2327, %sub3A_2335 : vector<16xf32>
    %mul3A_2337 = arith.constant 5.000000e-01 : f32
    %mul3A_2338 = vector.broadcast %mul3A_2337 : f32 to vector<16xf32>
    %mul3A_2339 = arith.mulf %mul3A_2338, %max3A_2319 : vector<16xf32>
    %mul3A_2340 = arith.mulf %mul3A_2339, %mul3A_2336 : vector<16xf32>
    %mul3A_2341 = arith.mulf %mul3A_2340, %mul3A_2336 : vector<16xf32>
    %sub3A_2342 = arith.constant 1.500000e+00 : f32
    %sub3A_2343 = vector.broadcast %sub3A_2342 : f32 to vector<16xf32>
    %sub3A_2344 = arith.subf %sub3A_2343, %mul3A_2341 : vector<16xf32>
    %mul3A_2345 = arith.mulf %mul3A_2336, %sub3A_2344 : vector<16xf32>
    %mul3A_2346 = arith.constant 5.000000e-01 : f32
    %mul3A_2347 = vector.broadcast %mul3A_2346 : f32 to vector<16xf32>
    %mul3A_2348 = arith.mulf %mul3A_2347, %max3A_2319 : vector<16xf32>
    %mul3A_2349 = arith.mulf %mul3A_2348, %mul3A_2345 : vector<16xf32>
    %mul3A_2350 = arith.mulf %mul3A_2349, %mul3A_2345 : vector<16xf32>
    %sub3A_2351 = arith.constant 1.500000e+00 : f32
    %sub3A_2352 = vector.broadcast %sub3A_2351 : f32 to vector<16xf32>
    %sub3A_2353 = arith.subf %sub3A_2352, %mul3A_2350 : vector<16xf32>
    %mul3A_2354 = arith.mulf %mul3A_2345, %sub3A_2353 : vector<16xf32>
    %mul3A_2355 = arith.constant 5.000000e-01 : f32
    %mul3A_2356 = vector.broadcast %mul3A_2355 : f32 to vector<16xf32>
    %mul3A_2357 = arith.mulf %mul3A_2356, %max3A_2319 : vector<16xf32>
    %mul3A_2358 = arith.mulf %mul3A_2357, %mul3A_2354 : vector<16xf32>
    %mul3A_2359 = arith.mulf %mul3A_2358, %mul3A_2354 : vector<16xf32>
    %sub3A_2360 = arith.constant 1.500000e+00 : f32
    %sub3A_2361 = vector.broadcast %sub3A_2360 : f32 to vector<16xf32>
    %sub3A_2362 = arith.subf %sub3A_2361, %mul3A_2359 : vector<16xf32>
    %mul3A_2363 = arith.mulf %mul3A_2354, %sub3A_2362 : vector<16xf32>
    %mul3A_2364 = arith.mulf %add3A_2316, %mul3A_2363 : vector<16xf32>
    %max3A_2365 = arith.constant 9.99999996E-13 : f32
    %max3A_2366 = vector.broadcast %max3A_2365 : f32 to vector<16xf32>
    %max3A_2367 = arith.maximumf %mul3A_2364, %max3A_2366 : vector<16xf32>
    %xor3A_2368 = arith.constant 8 : i32
    %xor3A_2369 = vector.broadcast %xor3A_2368 : i32 to vector<16xi32>
    %xor3A_2370 = arith.xori %iota3A, %xor3A_2369 : vector<16xi32>
    %broadcast_in_dim3A_2371 = vector.shape_cast %xor3A_2370 : vector<16xi32> to vector<16x1xi32>
    %gather3A_2372 = vector.shape_cast %broadcast_in_dim3A_2371 : vector<16x1xi32> to vector<16xi32>
    %gather3A_2373 = tpu.dynamic_gather %scan3A_2287#0[%gather3A_2372] in [0] : vector<16xf32>, vector<16xi32> -> vector<16xf32>
    %add3A_2374 = arith.addf %scan3A_2287#0, %gather3A_2373 : vector<16xf32>
    %xor3A_2375 = arith.constant 4 : i32
    %xor3A_2376 = vector.broadcast %xor3A_2375 : i32 to vector<16xi32>
    %xor3A_2377 = arith.xori %iota3A, %xor3A_2376 : vector<16xi32>
    %broadcast_in_dim3A_2378 = vector.shape_cast %xor3A_2377 : vector<16xi32> to vector<16x1xi32>
    %gather3A_2379 = vector.shape_cast %broadcast_in_dim3A_2378 : vector<16x1xi32> to vector<16xi32>
    %gather3A_2380 = tpu.dynamic_gather %add3A_2374[%gather3A_2379] in [0] : vector<16xf32>, vector<16xi32> -> vector<16xf32>
    %add3A_2381 = arith.addf %add3A_2374, %gather3A_2380 : vector<16xf32>
    %xor3A_2382 = arith.constant 2 : i32
    %xor3A_2383 = vector.broadcast %xor3A_2382 : i32 to vector<16xi32>
    %xor3A_2384 = arith.xori %iota3A, %xor3A_2383 : vector<16xi32>
    %broadcast_in_dim3A_2385 = vector.shape_cast %xor3A_2384 : vector<16xi32> to vector<16x1xi32>
    %gather3A_2386 = vector.shape_cast %broadcast_in_dim3A_2385 : vector<16x1xi32> to vector<16xi32>
    %gather3A_2387 = tpu.dynamic_gather %add3A_2381[%gather3A_2386] in [0] : vector<16xf32>, vector<16xi32> -> vector<16xf32>
    %add3A_2388 = arith.addf %add3A_2381, %gather3A_2387 : vector<16xf32>
    %xor3A_2389 = arith.constant 1 : i32
    %xor3A_2390 = vector.broadcast %xor3A_2389 : i32 to vector<16xi32>
    %xor3A_2391 = arith.xori %iota3A, %xor3A_2390 : vector<16xi32>
    %broadcast_in_dim3A_2392 = vector.shape_cast %xor3A_2391 : vector<16xi32> to vector<16x1xi32>
    %gather3A_2393 = vector.shape_cast %broadcast_in_dim3A_2392 : vector<16x1xi32> to vector<16xi32>
    %gather3A_2394 = tpu.dynamic_gather %add3A_2388[%gather3A_2393] in [0] : vector<16xf32>, vector<16xi32> -> vector<16xf32>
    %add3A_2395 = arith.addf %add3A_2388, %gather3A_2394 : vector<16xf32>
    %mul3A_2396 = arith.mulf %max3A_184, %max3A_2367 : vector<16xf32>
    %div3A_2397 = arith.divf %add3A_2395, %mul3A_2396 : vector<16xf32>
    %eq3A_2398 = arith.constant 1 : i32
    %eq3A_2399 = vector.broadcast %eq3A_2398 : i32 to vector<16xi32>
    %eq3A_2400 = arith.cmpi eq, %iota3A, %eq3A_2399 : vector<16xi32>
    %select_n3A_2401 = arith.select %eq3A_2400, %div3A_2397, %select_n3A_2278 : vector<16xi1>, vector<16xf32>
    %broadcast_in_dim3A_2402 = arith.constant 0.000000e+00 : f32
    %broadcast_in_dim3A_2403 = vector.broadcast %broadcast_in_dim3A_2402 : f32 to vector<16xf32>
    %broadcast_in_dim3A_2404 = arith.constant 0.000000e+00 : f32
    %broadcast_in_dim3A_2405 = vector.broadcast %broadcast_in_dim3A_2404 : f32 to vector<16xf32>
    %scan3A_2406 = arith.constant 0 : i32
    %scan3A_2407 = arith.constant 16 : i32
    %scan3A_2408 = arith.addi %scan3A_2406, %scan3A_2407 : i32
    %scan3A_2409 = arith.constant 1 : i32
    %scan3A_2410:2 = scf.for %scan3A_4131 = %scan3A_2406 to %scan3A_2408 step %scan3A_2409 iter_args(%scan3A_4132 = %broadcast_in_dim3A_2403, %scan3A_4133 = %broadcast_in_dim3A_2405) -> (vector<16xf32>, vector<16xf32>)  : i32 {
      %mul3A_4134 = arith.constant 16 : i32
      %mul3A_4135 = arith.muli %scan3A_4131, %mul3A_4134 : i32
      %add3A_4136 = arith.constant 4608 : i32
      %add3A_4137 = arith.addi %add3A_4136, %mul3A_4135 : i32
      %get3A = arith.index_cast %add3A_4137 : i32 to index
      %get3A_4138 = tpu.vector_load %arg7[%get3A] {strides = array<i32>} : memref<8192xf32, #tpu.memory_space<vmem>>, vector<16xf32>,
      %get3A_4139 = vector.shape_cast %get3A_4138 : vector<16xf32> to vector<16xf32>
      %mul3A_4140 = arith.constant 16 : i32
      %mul3A_4141 = arith.muli %scan3A_4131, %mul3A_4140 : i32
      %get3A_4142 = arith.index_cast %mul3A_4141 : i32 to index
      %get3A_4143 = tpu.vector_load %arg9[%get3A_4142] {strides = array<i32>} : memref<256xf32, #tpu.memory_space<vmem>>, vector<16xf32>,
      %get3A_4144 = vector.shape_cast %get3A_4143 : vector<16xf32> to vector<16xf32>
      %mul3A_4145 = arith.mulf %get3A_4139, %get3A_4144 : vector<16xf32>
      %add3A_4146 = arith.addf %scan3A_4132, %mul3A_4145 : vector<16xf32>
      %mul3A_4147 = arith.mulf %get3A_4139, %get3A_4139 : vector<16xf32>
      %add3A_4148 = arith.addf %scan3A_4133, %mul3A_4147 : vector<16xf32>
      scf.yield %add3A_4146, %add3A_4148 : vector<16xf32>, vector<16xf32>
    }
    %scan3A_2411 = arith.constant 16 : i32
    %xor3A_2412 = arith.constant 8 : i32
    %xor3A_2413 = vector.broadcast %xor3A_2412 : i32 to vector<16xi32>
    %xor3A_2414 = arith.xori %iota3A, %xor3A_2413 : vector<16xi32>
    %broadcast_in_dim3A_2415 = vector.shape_cast %xor3A_2414 : vector<16xi32> to vector<16x1xi32>
    %gather3A_2416 = vector.shape_cast %broadcast_in_dim3A_2415 : vector<16x1xi32> to vector<16xi32>
    %gather3A_2417 = tpu.dynamic_gather %scan3A_2410#1[%gather3A_2416] in [0] : vector<16xf32>, vector<16xi32> -> vector<16xf32>
    %add3A_2418 = arith.addf %scan3A_2410#1, %gather3A_2417 : vector<16xf32>
    %xor3A_2419 = arith.constant 4 : i32
    %xor3A_2420 = vector.broadcast %xor3A_2419 : i32 to vector<16xi32>
    %xor3A_2421 = arith.xori %iota3A, %xor3A_2420 : vector<16xi32>
    %broadcast_in_dim3A_2422 = vector.shape_cast %xor3A_2421 : vector<16xi32> to vector<16x1xi32>
    %gather3A_2423 = vector.shape_cast %broadcast_in_dim3A_2422 : vector<16x1xi32> to vector<16xi32>
    %gather3A_2424 = tpu.dynamic_gather %add3A_2418[%gather3A_2423] in [0] : vector<16xf32>, vector<16xi32> -> vector<16xf32>
    %add3A_2425 = arith.addf %add3A_2418, %gather3A_2424 : vector<16xf32>
    %xor3A_2426 = arith.constant 2 : i32
    %xor3A_2427 = vector.broadcast %xor3A_2426 : i32 to vector<16xi32>
    %xor3A_2428 = arith.xori %iota3A, %xor3A_2427 : vector<16xi32>
    %broadcast_in_dim3A_2429 = vector.shape_cast %xor3A_2428 : vector<16xi32> to vector<16x1xi32>
    %gather3A_2430 = vector.shape_cast %broadcast_in_dim3A_2429 : vector<16x1xi32> to vector<16xi32>
    %gather3A_2431 = tpu.dynamic_gather %add3A_2425[%gather3A_2430] in [0] : vector<16xf32>, vector<16xi32> -> vector<16xf32>
    %add3A_2432 = arith.addf %add3A_2425, %gather3A_2431 : vector<16xf32>
    %xor3A_2433 = arith.constant 1 : i32
    %xor3A_2434 = vector.broadcast %xor3A_2433 : i32 to vector<16xi32>
    %xor3A_2435 = arith.xori %iota3A, %xor3A_2434 : vector<16xi32>
    %broadcast_in_dim3A_2436 = vector.shape_cast %xor3A_2435 : vector<16xi32> to vector<16x1xi32>
    %gather3A_2437 = vector.shape_cast %broadcast_in_dim3A_2436 : vector<16x1xi32> to vector<16xi32>
    %gather3A_2438 = tpu.dynamic_gather %add3A_2432[%gather3A_2437] in [0] : vector<16xf32>, vector<16xi32> -> vector<16xf32>
    %add3A_2439 = arith.addf %add3A_2432, %gather3A_2438 : vector<16xf32>
    %max3A_2440 = arith.constant 1.000000e-30 : f32
    %max3A_2441 = vector.broadcast %max3A_2440 : f32 to vector<16xf32>
    %max3A_2442 = arith.maximumf %add3A_2439, %max3A_2441 : vector<16xf32>
    %bitcast_convert_type3A_2443 = tpu.bitcast %max3A_2442 : vector<16xf32> -> vector<16xi32>
    %shift_right_arithmetic3A_2444 = arith.constant 1 : i32
    %shift_right_arithmetic3A_2445 = vector.broadcast %shift_right_arithmetic3A_2444 : i32 to vector<16xi32>
    %shift_right_arithmetic3A_2446 = arith.shrsi %bitcast_convert_type3A_2443, %shift_right_arithmetic3A_2445 : vector<16xi32>
    %sub3A_2447 = arith.constant 1597463007 : i32
    %sub3A_2448 = vector.broadcast %sub3A_2447 : i32 to vector<16xi32>
    %sub3A_2449 = arith.subi %sub3A_2448, %shift_right_arithmetic3A_2446 : vector<16xi32>
    %bitcast_convert_type3A_2450 = tpu.bitcast %sub3A_2449 : vector<16xi32> -> vector<16xf32>
    %mul3A_2451 = arith.constant 5.000000e-01 : f32
    %mul3A_2452 = vector.broadcast %mul3A_2451 : f32 to vector<16xf32>
    %mul3A_2453 = arith.mulf %mul3A_2452, %max3A_2442 : vector<16xf32>
    %mul3A_2454 = arith.mulf %mul3A_2453, %bitcast_convert_type3A_2450 : vector<16xf32>
    %mul3A_2455 = arith.mulf %mul3A_2454, %bitcast_convert_type3A_2450 : vector<16xf32>
    %sub3A_2456 = arith.constant 1.500000e+00 : f32
    %sub3A_2457 = vector.broadcast %sub3A_2456 : f32 to vector<16xf32>
    %sub3A_2458 = arith.subf %sub3A_2457, %mul3A_2455 : vector<16xf32>
    %mul3A_2459 = arith.mulf %bitcast_convert_type3A_2450, %sub3A_2458 : vector<16xf32>
    %mul3A_2460 = arith.constant 5.000000e-01 : f32
    %mul3A_2461 = vector.broadcast %mul3A_2460 : f32 to vector<16xf32>
    %mul3A_2462 = arith.mulf %mul3A_2461, %max3A_2442 : vector<16xf32>
    %mul3A_2463 = arith.mulf %mul3A_2462, %mul3A_2459 : vector<16xf32>
    %mul3A_2464 = arith.mulf %mul3A_2463, %mul3A_2459 : vector<16xf32>
    %sub3A_2465 = arith.constant 1.500000e+00 : f32
    %sub3A_2466 = vector.broadcast %sub3A_2465 : f32 to vector<16xf32>
    %sub3A_2467 = arith.subf %sub3A_2466, %mul3A_2464 : vector<16xf32>
    %mul3A_2468 = arith.mulf %mul3A_2459, %sub3A_2467 : vector<16xf32>
    %mul3A_2469 = arith.constant 5.000000e-01 : f32
    %mul3A_2470 = vector.broadcast %mul3A_2469 : f32 to vector<16xf32>
    %mul3A_2471 = arith.mulf %mul3A_2470, %max3A_2442 : vector<16xf32>
    %mul3A_2472 = arith.mulf %mul3A_2471, %mul3A_2468 : vector<16xf32>
    %mul3A_2473 = arith.mulf %mul3A_2472, %mul3A_2468 : vector<16xf32>
    %sub3A_2474 = arith.constant 1.500000e+00 : f32
    %sub3A_2475 = vector.broadcast %sub3A_2474 : f32 to vector<16xf32>
    %sub3A_2476 = arith.subf %sub3A_2475, %mul3A_2473 : vector<16xf32>
    %mul3A_2477 = arith.mulf %mul3A_2468, %sub3A_2476 : vector<16xf32>
    %mul3A_2478 = arith.constant 5.000000e-01 : f32
    %mul3A_2479 = vector.broadcast %mul3A_2478 : f32 to vector<16xf32>
    %mul3A_2480 = arith.mulf %mul3A_2479, %max3A_2442 : vector<16xf32>
    %mul3A_2481 = arith.mulf %mul3A_2480, %mul3A_2477 : vector<16xf32>
    %mul3A_2482 = arith.mulf %mul3A_2481, %mul3A_2477 : vector<16xf32>
    %sub3A_2483 = arith.constant 1.500000e+00 : f32
    %sub3A_2484 = vector.broadcast %sub3A_2483 : f32 to vector<16xf32>
    %sub3A_2485 = arith.subf %sub3A_2484, %mul3A_2482 : vector<16xf32>
    %mul3A_2486 = arith.mulf %mul3A_2477, %sub3A_2485 : vector<16xf32>
    %mul3A_2487 = arith.mulf %add3A_2439, %mul3A_2486 : vector<16xf32>
    %max3A_2488 = arith.constant 9.99999996E-13 : f32
    %max3A_2489 = vector.broadcast %max3A_2488 : f32 to vector<16xf32>
    %max3A_2490 = arith.maximumf %mul3A_2487, %max3A_2489 : vector<16xf32>
    %xor3A_2491 = arith.constant 8 : i32
    %xor3A_2492 = vector.broadcast %xor3A_2491 : i32 to vector<16xi32>
    %xor3A_2493 = arith.xori %iota3A, %xor3A_2492 : vector<16xi32>
    %broadcast_in_dim3A_2494 = vector.shape_cast %xor3A_2493 : vector<16xi32> to vector<16x1xi32>
    %gather3A_2495 = vector.shape_cast %broadcast_in_dim3A_2494 : vector<16x1xi32> to vector<16xi32>
    %gather3A_2496 = tpu.dynamic_gather %scan3A_2410#0[%gather3A_2495] in [0] : vector<16xf32>, vector<16xi32> -> vector<16xf32>
    %add3A_2497 = arith.addf %scan3A_2410#0, %gather3A_2496 : vector<16xf32>
    %xor3A_2498 = arith.constant 4 : i32
    %xor3A_2499 = vector.broadcast %xor3A_2498 : i32 to vector<16xi32>
    %xor3A_2500 = arith.xori %iota3A, %xor3A_2499 : vector<16xi32>
    %broadcast_in_dim3A_2501 = vector.shape_cast %xor3A_2500 : vector<16xi32> to vector<16x1xi32>
    %gather3A_2502 = vector.shape_cast %broadcast_in_dim3A_2501 : vector<16x1xi32> to vector<16xi32>
    %gather3A_2503 = tpu.dynamic_gather %add3A_2497[%gather3A_2502] in [0] : vector<16xf32>, vector<16xi32> -> vector<16xf32>
    %add3A_2504 = arith.addf %add3A_2497, %gather3A_2503 : vector<16xf32>
    %xor3A_2505 = arith.constant 2 : i32
    %xor3A_2506 = vector.broadcast %xor3A_2505 : i32 to vector<16xi32>
    %xor3A_2507 = arith.xori %iota3A, %xor3A_2506 : vector<16xi32>
    %broadcast_in_dim3A_2508 = vector.shape_cast %xor3A_2507 : vector<16xi32> to vector<16x1xi32>
    %gather3A_2509 = vector.shape_cast %broadcast_in_dim3A_2508 : vector<16x1xi32> to vector<16xi32>
    %gather3A_2510 = tpu.dynamic_gather %add3A_2504[%gather3A_2509] in [0] : vector<16xf32>, vector<16xi32> -> vector<16xf32>
    %add3A_2511 = arith.addf %add3A_2504, %gather3A_2510 : vector<16xf32>
    %xor3A_2512 = arith.constant 1 : i32
    %xor3A_2513 = vector.broadcast %xor3A_2512 : i32 to vector<16xi32>
    %xor3A_2514 = arith.xori %iota3A, %xor3A_2513 : vector<16xi32>
    %broadcast_in_dim3A_2515 = vector.shape_cast %xor3A_2514 : vector<16xi32> to vector<16x1xi32>
    %gather3A_2516 = vector.shape_cast %broadcast_in_dim3A_2515 : vector<16x1xi32> to vector<16xi32>
    %gather3A_2517 = tpu.dynamic_gather %add3A_2511[%gather3A_2516] in [0] : vector<16xf32>, vector<16xi32> -> vector<16xf32>
    %add3A_2518 = arith.addf %add3A_2511, %gather3A_2517 : vector<16xf32>
    %mul3A_2519 = arith.mulf %max3A_184, %max3A_2490 : vector<16xf32>
    %div3A_2520 = arith.divf %add3A_2518, %mul3A_2519 : vector<16xf32>
    %eq3A_2521 = arith.constant 2 : i32
    %eq3A_2522 = vector.broadcast %eq3A_2521 : i32 to vector<16xi32>
    %eq3A_2523 = arith.cmpi eq, %iota3A, %eq3A_2522 : vector<16xi32>
    %select_n3A_2524 = arith.select %eq3A_2523, %div3A_2520, %select_n3A_2401 : vector<16xi1>, vector<16xf32>
    %broadcast_in_dim3A_2525 = arith.constant 0.000000e+00 : f32
    %broadcast_in_dim3A_2526 = vector.broadcast %broadcast_in_dim3A_2525 : f32 to vector<16xf32>
    %broadcast_in_dim3A_2527 = arith.constant 0.000000e+00 : f32
    %broadcast_in_dim3A_2528 = vector.broadcast %broadcast_in_dim3A_2527 : f32 to vector<16xf32>
    %scan3A_2529 = arith.constant 0 : i32
    %scan3A_2530 = arith.constant 16 : i32
    %scan3A_2531 = arith.addi %scan3A_2529, %scan3A_2530 : i32
    %scan3A_2532 = arith.constant 1 : i32
    %scan3A_2533:2 = scf.for %scan3A_4131 = %scan3A_2529 to %scan3A_2531 step %scan3A_2532 iter_args(%scan3A_4132 = %broadcast_in_dim3A_2526, %scan3A_4133 = %broadcast_in_dim3A_2528) -> (vector<16xf32>, vector<16xf32>)  : i32 {
      %mul3A_4134 = arith.constant 16 : i32
      %mul3A_4135 = arith.muli %scan3A_4131, %mul3A_4134 : i32
      %add3A_4136 = arith.constant 4864 : i32
      %add3A_4137 = arith.addi %add3A_4136, %mul3A_4135 : i32
      %get3A = arith.index_cast %add3A_4137 : i32 to index
      %get3A_4138 = tpu.vector_load %arg7[%get3A] {strides = array<i32>} : memref<8192xf32, #tpu.memory_space<vmem>>, vector<16xf32>,
      %get3A_4139 = vector.shape_cast %get3A_4138 : vector<16xf32> to vector<16xf32>
      %mul3A_4140 = arith.constant 16 : i32
      %mul3A_4141 = arith.muli %scan3A_4131, %mul3A_4140 : i32
      %get3A_4142 = arith.index_cast %mul3A_4141 : i32 to index
      %get3A_4143 = tpu.vector_load %arg9[%get3A_4142] {strides = array<i32>} : memref<256xf32, #tpu.memory_space<vmem>>, vector<16xf32>,
      %get3A_4144 = vector.shape_cast %get3A_4143 : vector<16xf32> to vector<16xf32>
      %mul3A_4145 = arith.mulf %get3A_4139, %get3A_4144 : vector<16xf32>
      %add3A_4146 = arith.addf %scan3A_4132, %mul3A_4145 : vector<16xf32>
      %mul3A_4147 = arith.mulf %get3A_4139, %get3A_4139 : vector<16xf32>
      %add3A_4148 = arith.addf %scan3A_4133, %mul3A_4147 : vector<16xf32>
      scf.yield %add3A_4146, %add3A_4148 : vector<16xf32>, vector<16xf32>
    }
    %scan3A_2534 = arith.constant 16 : i32
    %xor3A_2535 = arith.constant 8 : i32
    %xor3A_2536 = vector.broadcast %xor3A_2535 : i32 to vector<16xi32>
    %xor3A_2537 = arith.xori %iota3A, %xor3A_2536 : vector<16xi32>
    %broadcast_in_dim3A_2538 = vector.shape_cast %xor3A_2537 : vector<16xi32> to vector<16x1xi32>
    %gather3A_2539 = vector.shape_cast %broadcast_in_dim3A_2538 : vector<16x1xi32> to vector<16xi32>
    %gather3A_2540 = tpu.dynamic_gather %scan3A_2533#1[%gather3A_2539] in [0] : vector<16xf32>, vector<16xi32> -> vector<16xf32>
    %add3A_2541 = arith.addf %scan3A_2533#1, %gather3A_2540 : vector<16xf32>
    %xor3A_2542 = arith.constant 4 : i32
    %xor3A_2543 = vector.broadcast %xor3A_2542 : i32 to vector<16xi32>
    %xor3A_2544 = arith.xori %iota3A, %xor3A_2543 : vector<16xi32>
    %broadcast_in_dim3A_2545 = vector.shape_cast %xor3A_2544 : vector<16xi32> to vector<16x1xi32>
    %gather3A_2546 = vector.shape_cast %broadcast_in_dim3A_2545 : vector<16x1xi32> to vector<16xi32>
    %gather3A_2547 = tpu.dynamic_gather %add3A_2541[%gather3A_2546] in [0] : vector<16xf32>, vector<16xi32> -> vector<16xf32>
    %add3A_2548 = arith.addf %add3A_2541, %gather3A_2547 : vector<16xf32>
    %xor3A_2549 = arith.constant 2 : i32
    %xor3A_2550 = vector.broadcast %xor3A_2549 : i32 to vector<16xi32>
    %xor3A_2551 = arith.xori %iota3A, %xor3A_2550 : vector<16xi32>
    %broadcast_in_dim3A_2552 = vector.shape_cast %xor3A_2551 : vector<16xi32> to vector<16x1xi32>
    %gather3A_2553 = vector.shape_cast %broadcast_in_dim3A_2552 : vector<16x1xi32> to vector<16xi32>
    %gather3A_2554 = tpu.dynamic_gather %add3A_2548[%gather3A_2553] in [0] : vector<16xf32>, vector<16xi32> -> vector<16xf32>
    %add3A_2555 = arith.addf %add3A_2548, %gather3A_2554 : vector<16xf32>
    %xor3A_2556 = arith.constant 1 : i32
    %xor3A_2557 = vector.broadcast %xor3A_2556 : i32 to vector<16xi32>
    %xor3A_2558 = arith.xori %iota3A, %xor3A_2557 : vector<16xi32>
    %broadcast_in_dim3A_2559 = vector.shape_cast %xor3A_2558 : vector<16xi32> to vector<16x1xi32>
    %gather3A_2560 = vector.shape_cast %broadcast_in_dim3A_2559 : vector<16x1xi32> to vector<16xi32>
    %gather3A_2561 = tpu.dynamic_gather %add3A_2555[%gather3A_2560] in [0] : vector<16xf32>, vector<16xi32> -> vector<16xf32>
    %add3A_2562 = arith.addf %add3A_2555, %gather3A_2561 : vector<16xf32>
    %max3A_2563 = arith.constant 1.000000e-30 : f32
    %max3A_2564 = vector.broadcast %max3A_2563 : f32 to vector<16xf32>
    %max3A_2565 = arith.maximumf %add3A_2562, %max3A_2564 : vector<16xf32>
    %bitcast_convert_type3A_2566 = tpu.bitcast %max3A_2565 : vector<16xf32> -> vector<16xi32>
    %shift_right_arithmetic3A_2567 = arith.constant 1 : i32
    %shift_right_arithmetic3A_2568 = vector.broadcast %shift_right_arithmetic3A_2567 : i32 to vector<16xi32>
    %shift_right_arithmetic3A_2569 = arith.shrsi %bitcast_convert_type3A_2566, %shift_right_arithmetic3A_2568 : vector<16xi32>
    %sub3A_2570 = arith.constant 1597463007 : i32
    %sub3A_2571 = vector.broadcast %sub3A_2570 : i32 to vector<16xi32>
    %sub3A_2572 = arith.subi %sub3A_2571, %shift_right_arithmetic3A_2569 : vector<16xi32>
    %bitcast_convert_type3A_2573 = tpu.bitcast %sub3A_2572 : vector<16xi32> -> vector<16xf32>
    %mul3A_2574 = arith.constant 5.000000e-01 : f32
    %mul3A_2575 = vector.broadcast %mul3A_2574 : f32 to vector<16xf32>
    %mul3A_2576 = arith.mulf %mul3A_2575, %max3A_2565 : vector<16xf32>
    %mul3A_2577 = arith.mulf %mul3A_2576, %bitcast_convert_type3A_2573 : vector<16xf32>
    %mul3A_2578 = arith.mulf %mul3A_2577, %bitcast_convert_type3A_2573 : vector<16xf32>
    %sub3A_2579 = arith.constant 1.500000e+00 : f32
    %sub3A_2580 = vector.broadcast %sub3A_2579 : f32 to vector<16xf32>
    %sub3A_2581 = arith.subf %sub3A_2580, %mul3A_2578 : vector<16xf32>
    %mul3A_2582 = arith.mulf %bitcast_convert_type3A_2573, %sub3A_2581 : vector<16xf32>
    %mul3A_2583 = arith.constant 5.000000e-01 : f32
    %mul3A_2584 = vector.broadcast %mul3A_2583 : f32 to vector<16xf32>
    %mul3A_2585 = arith.mulf %mul3A_2584, %max3A_2565 : vector<16xf32>
    %mul3A_2586 = arith.mulf %mul3A_2585, %mul3A_2582 : vector<16xf32>
    %mul3A_2587 = arith.mulf %mul3A_2586, %mul3A_2582 : vector<16xf32>
    %sub3A_2588 = arith.constant 1.500000e+00 : f32
    %sub3A_2589 = vector.broadcast %sub3A_2588 : f32 to vector<16xf32>
    %sub3A_2590 = arith.subf %sub3A_2589, %mul3A_2587 : vector<16xf32>
    %mul3A_2591 = arith.mulf %mul3A_2582, %sub3A_2590 : vector<16xf32>
    %mul3A_2592 = arith.constant 5.000000e-01 : f32
    %mul3A_2593 = vector.broadcast %mul3A_2592 : f32 to vector<16xf32>
    %mul3A_2594 = arith.mulf %mul3A_2593, %max3A_2565 : vector<16xf32>
    %mul3A_2595 = arith.mulf %mul3A_2594, %mul3A_2591 : vector<16xf32>
    %mul3A_2596 = arith.mulf %mul3A_2595, %mul3A_2591 : vector<16xf32>
    %sub3A_2597 = arith.constant 1.500000e+00 : f32
    %sub3A_2598 = vector.broadcast %sub3A_2597 : f32 to vector<16xf32>
    %sub3A_2599 = arith.subf %sub3A_2598, %mul3A_2596 : vector<16xf32>
    %mul3A_2600 = arith.mulf %mul3A_2591, %sub3A_2599 : vector<16xf32>
    %mul3A_2601 = arith.constant 5.000000e-01 : f32
    %mul3A_2602 = vector.broadcast %mul3A_2601 : f32 to vector<16xf32>
    %mul3A_2603 = arith.mulf %mul3A_2602, %max3A_2565 : vector<16xf32>
    %mul3A_2604 = arith.mulf %mul3A_2603, %mul3A_2600 : vector<16xf32>
    %mul3A_2605 = arith.mulf %mul3A_2604, %mul3A_2600 : vector<16xf32>
    %sub3A_2606 = arith.constant 1.500000e+00 : f32
    %sub3A_2607 = vector.broadcast %sub3A_2606 : f32 to vector<16xf32>
    %sub3A_2608 = arith.subf %sub3A_2607, %mul3A_2605 : vector<16xf32>
    %mul3A_2609 = arith.mulf %mul3A_2600, %sub3A_2608 : vector<16xf32>
    %mul3A_2610 = arith.mulf %add3A_2562, %mul3A_2609 : vector<16xf32>
    %max3A_2611 = arith.constant 9.99999996E-13 : f32
    %max3A_2612 = vector.broadcast %max3A_2611 : f32 to vector<16xf32>
    %max3A_2613 = arith.maximumf %mul3A_2610, %max3A_2612 : vector<16xf32>
    %xor3A_2614 = arith.constant 8 : i32
    %xor3A_2615 = vector.broadcast %xor3A_2614 : i32 to vector<16xi32>
    %xor3A_2616 = arith.xori %iota3A, %xor3A_2615 : vector<16xi32>
    %broadcast_in_dim3A_2617 = vector.shape_cast %xor3A_2616 : vector<16xi32> to vector<16x1xi32>
    %gather3A_2618 = vector.shape_cast %broadcast_in_dim3A_2617 : vector<16x1xi32> to vector<16xi32>
    %gather3A_2619 = tpu.dynamic_gather %scan3A_2533#0[%gather3A_2618] in [0] : vector<16xf32>, vector<16xi32> -> vector<16xf32>
    %add3A_2620 = arith.addf %scan3A_2533#0, %gather3A_2619 : vector<16xf32>
    %xor3A_2621 = arith.constant 4 : i32
    %xor3A_2622 = vector.broadcast %xor3A_2621 : i32 to vector<16xi32>
    %xor3A_2623 = arith.xori %iota3A, %xor3A_2622 : vector<16xi32>
    %broadcast_in_dim3A_2624 = vector.shape_cast %xor3A_2623 : vector<16xi32> to vector<16x1xi32>
    %gather3A_2625 = vector.shape_cast %broadcast_in_dim3A_2624 : vector<16x1xi32> to vector<16xi32>
    %gather3A_2626 = tpu.dynamic_gather %add3A_2620[%gather3A_2625] in [0] : vector<16xf32>, vector<16xi32> -> vector<16xf32>
    %add3A_2627 = arith.addf %add3A_2620, %gather3A_2626 : vector<16xf32>
    %xor3A_2628 = arith.constant 2 : i32
    %xor3A_2629 = vector.broadcast %xor3A_2628 : i32 to vector<16xi32>
    %xor3A_2630 = arith.xori %iota3A, %xor3A_2629 : vector<16xi32>
    %broadcast_in_dim3A_2631 = vector.shape_cast %xor3A_2630 : vector<16xi32> to vector<16x1xi32>
    %gather3A_2632 = vector.shape_cast %broadcast_in_dim3A_2631 : vector<16x1xi32> to vector<16xi32>
    %gather3A_2633 = tpu.dynamic_gather %add3A_2627[%gather3A_2632] in [0] : vector<16xf32>, vector<16xi32> -> vector<16xf32>
    %add3A_2634 = arith.addf %add3A_2627, %gather3A_2633 : vector<16xf32>
    %xor3A_2635 = arith.constant 1 : i32
    %xor3A_2636 = vector.broadcast %xor3A_2635 : i32 to vector<16xi32>
    %xor3A_2637 = arith.xori %iota3A, %xor3A_2636 : vector<16xi32>
    %broadcast_in_dim3A_2638 = vector.shape_cast %xor3A_2637 : vector<16xi32> to vector<16x1xi32>
    %gather3A_2639 = vector.shape_cast %broadcast_in_dim3A_2638 : vector<16x1xi32> to vector<16xi32>
    %gather3A_2640 = tpu.dynamic_gather %add3A_2634[%gather3A_2639] in [0] : vector<16xf32>, vector<16xi32> -> vector<16xf32>
    %add3A_2641 = arith.addf %add3A_2634, %gather3A_2640 : vector<16xf32>
    %mul3A_2642 = arith.mulf %max3A_184, %max3A_2613 : vector<16xf32>
    %div3A_2643 = arith.divf %add3A_2641, %mul3A_2642 : vector<16xf32>
    %eq3A_2644 = arith.constant 3 : i32
    %eq3A_2645 = vector.broadcast %eq3A_2644 : i32 to vector<16xi32>
    %eq3A_2646 = arith.cmpi eq, %iota3A, %eq3A_2645 : vector<16xi32>
    %select_n3A_2647 = arith.select %eq3A_2646, %div3A_2643, %select_n3A_2524 : vector<16xi1>, vector<16xf32>
    %broadcast_in_dim3A_2648 = arith.constant 0.000000e+00 : f32
    %broadcast_in_dim3A_2649 = vector.broadcast %broadcast_in_dim3A_2648 : f32 to vector<16xf32>
    %broadcast_in_dim3A_2650 = arith.constant 0.000000e+00 : f32
    %broadcast_in_dim3A_2651 = vector.broadcast %broadcast_in_dim3A_2650 : f32 to vector<16xf32>
    %scan3A_2652 = arith.constant 0 : i32
    %scan3A_2653 = arith.constant 16 : i32
    %scan3A_2654 = arith.addi %scan3A_2652, %scan3A_2653 : i32
    %scan3A_2655 = arith.constant 1 : i32
    %scan3A_2656:2 = scf.for %scan3A_4131 = %scan3A_2652 to %scan3A_2654 step %scan3A_2655 iter_args(%scan3A_4132 = %broadcast_in_dim3A_2649, %scan3A_4133 = %broadcast_in_dim3A_2651) -> (vector<16xf32>, vector<16xf32>)  : i32 {
      %mul3A_4134 = arith.constant 16 : i32
      %mul3A_4135 = arith.muli %scan3A_4131, %mul3A_4134 : i32
      %add3A_4136 = arith.constant 5120 : i32
      %add3A_4137 = arith.addi %add3A_4136, %mul3A_4135 : i32
      %get3A = arith.index_cast %add3A_4137 : i32 to index
      %get3A_4138 = tpu.vector_load %arg7[%get3A] {strides = array<i32>} : memref<8192xf32, #tpu.memory_space<vmem>>, vector<16xf32>,
      %get3A_4139 = vector.shape_cast %get3A_4138 : vector<16xf32> to vector<16xf32>
      %mul3A_4140 = arith.constant 16 : i32
      %mul3A_4141 = arith.muli %scan3A_4131, %mul3A_4140 : i32
      %get3A_4142 = arith.index_cast %mul3A_4141 : i32 to index
      %get3A_4143 = tpu.vector_load %arg9[%get3A_4142] {strides = array<i32>} : memref<256xf32, #tpu.memory_space<vmem>>, vector<16xf32>,
      %get3A_4144 = vector.shape_cast %get3A_4143 : vector<16xf32> to vector<16xf32>
      %mul3A_4145 = arith.mulf %get3A_4139, %get3A_4144 : vector<16xf32>
      %add3A_4146 = arith.addf %scan3A_4132, %mul3A_4145 : vector<16xf32>
      %mul3A_4147 = arith.mulf %get3A_4139, %get3A_4139 : vector<16xf32>
      %add3A_4148 = arith.addf %scan3A_4133, %mul3A_4147 : vector<16xf32>
      scf.yield %add3A_4146, %add3A_4148 : vector<16xf32>, vector<16xf32>
    }
    %scan3A_2657 = arith.constant 16 : i32
    %xor3A_2658 = arith.constant 8 : i32
    %xor3A_2659 = vector.broadcast %xor3A_2658 : i32 to vector<16xi32>
    %xor3A_2660 = arith.xori %iota3A, %xor3A_2659 : vector<16xi32>
    %broadcast_in_dim3A_2661 = vector.shape_cast %xor3A_2660 : vector<16xi32> to vector<16x1xi32>
    %gather3A_2662 = vector.shape_cast %broadcast_in_dim3A_2661 : vector<16x1xi32> to vector<16xi32>
    %gather3A_2663 = tpu.dynamic_gather %scan3A_2656#1[%gather3A_2662] in [0] : vector<16xf32>, vector<16xi32> -> vector<16xf32>
    %add3A_2664 = arith.addf %scan3A_2656#1, %gather3A_2663 : vector<16xf32>
    %xor3A_2665 = arith.constant 4 : i32
    %xor3A_2666 = vector.broadcast %xor3A_2665 : i32 to vector<16xi32>
    %xor3A_2667 = arith.xori %iota3A, %xor3A_2666 : vector<16xi32>
    %broadcast_in_dim3A_2668 = vector.shape_cast %xor3A_2667 : vector<16xi32> to vector<16x1xi32>
    %gather3A_2669 = vector.shape_cast %broadcast_in_dim3A_2668 : vector<16x1xi32> to vector<16xi32>
    %gather3A_2670 = tpu.dynamic_gather %add3A_2664[%gather3A_2669] in [0] : vector<16xf32>, vector<16xi32> -> vector<16xf32>
    %add3A_2671 = arith.addf %add3A_2664, %gather3A_2670 : vector<16xf32>
    %xor3A_2672 = arith.constant 2 : i32
    %xor3A_2673 = vector.broadcast %xor3A_2672 : i32 to vector<16xi32>
    %xor3A_2674 = arith.xori %iota3A, %xor3A_2673 : vector<16xi32>
    %broadcast_in_dim3A_2675 = vector.shape_cast %xor3A_2674 : vector<16xi32> to vector<16x1xi32>
    %gather3A_2676 = vector.shape_cast %broadcast_in_dim3A_2675 : vector<16x1xi32> to vector<16xi32>
    %gather3A_2677 = tpu.dynamic_gather %add3A_2671[%gather3A_2676] in [0] : vector<16xf32>, vector<16xi32> -> vector<16xf32>
    %add3A_2678 = arith.addf %add3A_2671, %gather3A_2677 : vector<16xf32>
    %xor3A_2679 = arith.constant 1 : i32
    %xor3A_2680 = vector.broadcast %xor3A_2679 : i32 to vector<16xi32>
    %xor3A_2681 = arith.xori %iota3A, %xor3A_2680 : vector<16xi32>
    %broadcast_in_dim3A_2682 = vector.shape_cast %xor3A_2681 : vector<16xi32> to vector<16x1xi32>
    %gather3A_2683 = vector.shape_cast %broadcast_in_dim3A_2682 : vector<16x1xi32> to vector<16xi32>
    %gather3A_2684 = tpu.dynamic_gather %add3A_2678[%gather3A_2683] in [0] : vector<16xf32>, vector<16xi32> -> vector<16xf32>
    %add3A_2685 = arith.addf %add3A_2678, %gather3A_2684 : vector<16xf32>
    %max3A_2686 = arith.constant 1.000000e-30 : f32
    %max3A_2687 = vector.broadcast %max3A_2686 : f32 to vector<16xf32>
    %max3A_2688 = arith.maximumf %add3A_2685, %max3A_2687 : vector<16xf32>
    %bitcast_convert_type3A_2689 = tpu.bitcast %max3A_2688 : vector<16xf32> -> vector<16xi32>
    %shift_right_arithmetic3A_2690 = arith.constant 1 : i32
    %shift_right_arithmetic3A_2691 = vector.broadcast %shift_right_arithmetic3A_2690 : i32 to vector<16xi32>
    %shift_right_arithmetic3A_2692 = arith.shrsi %bitcast_convert_type3A_2689, %shift_right_arithmetic3A_2691 : vector<16xi32>
    %sub3A_2693 = arith.constant 1597463007 : i32
    %sub3A_2694 = vector.broadcast %sub3A_2693 : i32 to vector<16xi32>
    %sub3A_2695 = arith.subi %sub3A_2694, %shift_right_arithmetic3A_2692 : vector<16xi32>
    %bitcast_convert_type3A_2696 = tpu.bitcast %sub3A_2695 : vector<16xi32> -> vector<16xf32>
    %mul3A_2697 = arith.constant 5.000000e-01 : f32
    %mul3A_2698 = vector.broadcast %mul3A_2697 : f32 to vector<16xf32>
    %mul3A_2699 = arith.mulf %mul3A_2698, %max3A_2688 : vector<16xf32>
    %mul3A_2700 = arith.mulf %mul3A_2699, %bitcast_convert_type3A_2696 : vector<16xf32>
    %mul3A_2701 = arith.mulf %mul3A_2700, %bitcast_convert_type3A_2696 : vector<16xf32>
    %sub3A_2702 = arith.constant 1.500000e+00 : f32
    %sub3A_2703 = vector.broadcast %sub3A_2702 : f32 to vector<16xf32>
    %sub3A_2704 = arith.subf %sub3A_2703, %mul3A_2701 : vector<16xf32>
    %mul3A_2705 = arith.mulf %bitcast_convert_type3A_2696, %sub3A_2704 : vector<16xf32>
    %mul3A_2706 = arith.constant 5.000000e-01 : f32
    %mul3A_2707 = vector.broadcast %mul3A_2706 : f32 to vector<16xf32>
    %mul3A_2708 = arith.mulf %mul3A_2707, %max3A_2688 : vector<16xf32>
    %mul3A_2709 = arith.mulf %mul3A_2708, %mul3A_2705 : vector<16xf32>
    %mul3A_2710 = arith.mulf %mul3A_2709, %mul3A_2705 : vector<16xf32>
    %sub3A_2711 = arith.constant 1.500000e+00 : f32
    %sub3A_2712 = vector.broadcast %sub3A_2711 : f32 to vector<16xf32>
    %sub3A_2713 = arith.subf %sub3A_2712, %mul3A_2710 : vector<16xf32>
    %mul3A_2714 = arith.mulf %mul3A_2705, %sub3A_2713 : vector<16xf32>
    %mul3A_2715 = arith.constant 5.000000e-01 : f32
    %mul3A_2716 = vector.broadcast %mul3A_2715 : f32 to vector<16xf32>
    %mul3A_2717 = arith.mulf %mul3A_2716, %max3A_2688 : vector<16xf32>
    %mul3A_2718 = arith.mulf %mul3A_2717, %mul3A_2714 : vector<16xf32>
    %mul3A_2719 = arith.mulf %mul3A_2718, %mul3A_2714 : vector<16xf32>
    %sub3A_2720 = arith.constant 1.500000e+00 : f32
    %sub3A_2721 = vector.broadcast %sub3A_2720 : f32 to vector<16xf32>
    %sub3A_2722 = arith.subf %sub3A_2721, %mul3A_2719 : vector<16xf32>
    %mul3A_2723 = arith.mulf %mul3A_2714, %sub3A_2722 : vector<16xf32>
    %mul3A_2724 = arith.constant 5.000000e-01 : f32
    %mul3A_2725 = vector.broadcast %mul3A_2724 : f32 to vector<16xf32>
    %mul3A_2726 = arith.mulf %mul3A_2725, %max3A_2688 : vector<16xf32>
    %mul3A_2727 = arith.mulf %mul3A_2726, %mul3A_2723 : vector<16xf32>
    %mul3A_2728 = arith.mulf %mul3A_2727, %mul3A_2723 : vector<16xf32>
    %sub3A_2729 = arith.constant 1.500000e+00 : f32
    %sub3A_2730 = vector.broadcast %sub3A_2729 : f32 to vector<16xf32>
    %sub3A_2731 = arith.subf %sub3A_2730, %mul3A_2728 : vector<16xf32>
    %mul3A_2732 = arith.mulf %mul3A_2723, %sub3A_2731 : vector<16xf32>
    %mul3A_2733 = arith.mulf %add3A_2685, %mul3A_2732 : vector<16xf32>
    %max3A_2734 = arith.constant 9.99999996E-13 : f32
    %max3A_2735 = vector.broadcast %max3A_2734 : f32 to vector<16xf32>
    %max3A_2736 = arith.maximumf %mul3A_2733, %max3A_2735 : vector<16xf32>
    %xor3A_2737 = arith.constant 8 : i32
    %xor3A_2738 = vector.broadcast %xor3A_2737 : i32 to vector<16xi32>
    %xor3A_2739 = arith.xori %iota3A, %xor3A_2738 : vector<16xi32>
    %broadcast_in_dim3A_2740 = vector.shape_cast %xor3A_2739 : vector<16xi32> to vector<16x1xi32>
    %gather3A_2741 = vector.shape_cast %broadcast_in_dim3A_2740 : vector<16x1xi32> to vector<16xi32>
    %gather3A_2742 = tpu.dynamic_gather %scan3A_2656#0[%gather3A_2741] in [0] : vector<16xf32>, vector<16xi32> -> vector<16xf32>
    %add3A_2743 = arith.addf %scan3A_2656#0, %gather3A_2742 : vector<16xf32>
    %xor3A_2744 = arith.constant 4 : i32
    %xor3A_2745 = vector.broadcast %xor3A_2744 : i32 to vector<16xi32>
    %xor3A_2746 = arith.xori %iota3A, %xor3A_2745 : vector<16xi32>
    %broadcast_in_dim3A_2747 = vector.shape_cast %xor3A_2746 : vector<16xi32> to vector<16x1xi32>
    %gather3A_2748 = vector.shape_cast %broadcast_in_dim3A_2747 : vector<16x1xi32> to vector<16xi32>
    %gather3A_2749 = tpu.dynamic_gather %add3A_2743[%gather3A_2748] in [0] : vector<16xf32>, vector<16xi32> -> vector<16xf32>
    %add3A_2750 = arith.addf %add3A_2743, %gather3A_2749 : vector<16xf32>
    %xor3A_2751 = arith.constant 2 : i32
    %xor3A_2752 = vector.broadcast %xor3A_2751 : i32 to vector<16xi32>
    %xor3A_2753 = arith.xori %iota3A, %xor3A_2752 : vector<16xi32>
    %broadcast_in_dim3A_2754 = vector.shape_cast %xor3A_2753 : vector<16xi32> to vector<16x1xi32>
    %gather3A_2755 = vector.shape_cast %broadcast_in_dim3A_2754 : vector<16x1xi32> to vector<16xi32>
    %gather3A_2756 = tpu.dynamic_gather %add3A_2750[%gather3A_2755] in [0] : vector<16xf32>, vector<16xi32> -> vector<16xf32>
    %add3A_2757 = arith.addf %add3A_2750, %gather3A_2756 : vector<16xf32>
    %xor3A_2758 = arith.constant 1 : i32
    %xor3A_2759 = vector.broadcast %xor3A_2758 : i32 to vector<16xi32>
    %xor3A_2760 = arith.xori %iota3A, %xor3A_2759 : vector<16xi32>
    %broadcast_in_dim3A_2761 = vector.shape_cast %xor3A_2760 : vector<16xi32> to vector<16x1xi32>
    %gather3A_2762 = vector.shape_cast %broadcast_in_dim3A_2761 : vector<16x1xi32> to vector<16xi32>
    %gather3A_2763 = tpu.dynamic_gather %add3A_2757[%gather3A_2762] in [0] : vector<16xf32>, vector<16xi32> -> vector<16xf32>
    %add3A_2764 = arith.addf %add3A_2757, %gather3A_2763 : vector<16xf32>
    %mul3A_2765 = arith.mulf %max3A_184, %max3A_2736 : vector<16xf32>
    %div3A_2766 = arith.divf %add3A_2764, %mul3A_2765 : vector<16xf32>
    %eq3A_2767 = arith.constant 4 : i32
    %eq3A_2768 = vector.broadcast %eq3A_2767 : i32 to vector<16xi32>
    %eq3A_2769 = arith.cmpi eq, %iota3A, %eq3A_2768 : vector<16xi32>
    %select_n3A_2770 = arith.select %eq3A_2769, %div3A_2766, %select_n3A_2647 : vector<16xi1>, vector<16xf32>
    %broadcast_in_dim3A_2771 = arith.constant 0.000000e+00 : f32
    %broadcast_in_dim3A_2772 = vector.broadcast %broadcast_in_dim3A_2771 : f32 to vector<16xf32>
    %broadcast_in_dim3A_2773 = arith.constant 0.000000e+00 : f32
    %broadcast_in_dim3A_2774 = vector.broadcast %broadcast_in_dim3A_2773 : f32 to vector<16xf32>
    %scan3A_2775 = arith.constant 0 : i32
    %scan3A_2776 = arith.constant 16 : i32
    %scan3A_2777 = arith.addi %scan3A_2775, %scan3A_2776 : i32
    %scan3A_2778 = arith.constant 1 : i32
    %scan3A_2779:2 = scf.for %scan3A_4131 = %scan3A_2775 to %scan3A_2777 step %scan3A_2778 iter_args(%scan3A_4132 = %broadcast_in_dim3A_2772, %scan3A_4133 = %broadcast_in_dim3A_2774) -> (vector<16xf32>, vector<16xf32>)  : i32 {
      %mul3A_4134 = arith.constant 16 : i32
      %mul3A_4135 = arith.muli %scan3A_4131, %mul3A_4134 : i32
      %add3A_4136 = arith.constant 5376 : i32
      %add3A_4137 = arith.addi %add3A_4136, %mul3A_4135 : i32
      %get3A = arith.index_cast %add3A_4137 : i32 to index
      %get3A_4138 = tpu.vector_load %arg7[%get3A] {strides = array<i32>} : memref<8192xf32, #tpu.memory_space<vmem>>, vector<16xf32>,
      %get3A_4139 = vector.shape_cast %get3A_4138 : vector<16xf32> to vector<16xf32>
      %mul3A_4140 = arith.constant 16 : i32
      %mul3A_4141 = arith.muli %scan3A_4131, %mul3A_4140 : i32
      %get3A_4142 = arith.index_cast %mul3A_4141 : i32 to index
      %get3A_4143 = tpu.vector_load %arg9[%get3A_4142] {strides = array<i32>} : memref<256xf32, #tpu.memory_space<vmem>>, vector<16xf32>,
      %get3A_4144 = vector.shape_cast %get3A_4143 : vector<16xf32> to vector<16xf32>
      %mul3A_4145 = arith.mulf %get3A_4139, %get3A_4144 : vector<16xf32>
      %add3A_4146 = arith.addf %scan3A_4132, %mul3A_4145 : vector<16xf32>
      %mul3A_4147 = arith.mulf %get3A_4139, %get3A_4139 : vector<16xf32>
      %add3A_4148 = arith.addf %scan3A_4133, %mul3A_4147 : vector<16xf32>
      scf.yield %add3A_4146, %add3A_4148 : vector<16xf32>, vector<16xf32>
    }
    %scan3A_2780 = arith.constant 16 : i32
    %xor3A_2781 = arith.constant 8 : i32
    %xor3A_2782 = vector.broadcast %xor3A_2781 : i32 to vector<16xi32>
    %xor3A_2783 = arith.xori %iota3A, %xor3A_2782 : vector<16xi32>
    %broadcast_in_dim3A_2784 = vector.shape_cast %xor3A_2783 : vector<16xi32> to vector<16x1xi32>
    %gather3A_2785 = vector.shape_cast %broadcast_in_dim3A_2784 : vector<16x1xi32> to vector<16xi32>
    %gather3A_2786 = tpu.dynamic_gather %scan3A_2779#1[%gather3A_2785] in [0] : vector<16xf32>, vector<16xi32> -> vector<16xf32>
    %add3A_2787 = arith.addf %scan3A_2779#1, %gather3A_2786 : vector<16xf32>
    %xor3A_2788 = arith.constant 4 : i32
    %xor3A_2789 = vector.broadcast %xor3A_2788 : i32 to vector<16xi32>
    %xor3A_2790 = arith.xori %iota3A, %xor3A_2789 : vector<16xi32>
    %broadcast_in_dim3A_2791 = vector.shape_cast %xor3A_2790 : vector<16xi32> to vector<16x1xi32>
    %gather3A_2792 = vector.shape_cast %broadcast_in_dim3A_2791 : vector<16x1xi32> to vector<16xi32>
    %gather3A_2793 = tpu.dynamic_gather %add3A_2787[%gather3A_2792] in [0] : vector<16xf32>, vector<16xi32> -> vector<16xf32>
    %add3A_2794 = arith.addf %add3A_2787, %gather3A_2793 : vector<16xf32>
    %xor3A_2795 = arith.constant 2 : i32
    %xor3A_2796 = vector.broadcast %xor3A_2795 : i32 to vector<16xi32>
    %xor3A_2797 = arith.xori %iota3A, %xor3A_2796 : vector<16xi32>
    %broadcast_in_dim3A_2798 = vector.shape_cast %xor3A_2797 : vector<16xi32> to vector<16x1xi32>
    %gather3A_2799 = vector.shape_cast %broadcast_in_dim3A_2798 : vector<16x1xi32> to vector<16xi32>
    %gather3A_2800 = tpu.dynamic_gather %add3A_2794[%gather3A_2799] in [0] : vector<16xf32>, vector<16xi32> -> vector<16xf32>
    %add3A_2801 = arith.addf %add3A_2794, %gather3A_2800 : vector<16xf32>
    %xor3A_2802 = arith.constant 1 : i32
    %xor3A_2803 = vector.broadcast %xor3A_2802 : i32 to vector<16xi32>
    %xor3A_2804 = arith.xori %iota3A, %xor3A_2803 : vector<16xi32>
    %broadcast_in_dim3A_2805 = vector.shape_cast %xor3A_2804 : vector<16xi32> to vector<16x1xi32>
    %gather3A_2806 = vector.shape_cast %broadcast_in_dim3A_2805 : vector<16x1xi32> to vector<16xi32>
    %gather3A_2807 = tpu.dynamic_gather %add3A_2801[%gather3A_2806] in [0] : vector<16xf32>, vector<16xi32> -> vector<16xf32>
    %add3A_2808 = arith.addf %add3A_2801, %gather3A_2807 : vector<16xf32>
    %max3A_2809 = arith.constant 1.000000e-30 : f32
    %max3A_2810 = vector.broadcast %max3A_2809 : f32 to vector<16xf32>
    %max3A_2811 = arith.maximumf %add3A_2808, %max3A_2810 : vector<16xf32>
    %bitcast_convert_type3A_2812 = tpu.bitcast %max3A_2811 : vector<16xf32> -> vector<16xi32>
    %shift_right_arithmetic3A_2813 = arith.constant 1 : i32
    %shift_right_arithmetic3A_2814 = vector.broadcast %shift_right_arithmetic3A_2813 : i32 to vector<16xi32>
    %shift_right_arithmetic3A_2815 = arith.shrsi %bitcast_convert_type3A_2812, %shift_right_arithmetic3A_2814 : vector<16xi32>
    %sub3A_2816 = arith.constant 1597463007 : i32
    %sub3A_2817 = vector.broadcast %sub3A_2816 : i32 to vector<16xi32>
    %sub3A_2818 = arith.subi %sub3A_2817, %shift_right_arithmetic3A_2815 : vector<16xi32>
    %bitcast_convert_type3A_2819 = tpu.bitcast %sub3A_2818 : vector<16xi32> -> vector<16xf32>
    %mul3A_2820 = arith.constant 5.000000e-01 : f32
    %mul3A_2821 = vector.broadcast %mul3A_2820 : f32 to vector<16xf32>
    %mul3A_2822 = arith.mulf %mul3A_2821, %max3A_2811 : vector<16xf32>
    %mul3A_2823 = arith.mulf %mul3A_2822, %bitcast_convert_type3A_2819 : vector<16xf32>
    %mul3A_2824 = arith.mulf %mul3A_2823, %bitcast_convert_type3A_2819 : vector<16xf32>
    %sub3A_2825 = arith.constant 1.500000e+00 : f32
    %sub3A_2826 = vector.broadcast %sub3A_2825 : f32 to vector<16xf32>
    %sub3A_2827 = arith.subf %sub3A_2826, %mul3A_2824 : vector<16xf32>
    %mul3A_2828 = arith.mulf %bitcast_convert_type3A_2819, %sub3A_2827 : vector<16xf32>
    %mul3A_2829 = arith.constant 5.000000e-01 : f32
    %mul3A_2830 = vector.broadcast %mul3A_2829 : f32 to vector<16xf32>
    %mul3A_2831 = arith.mulf %mul3A_2830, %max3A_2811 : vector<16xf32>
    %mul3A_2832 = arith.mulf %mul3A_2831, %mul3A_2828 : vector<16xf32>
    %mul3A_2833 = arith.mulf %mul3A_2832, %mul3A_2828 : vector<16xf32>
    %sub3A_2834 = arith.constant 1.500000e+00 : f32
    %sub3A_2835 = vector.broadcast %sub3A_2834 : f32 to vector<16xf32>
    %sub3A_2836 = arith.subf %sub3A_2835, %mul3A_2833 : vector<16xf32>
    %mul3A_2837 = arith.mulf %mul3A_2828, %sub3A_2836 : vector<16xf32>
    %mul3A_2838 = arith.constant 5.000000e-01 : f32
    %mul3A_2839 = vector.broadcast %mul3A_2838 : f32 to vector<16xf32>
    %mul3A_2840 = arith.mulf %mul3A_2839, %max3A_2811 : vector<16xf32>
    %mul3A_2841 = arith.mulf %mul3A_2840, %mul3A_2837 : vector<16xf32>
    %mul3A_2842 = arith.mulf %mul3A_2841, %mul3A_2837 : vector<16xf32>
    %sub3A_2843 = arith.constant 1.500000e+00 : f32
    %sub3A_2844 = vector.broadcast %sub3A_2843 : f32 to vector<16xf32>
    %sub3A_2845 = arith.subf %sub3A_2844, %mul3A_2842 : vector<16xf32>
    %mul3A_2846 = arith.mulf %mul3A_2837, %sub3A_2845 : vector<16xf32>
    %mul3A_2847 = arith.constant 5.000000e-01 : f32
    %mul3A_2848 = vector.broadcast %mul3A_2847 : f32 to vector<16xf32>
    %mul3A_2849 = arith.mulf %mul3A_2848, %max3A_2811 : vector<16xf32>
    %mul3A_2850 = arith.mulf %mul3A_2849, %mul3A_2846 : vector<16xf32>
    %mul3A_2851 = arith.mulf %mul3A_2850, %mul3A_2846 : vector<16xf32>
    %sub3A_2852 = arith.constant 1.500000e+00 : f32
    %sub3A_2853 = vector.broadcast %sub3A_2852 : f32 to vector<16xf32>
    %sub3A_2854 = arith.subf %sub3A_2853, %mul3A_2851 : vector<16xf32>
    %mul3A_2855 = arith.mulf %mul3A_2846, %sub3A_2854 : vector<16xf32>
    %mul3A_2856 = arith.mulf %add3A_2808, %mul3A_2855 : vector<16xf32>
    %max3A_2857 = arith.constant 9.99999996E-13 : f32
    %max3A_2858 = vector.broadcast %max3A_2857 : f32 to vector<16xf32>
    %max3A_2859 = arith.maximumf %mul3A_2856, %max3A_2858 : vector<16xf32>
    %xor3A_2860 = arith.constant 8 : i32
    %xor3A_2861 = vector.broadcast %xor3A_2860 : i32 to vector<16xi32>
    %xor3A_2862 = arith.xori %iota3A, %xor3A_2861 : vector<16xi32>
    %broadcast_in_dim3A_2863 = vector.shape_cast %xor3A_2862 : vector<16xi32> to vector<16x1xi32>
    %gather3A_2864 = vector.shape_cast %broadcast_in_dim3A_2863 : vector<16x1xi32> to vector<16xi32>
    %gather3A_2865 = tpu.dynamic_gather %scan3A_2779#0[%gather3A_2864] in [0] : vector<16xf32>, vector<16xi32> -> vector<16xf32>
    %add3A_2866 = arith.addf %scan3A_2779#0, %gather3A_2865 : vector<16xf32>
    %xor3A_2867 = arith.constant 4 : i32
    %xor3A_2868 = vector.broadcast %xor3A_2867 : i32 to vector<16xi32>
    %xor3A_2869 = arith.xori %iota3A, %xor3A_2868 : vector<16xi32>
    %broadcast_in_dim3A_2870 = vector.shape_cast %xor3A_2869 : vector<16xi32> to vector<16x1xi32>
    %gather3A_2871 = vector.shape_cast %broadcast_in_dim3A_2870 : vector<16x1xi32> to vector<16xi32>
    %gather3A_2872 = tpu.dynamic_gather %add3A_2866[%gather3A_2871] in [0] : vector<16xf32>, vector<16xi32> -> vector<16xf32>
    %add3A_2873 = arith.addf %add3A_2866, %gather3A_2872 : vector<16xf32>
    %xor3A_2874 = arith.constant 2 : i32
    %xor3A_2875 = vector.broadcast %xor3A_2874 : i32 to vector<16xi32>
    %xor3A_2876 = arith.xori %iota3A, %xor3A_2875 : vector<16xi32>
    %broadcast_in_dim3A_2877 = vector.shape_cast %xor3A_2876 : vector<16xi32> to vector<16x1xi32>
    %gather3A_2878 = vector.shape_cast %broadcast_in_dim3A_2877 : vector<16x1xi32> to vector<16xi32>
    %gather3A_2879 = tpu.dynamic_gather %add3A_2873[%gather3A_2878] in [0] : vector<16xf32>, vector<16xi32> -> vector<16xf32>
    %add3A_2880 = arith.addf %add3A_2873, %gather3A_2879 : vector<16xf32>
    %xor3A_2881 = arith.constant 1 : i32
    %xor3A_2882 = vector.broadcast %xor3A_2881 : i32 to vector<16xi32>
    %xor3A_2883 = arith.xori %iota3A, %xor3A_2882 : vector<16xi32>
    %broadcast_in_dim3A_2884 = vector.shape_cast %xor3A_2883 : vector<16xi32> to vector<16x1xi32>
    %gather3A_2885 = vector.shape_cast %broadcast_in_dim3A_2884 : vector<16x1xi32> to vector<16xi32>
    %gather3A_2886 = tpu.dynamic_gather %add3A_2880[%gather3A_2885] in [0] : vector<16xf32>, vector<16xi32> -> vector<16xf32>
    %add3A_2887 = arith.addf %add3A_2880, %gather3A_2886 : vector<16xf32>
    %mul3A_2888 = arith.mulf %max3A_184, %max3A_2859 : vector<16xf32>
    %div3A_2889 = arith.divf %add3A_2887, %mul3A_2888 : vector<16xf32>
    %eq3A_2890 = arith.constant 5 : i32
    %eq3A_2891 = vector.broadcast %eq3A_2890 : i32 to vector<16xi32>
    %eq3A_2892 = arith.cmpi eq, %iota3A, %eq3A_2891 : vector<16xi32>
    %select_n3A_2893 = arith.select %eq3A_2892, %div3A_2889, %select_n3A_2770 : vector<16xi1>, vector<16xf32>
    %broadcast_in_dim3A_2894 = arith.constant 0.000000e+00 : f32
    %broadcast_in_dim3A_2895 = vector.broadcast %broadcast_in_dim3A_2894 : f32 to vector<16xf32>
    %broadcast_in_dim3A_2896 = arith.constant 0.000000e+00 : f32
    %broadcast_in_dim3A_2897 = vector.broadcast %broadcast_in_dim3A_2896 : f32 to vector<16xf32>
    %scan3A_2898 = arith.constant 0 : i32
    %scan3A_2899 = arith.constant 16 : i32
    %scan3A_2900 = arith.addi %scan3A_2898, %scan3A_2899 : i32
    %scan3A_2901 = arith.constant 1 : i32
    %scan3A_2902:2 = scf.for %scan3A_4131 = %scan3A_2898 to %scan3A_2900 step %scan3A_2901 iter_args(%scan3A_4132 = %broadcast_in_dim3A_2895, %scan3A_4133 = %broadcast_in_dim3A_2897) -> (vector<16xf32>, vector<16xf32>)  : i32 {
      %mul3A_4134 = arith.constant 16 : i32
      %mul3A_4135 = arith.muli %scan3A_4131, %mul3A_4134 : i32
      %add3A_4136 = arith.constant 5632 : i32
      %add3A_4137 = arith.addi %add3A_4136, %mul3A_4135 : i32
      %get3A = arith.index_cast %add3A_4137 : i32 to index
      %get3A_4138 = tpu.vector_load %arg7[%get3A] {strides = array<i32>} : memref<8192xf32, #tpu.memory_space<vmem>>, vector<16xf32>,
      %get3A_4139 = vector.shape_cast %get3A_4138 : vector<16xf32> to vector<16xf32>
      %mul3A_4140 = arith.constant 16 : i32
      %mul3A_4141 = arith.muli %scan3A_4131, %mul3A_4140 : i32
      %get3A_4142 = arith.index_cast %mul3A_4141 : i32 to index
      %get3A_4143 = tpu.vector_load %arg9[%get3A_4142] {strides = array<i32>} : memref<256xf32, #tpu.memory_space<vmem>>, vector<16xf32>,
      %get3A_4144 = vector.shape_cast %get3A_4143 : vector<16xf32> to vector<16xf32>
      %mul3A_4145 = arith.mulf %get3A_4139, %get3A_4144 : vector<16xf32>
      %add3A_4146 = arith.addf %scan3A_4132, %mul3A_4145 : vector<16xf32>
      %mul3A_4147 = arith.mulf %get3A_4139, %get3A_4139 : vector<16xf32>
      %add3A_4148 = arith.addf %scan3A_4133, %mul3A_4147 : vector<16xf32>
      scf.yield %add3A_4146, %add3A_4148 : vector<16xf32>, vector<16xf32>
    }
    %scan3A_2903 = arith.constant 16 : i32
    %xor3A_2904 = arith.constant 8 : i32
    %xor3A_2905 = vector.broadcast %xor3A_2904 : i32 to vector<16xi32>
    %xor3A_2906 = arith.xori %iota3A, %xor3A_2905 : vector<16xi32>
    %broadcast_in_dim3A_2907 = vector.shape_cast %xor3A_2906 : vector<16xi32> to vector<16x1xi32>
    %gather3A_2908 = vector.shape_cast %broadcast_in_dim3A_2907 : vector<16x1xi32> to vector<16xi32>
    %gather3A_2909 = tpu.dynamic_gather %scan3A_2902#1[%gather3A_2908] in [0] : vector<16xf32>, vector<16xi32> -> vector<16xf32>
    %add3A_2910 = arith.addf %scan3A_2902#1, %gather3A_2909 : vector<16xf32>
    %xor3A_2911 = arith.constant 4 : i32
    %xor3A_2912 = vector.broadcast %xor3A_2911 : i32 to vector<16xi32>
    %xor3A_2913 = arith.xori %iota3A, %xor3A_2912 : vector<16xi32>
    %broadcast_in_dim3A_2914 = vector.shape_cast %xor3A_2913 : vector<16xi32> to vector<16x1xi32>
    %gather3A_2915 = vector.shape_cast %broadcast_in_dim3A_2914 : vector<16x1xi32> to vector<16xi32>
    %gather3A_2916 = tpu.dynamic_gather %add3A_2910[%gather3A_2915] in [0] : vector<16xf32>, vector<16xi32> -> vector<16xf32>
    %add3A_2917 = arith.addf %add3A_2910, %gather3A_2916 : vector<16xf32>
    %xor3A_2918 = arith.constant 2 : i32
    %xor3A_2919 = vector.broadcast %xor3A_2918 : i32 to vector<16xi32>
    %xor3A_2920 = arith.xori %iota3A, %xor3A_2919 : vector<16xi32>
    %broadcast_in_dim3A_2921 = vector.shape_cast %xor3A_2920 : vector<16xi32> to vector<16x1xi32>
    %gather3A_2922 = vector.shape_cast %broadcast_in_dim3A_2921 : vector<16x1xi32> to vector<16xi32>
    %gather3A_2923 = tpu.dynamic_gather %add3A_2917[%gather3A_2922] in [0] : vector<16xf32>, vector<16xi32> -> vector<16xf32>
    %add3A_2924 = arith.addf %add3A_2917, %gather3A_2923 : vector<16xf32>
    %xor3A_2925 = arith.constant 1 : i32
    %xor3A_2926 = vector.broadcast %xor3A_2925 : i32 to vector<16xi32>
    %xor3A_2927 = arith.xori %iota3A, %xor3A_2926 : vector<16xi32>
    %broadcast_in_dim3A_2928 = vector.shape_cast %xor3A_2927 : vector<16xi32> to vector<16x1xi32>
    %gather3A_2929 = vector.shape_cast %broadcast_in_dim3A_2928 : vector<16x1xi32> to vector<16xi32>
    %gather3A_2930 = tpu.dynamic_gather %add3A_2924[%gather3A_2929] in [0] : vector<16xf32>, vector<16xi32> -> vector<16xf32>
    %add3A_2931 = arith.addf %add3A_2924, %gather3A_2930 : vector<16xf32>
    %max3A_2932 = arith.constant 1.000000e-30 : f32
    %max3A_2933 = vector.broadcast %max3A_2932 : f32 to vector<16xf32>
    %max3A_2934 = arith.maximumf %add3A_2931, %max3A_2933 : vector<16xf32>
    %bitcast_convert_type3A_2935 = tpu.bitcast %max3A_2934 : vector<16xf32> -> vector<16xi32>
    %shift_right_arithmetic3A_2936 = arith.constant 1 : i32
    %shift_right_arithmetic3A_2937 = vector.broadcast %shift_right_arithmetic3A_2936 : i32 to vector<16xi32>
    %shift_right_arithmetic3A_2938 = arith.shrsi %bitcast_convert_type3A_2935, %shift_right_arithmetic3A_2937 : vector<16xi32>
    %sub3A_2939 = arith.constant 1597463007 : i32
    %sub3A_2940 = vector.broadcast %sub3A_2939 : i32 to vector<16xi32>
    %sub3A_2941 = arith.subi %sub3A_2940, %shift_right_arithmetic3A_2938 : vector<16xi32>
    %bitcast_convert_type3A_2942 = tpu.bitcast %sub3A_2941 : vector<16xi32> -> vector<16xf32>
    %mul3A_2943 = arith.constant 5.000000e-01 : f32
    %mul3A_2944 = vector.broadcast %mul3A_2943 : f32 to vector<16xf32>
    %mul3A_2945 = arith.mulf %mul3A_2944, %max3A_2934 : vector<16xf32>
    %mul3A_2946 = arith.mulf %mul3A_2945, %bitcast_convert_type3A_2942 : vector<16xf32>
    %mul3A_2947 = arith.mulf %mul3A_2946, %bitcast_convert_type3A_2942 : vector<16xf32>
    %sub3A_2948 = arith.constant 1.500000e+00 : f32
    %sub3A_2949 = vector.broadcast %sub3A_2948 : f32 to vector<16xf32>
    %sub3A_2950 = arith.subf %sub3A_2949, %mul3A_2947 : vector<16xf32>
    %mul3A_2951 = arith.mulf %bitcast_convert_type3A_2942, %sub3A_2950 : vector<16xf32>
    %mul3A_2952 = arith.constant 5.000000e-01 : f32
    %mul3A_2953 = vector.broadcast %mul3A_2952 : f32 to vector<16xf32>
    %mul3A_2954 = arith.mulf %mul3A_2953, %max3A_2934 : vector<16xf32>
    %mul3A_2955 = arith.mulf %mul3A_2954, %mul3A_2951 : vector<16xf32>
    %mul3A_2956 = arith.mulf %mul3A_2955, %mul3A_2951 : vector<16xf32>
    %sub3A_2957 = arith.constant 1.500000e+00 : f32
    %sub3A_2958 = vector.broadcast %sub3A_2957 : f32 to vector<16xf32>
    %sub3A_2959 = arith.subf %sub3A_2958, %mul3A_2956 : vector<16xf32>
    %mul3A_2960 = arith.mulf %mul3A_2951, %sub3A_2959 : vector<16xf32>
    %mul3A_2961 = arith.constant 5.000000e-01 : f32
    %mul3A_2962 = vector.broadcast %mul3A_2961 : f32 to vector<16xf32>
    %mul3A_2963 = arith.mulf %mul3A_2962, %max3A_2934 : vector<16xf32>
    %mul3A_2964 = arith.mulf %mul3A_2963, %mul3A_2960 : vector<16xf32>
    %mul3A_2965 = arith.mulf %mul3A_2964, %mul3A_2960 : vector<16xf32>
    %sub3A_2966 = arith.constant 1.500000e+00 : f32
    %sub3A_2967 = vector.broadcast %sub3A_2966 : f32 to vector<16xf32>
    %sub3A_2968 = arith.subf %sub3A_2967, %mul3A_2965 : vector<16xf32>
    %mul3A_2969 = arith.mulf %mul3A_2960, %sub3A_2968 : vector<16xf32>
    %mul3A_2970 = arith.constant 5.000000e-01 : f32
    %mul3A_2971 = vector.broadcast %mul3A_2970 : f32 to vector<16xf32>
    %mul3A_2972 = arith.mulf %mul3A_2971, %max3A_2934 : vector<16xf32>
    %mul3A_2973 = arith.mulf %mul3A_2972, %mul3A_2969 : vector<16xf32>
    %mul3A_2974 = arith.mulf %mul3A_2973, %mul3A_2969 : vector<16xf32>
    %sub3A_2975 = arith.constant 1.500000e+00 : f32
    %sub3A_2976 = vector.broadcast %sub3A_2975 : f32 to vector<16xf32>
    %sub3A_2977 = arith.subf %sub3A_2976, %mul3A_2974 : vector<16xf32>
    %mul3A_2978 = arith.mulf %mul3A_2969, %sub3A_2977 : vector<16xf32>
    %mul3A_2979 = arith.mulf %add3A_2931, %mul3A_2978 : vector<16xf32>
    %max3A_2980 = arith.constant 9.99999996E-13 : f32
    %max3A_2981 = vector.broadcast %max3A_2980 : f32 to vector<16xf32>
    %max3A_2982 = arith.maximumf %mul3A_2979, %max3A_2981 : vector<16xf32>
    %xor3A_2983 = arith.constant 8 : i32
    %xor3A_2984 = vector.broadcast %xor3A_2983 : i32 to vector<16xi32>
    %xor3A_2985 = arith.xori %iota3A, %xor3A_2984 : vector<16xi32>
    %broadcast_in_dim3A_2986 = vector.shape_cast %xor3A_2985 : vector<16xi32> to vector<16x1xi32>
    %gather3A_2987 = vector.shape_cast %broadcast_in_dim3A_2986 : vector<16x1xi32> to vector<16xi32>
    %gather3A_2988 = tpu.dynamic_gather %scan3A_2902#0[%gather3A_2987] in [0] : vector<16xf32>, vector<16xi32> -> vector<16xf32>
    %add3A_2989 = arith.addf %scan3A_2902#0, %gather3A_2988 : vector<16xf32>
    %xor3A_2990 = arith.constant 4 : i32
    %xor3A_2991 = vector.broadcast %xor3A_2990 : i32 to vector<16xi32>
    %xor3A_2992 = arith.xori %iota3A, %xor3A_2991 : vector<16xi32>
    %broadcast_in_dim3A_2993 = vector.shape_cast %xor3A_2992 : vector<16xi32> to vector<16x1xi32>
    %gather3A_2994 = vector.shape_cast %broadcast_in_dim3A_2993 : vector<16x1xi32> to vector<16xi32>
    %gather3A_2995 = tpu.dynamic_gather %add3A_2989[%gather3A_2994] in [0] : vector<16xf32>, vector<16xi32> -> vector<16xf32>
    %add3A_2996 = arith.addf %add3A_2989, %gather3A_2995 : vector<16xf32>
    %xor3A_2997 = arith.constant 2 : i32
    %xor3A_2998 = vector.broadcast %xor3A_2997 : i32 to vector<16xi32>
    %xor3A_2999 = arith.xori %iota3A, %xor3A_2998 : vector<16xi32>
    %broadcast_in_dim3A_3000 = vector.shape_cast %xor3A_2999 : vector<16xi32> to vector<16x1xi32>
    %gather3A_3001 = vector.shape_cast %broadcast_in_dim3A_3000 : vector<16x1xi32> to vector<16xi32>
    %gather3A_3002 = tpu.dynamic_gather %add3A_2996[%gather3A_3001] in [0] : vector<16xf32>, vector<16xi32> -> vector<16xf32>
    %add3A_3003 = arith.addf %add3A_2996, %gather3A_3002 : vector<16xf32>
    %xor3A_3004 = arith.constant 1 : i32
    %xor3A_3005 = vector.broadcast %xor3A_3004 : i32 to vector<16xi32>
    %xor3A_3006 = arith.xori %iota3A, %xor3A_3005 : vector<16xi32>
    %broadcast_in_dim3A_3007 = vector.shape_cast %xor3A_3006 : vector<16xi32> to vector<16x1xi32>
    %gather3A_3008 = vector.shape_cast %broadcast_in_dim3A_3007 : vector<16x1xi32> to vector<16xi32>
    %gather3A_3009 = tpu.dynamic_gather %add3A_3003[%gather3A_3008] in [0] : vector<16xf32>, vector<16xi32> -> vector<16xf32>
    %add3A_3010 = arith.addf %add3A_3003, %gather3A_3009 : vector<16xf32>
    %mul3A_3011 = arith.mulf %max3A_184, %max3A_2982 : vector<16xf32>
    %div3A_3012 = arith.divf %add3A_3010, %mul3A_3011 : vector<16xf32>
    %eq3A_3013 = arith.constant 6 : i32
    %eq3A_3014 = vector.broadcast %eq3A_3013 : i32 to vector<16xi32>
    %eq3A_3015 = arith.cmpi eq, %iota3A, %eq3A_3014 : vector<16xi32>
    %select_n3A_3016 = arith.select %eq3A_3015, %div3A_3012, %select_n3A_2893 : vector<16xi1>, vector<16xf32>
    %broadcast_in_dim3A_3017 = arith.constant 0.000000e+00 : f32
    %broadcast_in_dim3A_3018 = vector.broadcast %broadcast_in_dim3A_3017 : f32 to vector<16xf32>
    %broadcast_in_dim3A_3019 = arith.constant 0.000000e+00 : f32
    %broadcast_in_dim3A_3020 = vector.broadcast %broadcast_in_dim3A_3019 : f32 to vector<16xf32>
    %scan3A_3021 = arith.constant 0 : i32
    %scan3A_3022 = arith.constant 16 : i32
    %scan3A_3023 = arith.addi %scan3A_3021, %scan3A_3022 : i32
    %scan3A_3024 = arith.constant 1 : i32
    %scan3A_3025:2 = scf.for %scan3A_4131 = %scan3A_3021 to %scan3A_3023 step %scan3A_3024 iter_args(%scan3A_4132 = %broadcast_in_dim3A_3018, %scan3A_4133 = %broadcast_in_dim3A_3020) -> (vector<16xf32>, vector<16xf32>)  : i32 {
      %mul3A_4134 = arith.constant 16 : i32
      %mul3A_4135 = arith.muli %scan3A_4131, %mul3A_4134 : i32
      %add3A_4136 = arith.constant 5888 : i32
      %add3A_4137 = arith.addi %add3A_4136, %mul3A_4135 : i32
      %get3A = arith.index_cast %add3A_4137 : i32 to index
      %get3A_4138 = tpu.vector_load %arg7[%get3A] {strides = array<i32>} : memref<8192xf32, #tpu.memory_space<vmem>>, vector<16xf32>,
      %get3A_4139 = vector.shape_cast %get3A_4138 : vector<16xf32> to vector<16xf32>
      %mul3A_4140 = arith.constant 16 : i32
      %mul3A_4141 = arith.muli %scan3A_4131, %mul3A_4140 : i32
      %get3A_4142 = arith.index_cast %mul3A_4141 : i32 to index
      %get3A_4143 = tpu.vector_load %arg9[%get3A_4142] {strides = array<i32>} : memref<256xf32, #tpu.memory_space<vmem>>, vector<16xf32>,
      %get3A_4144 = vector.shape_cast %get3A_4143 : vector<16xf32> to vector<16xf32>
      %mul3A_4145 = arith.mulf %get3A_4139, %get3A_4144 : vector<16xf32>
      %add3A_4146 = arith.addf %scan3A_4132, %mul3A_4145 : vector<16xf32>
      %mul3A_4147 = arith.mulf %get3A_4139, %get3A_4139 : vector<16xf32>
      %add3A_4148 = arith.addf %scan3A_4133, %mul3A_4147 : vector<16xf32>
      scf.yield %add3A_4146, %add3A_4148 : vector<16xf32>, vector<16xf32>
    }
    %scan3A_3026 = arith.constant 16 : i32
    %xor3A_3027 = arith.constant 8 : i32
    %xor3A_3028 = vector.broadcast %xor3A_3027 : i32 to vector<16xi32>
    %xor3A_3029 = arith.xori %iota3A, %xor3A_3028 : vector<16xi32>
    %broadcast_in_dim3A_3030 = vector.shape_cast %xor3A_3029 : vector<16xi32> to vector<16x1xi32>
    %gather3A_3031 = vector.shape_cast %broadcast_in_dim3A_3030 : vector<16x1xi32> to vector<16xi32>
    %gather3A_3032 = tpu.dynamic_gather %scan3A_3025#1[%gather3A_3031] in [0] : vector<16xf32>, vector<16xi32> -> vector<16xf32>
    %add3A_3033 = arith.addf %scan3A_3025#1, %gather3A_3032 : vector<16xf32>
    %xor3A_3034 = arith.constant 4 : i32
    %xor3A_3035 = vector.broadcast %xor3A_3034 : i32 to vector<16xi32>
    %xor3A_3036 = arith.xori %iota3A, %xor3A_3035 : vector<16xi32>
    %broadcast_in_dim3A_3037 = vector.shape_cast %xor3A_3036 : vector<16xi32> to vector<16x1xi32>
    %gather3A_3038 = vector.shape_cast %broadcast_in_dim3A_3037 : vector<16x1xi32> to vector<16xi32>
    %gather3A_3039 = tpu.dynamic_gather %add3A_3033[%gather3A_3038] in [0] : vector<16xf32>, vector<16xi32> -> vector<16xf32>
    %add3A_3040 = arith.addf %add3A_3033, %gather3A_3039 : vector<16xf32>
    %xor3A_3041 = arith.constant 2 : i32
    %xor3A_3042 = vector.broadcast %xor3A_3041 : i32 to vector<16xi32>
    %xor3A_3043 = arith.xori %iota3A, %xor3A_3042 : vector<16xi32>
    %broadcast_in_dim3A_3044 = vector.shape_cast %xor3A_3043 : vector<16xi32> to vector<16x1xi32>
    %gather3A_3045 = vector.shape_cast %broadcast_in_dim3A_3044 : vector<16x1xi32> to vector<16xi32>
    %gather3A_3046 = tpu.dynamic_gather %add3A_3040[%gather3A_3045] in [0] : vector<16xf32>, vector<16xi32> -> vector<16xf32>
    %add3A_3047 = arith.addf %add3A_3040, %gather3A_3046 : vector<16xf32>
    %xor3A_3048 = arith.constant 1 : i32
    %xor3A_3049 = vector.broadcast %xor3A_3048 : i32 to vector<16xi32>
    %xor3A_3050 = arith.xori %iota3A, %xor3A_3049 : vector<16xi32>
    %broadcast_in_dim3A_3051 = vector.shape_cast %xor3A_3050 : vector<16xi32> to vector<16x1xi32>
    %gather3A_3052 = vector.shape_cast %broadcast_in_dim3A_3051 : vector<16x1xi32> to vector<16xi32>
    %gather3A_3053 = tpu.dynamic_gather %add3A_3047[%gather3A_3052] in [0] : vector<16xf32>, vector<16xi32> -> vector<16xf32>
    %add3A_3054 = arith.addf %add3A_3047, %gather3A_3053 : vector<16xf32>
    %max3A_3055 = arith.constant 1.000000e-30 : f32
    %max3A_3056 = vector.broadcast %max3A_3055 : f32 to vector<16xf32>
    %max3A_3057 = arith.maximumf %add3A_3054, %max3A_3056 : vector<16xf32>
    %bitcast_convert_type3A_3058 = tpu.bitcast %max3A_3057 : vector<16xf32> -> vector<16xi32>
    %shift_right_arithmetic3A_3059 = arith.constant 1 : i32
    %shift_right_arithmetic3A_3060 = vector.broadcast %shift_right_arithmetic3A_3059 : i32 to vector<16xi32>
    %shift_right_arithmetic3A_3061 = arith.shrsi %bitcast_convert_type3A_3058, %shift_right_arithmetic3A_3060 : vector<16xi32>
    %sub3A_3062 = arith.constant 1597463007 : i32
    %sub3A_3063 = vector.broadcast %sub3A_3062 : i32 to vector<16xi32>
    %sub3A_3064 = arith.subi %sub3A_3063, %shift_right_arithmetic3A_3061 : vector<16xi32>
    %bitcast_convert_type3A_3065 = tpu.bitcast %sub3A_3064 : vector<16xi32> -> vector<16xf32>
    %mul3A_3066 = arith.constant 5.000000e-01 : f32
    %mul3A_3067 = vector.broadcast %mul3A_3066 : f32 to vector<16xf32>
    %mul3A_3068 = arith.mulf %mul3A_3067, %max3A_3057 : vector<16xf32>
    %mul3A_3069 = arith.mulf %mul3A_3068, %bitcast_convert_type3A_3065 : vector<16xf32>
    %mul3A_3070 = arith.mulf %mul3A_3069, %bitcast_convert_type3A_3065 : vector<16xf32>
    %sub3A_3071 = arith.constant 1.500000e+00 : f32
    %sub3A_3072 = vector.broadcast %sub3A_3071 : f32 to vector<16xf32>
    %sub3A_3073 = arith.subf %sub3A_3072, %mul3A_3070 : vector<16xf32>
    %mul3A_3074 = arith.mulf %bitcast_convert_type3A_3065, %sub3A_3073 : vector<16xf32>
    %mul3A_3075 = arith.constant 5.000000e-01 : f32
    %mul3A_3076 = vector.broadcast %mul3A_3075 : f32 to vector<16xf32>
    %mul3A_3077 = arith.mulf %mul3A_3076, %max3A_3057 : vector<16xf32>
    %mul3A_3078 = arith.mulf %mul3A_3077, %mul3A_3074 : vector<16xf32>
    %mul3A_3079 = arith.mulf %mul3A_3078, %mul3A_3074 : vector<16xf32>
    %sub3A_3080 = arith.constant 1.500000e+00 : f32
    %sub3A_3081 = vector.broadcast %sub3A_3080 : f32 to vector<16xf32>
    %sub3A_3082 = arith.subf %sub3A_3081, %mul3A_3079 : vector<16xf32>
    %mul3A_3083 = arith.mulf %mul3A_3074, %sub3A_3082 : vector<16xf32>
    %mul3A_3084 = arith.constant 5.000000e-01 : f32
    %mul3A_3085 = vector.broadcast %mul3A_3084 : f32 to vector<16xf32>
    %mul3A_3086 = arith.mulf %mul3A_3085, %max3A_3057 : vector<16xf32>
    %mul3A_3087 = arith.mulf %mul3A_3086, %mul3A_3083 : vector<16xf32>
    %mul3A_3088 = arith.mulf %mul3A_3087, %mul3A_3083 : vector<16xf32>
    %sub3A_3089 = arith.constant 1.500000e+00 : f32
    %sub3A_3090 = vector.broadcast %sub3A_3089 : f32 to vector<16xf32>
    %sub3A_3091 = arith.subf %sub3A_3090, %mul3A_3088 : vector<16xf32>
    %mul3A_3092 = arith.mulf %mul3A_3083, %sub3A_3091 : vector<16xf32>
    %mul3A_3093 = arith.constant 5.000000e-01 : f32
    %mul3A_3094 = vector.broadcast %mul3A_3093 : f32 to vector<16xf32>
    %mul3A_3095 = arith.mulf %mul3A_3094, %max3A_3057 : vector<16xf32>
    %mul3A_3096 = arith.mulf %mul3A_3095, %mul3A_3092 : vector<16xf32>
    %mul3A_3097 = arith.mulf %mul3A_3096, %mul3A_3092 : vector<16xf32>
    %sub3A_3098 = arith.constant 1.500000e+00 : f32
    %sub3A_3099 = vector.broadcast %sub3A_3098 : f32 to vector<16xf32>
    %sub3A_3100 = arith.subf %sub3A_3099, %mul3A_3097 : vector<16xf32>
    %mul3A_3101 = arith.mulf %mul3A_3092, %sub3A_3100 : vector<16xf32>
    %mul3A_3102 = arith.mulf %add3A_3054, %mul3A_3101 : vector<16xf32>
    %max3A_3103 = arith.constant 9.99999996E-13 : f32
    %max3A_3104 = vector.broadcast %max3A_3103 : f32 to vector<16xf32>
    %max3A_3105 = arith.maximumf %mul3A_3102, %max3A_3104 : vector<16xf32>
    %xor3A_3106 = arith.constant 8 : i32
    %xor3A_3107 = vector.broadcast %xor3A_3106 : i32 to vector<16xi32>
    %xor3A_3108 = arith.xori %iota3A, %xor3A_3107 : vector<16xi32>
    %broadcast_in_dim3A_3109 = vector.shape_cast %xor3A_3108 : vector<16xi32> to vector<16x1xi32>
    %gather3A_3110 = vector.shape_cast %broadcast_in_dim3A_3109 : vector<16x1xi32> to vector<16xi32>
    %gather3A_3111 = tpu.dynamic_gather %scan3A_3025#0[%gather3A_3110] in [0] : vector<16xf32>, vector<16xi32> -> vector<16xf32>
    %add3A_3112 = arith.addf %scan3A_3025#0, %gather3A_3111 : vector<16xf32>
    %xor3A_3113 = arith.constant 4 : i32
    %xor3A_3114 = vector.broadcast %xor3A_3113 : i32 to vector<16xi32>
    %xor3A_3115 = arith.xori %iota3A, %xor3A_3114 : vector<16xi32>
    %broadcast_in_dim3A_3116 = vector.shape_cast %xor3A_3115 : vector<16xi32> to vector<16x1xi32>
    %gather3A_3117 = vector.shape_cast %broadcast_in_dim3A_3116 : vector<16x1xi32> to vector<16xi32>
    %gather3A_3118 = tpu.dynamic_gather %add3A_3112[%gather3A_3117] in [0] : vector<16xf32>, vector<16xi32> -> vector<16xf32>
    %add3A_3119 = arith.addf %add3A_3112, %gather3A_3118 : vector<16xf32>
    %xor3A_3120 = arith.constant 2 : i32
    %xor3A_3121 = vector.broadcast %xor3A_3120 : i32 to vector<16xi32>
    %xor3A_3122 = arith.xori %iota3A, %xor3A_3121 : vector<16xi32>
    %broadcast_in_dim3A_3123 = vector.shape_cast %xor3A_3122 : vector<16xi32> to vector<16x1xi32>
    %gather3A_3124 = vector.shape_cast %broadcast_in_dim3A_3123 : vector<16x1xi32> to vector<16xi32>
    %gather3A_3125 = tpu.dynamic_gather %add3A_3119[%gather3A_3124] in [0] : vector<16xf32>, vector<16xi32> -> vector<16xf32>
    %add3A_3126 = arith.addf %add3A_3119, %gather3A_3125 : vector<16xf32>
    %xor3A_3127 = arith.constant 1 : i32
    %xor3A_3128 = vector.broadcast %xor3A_3127 : i32 to vector<16xi32>
    %xor3A_3129 = arith.xori %iota3A, %xor3A_3128 : vector<16xi32>
    %broadcast_in_dim3A_3130 = vector.shape_cast %xor3A_3129 : vector<16xi32> to vector<16x1xi32>
    %gather3A_3131 = vector.shape_cast %broadcast_in_dim3A_3130 : vector<16x1xi32> to vector<16xi32>
    %gather3A_3132 = tpu.dynamic_gather %add3A_3126[%gather3A_3131] in [0] : vector<16xf32>, vector<16xi32> -> vector<16xf32>
    %add3A_3133 = arith.addf %add3A_3126, %gather3A_3132 : vector<16xf32>
    %mul3A_3134 = arith.mulf %max3A_184, %max3A_3105 : vector<16xf32>
    %div3A_3135 = arith.divf %add3A_3133, %mul3A_3134 : vector<16xf32>
    %eq3A_3136 = arith.constant 7 : i32
    %eq3A_3137 = vector.broadcast %eq3A_3136 : i32 to vector<16xi32>
    %eq3A_3138 = arith.cmpi eq, %iota3A, %eq3A_3137 : vector<16xi32>
    %select_n3A_3139 = arith.select %eq3A_3138, %div3A_3135, %select_n3A_3016 : vector<16xi1>, vector<16xf32>
    %broadcast_in_dim3A_3140 = arith.constant 0.000000e+00 : f32
    %broadcast_in_dim3A_3141 = vector.broadcast %broadcast_in_dim3A_3140 : f32 to vector<16xf32>
    %broadcast_in_dim3A_3142 = arith.constant 0.000000e+00 : f32
    %broadcast_in_dim3A_3143 = vector.broadcast %broadcast_in_dim3A_3142 : f32 to vector<16xf32>
    %scan3A_3144 = arith.constant 0 : i32
    %scan3A_3145 = arith.constant 16 : i32
    %scan3A_3146 = arith.addi %scan3A_3144, %scan3A_3145 : i32
    %scan3A_3147 = arith.constant 1 : i32
    %scan3A_3148:2 = scf.for %scan3A_4131 = %scan3A_3144 to %scan3A_3146 step %scan3A_3147 iter_args(%scan3A_4132 = %broadcast_in_dim3A_3141, %scan3A_4133 = %broadcast_in_dim3A_3143) -> (vector<16xf32>, vector<16xf32>)  : i32 {
      %mul3A_4134 = arith.constant 16 : i32
      %mul3A_4135 = arith.muli %scan3A_4131, %mul3A_4134 : i32
      %add3A_4136 = arith.constant 6144 : i32
      %add3A_4137 = arith.addi %add3A_4136, %mul3A_4135 : i32
      %get3A = arith.index_cast %add3A_4137 : i32 to index
      %get3A_4138 = tpu.vector_load %arg7[%get3A] {strides = array<i32>} : memref<8192xf32, #tpu.memory_space<vmem>>, vector<16xf32>,
      %get3A_4139 = vector.shape_cast %get3A_4138 : vector<16xf32> to vector<16xf32>
      %mul3A_4140 = arith.constant 16 : i32
      %mul3A_4141 = arith.muli %scan3A_4131, %mul3A_4140 : i32
      %get3A_4142 = arith.index_cast %mul3A_4141 : i32 to index
      %get3A_4143 = tpu.vector_load %arg9[%get3A_4142] {strides = array<i32>} : memref<256xf32, #tpu.memory_space<vmem>>, vector<16xf32>,
      %get3A_4144 = vector.shape_cast %get3A_4143 : vector<16xf32> to vector<16xf32>
      %mul3A_4145 = arith.mulf %get3A_4139, %get3A_4144 : vector<16xf32>
      %add3A_4146 = arith.addf %scan3A_4132, %mul3A_4145 : vector<16xf32>
      %mul3A_4147 = arith.mulf %get3A_4139, %get3A_4139 : vector<16xf32>
      %add3A_4148 = arith.addf %scan3A_4133, %mul3A_4147 : vector<16xf32>
      scf.yield %add3A_4146, %add3A_4148 : vector<16xf32>, vector<16xf32>
    }
    %scan3A_3149 = arith.constant 16 : i32
    %xor3A_3150 = arith.constant 8 : i32
    %xor3A_3151 = vector.broadcast %xor3A_3150 : i32 to vector<16xi32>
    %xor3A_3152 = arith.xori %iota3A, %xor3A_3151 : vector<16xi32>
    %broadcast_in_dim3A_3153 = vector.shape_cast %xor3A_3152 : vector<16xi32> to vector<16x1xi32>
    %gather3A_3154 = vector.shape_cast %broadcast_in_dim3A_3153 : vector<16x1xi32> to vector<16xi32>
    %gather3A_3155 = tpu.dynamic_gather %scan3A_3148#1[%gather3A_3154] in [0] : vector<16xf32>, vector<16xi32> -> vector<16xf32>
    %add3A_3156 = arith.addf %scan3A_3148#1, %gather3A_3155 : vector<16xf32>
    %xor3A_3157 = arith.constant 4 : i32
    %xor3A_3158 = vector.broadcast %xor3A_3157 : i32 to vector<16xi32>
    %xor3A_3159 = arith.xori %iota3A, %xor3A_3158 : vector<16xi32>
    %broadcast_in_dim3A_3160 = vector.shape_cast %xor3A_3159 : vector<16xi32> to vector<16x1xi32>
    %gather3A_3161 = vector.shape_cast %broadcast_in_dim3A_3160 : vector<16x1xi32> to vector<16xi32>
    %gather3A_3162 = tpu.dynamic_gather %add3A_3156[%gather3A_3161] in [0] : vector<16xf32>, vector<16xi32> -> vector<16xf32>
    %add3A_3163 = arith.addf %add3A_3156, %gather3A_3162 : vector<16xf32>
    %xor3A_3164 = arith.constant 2 : i32
    %xor3A_3165 = vector.broadcast %xor3A_3164 : i32 to vector<16xi32>
    %xor3A_3166 = arith.xori %iota3A, %xor3A_3165 : vector<16xi32>
    %broadcast_in_dim3A_3167 = vector.shape_cast %xor3A_3166 : vector<16xi32> to vector<16x1xi32>
    %gather3A_3168 = vector.shape_cast %broadcast_in_dim3A_3167 : vector<16x1xi32> to vector<16xi32>
    %gather3A_3169 = tpu.dynamic_gather %add3A_3163[%gather3A_3168] in [0] : vector<16xf32>, vector<16xi32> -> vector<16xf32>
    %add3A_3170 = arith.addf %add3A_3163, %gather3A_3169 : vector<16xf32>
    %xor3A_3171 = arith.constant 1 : i32
    %xor3A_3172 = vector.broadcast %xor3A_3171 : i32 to vector<16xi32>
    %xor3A_3173 = arith.xori %iota3A, %xor3A_3172 : vector<16xi32>
    %broadcast_in_dim3A_3174 = vector.shape_cast %xor3A_3173 : vector<16xi32> to vector<16x1xi32>
    %gather3A_3175 = vector.shape_cast %broadcast_in_dim3A_3174 : vector<16x1xi32> to vector<16xi32>
    %gather3A_3176 = tpu.dynamic_gather %add3A_3170[%gather3A_3175] in [0] : vector<16xf32>, vector<16xi32> -> vector<16xf32>
    %add3A_3177 = arith.addf %add3A_3170, %gather3A_3176 : vector<16xf32>
    %max3A_3178 = arith.constant 1.000000e-30 : f32
    %max3A_3179 = vector.broadcast %max3A_3178 : f32 to vector<16xf32>
    %max3A_3180 = arith.maximumf %add3A_3177, %max3A_3179 : vector<16xf32>
    %bitcast_convert_type3A_3181 = tpu.bitcast %max3A_3180 : vector<16xf32> -> vector<16xi32>
    %shift_right_arithmetic3A_3182 = arith.constant 1 : i32
    %shift_right_arithmetic3A_3183 = vector.broadcast %shift_right_arithmetic3A_3182 : i32 to vector<16xi32>
    %shift_right_arithmetic3A_3184 = arith.shrsi %bitcast_convert_type3A_3181, %shift_right_arithmetic3A_3183 : vector<16xi32>
    %sub3A_3185 = arith.constant 1597463007 : i32
    %sub3A_3186 = vector.broadcast %sub3A_3185 : i32 to vector<16xi32>
    %sub3A_3187 = arith.subi %sub3A_3186, %shift_right_arithmetic3A_3184 : vector<16xi32>
    %bitcast_convert_type3A_3188 = tpu.bitcast %sub3A_3187 : vector<16xi32> -> vector<16xf32>
    %mul3A_3189 = arith.constant 5.000000e-01 : f32
    %mul3A_3190 = vector.broadcast %mul3A_3189 : f32 to vector<16xf32>
    %mul3A_3191 = arith.mulf %mul3A_3190, %max3A_3180 : vector<16xf32>
    %mul3A_3192 = arith.mulf %mul3A_3191, %bitcast_convert_type3A_3188 : vector<16xf32>
    %mul3A_3193 = arith.mulf %mul3A_3192, %bitcast_convert_type3A_3188 : vector<16xf32>
    %sub3A_3194 = arith.constant 1.500000e+00 : f32
    %sub3A_3195 = vector.broadcast %sub3A_3194 : f32 to vector<16xf32>
    %sub3A_3196 = arith.subf %sub3A_3195, %mul3A_3193 : vector<16xf32>
    %mul3A_3197 = arith.mulf %bitcast_convert_type3A_3188, %sub3A_3196 : vector<16xf32>
    %mul3A_3198 = arith.constant 5.000000e-01 : f32
    %mul3A_3199 = vector.broadcast %mul3A_3198 : f32 to vector<16xf32>
    %mul3A_3200 = arith.mulf %mul3A_3199, %max3A_3180 : vector<16xf32>
    %mul3A_3201 = arith.mulf %mul3A_3200, %mul3A_3197 : vector<16xf32>
    %mul3A_3202 = arith.mulf %mul3A_3201, %mul3A_3197 : vector<16xf32>
    %sub3A_3203 = arith.constant 1.500000e+00 : f32
    %sub3A_3204 = vector.broadcast %sub3A_3203 : f32 to vector<16xf32>
    %sub3A_3205 = arith.subf %sub3A_3204, %mul3A_3202 : vector<16xf32>
    %mul3A_3206 = arith.mulf %mul3A_3197, %sub3A_3205 : vector<16xf32>
    %mul3A_3207 = arith.constant 5.000000e-01 : f32
    %mul3A_3208 = vector.broadcast %mul3A_3207 : f32 to vector<16xf32>
    %mul3A_3209 = arith.mulf %mul3A_3208, %max3A_3180 : vector<16xf32>
    %mul3A_3210 = arith.mulf %mul3A_3209, %mul3A_3206 : vector<16xf32>
    %mul3A_3211 = arith.mulf %mul3A_3210, %mul3A_3206 : vector<16xf32>
    %sub3A_3212 = arith.constant 1.500000e+00 : f32
    %sub3A_3213 = vector.broadcast %sub3A_3212 : f32 to vector<16xf32>
    %sub3A_3214 = arith.subf %sub3A_3213, %mul3A_3211 : vector<16xf32>
    %mul3A_3215 = arith.mulf %mul3A_3206, %sub3A_3214 : vector<16xf32>
    %mul3A_3216 = arith.constant 5.000000e-01 : f32
    %mul3A_3217 = vector.broadcast %mul3A_3216 : f32 to vector<16xf32>
    %mul3A_3218 = arith.mulf %mul3A_3217, %max3A_3180 : vector<16xf32>
    %mul3A_3219 = arith.mulf %mul3A_3218, %mul3A_3215 : vector<16xf32>
    %mul3A_3220 = arith.mulf %mul3A_3219, %mul3A_3215 : vector<16xf32>
    %sub3A_3221 = arith.constant 1.500000e+00 : f32
    %sub3A_3222 = vector.broadcast %sub3A_3221 : f32 to vector<16xf32>
    %sub3A_3223 = arith.subf %sub3A_3222, %mul3A_3220 : vector<16xf32>
    %mul3A_3224 = arith.mulf %mul3A_3215, %sub3A_3223 : vector<16xf32>
    %mul3A_3225 = arith.mulf %add3A_3177, %mul3A_3224 : vector<16xf32>
    %max3A_3226 = arith.constant 9.99999996E-13 : f32
    %max3A_3227 = vector.broadcast %max3A_3226 : f32 to vector<16xf32>
    %max3A_3228 = arith.maximumf %mul3A_3225, %max3A_3227 : vector<16xf32>
    %xor3A_3229 = arith.constant 8 : i32
    %xor3A_3230 = vector.broadcast %xor3A_3229 : i32 to vector<16xi32>
    %xor3A_3231 = arith.xori %iota3A, %xor3A_3230 : vector<16xi32>
    %broadcast_in_dim3A_3232 = vector.shape_cast %xor3A_3231 : vector<16xi32> to vector<16x1xi32>
    %gather3A_3233 = vector.shape_cast %broadcast_in_dim3A_3232 : vector<16x1xi32> to vector<16xi32>
    %gather3A_3234 = tpu.dynamic_gather %scan3A_3148#0[%gather3A_3233] in [0] : vector<16xf32>, vector<16xi32> -> vector<16xf32>
    %add3A_3235 = arith.addf %scan3A_3148#0, %gather3A_3234 : vector<16xf32>
    %xor3A_3236 = arith.constant 4 : i32
    %xor3A_3237 = vector.broadcast %xor3A_3236 : i32 to vector<16xi32>
    %xor3A_3238 = arith.xori %iota3A, %xor3A_3237 : vector<16xi32>
    %broadcast_in_dim3A_3239 = vector.shape_cast %xor3A_3238 : vector<16xi32> to vector<16x1xi32>
    %gather3A_3240 = vector.shape_cast %broadcast_in_dim3A_3239 : vector<16x1xi32> to vector<16xi32>
    %gather3A_3241 = tpu.dynamic_gather %add3A_3235[%gather3A_3240] in [0] : vector<16xf32>, vector<16xi32> -> vector<16xf32>
    %add3A_3242 = arith.addf %add3A_3235, %gather3A_3241 : vector<16xf32>
    %xor3A_3243 = arith.constant 2 : i32
    %xor3A_3244 = vector.broadcast %xor3A_3243 : i32 to vector<16xi32>
    %xor3A_3245 = arith.xori %iota3A, %xor3A_3244 : vector<16xi32>
    %broadcast_in_dim3A_3246 = vector.shape_cast %xor3A_3245 : vector<16xi32> to vector<16x1xi32>
    %gather3A_3247 = vector.shape_cast %broadcast_in_dim3A_3246 : vector<16x1xi32> to vector<16xi32>
    %gather3A_3248 = tpu.dynamic_gather %add3A_3242[%gather3A_3247] in [0] : vector<16xf32>, vector<16xi32> -> vector<16xf32>
    %add3A_3249 = arith.addf %add3A_3242, %gather3A_3248 : vector<16xf32>
    %xor3A_3250 = arith.constant 1 : i32
    %xor3A_3251 = vector.broadcast %xor3A_3250 : i32 to vector<16xi32>
    %xor3A_3252 = arith.xori %iota3A, %xor3A_3251 : vector<16xi32>
    %broadcast_in_dim3A_3253 = vector.shape_cast %xor3A_3252 : vector<16xi32> to vector<16x1xi32>
    %gather3A_3254 = vector.shape_cast %broadcast_in_dim3A_3253 : vector<16x1xi32> to vector<16xi32>
    %gather3A_3255 = tpu.dynamic_gather %add3A_3249[%gather3A_3254] in [0] : vector<16xf32>, vector<16xi32> -> vector<16xf32>
    %add3A_3256 = arith.addf %add3A_3249, %gather3A_3255 : vector<16xf32>
    %mul3A_3257 = arith.mulf %max3A_184, %max3A_3228 : vector<16xf32>
    %div3A_3258 = arith.divf %add3A_3256, %mul3A_3257 : vector<16xf32>
    %eq3A_3259 = arith.constant 8 : i32
    %eq3A_3260 = vector.broadcast %eq3A_3259 : i32 to vector<16xi32>
    %eq3A_3261 = arith.cmpi eq, %iota3A, %eq3A_3260 : vector<16xi32>
    %select_n3A_3262 = arith.select %eq3A_3261, %div3A_3258, %select_n3A_3139 : vector<16xi1>, vector<16xf32>
    %broadcast_in_dim3A_3263 = arith.constant 0.000000e+00 : f32
    %broadcast_in_dim3A_3264 = vector.broadcast %broadcast_in_dim3A_3263 : f32 to vector<16xf32>
    %broadcast_in_dim3A_3265 = arith.constant 0.000000e+00 : f32
    %broadcast_in_dim3A_3266 = vector.broadcast %broadcast_in_dim3A_3265 : f32 to vector<16xf32>
    %scan3A_3267 = arith.constant 0 : i32
    %scan3A_3268 = arith.constant 16 : i32
    %scan3A_3269 = arith.addi %scan3A_3267, %scan3A_3268 : i32
    %scan3A_3270 = arith.constant 1 : i32
    %scan3A_3271:2 = scf.for %scan3A_4131 = %scan3A_3267 to %scan3A_3269 step %scan3A_3270 iter_args(%scan3A_4132 = %broadcast_in_dim3A_3264, %scan3A_4133 = %broadcast_in_dim3A_3266) -> (vector<16xf32>, vector<16xf32>)  : i32 {
      %mul3A_4134 = arith.constant 16 : i32
      %mul3A_4135 = arith.muli %scan3A_4131, %mul3A_4134 : i32
      %add3A_4136 = arith.constant 6400 : i32
      %add3A_4137 = arith.addi %add3A_4136, %mul3A_4135 : i32
      %get3A = arith.index_cast %add3A_4137 : i32 to index
      %get3A_4138 = tpu.vector_load %arg7[%get3A] {strides = array<i32>} : memref<8192xf32, #tpu.memory_space<vmem>>, vector<16xf32>,
      %get3A_4139 = vector.shape_cast %get3A_4138 : vector<16xf32> to vector<16xf32>
      %mul3A_4140 = arith.constant 16 : i32
      %mul3A_4141 = arith.muli %scan3A_4131, %mul3A_4140 : i32
      %get3A_4142 = arith.index_cast %mul3A_4141 : i32 to index
      %get3A_4143 = tpu.vector_load %arg9[%get3A_4142] {strides = array<i32>} : memref<256xf32, #tpu.memory_space<vmem>>, vector<16xf32>,
      %get3A_4144 = vector.shape_cast %get3A_4143 : vector<16xf32> to vector<16xf32>
      %mul3A_4145 = arith.mulf %get3A_4139, %get3A_4144 : vector<16xf32>
      %add3A_4146 = arith.addf %scan3A_4132, %mul3A_4145 : vector<16xf32>
      %mul3A_4147 = arith.mulf %get3A_4139, %get3A_4139 : vector<16xf32>
      %add3A_4148 = arith.addf %scan3A_4133, %mul3A_4147 : vector<16xf32>
      scf.yield %add3A_4146, %add3A_4148 : vector<16xf32>, vector<16xf32>
    }
    %scan3A_3272 = arith.constant 16 : i32
    %xor3A_3273 = arith.constant 8 : i32
    %xor3A_3274 = vector.broadcast %xor3A_3273 : i32 to vector<16xi32>
    %xor3A_3275 = arith.xori %iota3A, %xor3A_3274 : vector<16xi32>
    %broadcast_in_dim3A_3276 = vector.shape_cast %xor3A_3275 : vector<16xi32> to vector<16x1xi32>
    %gather3A_3277 = vector.shape_cast %broadcast_in_dim3A_3276 : vector<16x1xi32> to vector<16xi32>
    %gather3A_3278 = tpu.dynamic_gather %scan3A_3271#1[%gather3A_3277] in [0] : vector<16xf32>, vector<16xi32> -> vector<16xf32>
    %add3A_3279 = arith.addf %scan3A_3271#1, %gather3A_3278 : vector<16xf32>
    %xor3A_3280 = arith.constant 4 : i32
    %xor3A_3281 = vector.broadcast %xor3A_3280 : i32 to vector<16xi32>
    %xor3A_3282 = arith.xori %iota3A, %xor3A_3281 : vector<16xi32>
    %broadcast_in_dim3A_3283 = vector.shape_cast %xor3A_3282 : vector<16xi32> to vector<16x1xi32>
    %gather3A_3284 = vector.shape_cast %broadcast_in_dim3A_3283 : vector<16x1xi32> to vector<16xi32>
    %gather3A_3285 = tpu.dynamic_gather %add3A_3279[%gather3A_3284] in [0] : vector<16xf32>, vector<16xi32> -> vector<16xf32>
    %add3A_3286 = arith.addf %add3A_3279, %gather3A_3285 : vector<16xf32>
    %xor3A_3287 = arith.constant 2 : i32
    %xor3A_3288 = vector.broadcast %xor3A_3287 : i32 to vector<16xi32>
    %xor3A_3289 = arith.xori %iota3A, %xor3A_3288 : vector<16xi32>
    %broadcast_in_dim3A_3290 = vector.shape_cast %xor3A_3289 : vector<16xi32> to vector<16x1xi32>
    %gather3A_3291 = vector.shape_cast %broadcast_in_dim3A_3290 : vector<16x1xi32> to vector<16xi32>
    %gather3A_3292 = tpu.dynamic_gather %add3A_3286[%gather3A_3291] in [0] : vector<16xf32>, vector<16xi32> -> vector<16xf32>
    %add3A_3293 = arith.addf %add3A_3286, %gather3A_3292 : vector<16xf32>
    %xor3A_3294 = arith.constant 1 : i32
    %xor3A_3295 = vector.broadcast %xor3A_3294 : i32 to vector<16xi32>
    %xor3A_3296 = arith.xori %iota3A, %xor3A_3295 : vector<16xi32>
    %broadcast_in_dim3A_3297 = vector.shape_cast %xor3A_3296 : vector<16xi32> to vector<16x1xi32>
    %gather3A_3298 = vector.shape_cast %broadcast_in_dim3A_3297 : vector<16x1xi32> to vector<16xi32>
    %gather3A_3299 = tpu.dynamic_gather %add3A_3293[%gather3A_3298] in [0] : vector<16xf32>, vector<16xi32> -> vector<16xf32>
    %add3A_3300 = arith.addf %add3A_3293, %gather3A_3299 : vector<16xf32>
    %max3A_3301 = arith.constant 1.000000e-30 : f32
    %max3A_3302 = vector.broadcast %max3A_3301 : f32 to vector<16xf32>
    %max3A_3303 = arith.maximumf %add3A_3300, %max3A_3302 : vector<16xf32>
    %bitcast_convert_type3A_3304 = tpu.bitcast %max3A_3303 : vector<16xf32> -> vector<16xi32>
    %shift_right_arithmetic3A_3305 = arith.constant 1 : i32
    %shift_right_arithmetic3A_3306 = vector.broadcast %shift_right_arithmetic3A_3305 : i32 to vector<16xi32>
    %shift_right_arithmetic3A_3307 = arith.shrsi %bitcast_convert_type3A_3304, %shift_right_arithmetic3A_3306 : vector<16xi32>
    %sub3A_3308 = arith.constant 1597463007 : i32
    %sub3A_3309 = vector.broadcast %sub3A_3308 : i32 to vector<16xi32>
    %sub3A_3310 = arith.subi %sub3A_3309, %shift_right_arithmetic3A_3307 : vector<16xi32>
    %bitcast_convert_type3A_3311 = tpu.bitcast %sub3A_3310 : vector<16xi32> -> vector<16xf32>
    %mul3A_3312 = arith.constant 5.000000e-01 : f32
    %mul3A_3313 = vector.broadcast %mul3A_3312 : f32 to vector<16xf32>
    %mul3A_3314 = arith.mulf %mul3A_3313, %max3A_3303 : vector<16xf32>
    %mul3A_3315 = arith.mulf %mul3A_3314, %bitcast_convert_type3A_3311 : vector<16xf32>
    %mul3A_3316 = arith.mulf %mul3A_3315, %bitcast_convert_type3A_3311 : vector<16xf32>
    %sub3A_3317 = arith.constant 1.500000e+00 : f32
    %sub3A_3318 = vector.broadcast %sub3A_3317 : f32 to vector<16xf32>
    %sub3A_3319 = arith.subf %sub3A_3318, %mul3A_3316 : vector<16xf32>
    %mul3A_3320 = arith.mulf %bitcast_convert_type3A_3311, %sub3A_3319 : vector<16xf32>
    %mul3A_3321 = arith.constant 5.000000e-01 : f32
    %mul3A_3322 = vector.broadcast %mul3A_3321 : f32 to vector<16xf32>
    %mul3A_3323 = arith.mulf %mul3A_3322, %max3A_3303 : vector<16xf32>
    %mul3A_3324 = arith.mulf %mul3A_3323, %mul3A_3320 : vector<16xf32>
    %mul3A_3325 = arith.mulf %mul3A_3324, %mul3A_3320 : vector<16xf32>
    %sub3A_3326 = arith.constant 1.500000e+00 : f32
    %sub3A_3327 = vector.broadcast %sub3A_3326 : f32 to vector<16xf32>
    %sub3A_3328 = arith.subf %sub3A_3327, %mul3A_3325 : vector<16xf32>
    %mul3A_3329 = arith.mulf %mul3A_3320, %sub3A_3328 : vector<16xf32>
    %mul3A_3330 = arith.constant 5.000000e-01 : f32
    %mul3A_3331 = vector.broadcast %mul3A_3330 : f32 to vector<16xf32>
    %mul3A_3332 = arith.mulf %mul3A_3331, %max3A_3303 : vector<16xf32>
    %mul3A_3333 = arith.mulf %mul3A_3332, %mul3A_3329 : vector<16xf32>
    %mul3A_3334 = arith.mulf %mul3A_3333, %mul3A_3329 : vector<16xf32>
    %sub3A_3335 = arith.constant 1.500000e+00 : f32
    %sub3A_3336 = vector.broadcast %sub3A_3335 : f32 to vector<16xf32>
    %sub3A_3337 = arith.subf %sub3A_3336, %mul3A_3334 : vector<16xf32>
    %mul3A_3338 = arith.mulf %mul3A_3329, %sub3A_3337 : vector<16xf32>
    %mul3A_3339 = arith.constant 5.000000e-01 : f32
    %mul3A_3340 = vector.broadcast %mul3A_3339 : f32 to vector<16xf32>
    %mul3A_3341 = arith.mulf %mul3A_3340, %max3A_3303 : vector<16xf32>
    %mul3A_3342 = arith.mulf %mul3A_3341, %mul3A_3338 : vector<16xf32>
    %mul3A_3343 = arith.mulf %mul3A_3342, %mul3A_3338 : vector<16xf32>
    %sub3A_3344 = arith.constant 1.500000e+00 : f32
    %sub3A_3345 = vector.broadcast %sub3A_3344 : f32 to vector<16xf32>
    %sub3A_3346 = arith.subf %sub3A_3345, %mul3A_3343 : vector<16xf32>
    %mul3A_3347 = arith.mulf %mul3A_3338, %sub3A_3346 : vector<16xf32>
    %mul3A_3348 = arith.mulf %add3A_3300, %mul3A_3347 : vector<16xf32>
    %max3A_3349 = arith.constant 9.99999996E-13 : f32
    %max3A_3350 = vector.broadcast %max3A_3349 : f32 to vector<16xf32>
    %max3A_3351 = arith.maximumf %mul3A_3348, %max3A_3350 : vector<16xf32>
    %xor3A_3352 = arith.constant 8 : i32
    %xor3A_3353 = vector.broadcast %xor3A_3352 : i32 to vector<16xi32>
    %xor3A_3354 = arith.xori %iota3A, %xor3A_3353 : vector<16xi32>
    %broadcast_in_dim3A_3355 = vector.shape_cast %xor3A_3354 : vector<16xi32> to vector<16x1xi32>
    %gather3A_3356 = vector.shape_cast %broadcast_in_dim3A_3355 : vector<16x1xi32> to vector<16xi32>
    %gather3A_3357 = tpu.dynamic_gather %scan3A_3271#0[%gather3A_3356] in [0] : vector<16xf32>, vector<16xi32> -> vector<16xf32>
    %add3A_3358 = arith.addf %scan3A_3271#0, %gather3A_3357 : vector<16xf32>
    %xor3A_3359 = arith.constant 4 : i32
    %xor3A_3360 = vector.broadcast %xor3A_3359 : i32 to vector<16xi32>
    %xor3A_3361 = arith.xori %iota3A, %xor3A_3360 : vector<16xi32>
    %broadcast_in_dim3A_3362 = vector.shape_cast %xor3A_3361 : vector<16xi32> to vector<16x1xi32>
    %gather3A_3363 = vector.shape_cast %broadcast_in_dim3A_3362 : vector<16x1xi32> to vector<16xi32>
    %gather3A_3364 = tpu.dynamic_gather %add3A_3358[%gather3A_3363] in [0] : vector<16xf32>, vector<16xi32> -> vector<16xf32>
    %add3A_3365 = arith.addf %add3A_3358, %gather3A_3364 : vector<16xf32>
    %xor3A_3366 = arith.constant 2 : i32
    %xor3A_3367 = vector.broadcast %xor3A_3366 : i32 to vector<16xi32>
    %xor3A_3368 = arith.xori %iota3A, %xor3A_3367 : vector<16xi32>
    %broadcast_in_dim3A_3369 = vector.shape_cast %xor3A_3368 : vector<16xi32> to vector<16x1xi32>
    %gather3A_3370 = vector.shape_cast %broadcast_in_dim3A_3369 : vector<16x1xi32> to vector<16xi32>
    %gather3A_3371 = tpu.dynamic_gather %add3A_3365[%gather3A_3370] in [0] : vector<16xf32>, vector<16xi32> -> vector<16xf32>
    %add3A_3372 = arith.addf %add3A_3365, %gather3A_3371 : vector<16xf32>
    %xor3A_3373 = arith.constant 1 : i32
    %xor3A_3374 = vector.broadcast %xor3A_3373 : i32 to vector<16xi32>
    %xor3A_3375 = arith.xori %iota3A, %xor3A_3374 : vector<16xi32>
    %broadcast_in_dim3A_3376 = vector.shape_cast %xor3A_3375 : vector<16xi32> to vector<16x1xi32>
    %gather3A_3377 = vector.shape_cast %broadcast_in_dim3A_3376 : vector<16x1xi32> to vector<16xi32>
    %gather3A_3378 = tpu.dynamic_gather %add3A_3372[%gather3A_3377] in [0] : vector<16xf32>, vector<16xi32> -> vector<16xf32>
    %add3A_3379 = arith.addf %add3A_3372, %gather3A_3378 : vector<16xf32>
    %mul3A_3380 = arith.mulf %max3A_184, %max3A_3351 : vector<16xf32>
    %div3A_3381 = arith.divf %add3A_3379, %mul3A_3380 : vector<16xf32>
    %eq3A_3382 = arith.constant 9 : i32
    %eq3A_3383 = vector.broadcast %eq3A_3382 : i32 to vector<16xi32>
    %eq3A_3384 = arith.cmpi eq, %iota3A, %eq3A_3383 : vector<16xi32>
    %select_n3A_3385 = arith.select %eq3A_3384, %div3A_3381, %select_n3A_3262 : vector<16xi1>, vector<16xf32>
    %broadcast_in_dim3A_3386 = arith.constant 0.000000e+00 : f32
    %broadcast_in_dim3A_3387 = vector.broadcast %broadcast_in_dim3A_3386 : f32 to vector<16xf32>
    %broadcast_in_dim3A_3388 = arith.constant 0.000000e+00 : f32
    %broadcast_in_dim3A_3389 = vector.broadcast %broadcast_in_dim3A_3388 : f32 to vector<16xf32>
    %scan3A_3390 = arith.constant 0 : i32
    %scan3A_3391 = arith.constant 16 : i32
    %scan3A_3392 = arith.addi %scan3A_3390, %scan3A_3391 : i32
    %scan3A_3393 = arith.constant 1 : i32
    %scan3A_3394:2 = scf.for %scan3A_4131 = %scan3A_3390 to %scan3A_3392 step %scan3A_3393 iter_args(%scan3A_4132 = %broadcast_in_dim3A_3387, %scan3A_4133 = %broadcast_in_dim3A_3389) -> (vector<16xf32>, vector<16xf32>)  : i32 {
      %mul3A_4134 = arith.constant 16 : i32
      %mul3A_4135 = arith.muli %scan3A_4131, %mul3A_4134 : i32
      %add3A_4136 = arith.constant 6656 : i32
      %add3A_4137 = arith.addi %add3A_4136, %mul3A_4135 : i32
      %get3A = arith.index_cast %add3A_4137 : i32 to index
      %get3A_4138 = tpu.vector_load %arg7[%get3A] {strides = array<i32>} : memref<8192xf32, #tpu.memory_space<vmem>>, vector<16xf32>,
      %get3A_4139 = vector.shape_cast %get3A_4138 : vector<16xf32> to vector<16xf32>
      %mul3A_4140 = arith.constant 16 : i32
      %mul3A_4141 = arith.muli %scan3A_4131, %mul3A_4140 : i32
      %get3A_4142 = arith.index_cast %mul3A_4141 : i32 to index
      %get3A_4143 = tpu.vector_load %arg9[%get3A_4142] {strides = array<i32>} : memref<256xf32, #tpu.memory_space<vmem>>, vector<16xf32>,
      %get3A_4144 = vector.shape_cast %get3A_4143 : vector<16xf32> to vector<16xf32>
      %mul3A_4145 = arith.mulf %get3A_4139, %get3A_4144 : vector<16xf32>
      %add3A_4146 = arith.addf %scan3A_4132, %mul3A_4145 : vector<16xf32>
      %mul3A_4147 = arith.mulf %get3A_4139, %get3A_4139 : vector<16xf32>
      %add3A_4148 = arith.addf %scan3A_4133, %mul3A_4147 : vector<16xf32>
      scf.yield %add3A_4146, %add3A_4148 : vector<16xf32>, vector<16xf32>
    }
    %scan3A_3395 = arith.constant 16 : i32
    %xor3A_3396 = arith.constant 8 : i32
    %xor3A_3397 = vector.broadcast %xor3A_3396 : i32 to vector<16xi32>
    %xor3A_3398 = arith.xori %iota3A, %xor3A_3397 : vector<16xi32>
    %broadcast_in_dim3A_3399 = vector.shape_cast %xor3A_3398 : vector<16xi32> to vector<16x1xi32>
    %gather3A_3400 = vector.shape_cast %broadcast_in_dim3A_3399 : vector<16x1xi32> to vector<16xi32>
    %gather3A_3401 = tpu.dynamic_gather %scan3A_3394#1[%gather3A_3400] in [0] : vector<16xf32>, vector<16xi32> -> vector<16xf32>
    %add3A_3402 = arith.addf %scan3A_3394#1, %gather3A_3401 : vector<16xf32>
    %xor3A_3403 = arith.constant 4 : i32
    %xor3A_3404 = vector.broadcast %xor3A_3403 : i32 to vector<16xi32>
    %xor3A_3405 = arith.xori %iota3A, %xor3A_3404 : vector<16xi32>
    %broadcast_in_dim3A_3406 = vector.shape_cast %xor3A_3405 : vector<16xi32> to vector<16x1xi32>
    %gather3A_3407 = vector.shape_cast %broadcast_in_dim3A_3406 : vector<16x1xi32> to vector<16xi32>
    %gather3A_3408 = tpu.dynamic_gather %add3A_3402[%gather3A_3407] in [0] : vector<16xf32>, vector<16xi32> -> vector<16xf32>
    %add3A_3409 = arith.addf %add3A_3402, %gather3A_3408 : vector<16xf32>
    %xor3A_3410 = arith.constant 2 : i32
    %xor3A_3411 = vector.broadcast %xor3A_3410 : i32 to vector<16xi32>
    %xor3A_3412 = arith.xori %iota3A, %xor3A_3411 : vector<16xi32>
    %broadcast_in_dim3A_3413 = vector.shape_cast %xor3A_3412 : vector<16xi32> to vector<16x1xi32>
    %gather3A_3414 = vector.shape_cast %broadcast_in_dim3A_3413 : vector<16x1xi32> to vector<16xi32>
    %gather3A_3415 = tpu.dynamic_gather %add3A_3409[%gather3A_3414] in [0] : vector<16xf32>, vector<16xi32> -> vector<16xf32>
    %add3A_3416 = arith.addf %add3A_3409, %gather3A_3415 : vector<16xf32>
    %xor3A_3417 = arith.constant 1 : i32
    %xor3A_3418 = vector.broadcast %xor3A_3417 : i32 to vector<16xi32>
    %xor3A_3419 = arith.xori %iota3A, %xor3A_3418 : vector<16xi32>
    %broadcast_in_dim3A_3420 = vector.shape_cast %xor3A_3419 : vector<16xi32> to vector<16x1xi32>
    %gather3A_3421 = vector.shape_cast %broadcast_in_dim3A_3420 : vector<16x1xi32> to vector<16xi32>
    %gather3A_3422 = tpu.dynamic_gather %add3A_3416[%gather3A_3421] in [0] : vector<16xf32>, vector<16xi32> -> vector<16xf32>
    %add3A_3423 = arith.addf %add3A_3416, %gather3A_3422 : vector<16xf32>
    %max3A_3424 = arith.constant 1.000000e-30 : f32
    %max3A_3425 = vector.broadcast %max3A_3424 : f32 to vector<16xf32>
    %max3A_3426 = arith.maximumf %add3A_3423, %max3A_3425 : vector<16xf32>
    %bitcast_convert_type3A_3427 = tpu.bitcast %max3A_3426 : vector<16xf32> -> vector<16xi32>
    %shift_right_arithmetic3A_3428 = arith.constant 1 : i32
    %shift_right_arithmetic3A_3429 = vector.broadcast %shift_right_arithmetic3A_3428 : i32 to vector<16xi32>
    %shift_right_arithmetic3A_3430 = arith.shrsi %bitcast_convert_type3A_3427, %shift_right_arithmetic3A_3429 : vector<16xi32>
    %sub3A_3431 = arith.constant 1597463007 : i32
    %sub3A_3432 = vector.broadcast %sub3A_3431 : i32 to vector<16xi32>
    %sub3A_3433 = arith.subi %sub3A_3432, %shift_right_arithmetic3A_3430 : vector<16xi32>
    %bitcast_convert_type3A_3434 = tpu.bitcast %sub3A_3433 : vector<16xi32> -> vector<16xf32>
    %mul3A_3435 = arith.constant 5.000000e-01 : f32
    %mul3A_3436 = vector.broadcast %mul3A_3435 : f32 to vector<16xf32>
    %mul3A_3437 = arith.mulf %mul3A_3436, %max3A_3426 : vector<16xf32>
    %mul3A_3438 = arith.mulf %mul3A_3437, %bitcast_convert_type3A_3434 : vector<16xf32>
    %mul3A_3439 = arith.mulf %mul3A_3438, %bitcast_convert_type3A_3434 : vector<16xf32>
    %sub3A_3440 = arith.constant 1.500000e+00 : f32
    %sub3A_3441 = vector.broadcast %sub3A_3440 : f32 to vector<16xf32>
    %sub3A_3442 = arith.subf %sub3A_3441, %mul3A_3439 : vector<16xf32>
    %mul3A_3443 = arith.mulf %bitcast_convert_type3A_3434, %sub3A_3442 : vector<16xf32>
    %mul3A_3444 = arith.constant 5.000000e-01 : f32
    %mul3A_3445 = vector.broadcast %mul3A_3444 : f32 to vector<16xf32>
    %mul3A_3446 = arith.mulf %mul3A_3445, %max3A_3426 : vector<16xf32>
    %mul3A_3447 = arith.mulf %mul3A_3446, %mul3A_3443 : vector<16xf32>
    %mul3A_3448 = arith.mulf %mul3A_3447, %mul3A_3443 : vector<16xf32>
    %sub3A_3449 = arith.constant 1.500000e+00 : f32
    %sub3A_3450 = vector.broadcast %sub3A_3449 : f32 to vector<16xf32>
    %sub3A_3451 = arith.subf %sub3A_3450, %mul3A_3448 : vector<16xf32>
    %mul3A_3452 = arith.mulf %mul3A_3443, %sub3A_3451 : vector<16xf32>
    %mul3A_3453 = arith.constant 5.000000e-01 : f32
    %mul3A_3454 = vector.broadcast %mul3A_3453 : f32 to vector<16xf32>
    %mul3A_3455 = arith.mulf %mul3A_3454, %max3A_3426 : vector<16xf32>
    %mul3A_3456 = arith.mulf %mul3A_3455, %mul3A_3452 : vector<16xf32>
    %mul3A_3457 = arith.mulf %mul3A_3456, %mul3A_3452 : vector<16xf32>
    %sub3A_3458 = arith.constant 1.500000e+00 : f32
    %sub3A_3459 = vector.broadcast %sub3A_3458 : f32 to vector<16xf32>
    %sub3A_3460 = arith.subf %sub3A_3459, %mul3A_3457 : vector<16xf32>
    %mul3A_3461 = arith.mulf %mul3A_3452, %sub3A_3460 : vector<16xf32>
    %mul3A_3462 = arith.constant 5.000000e-01 : f32
    %mul3A_3463 = vector.broadcast %mul3A_3462 : f32 to vector<16xf32>
    %mul3A_3464 = arith.mulf %mul3A_3463, %max3A_3426 : vector<16xf32>
    %mul3A_3465 = arith.mulf %mul3A_3464, %mul3A_3461 : vector<16xf32>
    %mul3A_3466 = arith.mulf %mul3A_3465, %mul3A_3461 : vector<16xf32>
    %sub3A_3467 = arith.constant 1.500000e+00 : f32
    %sub3A_3468 = vector.broadcast %sub3A_3467 : f32 to vector<16xf32>
    %sub3A_3469 = arith.subf %sub3A_3468, %mul3A_3466 : vector<16xf32>
    %mul3A_3470 = arith.mulf %mul3A_3461, %sub3A_3469 : vector<16xf32>
    %mul3A_3471 = arith.mulf %add3A_3423, %mul3A_3470 : vector<16xf32>
    %max3A_3472 = arith.constant 9.99999996E-13 : f32
    %max3A_3473 = vector.broadcast %max3A_3472 : f32 to vector<16xf32>
    %max3A_3474 = arith.maximumf %mul3A_3471, %max3A_3473 : vector<16xf32>
    %xor3A_3475 = arith.constant 8 : i32
    %xor3A_3476 = vector.broadcast %xor3A_3475 : i32 to vector<16xi32>
    %xor3A_3477 = arith.xori %iota3A, %xor3A_3476 : vector<16xi32>
    %broadcast_in_dim3A_3478 = vector.shape_cast %xor3A_3477 : vector<16xi32> to vector<16x1xi32>
    %gather3A_3479 = vector.shape_cast %broadcast_in_dim3A_3478 : vector<16x1xi32> to vector<16xi32>
    %gather3A_3480 = tpu.dynamic_gather %scan3A_3394#0[%gather3A_3479] in [0] : vector<16xf32>, vector<16xi32> -> vector<16xf32>
    %add3A_3481 = arith.addf %scan3A_3394#0, %gather3A_3480 : vector<16xf32>
    %xor3A_3482 = arith.constant 4 : i32
    %xor3A_3483 = vector.broadcast %xor3A_3482 : i32 to vector<16xi32>
    %xor3A_3484 = arith.xori %iota3A, %xor3A_3483 : vector<16xi32>
    %broadcast_in_dim3A_3485 = vector.shape_cast %xor3A_3484 : vector<16xi32> to vector<16x1xi32>
    %gather3A_3486 = vector.shape_cast %broadcast_in_dim3A_3485 : vector<16x1xi32> to vector<16xi32>
    %gather3A_3487 = tpu.dynamic_gather %add3A_3481[%gather3A_3486] in [0] : vector<16xf32>, vector<16xi32> -> vector<16xf32>
    %add3A_3488 = arith.addf %add3A_3481, %gather3A_3487 : vector<16xf32>
    %xor3A_3489 = arith.constant 2 : i32
    %xor3A_3490 = vector.broadcast %xor3A_3489 : i32 to vector<16xi32>
    %xor3A_3491 = arith.xori %iota3A, %xor3A_3490 : vector<16xi32>
    %broadcast_in_dim3A_3492 = vector.shape_cast %xor3A_3491 : vector<16xi32> to vector<16x1xi32>
    %gather3A_3493 = vector.shape_cast %broadcast_in_dim3A_3492 : vector<16x1xi32> to vector<16xi32>
    %gather3A_3494 = tpu.dynamic_gather %add3A_3488[%gather3A_3493] in [0] : vector<16xf32>, vector<16xi32> -> vector<16xf32>
    %add3A_3495 = arith.addf %add3A_3488, %gather3A_3494 : vector<16xf32>
    %xor3A_3496 = arith.constant 1 : i32
    %xor3A_3497 = vector.broadcast %xor3A_3496 : i32 to vector<16xi32>
    %xor3A_3498 = arith.xori %iota3A, %xor3A_3497 : vector<16xi32>
    %broadcast_in_dim3A_3499 = vector.shape_cast %xor3A_3498 : vector<16xi32> to vector<16x1xi32>
    %gather3A_3500 = vector.shape_cast %broadcast_in_dim3A_3499 : vector<16x1xi32> to vector<16xi32>
    %gather3A_3501 = tpu.dynamic_gather %add3A_3495[%gather3A_3500] in [0] : vector<16xf32>, vector<16xi32> -> vector<16xf32>
    %add3A_3502 = arith.addf %add3A_3495, %gather3A_3501 : vector<16xf32>
    %mul3A_3503 = arith.mulf %max3A_184, %max3A_3474 : vector<16xf32>
    %div3A_3504 = arith.divf %add3A_3502, %mul3A_3503 : vector<16xf32>
    %eq3A_3505 = arith.constant 10 : i32
    %eq3A_3506 = vector.broadcast %eq3A_3505 : i32 to vector<16xi32>
    %eq3A_3507 = arith.cmpi eq, %iota3A, %eq3A_3506 : vector<16xi32>
    %select_n3A_3508 = arith.select %eq3A_3507, %div3A_3504, %select_n3A_3385 : vector<16xi1>, vector<16xf32>
    %broadcast_in_dim3A_3509 = arith.constant 0.000000e+00 : f32
    %broadcast_in_dim3A_3510 = vector.broadcast %broadcast_in_dim3A_3509 : f32 to vector<16xf32>
    %broadcast_in_dim3A_3511 = arith.constant 0.000000e+00 : f32
    %broadcast_in_dim3A_3512 = vector.broadcast %broadcast_in_dim3A_3511 : f32 to vector<16xf32>
    %scan3A_3513 = arith.constant 0 : i32
    %scan3A_3514 = arith.constant 16 : i32
    %scan3A_3515 = arith.addi %scan3A_3513, %scan3A_3514 : i32
    %scan3A_3516 = arith.constant 1 : i32
    %scan3A_3517:2 = scf.for %scan3A_4131 = %scan3A_3513 to %scan3A_3515 step %scan3A_3516 iter_args(%scan3A_4132 = %broadcast_in_dim3A_3510, %scan3A_4133 = %broadcast_in_dim3A_3512) -> (vector<16xf32>, vector<16xf32>)  : i32 {
      %mul3A_4134 = arith.constant 16 : i32
      %mul3A_4135 = arith.muli %scan3A_4131, %mul3A_4134 : i32
      %add3A_4136 = arith.constant 6912 : i32
      %add3A_4137 = arith.addi %add3A_4136, %mul3A_4135 : i32
      %get3A = arith.index_cast %add3A_4137 : i32 to index
      %get3A_4138 = tpu.vector_load %arg7[%get3A] {strides = array<i32>} : memref<8192xf32, #tpu.memory_space<vmem>>, vector<16xf32>,
      %get3A_4139 = vector.shape_cast %get3A_4138 : vector<16xf32> to vector<16xf32>
      %mul3A_4140 = arith.constant 16 : i32
      %mul3A_4141 = arith.muli %scan3A_4131, %mul3A_4140 : i32
      %get3A_4142 = arith.index_cast %mul3A_4141 : i32 to index
      %get3A_4143 = tpu.vector_load %arg9[%get3A_4142] {strides = array<i32>} : memref<256xf32, #tpu.memory_space<vmem>>, vector<16xf32>,
      %get3A_4144 = vector.shape_cast %get3A_4143 : vector<16xf32> to vector<16xf32>
      %mul3A_4145 = arith.mulf %get3A_4139, %get3A_4144 : vector<16xf32>
      %add3A_4146 = arith.addf %scan3A_4132, %mul3A_4145 : vector<16xf32>
      %mul3A_4147 = arith.mulf %get3A_4139, %get3A_4139 : vector<16xf32>
      %add3A_4148 = arith.addf %scan3A_4133, %mul3A_4147 : vector<16xf32>
      scf.yield %add3A_4146, %add3A_4148 : vector<16xf32>, vector<16xf32>
    }
    %scan3A_3518 = arith.constant 16 : i32
    %xor3A_3519 = arith.constant 8 : i32
    %xor3A_3520 = vector.broadcast %xor3A_3519 : i32 to vector<16xi32>
    %xor3A_3521 = arith.xori %iota3A, %xor3A_3520 : vector<16xi32>
    %broadcast_in_dim3A_3522 = vector.shape_cast %xor3A_3521 : vector<16xi32> to vector<16x1xi32>
    %gather3A_3523 = vector.shape_cast %broadcast_in_dim3A_3522 : vector<16x1xi32> to vector<16xi32>
    %gather3A_3524 = tpu.dynamic_gather %scan3A_3517#1[%gather3A_3523] in [0] : vector<16xf32>, vector<16xi32> -> vector<16xf32>
    %add3A_3525 = arith.addf %scan3A_3517#1, %gather3A_3524 : vector<16xf32>
    %xor3A_3526 = arith.constant 4 : i32
    %xor3A_3527 = vector.broadcast %xor3A_3526 : i32 to vector<16xi32>
    %xor3A_3528 = arith.xori %iota3A, %xor3A_3527 : vector<16xi32>
    %broadcast_in_dim3A_3529 = vector.shape_cast %xor3A_3528 : vector<16xi32> to vector<16x1xi32>
    %gather3A_3530 = vector.shape_cast %broadcast_in_dim3A_3529 : vector<16x1xi32> to vector<16xi32>
    %gather3A_3531 = tpu.dynamic_gather %add3A_3525[%gather3A_3530] in [0] : vector<16xf32>, vector<16xi32> -> vector<16xf32>
    %add3A_3532 = arith.addf %add3A_3525, %gather3A_3531 : vector<16xf32>
    %xor3A_3533 = arith.constant 2 : i32
    %xor3A_3534 = vector.broadcast %xor3A_3533 : i32 to vector<16xi32>
    %xor3A_3535 = arith.xori %iota3A, %xor3A_3534 : vector<16xi32>
    %broadcast_in_dim3A_3536 = vector.shape_cast %xor3A_3535 : vector<16xi32> to vector<16x1xi32>
    %gather3A_3537 = vector.shape_cast %broadcast_in_dim3A_3536 : vector<16x1xi32> to vector<16xi32>
    %gather3A_3538 = tpu.dynamic_gather %add3A_3532[%gather3A_3537] in [0] : vector<16xf32>, vector<16xi32> -> vector<16xf32>
    %add3A_3539 = arith.addf %add3A_3532, %gather3A_3538 : vector<16xf32>
    %xor3A_3540 = arith.constant 1 : i32
    %xor3A_3541 = vector.broadcast %xor3A_3540 : i32 to vector<16xi32>
    %xor3A_3542 = arith.xori %iota3A, %xor3A_3541 : vector<16xi32>
    %broadcast_in_dim3A_3543 = vector.shape_cast %xor3A_3542 : vector<16xi32> to vector<16x1xi32>
    %gather3A_3544 = vector.shape_cast %broadcast_in_dim3A_3543 : vector<16x1xi32> to vector<16xi32>
    %gather3A_3545 = tpu.dynamic_gather %add3A_3539[%gather3A_3544] in [0] : vector<16xf32>, vector<16xi32> -> vector<16xf32>
    %add3A_3546 = arith.addf %add3A_3539, %gather3A_3545 : vector<16xf32>
    %max3A_3547 = arith.constant 1.000000e-30 : f32
    %max3A_3548 = vector.broadcast %max3A_3547 : f32 to vector<16xf32>
    %max3A_3549 = arith.maximumf %add3A_3546, %max3A_3548 : vector<16xf32>
    %bitcast_convert_type3A_3550 = tpu.bitcast %max3A_3549 : vector<16xf32> -> vector<16xi32>
    %shift_right_arithmetic3A_3551 = arith.constant 1 : i32
    %shift_right_arithmetic3A_3552 = vector.broadcast %shift_right_arithmetic3A_3551 : i32 to vector<16xi32>
    %shift_right_arithmetic3A_3553 = arith.shrsi %bitcast_convert_type3A_3550, %shift_right_arithmetic3A_3552 : vector<16xi32>
    %sub3A_3554 = arith.constant 1597463007 : i32
    %sub3A_3555 = vector.broadcast %sub3A_3554 : i32 to vector<16xi32>
    %sub3A_3556 = arith.subi %sub3A_3555, %shift_right_arithmetic3A_3553 : vector<16xi32>
    %bitcast_convert_type3A_3557 = tpu.bitcast %sub3A_3556 : vector<16xi32> -> vector<16xf32>
    %mul3A_3558 = arith.constant 5.000000e-01 : f32
    %mul3A_3559 = vector.broadcast %mul3A_3558 : f32 to vector<16xf32>
    %mul3A_3560 = arith.mulf %mul3A_3559, %max3A_3549 : vector<16xf32>
    %mul3A_3561 = arith.mulf %mul3A_3560, %bitcast_convert_type3A_3557 : vector<16xf32>
    %mul3A_3562 = arith.mulf %mul3A_3561, %bitcast_convert_type3A_3557 : vector<16xf32>
    %sub3A_3563 = arith.constant 1.500000e+00 : f32
    %sub3A_3564 = vector.broadcast %sub3A_3563 : f32 to vector<16xf32>
    %sub3A_3565 = arith.subf %sub3A_3564, %mul3A_3562 : vector<16xf32>
    %mul3A_3566 = arith.mulf %bitcast_convert_type3A_3557, %sub3A_3565 : vector<16xf32>
    %mul3A_3567 = arith.constant 5.000000e-01 : f32
    %mul3A_3568 = vector.broadcast %mul3A_3567 : f32 to vector<16xf32>
    %mul3A_3569 = arith.mulf %mul3A_3568, %max3A_3549 : vector<16xf32>
    %mul3A_3570 = arith.mulf %mul3A_3569, %mul3A_3566 : vector<16xf32>
    %mul3A_3571 = arith.mulf %mul3A_3570, %mul3A_3566 : vector<16xf32>
    %sub3A_3572 = arith.constant 1.500000e+00 : f32
    %sub3A_3573 = vector.broadcast %sub3A_3572 : f32 to vector<16xf32>
    %sub3A_3574 = arith.subf %sub3A_3573, %mul3A_3571 : vector<16xf32>
    %mul3A_3575 = arith.mulf %mul3A_3566, %sub3A_3574 : vector<16xf32>
    %mul3A_3576 = arith.constant 5.000000e-01 : f32
    %mul3A_3577 = vector.broadcast %mul3A_3576 : f32 to vector<16xf32>
    %mul3A_3578 = arith.mulf %mul3A_3577, %max3A_3549 : vector<16xf32>
    %mul3A_3579 = arith.mulf %mul3A_3578, %mul3A_3575 : vector<16xf32>
    %mul3A_3580 = arith.mulf %mul3A_3579, %mul3A_3575 : vector<16xf32>
    %sub3A_3581 = arith.constant 1.500000e+00 : f32
    %sub3A_3582 = vector.broadcast %sub3A_3581 : f32 to vector<16xf32>
    %sub3A_3583 = arith.subf %sub3A_3582, %mul3A_3580 : vector<16xf32>
    %mul3A_3584 = arith.mulf %mul3A_3575, %sub3A_3583 : vector<16xf32>
    %mul3A_3585 = arith.constant 5.000000e-01 : f32
    %mul3A_3586 = vector.broadcast %mul3A_3585 : f32 to vector<16xf32>
    %mul3A_3587 = arith.mulf %mul3A_3586, %max3A_3549 : vector<16xf32>
    %mul3A_3588 = arith.mulf %mul3A_3587, %mul3A_3584 : vector<16xf32>
    %mul3A_3589 = arith.mulf %mul3A_3588, %mul3A_3584 : vector<16xf32>
    %sub3A_3590 = arith.constant 1.500000e+00 : f32
    %sub3A_3591 = vector.broadcast %sub3A_3590 : f32 to vector<16xf32>
    %sub3A_3592 = arith.subf %sub3A_3591, %mul3A_3589 : vector<16xf32>
    %mul3A_3593 = arith.mulf %mul3A_3584, %sub3A_3592 : vector<16xf32>
    %mul3A_3594 = arith.mulf %add3A_3546, %mul3A_3593 : vector<16xf32>
    %max3A_3595 = arith.constant 9.99999996E-13 : f32
    %max3A_3596 = vector.broadcast %max3A_3595 : f32 to vector<16xf32>
    %max3A_3597 = arith.maximumf %mul3A_3594, %max3A_3596 : vector<16xf32>
    %xor3A_3598 = arith.constant 8 : i32
    %xor3A_3599 = vector.broadcast %xor3A_3598 : i32 to vector<16xi32>
    %xor3A_3600 = arith.xori %iota3A, %xor3A_3599 : vector<16xi32>
    %broadcast_in_dim3A_3601 = vector.shape_cast %xor3A_3600 : vector<16xi32> to vector<16x1xi32>
    %gather3A_3602 = vector.shape_cast %broadcast_in_dim3A_3601 : vector<16x1xi32> to vector<16xi32>
    %gather3A_3603 = tpu.dynamic_gather %scan3A_3517#0[%gather3A_3602] in [0] : vector<16xf32>, vector<16xi32> -> vector<16xf32>
    %add3A_3604 = arith.addf %scan3A_3517#0, %gather3A_3603 : vector<16xf32>
    %xor3A_3605 = arith.constant 4 : i32
    %xor3A_3606 = vector.broadcast %xor3A_3605 : i32 to vector<16xi32>
    %xor3A_3607 = arith.xori %iota3A, %xor3A_3606 : vector<16xi32>
    %broadcast_in_dim3A_3608 = vector.shape_cast %xor3A_3607 : vector<16xi32> to vector<16x1xi32>
    %gather3A_3609 = vector.shape_cast %broadcast_in_dim3A_3608 : vector<16x1xi32> to vector<16xi32>
    %gather3A_3610 = tpu.dynamic_gather %add3A_3604[%gather3A_3609] in [0] : vector<16xf32>, vector<16xi32> -> vector<16xf32>
    %add3A_3611 = arith.addf %add3A_3604, %gather3A_3610 : vector<16xf32>
    %xor3A_3612 = arith.constant 2 : i32
    %xor3A_3613 = vector.broadcast %xor3A_3612 : i32 to vector<16xi32>
    %xor3A_3614 = arith.xori %iota3A, %xor3A_3613 : vector<16xi32>
    %broadcast_in_dim3A_3615 = vector.shape_cast %xor3A_3614 : vector<16xi32> to vector<16x1xi32>
    %gather3A_3616 = vector.shape_cast %broadcast_in_dim3A_3615 : vector<16x1xi32> to vector<16xi32>
    %gather3A_3617 = tpu.dynamic_gather %add3A_3611[%gather3A_3616] in [0] : vector<16xf32>, vector<16xi32> -> vector<16xf32>
    %add3A_3618 = arith.addf %add3A_3611, %gather3A_3617 : vector<16xf32>
    %xor3A_3619 = arith.constant 1 : i32
    %xor3A_3620 = vector.broadcast %xor3A_3619 : i32 to vector<16xi32>
    %xor3A_3621 = arith.xori %iota3A, %xor3A_3620 : vector<16xi32>
    %broadcast_in_dim3A_3622 = vector.shape_cast %xor3A_3621 : vector<16xi32> to vector<16x1xi32>
    %gather3A_3623 = vector.shape_cast %broadcast_in_dim3A_3622 : vector<16x1xi32> to vector<16xi32>
    %gather3A_3624 = tpu.dynamic_gather %add3A_3618[%gather3A_3623] in [0] : vector<16xf32>, vector<16xi32> -> vector<16xf32>
    %add3A_3625 = arith.addf %add3A_3618, %gather3A_3624 : vector<16xf32>
    %mul3A_3626 = arith.mulf %max3A_184, %max3A_3597 : vector<16xf32>
    %div3A_3627 = arith.divf %add3A_3625, %mul3A_3626 : vector<16xf32>
    %eq3A_3628 = arith.constant 11 : i32
    %eq3A_3629 = vector.broadcast %eq3A_3628 : i32 to vector<16xi32>
    %eq3A_3630 = arith.cmpi eq, %iota3A, %eq3A_3629 : vector<16xi32>
    %select_n3A_3631 = arith.select %eq3A_3630, %div3A_3627, %select_n3A_3508 : vector<16xi1>, vector<16xf32>
    %broadcast_in_dim3A_3632 = arith.constant 0.000000e+00 : f32
    %broadcast_in_dim3A_3633 = vector.broadcast %broadcast_in_dim3A_3632 : f32 to vector<16xf32>
    %broadcast_in_dim3A_3634 = arith.constant 0.000000e+00 : f32
    %broadcast_in_dim3A_3635 = vector.broadcast %broadcast_in_dim3A_3634 : f32 to vector<16xf32>
    %scan3A_3636 = arith.constant 0 : i32
    %scan3A_3637 = arith.constant 16 : i32
    %scan3A_3638 = arith.addi %scan3A_3636, %scan3A_3637 : i32
    %scan3A_3639 = arith.constant 1 : i32
    %scan3A_3640:2 = scf.for %scan3A_4131 = %scan3A_3636 to %scan3A_3638 step %scan3A_3639 iter_args(%scan3A_4132 = %broadcast_in_dim3A_3633, %scan3A_4133 = %broadcast_in_dim3A_3635) -> (vector<16xf32>, vector<16xf32>)  : i32 {
      %mul3A_4134 = arith.constant 16 : i32
      %mul3A_4135 = arith.muli %scan3A_4131, %mul3A_4134 : i32
      %add3A_4136 = arith.constant 7168 : i32
      %add3A_4137 = arith.addi %add3A_4136, %mul3A_4135 : i32
      %get3A = arith.index_cast %add3A_4137 : i32 to index
      %get3A_4138 = tpu.vector_load %arg7[%get3A] {strides = array<i32>} : memref<8192xf32, #tpu.memory_space<vmem>>, vector<16xf32>,
      %get3A_4139 = vector.shape_cast %get3A_4138 : vector<16xf32> to vector<16xf32>
      %mul3A_4140 = arith.constant 16 : i32
      %mul3A_4141 = arith.muli %scan3A_4131, %mul3A_4140 : i32
      %get3A_4142 = arith.index_cast %mul3A_4141 : i32 to index
      %get3A_4143 = tpu.vector_load %arg9[%get3A_4142] {strides = array<i32>} : memref<256xf32, #tpu.memory_space<vmem>>, vector<16xf32>,
      %get3A_4144 = vector.shape_cast %get3A_4143 : vector<16xf32> to vector<16xf32>
      %mul3A_4145 = arith.mulf %get3A_4139, %get3A_4144 : vector<16xf32>
      %add3A_4146 = arith.addf %scan3A_4132, %mul3A_4145 : vector<16xf32>
      %mul3A_4147 = arith.mulf %get3A_4139, %get3A_4139 : vector<16xf32>
      %add3A_4148 = arith.addf %scan3A_4133, %mul3A_4147 : vector<16xf32>
      scf.yield %add3A_4146, %add3A_4148 : vector<16xf32>, vector<16xf32>
    }
    %scan3A_3641 = arith.constant 16 : i32
    %xor3A_3642 = arith.constant 8 : i32
    %xor3A_3643 = vector.broadcast %xor3A_3642 : i32 to vector<16xi32>
    %xor3A_3644 = arith.xori %iota3A, %xor3A_3643 : vector<16xi32>
    %broadcast_in_dim3A_3645 = vector.shape_cast %xor3A_3644 : vector<16xi32> to vector<16x1xi32>
    %gather3A_3646 = vector.shape_cast %broadcast_in_dim3A_3645 : vector<16x1xi32> to vector<16xi32>
    %gather3A_3647 = tpu.dynamic_gather %scan3A_3640#1[%gather3A_3646] in [0] : vector<16xf32>, vector<16xi32> -> vector<16xf32>
    %add3A_3648 = arith.addf %scan3A_3640#1, %gather3A_3647 : vector<16xf32>
    %xor3A_3649 = arith.constant 4 : i32
    %xor3A_3650 = vector.broadcast %xor3A_3649 : i32 to vector<16xi32>
    %xor3A_3651 = arith.xori %iota3A, %xor3A_3650 : vector<16xi32>
    %broadcast_in_dim3A_3652 = vector.shape_cast %xor3A_3651 : vector<16xi32> to vector<16x1xi32>
    %gather3A_3653 = vector.shape_cast %broadcast_in_dim3A_3652 : vector<16x1xi32> to vector<16xi32>
    %gather3A_3654 = tpu.dynamic_gather %add3A_3648[%gather3A_3653] in [0] : vector<16xf32>, vector<16xi32> -> vector<16xf32>
    %add3A_3655 = arith.addf %add3A_3648, %gather3A_3654 : vector<16xf32>
    %xor3A_3656 = arith.constant 2 : i32
    %xor3A_3657 = vector.broadcast %xor3A_3656 : i32 to vector<16xi32>
    %xor3A_3658 = arith.xori %iota3A, %xor3A_3657 : vector<16xi32>
    %broadcast_in_dim3A_3659 = vector.shape_cast %xor3A_3658 : vector<16xi32> to vector<16x1xi32>
    %gather3A_3660 = vector.shape_cast %broadcast_in_dim3A_3659 : vector<16x1xi32> to vector<16xi32>
    %gather3A_3661 = tpu.dynamic_gather %add3A_3655[%gather3A_3660] in [0] : vector<16xf32>, vector<16xi32> -> vector<16xf32>
    %add3A_3662 = arith.addf %add3A_3655, %gather3A_3661 : vector<16xf32>
    %xor3A_3663 = arith.constant 1 : i32
    %xor3A_3664 = vector.broadcast %xor3A_3663 : i32 to vector<16xi32>
    %xor3A_3665 = arith.xori %iota3A, %xor3A_3664 : vector<16xi32>
    %broadcast_in_dim3A_3666 = vector.shape_cast %xor3A_3665 : vector<16xi32> to vector<16x1xi32>
    %gather3A_3667 = vector.shape_cast %broadcast_in_dim3A_3666 : vector<16x1xi32> to vector<16xi32>
    %gather3A_3668 = tpu.dynamic_gather %add3A_3662[%gather3A_3667] in [0] : vector<16xf32>, vector<16xi32> -> vector<16xf32>
    %add3A_3669 = arith.addf %add3A_3662, %gather3A_3668 : vector<16xf32>
    %max3A_3670 = arith.constant 1.000000e-30 : f32
    %max3A_3671 = vector.broadcast %max3A_3670 : f32 to vector<16xf32>
    %max3A_3672 = arith.maximumf %add3A_3669, %max3A_3671 : vector<16xf32>
    %bitcast_convert_type3A_3673 = tpu.bitcast %max3A_3672 : vector<16xf32> -> vector<16xi32>
    %shift_right_arithmetic3A_3674 = arith.constant 1 : i32
    %shift_right_arithmetic3A_3675 = vector.broadcast %shift_right_arithmetic3A_3674 : i32 to vector<16xi32>
    %shift_right_arithmetic3A_3676 = arith.shrsi %bitcast_convert_type3A_3673, %shift_right_arithmetic3A_3675 : vector<16xi32>
    %sub3A_3677 = arith.constant 1597463007 : i32
    %sub3A_3678 = vector.broadcast %sub3A_3677 : i32 to vector<16xi32>
    %sub3A_3679 = arith.subi %sub3A_3678, %shift_right_arithmetic3A_3676 : vector<16xi32>
    %bitcast_convert_type3A_3680 = tpu.bitcast %sub3A_3679 : vector<16xi32> -> vector<16xf32>
    %mul3A_3681 = arith.constant 5.000000e-01 : f32
    %mul3A_3682 = vector.broadcast %mul3A_3681 : f32 to vector<16xf32>
    %mul3A_3683 = arith.mulf %mul3A_3682, %max3A_3672 : vector<16xf32>
    %mul3A_3684 = arith.mulf %mul3A_3683, %bitcast_convert_type3A_3680 : vector<16xf32>
    %mul3A_3685 = arith.mulf %mul3A_3684, %bitcast_convert_type3A_3680 : vector<16xf32>
    %sub3A_3686 = arith.constant 1.500000e+00 : f32
    %sub3A_3687 = vector.broadcast %sub3A_3686 : f32 to vector<16xf32>
    %sub3A_3688 = arith.subf %sub3A_3687, %mul3A_3685 : vector<16xf32>
    %mul3A_3689 = arith.mulf %bitcast_convert_type3A_3680, %sub3A_3688 : vector<16xf32>
    %mul3A_3690 = arith.constant 5.000000e-01 : f32
    %mul3A_3691 = vector.broadcast %mul3A_3690 : f32 to vector<16xf32>
    %mul3A_3692 = arith.mulf %mul3A_3691, %max3A_3672 : vector<16xf32>
    %mul3A_3693 = arith.mulf %mul3A_3692, %mul3A_3689 : vector<16xf32>
    %mul3A_3694 = arith.mulf %mul3A_3693, %mul3A_3689 : vector<16xf32>
    %sub3A_3695 = arith.constant 1.500000e+00 : f32
    %sub3A_3696 = vector.broadcast %sub3A_3695 : f32 to vector<16xf32>
    %sub3A_3697 = arith.subf %sub3A_3696, %mul3A_3694 : vector<16xf32>
    %mul3A_3698 = arith.mulf %mul3A_3689, %sub3A_3697 : vector<16xf32>
    %mul3A_3699 = arith.constant 5.000000e-01 : f32
    %mul3A_3700 = vector.broadcast %mul3A_3699 : f32 to vector<16xf32>
    %mul3A_3701 = arith.mulf %mul3A_3700, %max3A_3672 : vector<16xf32>
    %mul3A_3702 = arith.mulf %mul3A_3701, %mul3A_3698 : vector<16xf32>
    %mul3A_3703 = arith.mulf %mul3A_3702, %mul3A_3698 : vector<16xf32>
    %sub3A_3704 = arith.constant 1.500000e+00 : f32
    %sub3A_3705 = vector.broadcast %sub3A_3704 : f32 to vector<16xf32>
    %sub3A_3706 = arith.subf %sub3A_3705, %mul3A_3703 : vector<16xf32>
    %mul3A_3707 = arith.mulf %mul3A_3698, %sub3A_3706 : vector<16xf32>
    %mul3A_3708 = arith.constant 5.000000e-01 : f32
    %mul3A_3709 = vector.broadcast %mul3A_3708 : f32 to vector<16xf32>
    %mul3A_3710 = arith.mulf %mul3A_3709, %max3A_3672 : vector<16xf32>
    %mul3A_3711 = arith.mulf %mul3A_3710, %mul3A_3707 : vector<16xf32>
    %mul3A_3712 = arith.mulf %mul3A_3711, %mul3A_3707 : vector<16xf32>
    %sub3A_3713 = arith.constant 1.500000e+00 : f32
    %sub3A_3714 = vector.broadcast %sub3A_3713 : f32 to vector<16xf32>
    %sub3A_3715 = arith.subf %sub3A_3714, %mul3A_3712 : vector<16xf32>
    %mul3A_3716 = arith.mulf %mul3A_3707, %sub3A_3715 : vector<16xf32>
    %mul3A_3717 = arith.mulf %add3A_3669, %mul3A_3716 : vector<16xf32>
    %max3A_3718 = arith.constant 9.99999996E-13 : f32
    %max3A_3719 = vector.broadcast %max3A_3718 : f32 to vector<16xf32>
    %max3A_3720 = arith.maximumf %mul3A_3717, %max3A_3719 : vector<16xf32>
    %xor3A_3721 = arith.constant 8 : i32
    %xor3A_3722 = vector.broadcast %xor3A_3721 : i32 to vector<16xi32>
    %xor3A_3723 = arith.xori %iota3A, %xor3A_3722 : vector<16xi32>
    %broadcast_in_dim3A_3724 = vector.shape_cast %xor3A_3723 : vector<16xi32> to vector<16x1xi32>
    %gather3A_3725 = vector.shape_cast %broadcast_in_dim3A_3724 : vector<16x1xi32> to vector<16xi32>
    %gather3A_3726 = tpu.dynamic_gather %scan3A_3640#0[%gather3A_3725] in [0] : vector<16xf32>, vector<16xi32> -> vector<16xf32>
    %add3A_3727 = arith.addf %scan3A_3640#0, %gather3A_3726 : vector<16xf32>
    %xor3A_3728 = arith.constant 4 : i32
    %xor3A_3729 = vector.broadcast %xor3A_3728 : i32 to vector<16xi32>
    %xor3A_3730 = arith.xori %iota3A, %xor3A_3729 : vector<16xi32>
    %broadcast_in_dim3A_3731 = vector.shape_cast %xor3A_3730 : vector<16xi32> to vector<16x1xi32>
    %gather3A_3732 = vector.shape_cast %broadcast_in_dim3A_3731 : vector<16x1xi32> to vector<16xi32>
    %gather3A_3733 = tpu.dynamic_gather %add3A_3727[%gather3A_3732] in [0] : vector<16xf32>, vector<16xi32> -> vector<16xf32>
    %add3A_3734 = arith.addf %add3A_3727, %gather3A_3733 : vector<16xf32>
    %xor3A_3735 = arith.constant 2 : i32
    %xor3A_3736 = vector.broadcast %xor3A_3735 : i32 to vector<16xi32>
    %xor3A_3737 = arith.xori %iota3A, %xor3A_3736 : vector<16xi32>
    %broadcast_in_dim3A_3738 = vector.shape_cast %xor3A_3737 : vector<16xi32> to vector<16x1xi32>
    %gather3A_3739 = vector.shape_cast %broadcast_in_dim3A_3738 : vector<16x1xi32> to vector<16xi32>
    %gather3A_3740 = tpu.dynamic_gather %add3A_3734[%gather3A_3739] in [0] : vector<16xf32>, vector<16xi32> -> vector<16xf32>
    %add3A_3741 = arith.addf %add3A_3734, %gather3A_3740 : vector<16xf32>
    %xor3A_3742 = arith.constant 1 : i32
    %xor3A_3743 = vector.broadcast %xor3A_3742 : i32 to vector<16xi32>
    %xor3A_3744 = arith.xori %iota3A, %xor3A_3743 : vector<16xi32>
    %broadcast_in_dim3A_3745 = vector.shape_cast %xor3A_3744 : vector<16xi32> to vector<16x1xi32>
    %gather3A_3746 = vector.shape_cast %broadcast_in_dim3A_3745 : vector<16x1xi32> to vector<16xi32>
    %gather3A_3747 = tpu.dynamic_gather %add3A_3741[%gather3A_3746] in [0] : vector<16xf32>, vector<16xi32> -> vector<16xf32>
    %add3A_3748 = arith.addf %add3A_3741, %gather3A_3747 : vector<16xf32>
    %mul3A_3749 = arith.mulf %max3A_184, %max3A_3720 : vector<16xf32>
    %div3A_3750 = arith.divf %add3A_3748, %mul3A_3749 : vector<16xf32>
    %eq3A_3751 = arith.constant 12 : i32
    %eq3A_3752 = vector.broadcast %eq3A_3751 : i32 to vector<16xi32>
    %eq3A_3753 = arith.cmpi eq, %iota3A, %eq3A_3752 : vector<16xi32>
    %select_n3A_3754 = arith.select %eq3A_3753, %div3A_3750, %select_n3A_3631 : vector<16xi1>, vector<16xf32>
    %broadcast_in_dim3A_3755 = arith.constant 0.000000e+00 : f32
    %broadcast_in_dim3A_3756 = vector.broadcast %broadcast_in_dim3A_3755 : f32 to vector<16xf32>
    %broadcast_in_dim3A_3757 = arith.constant 0.000000e+00 : f32
    %broadcast_in_dim3A_3758 = vector.broadcast %broadcast_in_dim3A_3757 : f32 to vector<16xf32>
    %scan3A_3759 = arith.constant 0 : i32
    %scan3A_3760 = arith.constant 16 : i32
    %scan3A_3761 = arith.addi %scan3A_3759, %scan3A_3760 : i32
    %scan3A_3762 = arith.constant 1 : i32
    %scan3A_3763:2 = scf.for %scan3A_4131 = %scan3A_3759 to %scan3A_3761 step %scan3A_3762 iter_args(%scan3A_4132 = %broadcast_in_dim3A_3756, %scan3A_4133 = %broadcast_in_dim3A_3758) -> (vector<16xf32>, vector<16xf32>)  : i32 {
      %mul3A_4134 = arith.constant 16 : i32
      %mul3A_4135 = arith.muli %scan3A_4131, %mul3A_4134 : i32
      %add3A_4136 = arith.constant 7424 : i32
      %add3A_4137 = arith.addi %add3A_4136, %mul3A_4135 : i32
      %get3A = arith.index_cast %add3A_4137 : i32 to index
      %get3A_4138 = tpu.vector_load %arg7[%get3A] {strides = array<i32>} : memref<8192xf32, #tpu.memory_space<vmem>>, vector<16xf32>,
      %get3A_4139 = vector.shape_cast %get3A_4138 : vector<16xf32> to vector<16xf32>
      %mul3A_4140 = arith.constant 16 : i32
      %mul3A_4141 = arith.muli %scan3A_4131, %mul3A_4140 : i32
      %get3A_4142 = arith.index_cast %mul3A_4141 : i32 to index
      %get3A_4143 = tpu.vector_load %arg9[%get3A_4142] {strides = array<i32>} : memref<256xf32, #tpu.memory_space<vmem>>, vector<16xf32>,
      %get3A_4144 = vector.shape_cast %get3A_4143 : vector<16xf32> to vector<16xf32>
      %mul3A_4145 = arith.mulf %get3A_4139, %get3A_4144 : vector<16xf32>
      %add3A_4146 = arith.addf %scan3A_4132, %mul3A_4145 : vector<16xf32>
      %mul3A_4147 = arith.mulf %get3A_4139, %get3A_4139 : vector<16xf32>
      %add3A_4148 = arith.addf %scan3A_4133, %mul3A_4147 : vector<16xf32>
      scf.yield %add3A_4146, %add3A_4148 : vector<16xf32>, vector<16xf32>
    }
    %scan3A_3764 = arith.constant 16 : i32
    %xor3A_3765 = arith.constant 8 : i32
    %xor3A_3766 = vector.broadcast %xor3A_3765 : i32 to vector<16xi32>
    %xor3A_3767 = arith.xori %iota3A, %xor3A_3766 : vector<16xi32>
    %broadcast_in_dim3A_3768 = vector.shape_cast %xor3A_3767 : vector<16xi32> to vector<16x1xi32>
    %gather3A_3769 = vector.shape_cast %broadcast_in_dim3A_3768 : vector<16x1xi32> to vector<16xi32>
    %gather3A_3770 = tpu.dynamic_gather %scan3A_3763#1[%gather3A_3769] in [0] : vector<16xf32>, vector<16xi32> -> vector<16xf32>
    %add3A_3771 = arith.addf %scan3A_3763#1, %gather3A_3770 : vector<16xf32>
    %xor3A_3772 = arith.constant 4 : i32
    %xor3A_3773 = vector.broadcast %xor3A_3772 : i32 to vector<16xi32>
    %xor3A_3774 = arith.xori %iota3A, %xor3A_3773 : vector<16xi32>
    %broadcast_in_dim3A_3775 = vector.shape_cast %xor3A_3774 : vector<16xi32> to vector<16x1xi32>
    %gather3A_3776 = vector.shape_cast %broadcast_in_dim3A_3775 : vector<16x1xi32> to vector<16xi32>
    %gather3A_3777 = tpu.dynamic_gather %add3A_3771[%gather3A_3776] in [0] : vector<16xf32>, vector<16xi32> -> vector<16xf32>
    %add3A_3778 = arith.addf %add3A_3771, %gather3A_3777 : vector<16xf32>
    %xor3A_3779 = arith.constant 2 : i32
    %xor3A_3780 = vector.broadcast %xor3A_3779 : i32 to vector<16xi32>
    %xor3A_3781 = arith.xori %iota3A, %xor3A_3780 : vector<16xi32>
    %broadcast_in_dim3A_3782 = vector.shape_cast %xor3A_3781 : vector<16xi32> to vector<16x1xi32>
    %gather3A_3783 = vector.shape_cast %broadcast_in_dim3A_3782 : vector<16x1xi32> to vector<16xi32>
    %gather3A_3784 = tpu.dynamic_gather %add3A_3778[%gather3A_3783] in [0] : vector<16xf32>, vector<16xi32> -> vector<16xf32>
    %add3A_3785 = arith.addf %add3A_3778, %gather3A_3784 : vector<16xf32>
    %xor3A_3786 = arith.constant 1 : i32
    %xor3A_3787 = vector.broadcast %xor3A_3786 : i32 to vector<16xi32>
    %xor3A_3788 = arith.xori %iota3A, %xor3A_3787 : vector<16xi32>
    %broadcast_in_dim3A_3789 = vector.shape_cast %xor3A_3788 : vector<16xi32> to vector<16x1xi32>
    %gather3A_3790 = vector.shape_cast %broadcast_in_dim3A_3789 : vector<16x1xi32> to vector<16xi32>
    %gather3A_3791 = tpu.dynamic_gather %add3A_3785[%gather3A_3790] in [0] : vector<16xf32>, vector<16xi32> -> vector<16xf32>
    %add3A_3792 = arith.addf %add3A_3785, %gather3A_3791 : vector<16xf32>
    %max3A_3793 = arith.constant 1.000000e-30 : f32
    %max3A_3794 = vector.broadcast %max3A_3793 : f32 to vector<16xf32>
    %max3A_3795 = arith.maximumf %add3A_3792, %max3A_3794 : vector<16xf32>
    %bitcast_convert_type3A_3796 = tpu.bitcast %max3A_3795 : vector<16xf32> -> vector<16xi32>
    %shift_right_arithmetic3A_3797 = arith.constant 1 : i32
    %shift_right_arithmetic3A_3798 = vector.broadcast %shift_right_arithmetic3A_3797 : i32 to vector<16xi32>
    %shift_right_arithmetic3A_3799 = arith.shrsi %bitcast_convert_type3A_3796, %shift_right_arithmetic3A_3798 : vector<16xi32>
    %sub3A_3800 = arith.constant 1597463007 : i32
    %sub3A_3801 = vector.broadcast %sub3A_3800 : i32 to vector<16xi32>
    %sub3A_3802 = arith.subi %sub3A_3801, %shift_right_arithmetic3A_3799 : vector<16xi32>
    %bitcast_convert_type3A_3803 = tpu.bitcast %sub3A_3802 : vector<16xi32> -> vector<16xf32>
    %mul3A_3804 = arith.constant 5.000000e-01 : f32
    %mul3A_3805 = vector.broadcast %mul3A_3804 : f32 to vector<16xf32>
    %mul3A_3806 = arith.mulf %mul3A_3805, %max3A_3795 : vector<16xf32>
    %mul3A_3807 = arith.mulf %mul3A_3806, %bitcast_convert_type3A_3803 : vector<16xf32>
    %mul3A_3808 = arith.mulf %mul3A_3807, %bitcast_convert_type3A_3803 : vector<16xf32>
    %sub3A_3809 = arith.constant 1.500000e+00 : f32
    %sub3A_3810 = vector.broadcast %sub3A_3809 : f32 to vector<16xf32>
    %sub3A_3811 = arith.subf %sub3A_3810, %mul3A_3808 : vector<16xf32>
    %mul3A_3812 = arith.mulf %bitcast_convert_type3A_3803, %sub3A_3811 : vector<16xf32>
    %mul3A_3813 = arith.constant 5.000000e-01 : f32
    %mul3A_3814 = vector.broadcast %mul3A_3813 : f32 to vector<16xf32>
    %mul3A_3815 = arith.mulf %mul3A_3814, %max3A_3795 : vector<16xf32>
    %mul3A_3816 = arith.mulf %mul3A_3815, %mul3A_3812 : vector<16xf32>
    %mul3A_3817 = arith.mulf %mul3A_3816, %mul3A_3812 : vector<16xf32>
    %sub3A_3818 = arith.constant 1.500000e+00 : f32
    %sub3A_3819 = vector.broadcast %sub3A_3818 : f32 to vector<16xf32>
    %sub3A_3820 = arith.subf %sub3A_3819, %mul3A_3817 : vector<16xf32>
    %mul3A_3821 = arith.mulf %mul3A_3812, %sub3A_3820 : vector<16xf32>
    %mul3A_3822 = arith.constant 5.000000e-01 : f32
    %mul3A_3823 = vector.broadcast %mul3A_3822 : f32 to vector<16xf32>
    %mul3A_3824 = arith.mulf %mul3A_3823, %max3A_3795 : vector<16xf32>
    %mul3A_3825 = arith.mulf %mul3A_3824, %mul3A_3821 : vector<16xf32>
    %mul3A_3826 = arith.mulf %mul3A_3825, %mul3A_3821 : vector<16xf32>
    %sub3A_3827 = arith.constant 1.500000e+00 : f32
    %sub3A_3828 = vector.broadcast %sub3A_3827 : f32 to vector<16xf32>
    %sub3A_3829 = arith.subf %sub3A_3828, %mul3A_3826 : vector<16xf32>
    %mul3A_3830 = arith.mulf %mul3A_3821, %sub3A_3829 : vector<16xf32>
    %mul3A_3831 = arith.constant 5.000000e-01 : f32
    %mul3A_3832 = vector.broadcast %mul3A_3831 : f32 to vector<16xf32>
    %mul3A_3833 = arith.mulf %mul3A_3832, %max3A_3795 : vector<16xf32>
    %mul3A_3834 = arith.mulf %mul3A_3833, %mul3A_3830 : vector<16xf32>
    %mul3A_3835 = arith.mulf %mul3A_3834, %mul3A_3830 : vector<16xf32>
    %sub3A_3836 = arith.constant 1.500000e+00 : f32
    %sub3A_3837 = vector.broadcast %sub3A_3836 : f32 to vector<16xf32>
    %sub3A_3838 = arith.subf %sub3A_3837, %mul3A_3835 : vector<16xf32>
    %mul3A_3839 = arith.mulf %mul3A_3830, %sub3A_3838 : vector<16xf32>
    %mul3A_3840 = arith.mulf %add3A_3792, %mul3A_3839 : vector<16xf32>
    %max3A_3841 = arith.constant 9.99999996E-13 : f32
    %max3A_3842 = vector.broadcast %max3A_3841 : f32 to vector<16xf32>
    %max3A_3843 = arith.maximumf %mul3A_3840, %max3A_3842 : vector<16xf32>
    %xor3A_3844 = arith.constant 8 : i32
    %xor3A_3845 = vector.broadcast %xor3A_3844 : i32 to vector<16xi32>
    %xor3A_3846 = arith.xori %iota3A, %xor3A_3845 : vector<16xi32>
    %broadcast_in_dim3A_3847 = vector.shape_cast %xor3A_3846 : vector<16xi32> to vector<16x1xi32>
    %gather3A_3848 = vector.shape_cast %broadcast_in_dim3A_3847 : vector<16x1xi32> to vector<16xi32>
    %gather3A_3849 = tpu.dynamic_gather %scan3A_3763#0[%gather3A_3848] in [0] : vector<16xf32>, vector<16xi32> -> vector<16xf32>
    %add3A_3850 = arith.addf %scan3A_3763#0, %gather3A_3849 : vector<16xf32>
    %xor3A_3851 = arith.constant 4 : i32
    %xor3A_3852 = vector.broadcast %xor3A_3851 : i32 to vector<16xi32>
    %xor3A_3853 = arith.xori %iota3A, %xor3A_3852 : vector<16xi32>
    %broadcast_in_dim3A_3854 = vector.shape_cast %xor3A_3853 : vector<16xi32> to vector<16x1xi32>
    %gather3A_3855 = vector.shape_cast %broadcast_in_dim3A_3854 : vector<16x1xi32> to vector<16xi32>
    %gather3A_3856 = tpu.dynamic_gather %add3A_3850[%gather3A_3855] in [0] : vector<16xf32>, vector<16xi32> -> vector<16xf32>
    %add3A_3857 = arith.addf %add3A_3850, %gather3A_3856 : vector<16xf32>
    %xor3A_3858 = arith.constant 2 : i32
    %xor3A_3859 = vector.broadcast %xor3A_3858 : i32 to vector<16xi32>
    %xor3A_3860 = arith.xori %iota3A, %xor3A_3859 : vector<16xi32>
    %broadcast_in_dim3A_3861 = vector.shape_cast %xor3A_3860 : vector<16xi32> to vector<16x1xi32>
    %gather3A_3862 = vector.shape_cast %broadcast_in_dim3A_3861 : vector<16x1xi32> to vector<16xi32>
    %gather3A_3863 = tpu.dynamic_gather %add3A_3857[%gather3A_3862] in [0] : vector<16xf32>, vector<16xi32> -> vector<16xf32>
    %add3A_3864 = arith.addf %add3A_3857, %gather3A_3863 : vector<16xf32>
    %xor3A_3865 = arith.constant 1 : i32
    %xor3A_3866 = vector.broadcast %xor3A_3865 : i32 to vector<16xi32>
    %xor3A_3867 = arith.xori %iota3A, %xor3A_3866 : vector<16xi32>
    %broadcast_in_dim3A_3868 = vector.shape_cast %xor3A_3867 : vector<16xi32> to vector<16x1xi32>
    %gather3A_3869 = vector.shape_cast %broadcast_in_dim3A_3868 : vector<16x1xi32> to vector<16xi32>
    %gather3A_3870 = tpu.dynamic_gather %add3A_3864[%gather3A_3869] in [0] : vector<16xf32>, vector<16xi32> -> vector<16xf32>
    %add3A_3871 = arith.addf %add3A_3864, %gather3A_3870 : vector<16xf32>
    %mul3A_3872 = arith.mulf %max3A_184, %max3A_3843 : vector<16xf32>
    %div3A_3873 = arith.divf %add3A_3871, %mul3A_3872 : vector<16xf32>
    %eq3A_3874 = arith.constant 13 : i32
    %eq3A_3875 = vector.broadcast %eq3A_3874 : i32 to vector<16xi32>
    %eq3A_3876 = arith.cmpi eq, %iota3A, %eq3A_3875 : vector<16xi32>
    %select_n3A_3877 = arith.select %eq3A_3876, %div3A_3873, %select_n3A_3754 : vector<16xi1>, vector<16xf32>
    %broadcast_in_dim3A_3878 = arith.constant 0.000000e+00 : f32
    %broadcast_in_dim3A_3879 = vector.broadcast %broadcast_in_dim3A_3878 : f32 to vector<16xf32>
    %broadcast_in_dim3A_3880 = arith.constant 0.000000e+00 : f32
    %broadcast_in_dim3A_3881 = vector.broadcast %broadcast_in_dim3A_3880 : f32 to vector<16xf32>
    %scan3A_3882 = arith.constant 0 : i32
    %scan3A_3883 = arith.constant 16 : i32
    %scan3A_3884 = arith.addi %scan3A_3882, %scan3A_3883 : i32
    %scan3A_3885 = arith.constant 1 : i32
    %scan3A_3886:2 = scf.for %scan3A_4131 = %scan3A_3882 to %scan3A_3884 step %scan3A_3885 iter_args(%scan3A_4132 = %broadcast_in_dim3A_3879, %scan3A_4133 = %broadcast_in_dim3A_3881) -> (vector<16xf32>, vector<16xf32>)  : i32 {
      %mul3A_4134 = arith.constant 16 : i32
      %mul3A_4135 = arith.muli %scan3A_4131, %mul3A_4134 : i32
      %add3A_4136 = arith.constant 7680 : i32
      %add3A_4137 = arith.addi %add3A_4136, %mul3A_4135 : i32
      %get3A = arith.index_cast %add3A_4137 : i32 to index
      %get3A_4138 = tpu.vector_load %arg7[%get3A] {strides = array<i32>} : memref<8192xf32, #tpu.memory_space<vmem>>, vector<16xf32>,
      %get3A_4139 = vector.shape_cast %get3A_4138 : vector<16xf32> to vector<16xf32>
      %mul3A_4140 = arith.constant 16 : i32
      %mul3A_4141 = arith.muli %scan3A_4131, %mul3A_4140 : i32
      %get3A_4142 = arith.index_cast %mul3A_4141 : i32 to index
      %get3A_4143 = tpu.vector_load %arg9[%get3A_4142] {strides = array<i32>} : memref<256xf32, #tpu.memory_space<vmem>>, vector<16xf32>,
      %get3A_4144 = vector.shape_cast %get3A_4143 : vector<16xf32> to vector<16xf32>
      %mul3A_4145 = arith.mulf %get3A_4139, %get3A_4144 : vector<16xf32>
      %add3A_4146 = arith.addf %scan3A_4132, %mul3A_4145 : vector<16xf32>
      %mul3A_4147 = arith.mulf %get3A_4139, %get3A_4139 : vector<16xf32>
      %add3A_4148 = arith.addf %scan3A_4133, %mul3A_4147 : vector<16xf32>
      scf.yield %add3A_4146, %add3A_4148 : vector<16xf32>, vector<16xf32>
    }
    %scan3A_3887 = arith.constant 16 : i32
    %xor3A_3888 = arith.constant 8 : i32
    %xor3A_3889 = vector.broadcast %xor3A_3888 : i32 to vector<16xi32>
    %xor3A_3890 = arith.xori %iota3A, %xor3A_3889 : vector<16xi32>
    %broadcast_in_dim3A_3891 = vector.shape_cast %xor3A_3890 : vector<16xi32> to vector<16x1xi32>
    %gather3A_3892 = vector.shape_cast %broadcast_in_dim3A_3891 : vector<16x1xi32> to vector<16xi32>
    %gather3A_3893 = tpu.dynamic_gather %scan3A_3886#1[%gather3A_3892] in [0] : vector<16xf32>, vector<16xi32> -> vector<16xf32>
    %add3A_3894 = arith.addf %scan3A_3886#1, %gather3A_3893 : vector<16xf32>
    %xor3A_3895 = arith.constant 4 : i32
    %xor3A_3896 = vector.broadcast %xor3A_3895 : i32 to vector<16xi32>
    %xor3A_3897 = arith.xori %iota3A, %xor3A_3896 : vector<16xi32>
    %broadcast_in_dim3A_3898 = vector.shape_cast %xor3A_3897 : vector<16xi32> to vector<16x1xi32>
    %gather3A_3899 = vector.shape_cast %broadcast_in_dim3A_3898 : vector<16x1xi32> to vector<16xi32>
    %gather3A_3900 = tpu.dynamic_gather %add3A_3894[%gather3A_3899] in [0] : vector<16xf32>, vector<16xi32> -> vector<16xf32>
    %add3A_3901 = arith.addf %add3A_3894, %gather3A_3900 : vector<16xf32>
    %xor3A_3902 = arith.constant 2 : i32
    %xor3A_3903 = vector.broadcast %xor3A_3902 : i32 to vector<16xi32>
    %xor3A_3904 = arith.xori %iota3A, %xor3A_3903 : vector<16xi32>
    %broadcast_in_dim3A_3905 = vector.shape_cast %xor3A_3904 : vector<16xi32> to vector<16x1xi32>
    %gather3A_3906 = vector.shape_cast %broadcast_in_dim3A_3905 : vector<16x1xi32> to vector<16xi32>
    %gather3A_3907 = tpu.dynamic_gather %add3A_3901[%gather3A_3906] in [0] : vector<16xf32>, vector<16xi32> -> vector<16xf32>
    %add3A_3908 = arith.addf %add3A_3901, %gather3A_3907 : vector<16xf32>
    %xor3A_3909 = arith.constant 1 : i32
    %xor3A_3910 = vector.broadcast %xor3A_3909 : i32 to vector<16xi32>
    %xor3A_3911 = arith.xori %iota3A, %xor3A_3910 : vector<16xi32>
    %broadcast_in_dim3A_3912 = vector.shape_cast %xor3A_3911 : vector<16xi32> to vector<16x1xi32>
    %gather3A_3913 = vector.shape_cast %broadcast_in_dim3A_3912 : vector<16x1xi32> to vector<16xi32>
    %gather3A_3914 = tpu.dynamic_gather %add3A_3908[%gather3A_3913] in [0] : vector<16xf32>, vector<16xi32> -> vector<16xf32>
    %add3A_3915 = arith.addf %add3A_3908, %gather3A_3914 : vector<16xf32>
    %max3A_3916 = arith.constant 1.000000e-30 : f32
    %max3A_3917 = vector.broadcast %max3A_3916 : f32 to vector<16xf32>
    %max3A_3918 = arith.maximumf %add3A_3915, %max3A_3917 : vector<16xf32>
    %bitcast_convert_type3A_3919 = tpu.bitcast %max3A_3918 : vector<16xf32> -> vector<16xi32>
    %shift_right_arithmetic3A_3920 = arith.constant 1 : i32
    %shift_right_arithmetic3A_3921 = vector.broadcast %shift_right_arithmetic3A_3920 : i32 to vector<16xi32>
    %shift_right_arithmetic3A_3922 = arith.shrsi %bitcast_convert_type3A_3919, %shift_right_arithmetic3A_3921 : vector<16xi32>
    %sub3A_3923 = arith.constant 1597463007 : i32
    %sub3A_3924 = vector.broadcast %sub3A_3923 : i32 to vector<16xi32>
    %sub3A_3925 = arith.subi %sub3A_3924, %shift_right_arithmetic3A_3922 : vector<16xi32>
    %bitcast_convert_type3A_3926 = tpu.bitcast %sub3A_3925 : vector<16xi32> -> vector<16xf32>
    %mul3A_3927 = arith.constant 5.000000e-01 : f32
    %mul3A_3928 = vector.broadcast %mul3A_3927 : f32 to vector<16xf32>
    %mul3A_3929 = arith.mulf %mul3A_3928, %max3A_3918 : vector<16xf32>
    %mul3A_3930 = arith.mulf %mul3A_3929, %bitcast_convert_type3A_3926 : vector<16xf32>
    %mul3A_3931 = arith.mulf %mul3A_3930, %bitcast_convert_type3A_3926 : vector<16xf32>
    %sub3A_3932 = arith.constant 1.500000e+00 : f32
    %sub3A_3933 = vector.broadcast %sub3A_3932 : f32 to vector<16xf32>
    %sub3A_3934 = arith.subf %sub3A_3933, %mul3A_3931 : vector<16xf32>
    %mul3A_3935 = arith.mulf %bitcast_convert_type3A_3926, %sub3A_3934 : vector<16xf32>
    %mul3A_3936 = arith.constant 5.000000e-01 : f32
    %mul3A_3937 = vector.broadcast %mul3A_3936 : f32 to vector<16xf32>
    %mul3A_3938 = arith.mulf %mul3A_3937, %max3A_3918 : vector<16xf32>
    %mul3A_3939 = arith.mulf %mul3A_3938, %mul3A_3935 : vector<16xf32>
    %mul3A_3940 = arith.mulf %mul3A_3939, %mul3A_3935 : vector<16xf32>
    %sub3A_3941 = arith.constant 1.500000e+00 : f32
    %sub3A_3942 = vector.broadcast %sub3A_3941 : f32 to vector<16xf32>
    %sub3A_3943 = arith.subf %sub3A_3942, %mul3A_3940 : vector<16xf32>
    %mul3A_3944 = arith.mulf %mul3A_3935, %sub3A_3943 : vector<16xf32>
    %mul3A_3945 = arith.constant 5.000000e-01 : f32
    %mul3A_3946 = vector.broadcast %mul3A_3945 : f32 to vector<16xf32>
    %mul3A_3947 = arith.mulf %mul3A_3946, %max3A_3918 : vector<16xf32>
    %mul3A_3948 = arith.mulf %mul3A_3947, %mul3A_3944 : vector<16xf32>
    %mul3A_3949 = arith.mulf %mul3A_3948, %mul3A_3944 : vector<16xf32>
    %sub3A_3950 = arith.constant 1.500000e+00 : f32
    %sub3A_3951 = vector.broadcast %sub3A_3950 : f32 to vector<16xf32>
    %sub3A_3952 = arith.subf %sub3A_3951, %mul3A_3949 : vector<16xf32>
    %mul3A_3953 = arith.mulf %mul3A_3944, %sub3A_3952 : vector<16xf32>
    %mul3A_3954 = arith.constant 5.000000e-01 : f32
    %mul3A_3955 = vector.broadcast %mul3A_3954 : f32 to vector<16xf32>
    %mul3A_3956 = arith.mulf %mul3A_3955, %max3A_3918 : vector<16xf32>
    %mul3A_3957 = arith.mulf %mul3A_3956, %mul3A_3953 : vector<16xf32>
    %mul3A_3958 = arith.mulf %mul3A_3957, %mul3A_3953 : vector<16xf32>
    %sub3A_3959 = arith.constant 1.500000e+00 : f32
    %sub3A_3960 = vector.broadcast %sub3A_3959 : f32 to vector<16xf32>
    %sub3A_3961 = arith.subf %sub3A_3960, %mul3A_3958 : vector<16xf32>
    %mul3A_3962 = arith.mulf %mul3A_3953, %sub3A_3961 : vector<16xf32>
    %mul3A_3963 = arith.mulf %add3A_3915, %mul3A_3962 : vector<16xf32>
    %max3A_3964 = arith.constant 9.99999996E-13 : f32
    %max3A_3965 = vector.broadcast %max3A_3964 : f32 to vector<16xf32>
    %max3A_3966 = arith.maximumf %mul3A_3963, %max3A_3965 : vector<16xf32>
    %xor3A_3967 = arith.constant 8 : i32
    %xor3A_3968 = vector.broadcast %xor3A_3967 : i32 to vector<16xi32>
    %xor3A_3969 = arith.xori %iota3A, %xor3A_3968 : vector<16xi32>
    %broadcast_in_dim3A_3970 = vector.shape_cast %xor3A_3969 : vector<16xi32> to vector<16x1xi32>
    %gather3A_3971 = vector.shape_cast %broadcast_in_dim3A_3970 : vector<16x1xi32> to vector<16xi32>
    %gather3A_3972 = tpu.dynamic_gather %scan3A_3886#0[%gather3A_3971] in [0] : vector<16xf32>, vector<16xi32> -> vector<16xf32>
    %add3A_3973 = arith.addf %scan3A_3886#0, %gather3A_3972 : vector<16xf32>
    %xor3A_3974 = arith.constant 4 : i32
    %xor3A_3975 = vector.broadcast %xor3A_3974 : i32 to vector<16xi32>
    %xor3A_3976 = arith.xori %iota3A, %xor3A_3975 : vector<16xi32>
    %broadcast_in_dim3A_3977 = vector.shape_cast %xor3A_3976 : vector<16xi32> to vector<16x1xi32>
    %gather3A_3978 = vector.shape_cast %broadcast_in_dim3A_3977 : vector<16x1xi32> to vector<16xi32>
    %gather3A_3979 = tpu.dynamic_gather %add3A_3973[%gather3A_3978] in [0] : vector<16xf32>, vector<16xi32> -> vector<16xf32>
    %add3A_3980 = arith.addf %add3A_3973, %gather3A_3979 : vector<16xf32>
    %xor3A_3981 = arith.constant 2 : i32
    %xor3A_3982 = vector.broadcast %xor3A_3981 : i32 to vector<16xi32>
    %xor3A_3983 = arith.xori %iota3A, %xor3A_3982 : vector<16xi32>
    %broadcast_in_dim3A_3984 = vector.shape_cast %xor3A_3983 : vector<16xi32> to vector<16x1xi32>
    %gather3A_3985 = vector.shape_cast %broadcast_in_dim3A_3984 : vector<16x1xi32> to vector<16xi32>
    %gather3A_3986 = tpu.dynamic_gather %add3A_3980[%gather3A_3985] in [0] : vector<16xf32>, vector<16xi32> -> vector<16xf32>
    %add3A_3987 = arith.addf %add3A_3980, %gather3A_3986 : vector<16xf32>
    %xor3A_3988 = arith.constant 1 : i32
    %xor3A_3989 = vector.broadcast %xor3A_3988 : i32 to vector<16xi32>
    %xor3A_3990 = arith.xori %iota3A, %xor3A_3989 : vector<16xi32>
    %broadcast_in_dim3A_3991 = vector.shape_cast %xor3A_3990 : vector<16xi32> to vector<16x1xi32>
    %gather3A_3992 = vector.shape_cast %broadcast_in_dim3A_3991 : vector<16x1xi32> to vector<16xi32>
    %gather3A_3993 = tpu.dynamic_gather %add3A_3987[%gather3A_3992] in [0] : vector<16xf32>, vector<16xi32> -> vector<16xf32>
    %add3A_3994 = arith.addf %add3A_3987, %gather3A_3993 : vector<16xf32>
    %mul3A_3995 = arith.mulf %max3A_184, %max3A_3966 : vector<16xf32>
    %div3A_3996 = arith.divf %add3A_3994, %mul3A_3995 : vector<16xf32>
    %eq3A_3997 = arith.constant 14 : i32
    %eq3A_3998 = vector.broadcast %eq3A_3997 : i32 to vector<16xi32>
    %eq3A_3999 = arith.cmpi eq, %iota3A, %eq3A_3998 : vector<16xi32>
    %select_n3A_4000 = arith.select %eq3A_3999, %div3A_3996, %select_n3A_3877 : vector<16xi1>, vector<16xf32>
    %broadcast_in_dim3A_4001 = arith.constant 0.000000e+00 : f32
    %broadcast_in_dim3A_4002 = vector.broadcast %broadcast_in_dim3A_4001 : f32 to vector<16xf32>
    %broadcast_in_dim3A_4003 = arith.constant 0.000000e+00 : f32
    %broadcast_in_dim3A_4004 = vector.broadcast %broadcast_in_dim3A_4003 : f32 to vector<16xf32>
    %scan3A_4005 = arith.constant 0 : i32
    %scan3A_4006 = arith.constant 16 : i32
    %scan3A_4007 = arith.addi %scan3A_4005, %scan3A_4006 : i32
    %scan3A_4008 = arith.constant 1 : i32
    %scan3A_4009:2 = scf.for %scan3A_4131 = %scan3A_4005 to %scan3A_4007 step %scan3A_4008 iter_args(%scan3A_4132 = %broadcast_in_dim3A_4002, %scan3A_4133 = %broadcast_in_dim3A_4004) -> (vector<16xf32>, vector<16xf32>)  : i32 {
      %mul3A_4134 = arith.constant 16 : i32
      %mul3A_4135 = arith.muli %scan3A_4131, %mul3A_4134 : i32
      %add3A_4136 = arith.constant 7936 : i32
      %add3A_4137 = arith.addi %add3A_4136, %mul3A_4135 : i32
      %get3A = arith.index_cast %add3A_4137 : i32 to index
      %get3A_4138 = tpu.vector_load %arg7[%get3A] {strides = array<i32>} : memref<8192xf32, #tpu.memory_space<vmem>>, vector<16xf32>,
      %get3A_4139 = vector.shape_cast %get3A_4138 : vector<16xf32> to vector<16xf32>
      %mul3A_4140 = arith.constant 16 : i32
      %mul3A_4141 = arith.muli %scan3A_4131, %mul3A_4140 : i32
      %get3A_4142 = arith.index_cast %mul3A_4141 : i32 to index
      %get3A_4143 = tpu.vector_load %arg9[%get3A_4142] {strides = array<i32>} : memref<256xf32, #tpu.memory_space<vmem>>, vector<16xf32>,
      %get3A_4144 = vector.shape_cast %get3A_4143 : vector<16xf32> to vector<16xf32>
      %mul3A_4145 = arith.mulf %get3A_4139, %get3A_4144 : vector<16xf32>
      %add3A_4146 = arith.addf %scan3A_4132, %mul3A_4145 : vector<16xf32>
      %mul3A_4147 = arith.mulf %get3A_4139, %get3A_4139 : vector<16xf32>
      %add3A_4148 = arith.addf %scan3A_4133, %mul3A_4147 : vector<16xf32>
      scf.yield %add3A_4146, %add3A_4148 : vector<16xf32>, vector<16xf32>
    }
    %scan3A_4010 = arith.constant 16 : i32
    %xor3A_4011 = arith.constant 8 : i32
    %xor3A_4012 = vector.broadcast %xor3A_4011 : i32 to vector<16xi32>
    %xor3A_4013 = arith.xori %iota3A, %xor3A_4012 : vector<16xi32>
    %broadcast_in_dim3A_4014 = vector.shape_cast %xor3A_4013 : vector<16xi32> to vector<16x1xi32>
    %gather3A_4015 = vector.shape_cast %broadcast_in_dim3A_4014 : vector<16x1xi32> to vector<16xi32>
    %gather3A_4016 = tpu.dynamic_gather %scan3A_4009#1[%gather3A_4015] in [0] : vector<16xf32>, vector<16xi32> -> vector<16xf32>
    %add3A_4017 = arith.addf %scan3A_4009#1, %gather3A_4016 : vector<16xf32>
    %xor3A_4018 = arith.constant 4 : i32
    %xor3A_4019 = vector.broadcast %xor3A_4018 : i32 to vector<16xi32>
    %xor3A_4020 = arith.xori %iota3A, %xor3A_4019 : vector<16xi32>
    %broadcast_in_dim3A_4021 = vector.shape_cast %xor3A_4020 : vector<16xi32> to vector<16x1xi32>
    %gather3A_4022 = vector.shape_cast %broadcast_in_dim3A_4021 : vector<16x1xi32> to vector<16xi32>
    %gather3A_4023 = tpu.dynamic_gather %add3A_4017[%gather3A_4022] in [0] : vector<16xf32>, vector<16xi32> -> vector<16xf32>
    %add3A_4024 = arith.addf %add3A_4017, %gather3A_4023 : vector<16xf32>
    %xor3A_4025 = arith.constant 2 : i32
    %xor3A_4026 = vector.broadcast %xor3A_4025 : i32 to vector<16xi32>
    %xor3A_4027 = arith.xori %iota3A, %xor3A_4026 : vector<16xi32>
    %broadcast_in_dim3A_4028 = vector.shape_cast %xor3A_4027 : vector<16xi32> to vector<16x1xi32>
    %gather3A_4029 = vector.shape_cast %broadcast_in_dim3A_4028 : vector<16x1xi32> to vector<16xi32>
    %gather3A_4030 = tpu.dynamic_gather %add3A_4024[%gather3A_4029] in [0] : vector<16xf32>, vector<16xi32> -> vector<16xf32>
    %add3A_4031 = arith.addf %add3A_4024, %gather3A_4030 : vector<16xf32>
    %xor3A_4032 = arith.constant 1 : i32
    %xor3A_4033 = vector.broadcast %xor3A_4032 : i32 to vector<16xi32>
    %xor3A_4034 = arith.xori %iota3A, %xor3A_4033 : vector<16xi32>
    %broadcast_in_dim3A_4035 = vector.shape_cast %xor3A_4034 : vector<16xi32> to vector<16x1xi32>
    %gather3A_4036 = vector.shape_cast %broadcast_in_dim3A_4035 : vector<16x1xi32> to vector<16xi32>
    %gather3A_4037 = tpu.dynamic_gather %add3A_4031[%gather3A_4036] in [0] : vector<16xf32>, vector<16xi32> -> vector<16xf32>
    %add3A_4038 = arith.addf %add3A_4031, %gather3A_4037 : vector<16xf32>
    %max3A_4039 = arith.constant 1.000000e-30 : f32
    %max3A_4040 = vector.broadcast %max3A_4039 : f32 to vector<16xf32>
    %max3A_4041 = arith.maximumf %add3A_4038, %max3A_4040 : vector<16xf32>
    %bitcast_convert_type3A_4042 = tpu.bitcast %max3A_4041 : vector<16xf32> -> vector<16xi32>
    %shift_right_arithmetic3A_4043 = arith.constant 1 : i32
    %shift_right_arithmetic3A_4044 = vector.broadcast %shift_right_arithmetic3A_4043 : i32 to vector<16xi32>
    %shift_right_arithmetic3A_4045 = arith.shrsi %bitcast_convert_type3A_4042, %shift_right_arithmetic3A_4044 : vector<16xi32>
    %sub3A_4046 = arith.constant 1597463007 : i32
    %sub3A_4047 = vector.broadcast %sub3A_4046 : i32 to vector<16xi32>
    %sub3A_4048 = arith.subi %sub3A_4047, %shift_right_arithmetic3A_4045 : vector<16xi32>
    %bitcast_convert_type3A_4049 = tpu.bitcast %sub3A_4048 : vector<16xi32> -> vector<16xf32>
    %mul3A_4050 = arith.constant 5.000000e-01 : f32
    %mul3A_4051 = vector.broadcast %mul3A_4050 : f32 to vector<16xf32>
    %mul3A_4052 = arith.mulf %mul3A_4051, %max3A_4041 : vector<16xf32>
    %mul3A_4053 = arith.mulf %mul3A_4052, %bitcast_convert_type3A_4049 : vector<16xf32>
    %mul3A_4054 = arith.mulf %mul3A_4053, %bitcast_convert_type3A_4049 : vector<16xf32>
    %sub3A_4055 = arith.constant 1.500000e+00 : f32
    %sub3A_4056 = vector.broadcast %sub3A_4055 : f32 to vector<16xf32>
    %sub3A_4057 = arith.subf %sub3A_4056, %mul3A_4054 : vector<16xf32>
    %mul3A_4058 = arith.mulf %bitcast_convert_type3A_4049, %sub3A_4057 : vector<16xf32>
    %mul3A_4059 = arith.constant 5.000000e-01 : f32
    %mul3A_4060 = vector.broadcast %mul3A_4059 : f32 to vector<16xf32>
    %mul3A_4061 = arith.mulf %mul3A_4060, %max3A_4041 : vector<16xf32>
    %mul3A_4062 = arith.mulf %mul3A_4061, %mul3A_4058 : vector<16xf32>
    %mul3A_4063 = arith.mulf %mul3A_4062, %mul3A_4058 : vector<16xf32>
    %sub3A_4064 = arith.constant 1.500000e+00 : f32
    %sub3A_4065 = vector.broadcast %sub3A_4064 : f32 to vector<16xf32>
    %sub3A_4066 = arith.subf %sub3A_4065, %mul3A_4063 : vector<16xf32>
    %mul3A_4067 = arith.mulf %mul3A_4058, %sub3A_4066 : vector<16xf32>
    %mul3A_4068 = arith.constant 5.000000e-01 : f32
    %mul3A_4069 = vector.broadcast %mul3A_4068 : f32 to vector<16xf32>
    %mul3A_4070 = arith.mulf %mul3A_4069, %max3A_4041 : vector<16xf32>
    %mul3A_4071 = arith.mulf %mul3A_4070, %mul3A_4067 : vector<16xf32>
    %mul3A_4072 = arith.mulf %mul3A_4071, %mul3A_4067 : vector<16xf32>
    %sub3A_4073 = arith.constant 1.500000e+00 : f32
    %sub3A_4074 = vector.broadcast %sub3A_4073 : f32 to vector<16xf32>
    %sub3A_4075 = arith.subf %sub3A_4074, %mul3A_4072 : vector<16xf32>
    %mul3A_4076 = arith.mulf %mul3A_4067, %sub3A_4075 : vector<16xf32>
    %mul3A_4077 = arith.constant 5.000000e-01 : f32
    %mul3A_4078 = vector.broadcast %mul3A_4077 : f32 to vector<16xf32>
    %mul3A_4079 = arith.mulf %mul3A_4078, %max3A_4041 : vector<16xf32>
    %mul3A_4080 = arith.mulf %mul3A_4079, %mul3A_4076 : vector<16xf32>
    %mul3A_4081 = arith.mulf %mul3A_4080, %mul3A_4076 : vector<16xf32>
    %sub3A_4082 = arith.constant 1.500000e+00 : f32
    %sub3A_4083 = vector.broadcast %sub3A_4082 : f32 to vector<16xf32>
    %sub3A_4084 = arith.subf %sub3A_4083, %mul3A_4081 : vector<16xf32>
    %mul3A_4085 = arith.mulf %mul3A_4076, %sub3A_4084 : vector<16xf32>
    %mul3A_4086 = arith.mulf %add3A_4038, %mul3A_4085 : vector<16xf32>
    %max3A_4087 = arith.constant 9.99999996E-13 : f32
    %max3A_4088 = vector.broadcast %max3A_4087 : f32 to vector<16xf32>
    %max3A_4089 = arith.maximumf %mul3A_4086, %max3A_4088 : vector<16xf32>
    %xor3A_4090 = arith.constant 8 : i32
    %xor3A_4091 = vector.broadcast %xor3A_4090 : i32 to vector<16xi32>
    %xor3A_4092 = arith.xori %iota3A, %xor3A_4091 : vector<16xi32>
    %broadcast_in_dim3A_4093 = vector.shape_cast %xor3A_4092 : vector<16xi32> to vector<16x1xi32>
    %gather3A_4094 = vector.shape_cast %broadcast_in_dim3A_4093 : vector<16x1xi32> to vector<16xi32>
    %gather3A_4095 = tpu.dynamic_gather %scan3A_4009#0[%gather3A_4094] in [0] : vector<16xf32>, vector<16xi32> -> vector<16xf32>
    %add3A_4096 = arith.addf %scan3A_4009#0, %gather3A_4095 : vector<16xf32>
    %xor3A_4097 = arith.constant 4 : i32
    %xor3A_4098 = vector.broadcast %xor3A_4097 : i32 to vector<16xi32>
    %xor3A_4099 = arith.xori %iota3A, %xor3A_4098 : vector<16xi32>
    %broadcast_in_dim3A_4100 = vector.shape_cast %xor3A_4099 : vector<16xi32> to vector<16x1xi32>
    %gather3A_4101 = vector.shape_cast %broadcast_in_dim3A_4100 : vector<16x1xi32> to vector<16xi32>
    %gather3A_4102 = tpu.dynamic_gather %add3A_4096[%gather3A_4101] in [0] : vector<16xf32>, vector<16xi32> -> vector<16xf32>
    %add3A_4103 = arith.addf %add3A_4096, %gather3A_4102 : vector<16xf32>
    %xor3A_4104 = arith.constant 2 : i32
    %xor3A_4105 = vector.broadcast %xor3A_4104 : i32 to vector<16xi32>
    %xor3A_4106 = arith.xori %iota3A, %xor3A_4105 : vector<16xi32>
    %broadcast_in_dim3A_4107 = vector.shape_cast %xor3A_4106 : vector<16xi32> to vector<16x1xi32>
    %gather3A_4108 = vector.shape_cast %broadcast_in_dim3A_4107 : vector<16x1xi32> to vector<16xi32>
    %gather3A_4109 = tpu.dynamic_gather %add3A_4103[%gather3A_4108] in [0] : vector<16xf32>, vector<16xi32> -> vector<16xf32>
    %add3A_4110 = arith.addf %add3A_4103, %gather3A_4109 : vector<16xf32>
    %xor3A_4111 = arith.constant 1 : i32
    %xor3A_4112 = vector.broadcast %xor3A_4111 : i32 to vector<16xi32>
    %xor3A_4113 = arith.xori %iota3A, %xor3A_4112 : vector<16xi32>
    %broadcast_in_dim3A_4114 = vector.shape_cast %xor3A_4113 : vector<16xi32> to vector<16x1xi32>
    %gather3A_4115 = vector.shape_cast %broadcast_in_dim3A_4114 : vector<16x1xi32> to vector<16xi32>
    %gather3A_4116 = tpu.dynamic_gather %add3A_4110[%gather3A_4115] in [0] : vector<16xf32>, vector<16xi32> -> vector<16xf32>
    %add3A_4117 = arith.addf %add3A_4110, %gather3A_4116 : vector<16xf32>
    %mul3A_4118 = arith.mulf %max3A_184, %max3A_4089 : vector<16xf32>
    %div3A_4119 = arith.divf %add3A_4117, %mul3A_4118 : vector<16xf32>
    %eq3A_4120 = arith.constant 15 : i32
    %eq3A_4121 = vector.broadcast %eq3A_4120 : i32 to vector<16xi32>
    %eq3A_4122 = arith.cmpi eq, %iota3A, %eq3A_4121 : vector<16xi32>
    %select_n3A_4123 = arith.select %eq3A_4122, %div3A_4119, %select_n3A_4000 : vector<16xi1>, vector<16xf32>
    %swap3A = arith.constant 0 : index
    %swap3A_4124 = tpu.vector_load %arg10[%swap3A] {strides = array<i32>} : memref<32xf32, #tpu.memory_space<vmem>>, vector<16xf32>,
    %swap3A_4125 = vector.shape_cast %swap3A_4124 : vector<16xf32> to vector<16xf32>
    %swap3A_4126 = vector.shape_cast %select_n3A_2155 : vector<16xf32> to vector<16xf32>
    tpu.vector_store %arg10[%swap3A], %swap3A_4126 {strides = array<i32>} : memref<32xf32, #tpu.memory_space<vmem>>, vector<16xf32>,
    %swap3A_4127 = arith.constant 16 : index
    %swap3A_4128 = tpu.vector_load %arg10[%swap3A_4127] {strides = array<i32>} : memref<32xf32, #tpu.memory_space<vmem>>, vector<16xf32>,
    %swap3A_4129 = vector.shape_cast %swap3A_4128 : vector<16xf32> to vector<16xf32>
    %swap3A_4130 = vector.shape_cast %select_n3A_4123 : vector<16xf32> to vector<16xf32>
    tpu.vector_store %arg10[%swap3A_4127], %swap3A_4130 {strides = array<i32>} : memref<32xf32, #tpu.memory_space<vmem>>, vector<16xf32>,
    "tpu.region"() ({
      %run_scoped3A = tpu.sem_alloc : memref<!tpu.dma_semaphore, #tpu.memory_space<semaphore_mem>>
      %dma_start3A_4131 = arith.constant 0 : i32
      %dma_start3A_4132 = tpu.memref_slice %arg5[%add3A, %dma_start3A_4131] : memref<32x32xf32, #tpu.memory_space<hbm>> -> memref<1x32xf32, #tpu.memory_space<hbm>>
      %dma_start3A_4133 = tpu.memref_squeeze %dma_start3A_4132 : memref<1x32xf32, #tpu.memory_space<hbm>> -> memref<32xf32, #tpu.memory_space<hbm>>
      %dma_start3A_4134 = arith.constant 0 : i32
      %dma_start3A_4135 = tpu.memref_slice %arg5[%add3A, %dma_start3A_4134] : memref<32x32xf32, #tpu.memory_space<hbm>> -> memref<1x32xf32, #tpu.memory_space<hbm>>
      %dma_start3A_4136 = tpu.memref_squeeze %dma_start3A_4135 : memref<1x32xf32, #tpu.memory_space<hbm>> -> memref<32xf32, #tpu.memory_space<hbm>>
      tpu.enqueue_dma source(%arg10 : memref<32xf32, #tpu.memory_space<vmem>>) target(%dma_start3A_4136 : memref<32xf32, #tpu.memory_space<hbm>>) target_semaphore(%run_scoped3A : memref<!tpu.dma_semaphore, #tpu.memory_space<semaphore_mem>>)
      %dma_wait3A_4137 = arith.constant 0 : i32
      %dma_wait3A_4138 = tpu.memref_slice %arg5[%add3A, %dma_wait3A_4137] : memref<32x32xf32, #tpu.memory_space<hbm>> -> memref<1x32xf32, #tpu.memory_space<hbm>>
      %dma_wait3A_4139 = tpu.memref_squeeze %dma_wait3A_4138 : memref<1x32xf32, #tpu.memory_space<hbm>> -> memref<32xf32, #tpu.memory_space<hbm>>
      %dma_wait3A_4140 = arith.constant 0 : i32
      %dma_wait3A_4141 = tpu.memref_slice %arg5[%add3A, %dma_wait3A_4140] : memref<32x32xf32, #tpu.memory_space<hbm>> -> memref<1x32xf32, #tpu.memory_space<hbm>>
      %dma_wait3A_4142 = tpu.memref_squeeze %dma_wait3A_4141 : memref<1x32xf32, #tpu.memory_space<hbm>> -> memref<32xf32, #tpu.memory_space<hbm>>
      tpu.wait_dma2 semaphore(%run_scoped3A : memref<!tpu.dma_semaphore, #tpu.memory_space<semaphore_mem>>) src(%arg10 : memref<32xf32, #tpu.memory_space<vmem>>) dst(%dma_wait3A_4142 : memref<32xf32, #tpu.memory_space<hbm>>)
      tpu.yield
    }) : () -> ()
    return
  }
}

module attributes {stable_mosaic.version = 14 : i64} {
  func.func @_loss_body(%arg0: i32, %arg1: memref<1x256x4096xf32, #tpu.memory_space<vmem>>, %arg2: memref<32x256xf32, #tpu.memory_space<vmem>>, %arg3: memref<32x4096xf32, #tpu.memory_space<vmem>>, %arg4: memref<32x32xf32, #tpu.memory_space<vmem>>, %arg5: memref<8x128xf32, #tpu.memory_space<vmem>>, %arg6: memref<32x1xf32, #tpu.memory_space<vmem>>, %arg7: memref<32x256xf32, #tpu.memory_space<vmem>>) attributes {dimension_semantics = [#tpu.dimension_semantics<arbitrary>], iteration_bounds = array<i64: 32>, scalar_prefetch = 0 : i64, scratch_operands = 2 : i64, tpu.core_type = #tpu.core_type<tc>, window_params = [{transform_indices = @transform_0, window_bounds = array<i64: 1, 256, 4096>}, {pipeline_mode = #tpu.pipeline_mode<synchronous>, transform_indices = @transform_1, window_bounds = array<i64: 32, 256>}, {pipeline_mode = #tpu.pipeline_mode<synchronous>, transform_indices = @transform_2, window_bounds = array<i64: 32, 4096>}, {pipeline_mode = #tpu.pipeline_mode<synchronous>, transform_indices = @transform_3, window_bounds = array<i64: 32, 32>}, {pipeline_mode = #tpu.pipeline_mode<synchronous>, transform_indices = @transform_4, window_bounds = array<i64: 8, 128>}]} {
    %eq3A = arith.constant 0 : i32
    %eq3A_0 = arith.cmpi eq, %arg0, %eq3A : i32
    %convert_element_type3A = arith.extui %eq3A_0 : i1 to i32
    %cond3A = arith.constant 0 : i32
    %cond3A_1 = arith.cmpi ne, %convert_element_type3A, %cond3A : i32
    scf.if %cond3A_1 {
      %broadcast_in_dim3A_40 = arith.constant 0.000000e+00 : f32
      %broadcast_in_dim3A_41 = vector.broadcast %broadcast_in_dim3A_40 : f32 to vector<32x1xf32>
      %swap3A_42 = arith.constant 0 : index
      %swap3A_43 = arith.constant 0 : index
      %swap3A_44 = vector.load %arg6[%swap3A_42, %swap3A_43] : memref<32x1xf32, #tpu.memory_space<vmem>>, vector<32x1xf32>
      tpu.vector_store %arg6[%swap3A_42, %swap3A_43], %broadcast_in_dim3A_41 {strides = array<i32>} : memref<32x1xf32, #tpu.memory_space<vmem>>, vector<32x1xf32>,
      %get3A_45 = arith.constant 0 : index
      %get3A_46 = arith.constant 0 : index
      %get3A_47 = vector.load %arg2[%get3A_45, %get3A_46] : memref<32x256xf32, #tpu.memory_space<vmem>>, vector<32x256xf32>
      %mul3A_48 = arith.mulf %get3A_47, %get3A_47 : vector<32x256xf32>
      %reduce_sum3A_49 = arith.constant dense<0.000000e+00> : vector<32xf32>
      %reduce_sum3A_50 = vector.multi_reduction <add>, %mul3A_48, %reduce_sum3A_49 [1] : vector<32x256xf32> to vector<32xf32>
      %broadcast_in_dim3A_51 = vector.shape_cast %reduce_sum3A_50 : vector<32xf32> to vector<32x1xf32>
      %sqrt3A_52 = math.sqrt %broadcast_in_dim3A_51 : vector<32x1xf32>
      %max3A_53 = arith.constant 9.99999996E-13 : f32
      %max3A_54 = vector.broadcast %max3A_53 : f32 to vector<32x1xf32>
      %max3A_55 = arith.maximumf %sqrt3A_52, %max3A_54 : vector<32x1xf32>
      %div3A_56 = vector.broadcast %max3A_55 : vector<32x1xf32> to vector<32x256xf32>
      %div3A_57 = arith.divf %get3A_47, %div3A_56 : vector<32x256xf32>
      %swap3A_58 = arith.constant 0 : index
      %swap3A_59 = arith.constant 0 : index
      %swap3A_60 = vector.load %arg7[%swap3A_58, %swap3A_59] : memref<32x256xf32, #tpu.memory_space<vmem>>, vector<32x256xf32>
      tpu.vector_store %arg7[%swap3A_58, %swap3A_59], %div3A_57 {strides = array<i32>} : memref<32x256xf32, #tpu.memory_space<vmem>>, vector<32x256xf32>,
    } else {
    }
    %get3A = arith.constant 0 : index
    %get3A_2 = arith.constant 0 : index
    %get3A_3 = arith.constant 0 : index
    %get3A_4 = vector.load %arg1[%get3A, %get3A_2, %get3A_3] : memref<1x256x4096xf32, #tpu.memory_space<vmem>>, vector<1x256x4096xf32>
    %get3A_5 = vector.shape_cast %get3A_4 : vector<1x256x4096xf32> to vector<256x4096xf32>
    %mul3A = arith.mulf %get3A_5, %get3A_5 : vector<256x4096xf32>
    %reduce_sum3A = arith.constant dense<0.000000e+00> : vector<4096xf32>
    %reduce_sum3A_6 = vector.multi_reduction <add>, %mul3A, %reduce_sum3A [0] : vector<256x4096xf32> to vector<4096xf32>
    %broadcast_in_dim3A = vector.shape_cast %reduce_sum3A_6 : vector<4096xf32> to vector<1x4096xf32>
    %sqrt3A = math.sqrt %broadcast_in_dim3A : vector<1x4096xf32>
    %max3A = arith.constant 9.99999996E-13 : f32
    %max3A_7 = vector.broadcast %max3A : f32 to vector<1x4096xf32>
    %max3A_8 = arith.maximumf %sqrt3A, %max3A_7 : vector<1x4096xf32>
    %get3A_9 = arith.constant 0 : index
    %get3A_10 = arith.constant 0 : index
    %get3A_11 = vector.load %arg7[%get3A_9, %get3A_10] : memref<32x256xf32, #tpu.memory_space<vmem>>, vector<32x256xf32>
    %dot_general3A = arith.constant dense<0.000000e+00> : vector<32x4096xf32>
    %dot_general3A_12 = tpu.matmul %get3A_11, %get3A_5, %dot_general3A {dimension_numbers = #tpu.dot_dimension_numbers<[1], [0], [0], [1], [0, 0, 1, 1], [], []>, transpose_lhs_hint = false} : vector<32x256xf32>, vector<256x4096xf32>, vector<32x4096xf32> -> vector<32x4096xf32>
    %div3A = arith.constant 1.000000e+01 : f32
    %div3A_13 = vector.broadcast %div3A : f32 to vector<1x4096xf32>
    %div3A_14 = arith.divf %div3A_13, %max3A_8 : vector<1x4096xf32>
    %mul3A_15 = vector.broadcast %div3A_14 : vector<1x4096xf32> to vector<32x4096xf32>
    %mul3A_16 = arith.mulf %dot_general3A_12, %mul3A_15 : vector<32x4096xf32>
    %exp3A = math.exp %mul3A_16 : vector<32x4096xf32>
    %get3A_17 = arith.index_cast %arg0 : i32 to index
    %get3A_18 = arith.constant 0 : index
    %get3A_19 = vector.load %arg3[%get3A_17, %get3A_18] : memref<32x4096xf32, #tpu.memory_space<vmem>>, vector<1x4096xf32>
    %iota3A = tpu.iota {dimensions = array<i32: 0>} : vector<32x1xi32>
    %eq3A_20 = vector.broadcast %arg0 : i32 to vector<32x1xi32>
    %eq3A_21 = arith.cmpi eq, %iota3A, %eq3A_20 : vector<32x1xi32>
    %gt3A = arith.constant 5.000000e-01 : f32
    %gt3A_22 = vector.broadcast %gt3A : f32 to vector<1x4096xf32>
    %gt3A_23 = arith.cmpf ogt, %get3A_19, %gt3A_22 : vector<1x4096xf32>
    %and3A = vector.broadcast %eq3A_21 : vector<32x1xi1> to vector<32x4096xi1>
    %and3A_24 = vector.broadcast %gt3A_23 : vector<1x4096xi1> to vector<32x4096xi1>
    %and3A_25 = arith.andi %and3A, %and3A_24 : vector<32x4096xi1>
    %get3A_26 = arith.constant 0 : index
    %get3A_27 = arith.constant 0 : index
    %get3A_28 = vector.load %arg6[%get3A_26, %get3A_27] : memref<32x1xf32, #tpu.memory_space<vmem>>, vector<32x1xf32>
    %jit3A = arith.constant 0.000000e+00 : f32
    %broadcast_in_dim3A_29 = vector.broadcast %jit3A : f32 to vector<32x4096xf32>
    %select_n3A = arith.select %and3A_25, %broadcast_in_dim3A_29, %exp3A : vector<32x4096xi1>, vector<32x4096xf32>
    %reduce_sum3A_30 = arith.constant dense<0.000000e+00> : vector<32xf32>
    %reduce_sum3A_31 = vector.multi_reduction <add>, %select_n3A, %reduce_sum3A_30 [1] : vector<32x4096xf32> to vector<32xf32>
    %broadcast_in_dim3A_32 = vector.shape_cast %reduce_sum3A_31 : vector<32xf32> to vector<32x1xf32>
    %add3A = arith.addf %get3A_28, %broadcast_in_dim3A_32 : vector<32x1xf32>
    %swap3A = arith.constant 0 : index
    %swap3A_33 = arith.constant 0 : index
    %swap3A_34 = vector.load %arg6[%swap3A, %swap3A_33] : memref<32x1xf32, #tpu.memory_space<vmem>>, vector<32x1xf32>
    tpu.vector_store %arg6[%swap3A, %swap3A_33], %add3A {strides = array<i32>} : memref<32x1xf32, #tpu.memory_space<vmem>>, vector<32x1xf32>,
    %eq3A_35 = arith.constant 31 : i32
    %eq3A_36 = arith.cmpi eq, %arg0, %eq3A_35 : i32
    %convert_element_type3A_37 = arith.extui %eq3A_36 : i1 to i32
    %cond3A_38 = arith.constant 0 : i32
    %cond3A_39 = arith.cmpi ne, %convert_element_type3A_37, %cond3A_38 : i32
    scf.if %cond3A_39 {
      %get3A_40 = arith.constant 0 : index
      %get3A_41 = arith.constant 0 : index
      %get3A_42 = vector.load %arg4[%get3A_40, %get3A_41] : memref<32x32xf32, #tpu.memory_space<vmem>>, vector<32x32xf32>
      %iota3A_43 = tpu.iota {dimensions = array<i32: 0>} : vector<32x32xi32>
      %iota3A_44 = tpu.iota {dimensions = array<i32: 1>} : vector<32x32xi32>
      %eq3A_45 = arith.cmpi eq, %iota3A_43, %iota3A_44 : vector<32x32xi32>
      %jit3A_46 = arith.constant 0.000000e+00 : f32
      %broadcast_in_dim3A_47 = vector.broadcast %jit3A_46 : f32 to vector<32x32xf32>
      %select_n3A_48 = arith.select %eq3A_45, %get3A_42, %broadcast_in_dim3A_47 : vector<32x32xi1>, vector<32x32xf32>
      %reduce_sum3A_49 = arith.constant dense<0.000000e+00> : vector<32xf32>
      %reduce_sum3A_50 = vector.multi_reduction <add>, %select_n3A_48, %reduce_sum3A_49 [1] : vector<32x32xf32> to vector<32xf32>
      %broadcast_in_dim3A_51 = vector.shape_cast %reduce_sum3A_50 : vector<32xf32> to vector<32x1xf32>
      %mul3A_52 = arith.constant 1.000000e+01 : f32
      %mul3A_53 = vector.broadcast %mul3A_52 : f32 to vector<32x32xf32>
      %mul3A_54 = arith.mulf %get3A_42, %mul3A_53 : vector<32x32xf32>
      %exp3A_55 = math.exp %mul3A_54 : vector<32x32xf32>
      %jit3A_56 = arith.constant 0.000000e+00 : f32
      %broadcast_in_dim3A_57 = vector.broadcast %jit3A_56 : f32 to vector<32x32xf32>
      %select_n3A_58 = arith.select %eq3A_45, %broadcast_in_dim3A_57, %exp3A_55 : vector<32x32xi1>, vector<32x32xf32>
      %reduce_sum3A_59 = arith.constant dense<0.000000e+00> : vector<32xf32>
      %reduce_sum3A_60 = vector.multi_reduction <add>, %select_n3A_58, %reduce_sum3A_59 [1] : vector<32x32xf32> to vector<32xf32>
      %broadcast_in_dim3A_61 = vector.shape_cast %reduce_sum3A_60 : vector<32xf32> to vector<32x1xf32>
      %mul3A_62 = arith.constant 1.000000e+01 : f32
      %mul3A_63 = vector.broadcast %mul3A_62 : f32 to vector<32x1xf32>
      %mul3A_64 = arith.mulf %broadcast_in_dim3A_51, %mul3A_63 : vector<32x1xf32>
      %exp3A_65 = math.exp %mul3A_64 : vector<32x1xf32>
      %mul3A_66 = arith.constant 1.000000e+01 : f32
      %mul3A_67 = vector.broadcast %mul3A_66 : f32 to vector<32x1xf32>
      %mul3A_68 = arith.mulf %broadcast_in_dim3A_51, %mul3A_67 : vector<32x1xf32>
      %add3A_69 = arith.addf %exp3A_65, %broadcast_in_dim3A_61 : vector<32x1xf32>
      %log3A = math.log %add3A_69 : vector<32x1xf32>
      %sub3A = arith.subf %mul3A_68, %log3A : vector<32x1xf32>
      %neg3A = arith.constant 0.000000e+00 : f32
      %neg3A_70 = vector.broadcast %neg3A : f32 to vector<32x1xf32>
      %neg3A_71 = arith.subf %neg3A_70, %sub3A : vector<32x1xf32>
      %reduce_sum3A_72 = vector.shape_cast %neg3A_71 : vector<32x1xf32> to vector<1x32x1xf32>
      %reduce_sum3A_73 = arith.constant dense<0.000000e+00> : vector<1xf32>
      %reduce_sum3A_74 = vector.multi_reduction <add>, %reduce_sum3A_72, %reduce_sum3A_73 [1, 2] : vector<1x32x1xf32> to vector<1xf32>
      %reduce_sum3A_75 = vector.shape_cast %reduce_sum3A_74 : vector<1xf32> to vector<1x1x1xf32>
      %reduce_sum3A_76 = vector.extract %reduce_sum3A_75[0, 0, 0] : f32 from vector<1x1x1xf32>
      %div3A_77 = arith.constant 3.200000e+01 : f32
      %div3A_78 = arith.divf %reduce_sum3A_76, %div3A_77 : f32
      %mul3A_79 = arith.constant 1.000000e+01 : f32
      %mul3A_80 = vector.broadcast %mul3A_79 : f32 to vector<32x1xf32>
      %mul3A_81 = arith.mulf %broadcast_in_dim3A_51, %mul3A_80 : vector<32x1xf32>
      %exp3A_82 = math.exp %mul3A_81 : vector<32x1xf32>
      %mul3A_83 = arith.constant 1.000000e+01 : f32
      %mul3A_84 = vector.broadcast %mul3A_83 : f32 to vector<32x1xf32>
      %mul3A_85 = arith.mulf %broadcast_in_dim3A_51, %mul3A_84 : vector<32x1xf32>
      %get3A_86 = arith.constant 0 : index
      %get3A_87 = arith.constant 0 : index
      %get3A_88 = vector.load %arg6[%get3A_86, %get3A_87] : memref<32x1xf32, #tpu.memory_space<vmem>>, vector<32x1xf32>
      %add3A_89 = arith.addf %exp3A_82, %get3A_88 : vector<32x1xf32>
      %log3A_90 = math.log %add3A_89 : vector<32x1xf32>
      %sub3A_91 = arith.subf %mul3A_85, %log3A_90 : vector<32x1xf32>
      %neg3A_92 = arith.constant 0.000000e+00 : f32
      %neg3A_93 = vector.broadcast %neg3A_92 : f32 to vector<32x1xf32>
      %neg3A_94 = arith.subf %neg3A_93, %sub3A_91 : vector<32x1xf32>
      %reduce_sum3A_95 = vector.shape_cast %neg3A_94 : vector<32x1xf32> to vector<1x32x1xf32>
      %reduce_sum3A_96 = arith.constant dense<0.000000e+00> : vector<1xf32>
      %reduce_sum3A_97 = vector.multi_reduction <add>, %reduce_sum3A_95, %reduce_sum3A_96 [1, 2] : vector<1x32x1xf32> to vector<1xf32>
      %reduce_sum3A_98 = vector.shape_cast %reduce_sum3A_97 : vector<1xf32> to vector<1x1x1xf32>
      %reduce_sum3A_99 = vector.extract %reduce_sum3A_98[0, 0, 0] : f32 from vector<1x1x1xf32>
      %div3A_100 = arith.constant 3.200000e+01 : f32
      %div3A_101 = arith.divf %reduce_sum3A_99, %div3A_100 : f32
      %iota3A_102 = tpu.iota {dimensions = array<i32: 0>} : vector<8x128xi32>
      %iota3A_103 = tpu.iota {dimensions = array<i32: 1>} : vector<8x128xi32>
      %eq3A_104 = arith.constant 0 : i32
      %eq3A_105 = vector.broadcast %eq3A_104 : i32 to vector<8x128xi32>
      %eq3A_106 = arith.cmpi eq, %iota3A_102, %eq3A_105 : vector<8x128xi32>
      %eq3A_107 = arith.constant 0 : i32
      %eq3A_108 = vector.broadcast %eq3A_107 : i32 to vector<8x128xi32>
      %eq3A_109 = arith.cmpi eq, %iota3A_103, %eq3A_108 : vector<8x128xi32>
      %and3A_110 = arith.andi %eq3A_106, %eq3A_109 : vector<8x128xi1>
      %eq3A_111 = arith.constant 0 : i32
      %eq3A_112 = vector.broadcast %eq3A_111 : i32 to vector<8x128xi32>
      %eq3A_113 = arith.cmpi eq, %iota3A_102, %eq3A_112 : vector<8x128xi32>
      %eq3A_114 = arith.constant 1 : i32
      %eq3A_115 = vector.broadcast %eq3A_114 : i32 to vector<8x128xi32>
      %eq3A_116 = arith.cmpi eq, %iota3A_103, %eq3A_115 : vector<8x128xi32>
      %and3A_117 = arith.andi %eq3A_113, %eq3A_116 : vector<8x128xi1>
      %jit3A_118 = arith.constant 0.000000e+00 : f32
      %broadcast_in_dim3A_119 = vector.broadcast %div3A_101 : f32 to vector<8x128xf32>
      %broadcast_in_dim3A_120 = vector.broadcast %jit3A_118 : f32 to vector<8x128xf32>
      %select_n3A_121 = arith.select %and3A_117, %broadcast_in_dim3A_119, %broadcast_in_dim3A_120 : vector<8x128xi1>, vector<8x128xf32>
      %broadcast_in_dim3A_122 = vector.broadcast %div3A_78 : f32 to vector<8x128xf32>
      %select_n3A_123 = arith.select %and3A_110, %broadcast_in_dim3A_122, %select_n3A_121 : vector<8x128xi1>, vector<8x128xf32>
      %swap3A_124 = arith.constant 0 : index
      %swap3A_125 = arith.constant 0 : index
      %swap3A_126 = vector.load %arg5[%swap3A_124, %swap3A_125] : memref<8x128xf32, #tpu.memory_space<vmem>>, vector<8x128xf32>
      tpu.vector_store %arg5[%swap3A_124, %swap3A_125], %select_n3A_123 {strides = array<i32>} : memref<8x128xf32, #tpu.memory_space<vmem>>, vector<8x128xf32>,
    } else {
    }
    return
  }
  func.func @transform_0(%arg0: i32) -> (i32, i32, i32) {
    %c0_i32 = arith.constant 0 : i32
    %c0_i32_0 = arith.constant 0 : i32
    %c0_i32_1 = arith.constant 0 : i32
    return %arg0, %c0_i32, %c0_i32_0 : i32, i32, i32
  }
  func.func @transform_1(%arg0: i32) -> (i32, i32) {
    %c0_i32 = arith.constant 0 : i32
    %c0_i32_0 = arith.constant 0 : i32
    %c0_i32_1 = arith.constant 0 : i32
    return %c0_i32, %c0_i32_0 : i32, i32
  }
  func.func @transform_2(%arg0: i32) -> (i32, i32) {
    %c0_i32 = arith.constant 0 : i32
    %c0_i32_0 = arith.constant 0 : i32
    %c0_i32_1 = arith.constant 0 : i32
    return %c0_i32, %c0_i32_0 : i32, i32
  }
  func.func @transform_3(%arg0: i32) -> (i32, i32) {
    %c0_i32 = arith.constant 0 : i32
    %c0_i32_0 = arith.constant 0 : i32
    %c0_i32_1 = arith.constant 0 : i32
    return %c0_i32, %c0_i32_0 : i32, i32
  }
  func.func @transform_4(%arg0: i32) -> (i32, i32) {
    %c0_i32 = arith.constant 0 : i32
    %c0_i32_0 = arith.constant 0 : i32
    %c0_i32_1 = arith.constant 0 : i32
    return %c0_i32, %c0_i32_0 : i32, i32
  }
}

</mosaic_0001>

<sc_bundles>
// kernel: kernel.4.cloned.1.call-start
scs
__scs_entry_jumppad:
0x0: {  	(pc) =	sbr.rel $0x88, $3  }
0x1: {  	(tag) =	ssettag $0x0;
	lr =	simm.s32 $0x1  }
0x2: {  	[smem:$0x3F9D] =	sst lr;
	_ =	strace $0xD0000000  }
0x3: {  	_ = 	snop  }
0x4: {  	_ = 	snop  }
0x5: {  	_ = 	snop  }
0x6: {  	_ = 	snop  }
0x7: {  	_ = 	snop  }
__scs_overlays_trampoline_lowered:
0x8: {  	[smem:$0x3FAC] =	sst s0  }
0x9: {  	[smem:$0x3FAD] =	sst s1  }
0xa: {  	[smem:$0x3FAE] =	sst s2  }
0xb: {  	[smem:$0x3FAF] =	sst s3  }
0xc: {  	[smem:$0x3FB0] =	sst s4  }
0xd: {  	[smem:$0x3FB1] =	sst s5  }
0xe: {  	[smem:$0x3FB2] =	sst s6  }
0xf: {  	[smem:$0x3FB3] =	sst s7  }
0x10: {  	[smem:$0x3FB4] =	sst s8  }
0x11: {  	[smem:$0x3FB5] =	sst s9;
	s0 =	simm.s32 @!p0 $0x0  }
0x12: {  	s1 =	sld [smem:$0x3F9B];
	s0 =	simm.s32 @p0 $0x1  }
0x13: {  	[smem:$0x3FB6] =	sst s0;
	s0 =	simm.s32 @!p1 $0x0  }
0x14: {  	s2 =	sld [smem:$0x3F9A];
	s0 =	simm.s32 @p1 $0x1  }
0x15: {  	[smem:$0x3FB7] =	sst s0;
	s0 =	simm.s32 @!p2 $0x0  }
0x16: {  	s3 =	sld [smem:$0x3FDB];
	s0 =	simm.s32 @p2 $0x1  }
0x17: {  	s4 =	simm.s32 $0x1BF5;
	[smem:$0x3FB9] =	sst s0  }
0x18: {  	s0 =	sld [smem:$0x3F9C];
	_ =	swait.ge [sflag:s4], $0x0  }
0x19: {  	s7 =	sld [smem:$0x3F9D]  }
0x1a: {  	s8 =	sadd.s32 $0xFFFFE003, lr  }
0x1b: {  	s9 =	sadd.s32 $0xFFFFFEF7, lr;
	s5 =	simm.s32 $0xFFFFFFFF;
	p2 =	slt.u32 s8, $0xFFFFF086  }
0x1c: {  	p1 =	slt.u32 s9, $0xF7A;
	s5 =	simm.s32 @!p2 $0x0  }
0x1d: {  	s5 =	simm.s32 @p1 $0x1;
	p0 =	seq.s32 s7, s2  }
0x1e: {  	s7 =	smul.u32 @!p0 $0xF7A, s2;
	p2 =	seq.s32 @!p0 s5, $0x0  }
0x1f: {  	s9 =	smul.u32 $0xF7A, s1;
	s8 =	simm.s32 @!p0 $0x1BF5;
	p2 =	por !p2, p0  }
0x20: {  	[sflag:s8] =	ssyncset.s32 @!p0 $0xFFFFF086;
	s6 =	sadd.s32 @!p0 s3, s7;
	s7 =	simm.s32 @!p0 $0x108  }
0x21: {  	s3 =	sadd.s32 s3, s9;
	s6 =	sadd.s32 @!p0 $0x88, s6;
	s7 =	simm.s32 @p2 $0x1082  }
0x22: {  	[simem:s7], [sflag:s8] =	dma.local @!p0 [hbm:s6], $0xF7A  }
0x23: {  	s9 =	sor.u32 $0xD0000000, s2;
	s6 =	simm.s32 $0x108;
	_ =	swait.ge @!p0 [sflag:s8], $0x0  }
0x24: {  	s3 =	sadd.s32 $0x88, s3;
	s6 =	simm.s32 @!p1 $0x1082;
	[sflag:s4] =	ssyncset.s32 $0xFFFFF086  }
0x25: {  	[simem:s6], [sflag:s4] =	dma.local [hbm:s3], $0xF7A  }
0x26: {  	[smem:$0x3F9D] =	sst s1;
	(tag) =	ssettag s2;
	_ =	strace s9  }
0x27: {  	s1 =	sld [smem:$0x3FAD]  }
0x28: {  	s2 =	sld [smem:$0x3FAE]  }
0x29: {  	s4 =	sld [smem:$0x3FB0]  }
0x2a: {  	p0 =	seq.s32 s5, $0x0;
	s5 =	sld [smem:$0x3FB1]  }
0x2b: {  	s6 =	sld [smem:$0x3FB2]  }
0x2c: {  	s7 =	sld [smem:$0x3FB3]  }
0x2d: {  	s3 =	simm.s32 $0x108;
	s8 =	sld [smem:$0x3FB4]  }
0x2e: {  	s3 =	simm.s32 @!p0 $0x1082;
	s9 =	sld [smem:$0x3FB5]  }
0x2f: {  	lr =	sadd.s32 s0, s3;
	s0 =	sld [smem:$0x3FAC]  }
0x30: {  	s3 =	sld [smem:$0x3FAF]  }
0x31: {  	[smem:$0x3FB8] =	sst s10  }
0x32: {  	s10 =	sld [smem:$0x3FB6];
	_ =	sdelay $0x3  }
0x33: {  	p0 =	seq.s32 s10, $0x1;
	s10 =	sld [smem:$0x3FB8];
	_ =	sdelay $0x3  }
0x34: {  	[smem:$0x3FB8] =	sst s10  }
0x35: {  	s10 =	sld [smem:$0x3FB7];
	_ =	sdelay $0x3  }
0x36: {  	p1 =	seq.s32 s10, $0x1;
	s10 =	sld [smem:$0x3FB8];
	_ =	sdelay $0x3  }
0x37: {  	[smem:$0x3FB8] =	sst s10  }
0x38: {  	s10 =	sld [smem:$0x3FB9]  }
0x39: {  	_ = 	snop;
	(pc) =	sbr.ind lr, $3  }
0x3a: {  	_ = 	snop  }
0x3b: {  	_ = 	snop  }
0x3c: {  	p2 =	seq.s32 s10, $0x1;
	s10 =	sld [smem:$0x3FB8]  }
0x3d: {  	_ =	shalt  }
0x3e: {  	_ =	shalt  }
0x3f: {  	_ =	shalt  }
0x40: {  	_ =	shalt  }
0x41: {  	_ =	shalt  }
0x42: {  	_ =	shalt  }
0x43: {  	_ =	shalt  }
0x44: {  	_ =	shalt  }
0x45: {  	_ =	shalt  }
0x46: {  	_ =	shalt  }
0x47: {  	_ =	shalt  }
0x48: {  	_ =	shalt  }
0x49: {  	_ =	shalt  }
0x4a: {  	_ =	shalt  }
0x4b: {  	_ =	shalt  }
0x4c: {  	_ =	shalt  }
0x4d: {  	_ =	shalt  }
0x4e: {  	_ =	shalt  }
0x4f: {  	_ =	shalt  }
0x50: {  	_ =	shalt  }
0x51: {  	_ =	shalt  }
0x52: {  	_ =	shalt  }
0x53: {  	_ =	shalt  }
0x54: {  	_ =	shalt  }
0x55: {  	_ =	shalt  }
0x56: {  	_ =	shalt  }
0x57: {  	_ =	shalt  }
0x58: {  	_ =	shalt  }
0x59: {  	_ =	shalt  }
0x5a: {  	_ =	shalt  }
0x5b: {  	_ =	shalt  }
0x5c: {  	_ =	shalt  }
0x5d: {  	_ =	shalt  }
0x5e: {  	_ =	shalt  }
0x5f: {  	_ =	shalt  }
0x60: {  	_ =	shalt  }
0x61: {  	_ =	shalt  }
0x62: {  	_ =	shalt  }
0x63: {  	_ =	shalt  }
0x64: {  	_ =	shalt  }
0x65: {  	_ =	shalt  }
0x66: {  	_ =	shalt  }
0x67: {  	_ =	shalt  }
0x68: {  	_ =	shalt  }
0x69: {  	_ =	shalt  }
0x6a: {  	_ =	shalt  }
0x6b: {  	_ =	shalt  }
0x6c: {  	_ =	shalt  }
0x6d: {  	_ =	shalt  }
0x6e: {  	_ =	shalt  }
0x6f: {  	_ =	shalt  }
0x70: {  	_ =	shalt  }
0x71: {  	_ =	shalt  }
0x72: {  	_ =	shalt  }
0x73: {  	_ =	shalt  }
0x74: {  	_ =	shalt  }
0x75: {  	_ =	shalt  }
0x76: {  	_ =	shalt  }
0x77: {  	_ =	shalt  }
0x78: {  	_ =	shalt  }
0x79: {  	_ =	shalt  }
0x7a: {  	_ =	shalt  }
0x7b: {  	_ =	shalt  }
0x7c: {  	_ =	shalt  }
0x7d: {  	_ =	shalt  }
0x7e: {  	_ =	shalt  }
0x7f: {  	_ =	shalt  }
0x80: {  	_ =	shalt  }
0x81: {  	_ =	shalt  }
0x82: {  	_ =	shalt  }
0x83: {  	_ =	shalt  }
0x84: {  	_ =	shalt  }
0x85: {  	_ =	shalt  }
0x86: {  	_ =	shalt  }
0x87: {  	_ =	shalt  }
.Lfunc_end0:
.L_simem_size_0:
called_computation_lowered:
.L_overlay_start_0:
0x88: {  	s2 =	sld [smem:$0x3FD9]  }
0x89: {  	s3 =	sld [smem:$0x3FFE];
	_ =	sdelay $0x1  }
0x8a: {  	s1 =	srdreg.scid  }
0x8b: {  	s0 =	sand.u32 $0x1, s1  }
0x8c: {  	s16 =	sshll.u32 s0, $0xA;
	s2 =	sadd.s32 s3, s2  }
0x8d: {  	s2 =	sadd.s32 s2, s16  }
0x8e: {  	[smem:$0x3FC4] =	sst s2  }
0x8f: {  	_ = 	snop  }
0x90: {  	(tm) =	ssettm $0x1  }
0x91: {  	s17 =	sld [smem:$0x3FFB];
	_ =	sdelay $0x3  }
0x92: {  	_ =	strace s17  }
0x93: {  	s2 =	sld [smem:$0x3FFC];
	_ =	sdelay $0x3  }
0x94: {  	_ =	strace s2  }
0x95: {  	s2 =	sld [smem:$0x3FFD];
	_ =	sdelay $0x3  }
0x96: {  	_ =	strace s2  }
0x97: {  	_ =	strace $0x8FFFFFFF  }
0x98: {  	s18 =	sld [smem:$0x3FDB];
	_ =	sdelay $0x1  }
0x99: {  	s19 =	simm.s32 $_scs_section_size  }
0x9a: {  	s4 =	simm.s32 $_size__tile_overlayer_lowered;
	s5 =	simm.s32 $_tile_overlayer_lowered  }
0x9b: {  	s22 =	simm.s32 $0x1BFF;
	s21 =	sshll.u32 s5, $0x1;
	s2 =	sadd.s32 s19, s18  }
0x9c: {  	s6 =	simm.s32 $0x0;
	s20 =	sshll.u32 s4, $0x1;
	s4 =	sadd.s32 s21, s2  }
0x9d: {  	[timem:s6], [sflag:s22] =	dma.local [hbm:s4], s20  }
0x9e: {  	_ =	swait.ge [sflag:s22], s20  }
0x9f: {  	s3 =	ssub.s32 $0x0, s20;
	[sflag:s22] =	ssyncset.done $0x0  }
0xa0: {  	[sflag:s22] =	ssyncadd.s32 s3;
	_ =	sdelay $0x1  }
0xa1: {  	s23 =	simm.s32 $0x1B8B  }
0xa2: {  	_ =	swait.ge [sflag:s23], $0x1  }
0xa3: {  	[sflag:s23] =	ssyncset.done $0x0  }
0xa4: {  	s25 =	simm.s32 $0x1B8E;
	s24 =	sld [smem:$0x3FFE];
	[sflag:s23] =	ssyncadd.s32 $0xFFFFFFFF  }
0xa5: {  	s26 =	simm.s32 $execute0_lowered;
	[smem:$0x3FD2] =	sst s25  }
0xa6: {  	s4 =	sshll.u32 s26, $0x1;
	_ =	strace $0x80000046;
	[dreg:$0x1] =	wrdreg $0xFFFFFFFF  }
0xa7: {  	s28 =	simm.s32 $_size_execute0_lowered;
	s2 =	sadd.s32 s2, s4;
	[dreg:$0x0] =	wrdreg $0x0  }
0xa8: {  	s4 =	sshll.u32 s28, $0x1;
	[dreg:$0x2] =	wrdreg s2  }
0xa9: {  	[dreg:$0x3] =	wrdreg s4  }
0xaa: {  	[dreg:$0x4] =	wrdreg $0xC0  }
0xab: {  	_ =	task [dreg:s6], $0x5FFFF  }
0xac: {  	[dreg:$0x1] =	wrdreg $0xFFFFFFFF  }
0xad: {  	[dreg:$0x0] =	wrdreg $0x60  }
0xae: {  	[dreg:$0x2] =	wrdreg s24  }
0xaf: {  	[dreg:$0x3] =	wrdreg $0x9  }
0xb0: {  	_ =	task.clear_ibuf [dreg:s6], $0x4FFFF;
	_ =	strace $0x90000046  }
0xb1: {  	s29 =	simm.s32 $0x9;
	_ =	strace $0x80000048  }
0xb2: {  	_ =	swait.ge [sflag:s29], $0x1  }
0xb3: {  	[sflag:s29] =	ssyncadd.s32 $0xFFFFFFFF  }
0xb4: {  	_ =	strace $0x90000048  }
0xb5: {  	_ =	sfence  }
0xb6: {  	s30 =	sld [smem:$0x0];
	_ =	sdelay $0x2  }
0xb7: {  	s31 =	sshll.u32 s1, $0xD;
	s1 =	sshrl.u32 s1, $0x2  }
0xb8: {  	s3 =	sand.u32 $0x4000, s31;
	s1 =	sadd.s32 s1, s30  }
0xb9: {  	s0 =	sor.u32 s3, s0;
	s1 =	sshll.u32 s1, $0x11  }
0xba: {  	s0 =	sor.u32 s1, s0  }
0xbb: {  	s0 =	sadd.s32 $0x8F2B, s0  }
0xbc: {  	[sflag:s0] =	ssyncadd.remote.s32 $0x1  }
0xbd: {  	_ =	sfence.sel $0xFFFF  }
0xbe: {  	[dreg:$0x0] =	wrdreg $0xFFFFFFFF;
	(pc) =	sbr.abs _section_cstart, $3  }
0xbf: {  	[dreg:$0x1] =	wrdreg $0xFFFFFFFF  }
0xc0: {  	_ =	task.clear_ibuf [dreg:s6], $0x2FFFF;
	_ =	strace $0x9FFFFFFF  }
0xc1: {  	(tm) =	ssettm $0x7FFFFFFF  }
tec
execute0_lowered:
.L_overlay_start_1:
0x0: {  	(tag) =	ssettag $0x1  }
0x1: {  	v0 =	vimm.s32 $0xFEDCBA98  }
0x2: {  	v1 =	vimm.s32 $0x76543210;
	v2 =	vimm.s32 $0xBA98FEDC;
	v3 =	vimm.s32 $0x32107654  }
0x3: {  	s1 =	srdreg.scid;
	s0 =	stileid.u32;
	v4 =	vimm.s32 $0xDCFE98BA;
	v5 =	vimm.s32 $0x54761032;
	v6 =	vimm.s32 $0xEFCDAB89  }
0x4: {  	s5 =	rddreg [dreg:$0x0];
	v7 =	vimm.s32 $0x67452301;
	s11 =	simm.s32 $0x1000;
	s12 =	simm.s32 $0x3000;
	vm4 =	vmmov $0x7;
	vm3 =	vmmov $0xf  }
0x5: {  	s13 =	simm.s32 $0x3100;
	s14 =	simm.s32 $0x1;
	s15 =	simm.s32 $0x3080;
	vm5 =	vmmov $0x1f;
	vm2 =	vmmov $0x3f;
	vm6 =	vmmov $0x7f  }
0x6: {  	s16 =	simm.s32 $0x3180;
	s17 =	simm.s32 $0x3200;
	s18 =	simm.s32 $0x0;
	vm7 =	vmmov $0xff;
	vm8 =	vmmov $0x1ff;
	vm9 =	vmmov $0x3ff  }
0x7: {  	vm10 =	vmmov $0x7ff;
	s3 =	sand.u32 $0x1, s1;
	s29 =	sshll.u32 s0, $0x1;
	v0 =	vunpack.c.l.s4.s8 v0;
	s1 =	simm.s32 $0x0;
	v1 =	vunpack.c.l.s4.s8 v1  }
0x8: {  	s4 =	sshrl.u32 s0, $0x2;
	v2 =	vunpack.c.l.s4.s8 v2;
	v3 =	vunpack.c.l.s4.s8 v3;
	v4 =	vunpack.c.l.s4.s8 v4;
	s6 =	sor.u32 s3, s29;
	[smem:$0x7FF] =	sst s1  }
0x9: {  	v5 =	vunpack.c.l.s4.s8 v5;
	v6 =	vunpack.c.l.s4.s8 v6;
	v7 =	vunpack.c.l.s4.s8 v7;
	s8 =	sshll.u32 s4, $0xF;
	s4 =	sshll.u32 s4, $0xA;
	s30 =	ssub.s32 $0x2, s3  }
0xa: {  	s3 =	sadd.s32 $0x801000, s5;
	s2 =	sshll.u32 s6, $0x7;
	v0 =	vunpack.c.0.s8.s32 v0;
	s10 =	sshrl.u32 s30, $0x1;
	v2 =	vunpack.c.0.s8.s32 v2;
	v3 =	vunpack.c.0.s8.s32 v3  }
0xb: {  	v4 =	vunpack.c.0.s8.s32 v4;
	s31 =	sshll.u32 s6, $0x14;
	v5 =	vunpack.c.0.s8.s32 v5;
	v6 =	vunpack.c.0.s8.s32 v6;
	s7 =	sand.u32 $0x380, s2;
	s2 =	rddreg [dreg:$0x1]  }
0xc: {  	v7 =	vunpack.c.0.s8.s32 v7;
	_ =	strace $0x80000047;
	v8 =	vmov s31;
	s8 =	sor.u32 s8, s7;
	s4 =	sor.u32 s4, s7;
	v2 =	vcombine.low v3, v2  }
0xd: {  	vm11 =	vmmov $0xfff;
	v1 =	vunpack.c.0.s8.s32 v1;
	s7 =	ssub.s32 s30, s10;
	[tilespmem:$0x1FFC0] =	vst v8;
	s10 =	simm.s32 $0x2;
	v3 =	vcombine.low v5, v4;
	s8 =	sshrl.u32 s8, $0x3  }
0xe: {  	v0 =	vand.u32 $0xF, v0;
	v8 =	vcombine.low v7, v6;
	v4 =	vlaneseq.u32;
	s9 =	sshrl.u32 s4, $0x3;
	s4 =	sadd.s32 $0x5000, s5;
	s8 =	sadd.s32 s8, s5;
	[tilespmem:$0x1FFD0] =	vst v2  }
0xf: {  	vm12 =	vmmov $0x1fff;
	s7 =	smax.u32 s7, $0x1;
	v5 =	vcombine.low v0, v1;
	v9 =	vmul.u32 $0x1000, v4;
	s9 =	sadd.s32 s9, s5;
	[tilespmem:$0x1FFE0] =	vst v3;
	s5 =	sadd.s32 $0x1000, s8  }
0x10: {  	v6 =	vand.u32 $0xF, v2;
	v7 =	vand.u32 $0xF, v3;
	[tilespmem:$0x1FFF0] =	vst v8;
	v8 =	vand.u32 $0xF, v8;
	s6 =	sadd.s32 $0x5400, s9;
	s8 =	simm.s32 $0x80;
	s9 =	simm.s32 $0x400  }
.LBB2_1:
0x11: {  	[tilespmem:s1], [sflag:$0x2] =	stream.strided.gather [hbm4b:s5+s8], $0x1000, s9, s8, $0x38;
	[tilespmem:$0x3280] =	vst v63  }
0x12: {  	_ =	swait.ge [sflag:s10], $0x1000  }
0x13: {  	[sflag:s10] =	ssyncset.done $0x0  }
0x14: {  	[sflag:s10] =	ssyncadd.s32 $0xFFFFF000  }
0x15: {  	[tilespmem:s11], [sflag:$0x2] =	stream.linear.gather [hbm4b:s4+s1], $0x2000, $0x38;
	[tilespmem:$0x3280] =	vst v63  }
0x16: {  	_ =	swait.ge [sflag:s10], $0x2000  }
0x17: {  	[sflag:s10] =	ssyncset.done $0x0  }
0x18: {  	[sflag:s10] =	ssyncadd.s32 $0xFFFFE000  }
0x19: {  	v1 =	vld [tilespmem:s1+$0x0];
	_ =	sdelay $0x3  }
0x1a: {  	v2 =	vimm.f32 $-Inf  }
0x1b: {  	v0 =	vimm.s32 $0x1000;
	s19 =	simm.s32 $0x10;
	v3 =	vor.u32 s1, v4;
	s20 =	simm.s32 $0x10;
	vm0 =	vgt.f32 v1, v2  }
.LBB2_2:
0x1c: {  	p0 =	sne.s32 s19, $0xFF0;
	v2 =	vsel vm0, v1, v2;
	v1 =	vld [tilespmem:s20+$0x0];
	v0 =	vsel vm0, v3, v0;
	s21 =	smov.u32 s19;
	s19 =	sadd.s32 $0x10, s19  }
.Ltmp0:
0x1d: {  	(pc) =	sbr.rel @p0 .LBB2_2-.Ltmp0, $2  }
0x1e: {  	_ =	sdelay $0x2  }
0x1f: {  	s20 =	sadd.s32 $0x10, s20;
	v3 =	vor.u32 s21, v4;
	vm0 =	vgt.f32 v1, v2  }
0x20: {  	v1 =	vsel vm0, v1, v2  }
0x21: {  	v2 =	vperm.xlane v1, v5;
	_ =	sdelay $0x1  }
0x22: {  	v2 =	vmax.f32 v1, v2  }
0x23: {  	v10 =	vperm.xlane v2, v6;
	_ =	sdelay $0x1  }
0x24: {  	v2 =	vmax.f32 v2, v10  }
0x25: {  	v10 =	vperm.xlane v2, v7;
	_ =	sdelay $0x1  }
0x26: {  	v2 =	vmax.f32 v2, v10  }
0x27: {  	v10 =	vperm.xlane v2, v8;
	_ =	sdelay $0x1  }
0x28: {  	v2 =	vmax.f32 v2, v10  }
0x29: {  	v0 =	vsel vm0, v3, v0;
	vm0 =	veq.f32 v1, v2  }
0x2a: {  	v0 =	vnsel vm0, $0x1000, v0  }
0x2b: {  	v1 =	vperm.xlane v0, v5;
	_ =	sdelay $0x1  }
0x2c: {  	vm0 =	vlt.s32 v0, v1  }
0x2d: {  	v0 =	vsel vm0, v0, v1  }
0x2e: {  	v1 =	vperm.xlane v0, v6;
	_ =	sdelay $0x1  }
0x2f: {  	vm0 =	vlt.s32 v0, v1  }
0x30: {  	v0 =	vsel vm0, v0, v1  }
0x31: {  	v1 =	vperm.xlane v0, v7;
	_ =	sdelay $0x1  }
0x32: {  	vm0 =	vlt.s32 v0, v1  }
0x33: {  	v3 =	vld [tilespmem:$0x1FFC0];
	v0 =	vsel vm0, v0, v1  }
0x34: {  	v1 =	vperm.xlane v0, v8  }
0x35: {  	s19 =	simm.s32 $0x80  }
0x36: {  	s20 =	simm.s32 $0x0;
	v2 =	vmov s19;
	vm0 =	vlt.s32 v0, v1  }
0x37: {  	v2 =	vshll.u32 v2, $0xC;
	v0 =	vsel vm0, v0, v1;
	v1 =	vmov s20  }
0x38: {  	v2 =	vor.u32 v9, v2;
	v0 =	vadd.s32 v3, v0;
	v1 =	vshll.u32 v1, $0xC  }
0x39: {  	s19 =	simm.s32 $0x3080;
	v1 =	vor.u32 v9, v1;
	v2 =	vadd.s32 v2, v0  }
0x3a: {  	s20 =	simm.s32 $0x10;
	v1 =	vadd.s32 v1, v0;
	[tilespmem:s19+$0x0] =	vst v2  }
.LBB2_4:
0x3b: {  	s21 =	sadd.s32 $0x80, s20  }
0x3c: {  	p0 =	sne.s32 s20, $0x70;
	[tilespmem:s19+$0xFFFFFF80] =	vst v1;
	s22 =	smov.u32 s20;
	s20 =	sadd.s32 $0x10, s20  }
.Ltmp1:
0x3d: {  	v1 =	vmov s21;
	(pc) =	sbr.rel @p0 .LBB2_4-.Ltmp1, $4  }
0x3e: {  	v2 =	vmov s22;
	v1 =	vshll.u32 v1, $0xC  }
0x3f: {  	v2 =	vshll.u32 v2, $0xC;
	v1 =	vor.u32 v9, v1  }
0x40: {  	s19 =	sadd.s32 $0x10, s19;
	v2 =	vor.u32 v9, v2;
	v3 =	vadd.s32 v1, v0  }
0x41: {  	v1 =	vadd.s32 v2, v0;
	[tilespmem:s19+$0x0] =	vst v3  }
0x42: {  	[tilespmem:s19+$0xFFFFFF80] =	vst v1  }
0x43: {  	[tilespmem:s13], [sflag:$0x1] =	stream.indirect.gather [hbm4b:s3+s8], $0x1, s12, s8, $0xb8;
	[tilespmem:$0x3280] =	vst v63  }
0x44: {  	_ =	swait.ge [sflag:s14], $0x80  }
0x45: {  	[sflag:s14] =	ssyncset.done $0x0  }
0x46: {  	[sflag:s14] =	ssyncadd.s32 $0xFFFFFF80  }
0x47: {  	[tilespmem:s16], [sflag:$0x1] =	stream.indirect.gather [hbm4b:s3+s8], $0x1, s15, s8, $0xb8;
	[tilespmem:$0x3280] =	vst v63  }
0x48: {  	_ =	swait.ge [sflag:s14], $0x80  }
0x49: {  	[sflag:s14] =	ssyncset.done $0x0  }
0x4a: {  	[sflag:s14] =	ssyncadd.s32 $0xFFFFFF80  }
0x4b: {  	v0 =	vld [tilespmem:$0x3100]  }
0x4c: {  	v1 =	vld [tilespmem:$0x3110];
	_ =	sdelay $0x1  }
0x4d: {  	v2 =	vld [tilespmem:$0x3120];
	_ =	sdelay $0x1  }
0x4e: {  	v3 =	vld [tilespmem:$0x3130]  }
0x4f: {  	v0 =	vmul.f32 v0, v0;
	v1 =	vmul.f32 v1, v1  }
0x50: {  	v10 =	vld [tilespmem:$0x3140]  }
0x51: {  	v0 =	vadd.f32 v1, v0;
	v1 =	vmul.f32 v2, v2  }
0x52: {  	v2 =	vld [tilespmem:$0x3150]  }
0x53: {  	v0 =	vadd.f32 v1, v0;
	v1 =	vmul.f32 v3, v3  }
0x54: {  	v3 =	vld [tilespmem:$0x3160]  }
0x55: {  	v0 =	vadd.f32 v1, v0;
	v1 =	vmul.f32 v10, v10  }
0x56: {  	v10 =	vld [tilespmem:$0x3170]  }
0x57: {  	v0 =	vadd.f32 v1, v0;
	v1 =	vmul.f32 v2, v2  }
0x58: {  	v2 =	vld [tilespmem:$0x3180]  }
0x59: {  	v0 =	vadd.f32 v1, v0;
	v1 =	vmul.f32 v3, v3  }
0x5a: {  	v3 =	vld [tilespmem:$0x3190]  }
0x5b: {  	v0 =	vadd.f32 v1, v0;
	v1 =	vmul.f32 v10, v10  }
0x5c: {  	v10 =	vld [tilespmem:$0x31A0]  }
0x5d: {  	v0 =	vadd.f32 v1, v0;
	v1 =	vmul.f32 v2, v2  }
0x5e: {  	v2 =	vld [tilespmem:$0x31B0]  }
0x5f: {  	v0 =	vadd.f32 v1, v0;
	v1 =	vmul.f32 v3, v3  }
0x60: {  	v3 =	vld [tilespmem:$0x31C0]  }
0x61: {  	v0 =	vadd.f32 v1, v0;
	v1 =	vmul.f32 v10, v10  }
0x62: {  	v10 =	vld [tilespmem:$0x31D0]  }
0x63: {  	v0 =	vadd.f32 v1, v0;
	v1 =	vmul.f32 v2, v2  }
0x64: {  	v2 =	vld [tilespmem:$0x31E0]  }
0x65: {  	v0 =	vadd.f32 v1, v0;
	v1 =	vmul.f32 v3, v3  }
0x66: {  	v3 =	vld [tilespmem:$0x31F0]  }
0x67: {  	v0 =	vadd.f32 v1, v0;
	v1 =	vmul.f32 v10, v10;
	_ =	sdelay $0x1  }
0x68: {  	v0 =	vadd.f32 v1, v0;
	v1 =	vmul.f32 v2, v2;
	_ =	sdelay $0x1  }
0x69: {  	v0 =	vadd.f32 v1, v0;
	v1 =	vmul.f32 v3, v3;
	_ =	sdelay $0x1  }
0x6a: {  	v0 =	vadd.f32 v1, v0;
	_ =	sdelay $0x1  }
0x6b: {  	v1 =	vperm.xlane v0, v5;
	_ =	sdelay $0x1  }
0x6c: {  	v0 =	vadd.f32 v1, v0;
	v1 =	vld [tilespmem:$0x1FFD0];
	_ =	sdelay $0x4  }
0x6d: {  	v1 =	vperm.xlane v0, v1;
	_ =	sdelay $0x1  }
0x6e: {  	v0 =	vadd.f32 v1, v0;
	v1 =	vld [tilespmem:$0x1FFE0];
	_ =	sdelay $0x4  }
0x6f: {  	v1 =	vperm.xlane v0, v1;
	_ =	sdelay $0x1  }
0x70: {  	v20 =	vadd.f32 v1, v0;
	v1 =	vld [tilespmem:$0x1FFF0];
	_ =	sdelay $0x2  }
0x71: {  	s20 =	simm.s32 $0x0  }
0x72: {  	v3 =	vld [tilespmem:s20+$0x3100]  }
0x73: {  	s19 =	simm.s32 $0x40;
	v2 =	vimm.f32 $0.0e+00;
	v0 =	vld [tilespmem:s20+$0x1000];
	v30 =	vperm.xlane v20, v1;
	v1 =	vimm.f32 $0.0e+00  }
.LBB2_6:
0x74: {  	_ = 	snop  }
0x75: {  	p0 =	sne.s32 s19, $0x3C0  }
.Ltmp2:
0x76: {  	_ = 	snop;
	(pc) =	sbr.rel @p0 .LBB2_6-.Ltmp2, $4  }
0x77: {  	_ = 	snop  }
0x78: {  	s20 =	sshra.s32 s19, $0x2;
	v10 =	vmul.f32 v0, v0;
	v11 =	vmul.f32 v3, v0  }
0x79: {  	v0 =	vld [tilespmem:s20+$0x1000]  }
0x7a: {  	s19 =	sadd.s32 $0x40, s19;
	v3 =	vld [tilespmem:s20+$0x3100];
	v1 =	vadd.f32 v10, v1;
	v2 =	vadd.f32 v11, v2  }
0x7b: {  	_ =	sdelay $0x2  }
0x7c: {  	v10 =	vmul.f32 v0, v0  }
0x7d: {  	v0 =	vmul.f32 v3, v0  }
0x7e: {  	v1 =	vadd.f32 v10, v1  }
0x7f: {  	v0 =	vadd.f32 v0, v2  }
0x80: {  	v2 =	vperm.xlane v1, v5  }
0x81: {  	v3 =	vperm.xlane v0, v5  }
0x82: {  	v1 =	vadd.f32 v2, v1  }
0x83: {  	v0 =	vadd.f32 v3, v0  }
0x84: {  	v2 =	vperm.xlane v1, v6  }
0x85: {  	v3 =	vperm.xlane v0, v6  }
0x86: {  	v1 =	vadd.f32 v2, v1  }
0x87: {  	v0 =	vadd.f32 v3, v0  }
0x88: {  	v2 =	vperm.xlane v1, v7  }
0x89: {  	s19 =	simm.s32 $0x0;
	s20 =	simm.s32 $0x3100;
	v3 =	vperm.xlane v0, v7  }
0x8a: {  	s21 =	sand.u32 $0xF0, s19;
	v42 =	vadd.f32 v2, v1;
	v1 =	vld [tilespmem:s20+$0x0]  }
0x8b: {  	v16 =	vadd.f32 v3, v0;
	v3 =	vld [tilespmem:s21+$0x1100];
	_ =	sdelay $0x1  }
0x8c: {  	v0 =	vperm.xlane v16, v8;
	_ =	sdelay $0x1  }
0x8d: {  	s19 =	simm.s32 $0x10;
	s20 =	simm.s32 $0x3110;
	v2 =	vimm.f32 $0.0e+00;
	v43 =	vperm.xlane v42, v8;
	[tilespmem:$0x1FFB0] =	vst v0;
	v0 =	vimm.f32 $0.0e+00  }
.LBB2_8:
0x8e: {  	s21 =	sand.u32 $0xF0, s19;
	p0 =	sne.s32 s19, $0xF0;
	s19 =	sadd.s32 $0x10, s19;
	v10 =	vmul.f32 v1, v3;
	v1 =	vld [tilespmem:s20+$0x0];
	v11 =	vmul.f32 v3, v3  }
.Ltmp3:
0x8f: {  	v3 =	vld [tilespmem:s21+$0x1100];
	(pc) =	sbr.rel @p0 .LBB2_8-.Ltmp3, $2  }
0x90: {  	v0 =	vadd.f32 v10, v0;
	v2 =	vadd.f32 v11, v2;
	_ =	sdelay $0x2  }
0x91: {  	s20 =	sadd.s32 $0x10, s20  }
0x92: {  	v10 =	vmul.f32 v3, v3  }
0x93: {  	v1 =	vmul.f32 v1, v3  }
0x94: {  	v2 =	vadd.f32 v10, v2  }
0x95: {  	v0 =	vadd.f32 v1, v0  }
0x96: {  	v1 =	vperm.xlane v2, v5  }
0x97: {  	v3 =	vperm.xlane v0, v5  }
0x98: {  	v1 =	vadd.f32 v1, v2  }
0x99: {  	v0 =	vadd.f32 v3, v0  }
0x9a: {  	v2 =	vperm.xlane v1, v6  }
0x9b: {  	v3 =	vperm.xlane v0, v6  }
0x9c: {  	v1 =	vadd.f32 v2, v1  }
0x9d: {  	v0 =	vadd.f32 v3, v0  }
0x9e: {  	v2 =	vperm.xlane v1, v7  }
0x9f: {  	s19 =	simm.s32 $0x0;
	s20 =	simm.s32 $0x3100;
	v3 =	vperm.xlane v0, v7  }
0xa0: {  	s21 =	sand.u32 $0xF0, s19;
	v46 =	vadd.f32 v2, v1;
	v1 =	vld [tilespmem:s20+$0x0]  }
0xa1: {  	v23 =	vadd.f32 v3, v0;
	v3 =	vld [tilespmem:s21+$0x1200];
	_ =	sdelay $0x1  }
0xa2: {  	v0 =	vperm.xlane v23, v8;
	_ =	sdelay $0x1  }
0xa3: {  	s19 =	simm.s32 $0x10;
	s20 =	simm.s32 $0x3110;
	v2 =	vimm.f32 $0.0e+00;
	v48 =	vperm.xlane v46, v8;
	[tilespmem:$0x1FFA0] =	vst v0;
	v0 =	vimm.f32 $0.0e+00  }
.LBB2_10:
0xa4: {  	s21 =	sand.u32 $0xF0, s19;
	p0 =	sne.s32 s19, $0xF0;
	s19 =	sadd.s32 $0x10, s19;
	v10 =	vmul.f32 v1, v3;
	v1 =	vld [tilespmem:s20+$0x0];
	v11 =	vmul.f32 v3, v3  }
.Ltmp4:
0xa5: {  	v3 =	vld [tilespmem:s21+$0x1200];
	(pc) =	sbr.rel @p0 .LBB2_10-.Ltmp4, $2  }
0xa6: {  	v0 =	vadd.f32 v10, v0;
	v2 =	vadd.f32 v11, v2;
	_ =	sdelay $0x2  }
0xa7: {  	s20 =	sadd.s32 $0x10, s20  }
0xa8: {  	v10 =	vmul.f32 v3, v3  }
0xa9: {  	v1 =	vmul.f32 v1, v3  }
0xaa: {  	v2 =	vadd.f32 v10, v2  }
0xab: {  	v0 =	vadd.f32 v1, v0  }
0xac: {  	v1 =	vperm.xlane v2, v5  }
0xad: {  	v3 =	vperm.xlane v0, v5  }
0xae: {  	v1 =	vadd.f32 v1, v2  }
0xaf: {  	v0 =	vadd.f32 v3, v0  }
0xb0: {  	v2 =	vperm.xlane v1, v6  }
0xb1: {  	v3 =	vperm.xlane v0, v6  }
0xb2: {  	v1 =	vadd.f32 v2, v1  }
0xb3: {  	v0 =	vadd.f32 v3, v0  }
0xb4: {  	v2 =	vperm.xlane v1, v7  }
0xb5: {  	s19 =	simm.s32 $0x0;
	s20 =	simm.s32 $0x3100;
	v3 =	vperm.xlane v0, v7  }
0xb6: {  	s21 =	sand.u32 $0xF0, s19;
	v54 =	vadd.f32 v2, v1;
	v1 =	vld [tilespmem:s20+$0x0]  }
0xb7: {  	v0 =	vadd.f32 v3, v0;
	v3 =	vld [tilespmem:s21+$0x1300];
	_ =	sdelay $0x1  }
0xb8: {  	[tilespmem:$0x1FF80] =	vst v0;
	v0 =	vperm.xlane v0, v8;
	_ =	sdelay $0x1  }
0xb9: {  	s19 =	simm.s32 $0x10;
	s20 =	simm.s32 $0x3110;
	v2 =	vimm.f32 $0.0e+00;
	v56 =	vperm.xlane v54, v8;
	[tilespmem:$0x1FF90] =	vst v0;
	v0 =	vimm.f32 $0.0e+00  }
.LBB2_12:
0xba: {  	s21 =	sand.u32 $0xF0, s19;
	p0 =	sne.s32 s19, $0xF0;
	s19 =	sadd.s32 $0x10, s19;
	v10 =	vmul.f32 v1, v3;
	v1 =	vld [tilespmem:s20+$0x0];
	v11 =	vmul.f32 v3, v3  }
.Ltmp5:
0xbb: {  	v3 =	vld [tilespmem:s21+$0x1300];
	(pc) =	sbr.rel @p0 .LBB2_12-.Ltmp5, $2  }
0xbc: {  	v0 =	vadd.f32 v10, v0;
	v2 =	vadd.f32 v11, v2;
	_ =	sdelay $0x2  }
0xbd: {  	s20 =	sadd.s32 $0x10, s20  }
0xbe: {  	v10 =	vmul.f32 v3, v3  }
0xbf: {  	v1 =	vmul.f32 v1, v3  }
0xc0: {  	v2 =	vadd.f32 v10, v2  }
0xc1: {  	v0 =	vadd.f32 v1, v0  }
0xc2: {  	v1 =	vperm.xlane v2, v5  }
0xc3: {  	v3 =	vperm.xlane v0, v5  }
0xc4: {  	v1 =	vadd.f32 v1, v2  }
0xc5: {  	v0 =	vadd.f32 v3, v0  }
0xc6: {  	v2 =	vperm.xlane v1, v6  }
0xc7: {  	v3 =	vperm.xlane v0, v6  }
0xc8: {  	v1 =	vadd.f32 v2, v1  }
0xc9: {  	v0 =	vadd.f32 v3, v0  }
0xca: {  	v2 =	vperm.xlane v1, v7  }
0xcb: {  	s19 =	simm.s32 $0x0;
	s20 =	simm.s32 $0x3100;
	v3 =	vperm.xlane v0, v7  }
0xcc: {  	s21 =	sand.u32 $0xF0, s19;
	v59 =	vadd.f32 v2, v1;
	v1 =	vld [tilespmem:s20+$0x0]  }
0xcd: {  	v0 =	vadd.f32 v3, v0;
	v3 =	vld [tilespmem:s21+$0x1400];
	_ =	sdelay $0x1  }
0xce: {  	[tilespmem:$0x1FF60] =	vst v0;
	v0 =	vperm.xlane v0, v8;
	_ =	sdelay $0x1  }
0xcf: {  	s19 =	simm.s32 $0x10;
	s20 =	simm.s32 $0x3110;
	v2 =	vimm.f32 $0.0e+00;
	v62 =	vperm.xlane v59, v8;
	[tilespmem:$0x1FF70] =	vst v0;
	v0 =	vimm.f32 $0.0e+00  }
.LBB2_14:
0xd0: {  	s21 =	sand.u32 $0xF0, s19;
	p0 =	sne.s32 s19, $0xF0;
	s19 =	sadd.s32 $0x10, s19;
	v10 =	vmul.f32 v1, v3;
	v1 =	vld [tilespmem:s20+$0x0];
	v11 =	vmul.f32 v3, v3  }
.Ltmp6:
0xd1: {  	v3 =	vld [tilespmem:s21+$0x1400];
	(pc) =	sbr.rel @p0 .LBB2_14-.Ltmp6, $2  }
0xd2: {  	v0 =	vadd.f32 v10, v0;
	v2 =	vadd.f32 v11, v2;
	_ =	sdelay $0x2  }
0xd3: {  	s20 =	sadd.s32 $0x10, s20  }
0xd4: {  	v10 =	vmul.f32 v3, v3;
	_ =	sdelay $0x1  }
0xd5: {  	v1 =	vmul.f32 v1, v3;
	v2 =	vadd.f32 v10, v2;
	_ =	sdelay $0x1  }
0xd6: {  	v0 =	vadd.f32 v1, v0;
	v1 =	vperm.xlane v2, v5;
	_ =	sdelay $0x1  }
0xd7: {  	v1 =	vadd.f32 v1, v2  }
0xd8: {  	v3 =	vperm.xlane v0, v5  }
0xd9: {  	v2 =	vperm.xlane v1, v6  }
0xda: {  	v0 =	vadd.f32 v3, v0  }
0xdb: {  	v1 =	vadd.f32 v2, v1  }
0xdc: {  	v3 =	vperm.xlane v0, v6  }
0xdd: {  	v2 =	vperm.xlane v1, v7  }
0xde: {  	v0 =	vadd.f32 v3, v0  }
0xdf: {  	v63 =	vadd.f32 v2, v1  }
0xe0: {  	s19 =	simm.s32 $0x0;
	v3 =	vperm.xlane v0, v7  }
0xe1: {  	s21 =	sand.u32 $0xF0, s19;
	v1 =	vperm.xlane v63, v8  }
0xe2: {  	s20 =	simm.s32 $0x3100;
	v0 =	vadd.f32 v3, v0;
	v3 =	vld [tilespmem:s21+$0x1500]  }
0xe3: {  	[tilespmem:$0x1FF30] =	vst v1;
	v1 =	vld [tilespmem:s20+$0x0];
	_ =	sdelay $0x1  }
0xe4: {  	[tilespmem:$0x1FF40] =	vst v0;
	v0 =	vperm.xlane v0, v8;
	_ =	sdelay $0x1  }
0xe5: {  	s19 =	simm.s32 $0x10;
	v2 =	vimm.f32 $0.0e+00;
	[tilespmem:$0x1FF50] =	vst v0;
	v0 =	vimm.f32 $0.0e+00;
	s20 =	simm.s32 $0x3110  }
.LBB2_16:
0xe6: {  	s21 =	sand.u32 $0xF0, s19;
	p0 =	sne.s32 s19, $0xF0;
	s19 =	sadd.s32 $0x10, s19;
	v10 =	vmul.f32 v1, v3;
	v1 =	vld [tilespmem:s20+$0x0];
	v11 =	vmul.f32 v3, v3  }
.Ltmp7:
0xe7: {  	v3 =	vld [tilespmem:s21+$0x1500];
	(pc) =	sbr.rel @p0 .LBB2_16-.Ltmp7, $2  }
0xe8: {  	v0 =	vadd.f32 v10, v0;
	v2 =	vadd.f32 v11, v2;
	_ =	sdelay $0x2  }
0xe9: {  	s20 =	sadd.s32 $0x10, s20  }
0xea: {  	v10 =	vmul.f32 v3, v3;
	_ =	sdelay $0x1  }
0xeb: {  	v1 =	vmul.f32 v1, v3;
	v2 =	vadd.f32 v10, v2;
	_ =	sdelay $0x1  }
0xec: {  	v0 =	vadd.f32 v1, v0;
	v1 =	vperm.xlane v2, v5;
	_ =	sdelay $0x1  }
0xed: {  	v1 =	vadd.f32 v1, v2  }
0xee: {  	v3 =	vperm.xlane v0, v5  }
0xef: {  	v2 =	vperm.xlane v1, v6  }
0xf0: {  	v0 =	vadd.f32 v3, v0  }
0xf1: {  	v1 =	vadd.f32 v2, v1  }
0xf2: {  	v3 =	vperm.xlane v0, v6  }
0xf3: {  	v2 =	vperm.xlane v1, v7  }
0xf4: {  	v0 =	vadd.f32 v3, v0  }
0xf5: {  	v58 =	vadd.f32 v2, v1  }
0xf6: {  	s19 =	simm.s32 $0x0;
	v3 =	vperm.xlane v0, v7  }
0xf7: {  	s21 =	sand.u32 $0xF0, s19;
	v1 =	vperm.xlane v58, v8  }
0xf8: {  	s20 =	simm.s32 $0x3100;
	v0 =	vadd.f32 v3, v0;
	v3 =	vld [tilespmem:s21+$0x1600]  }
0xf9: {  	[tilespmem:$0x1FF00] =	vst v1;
	v1 =	vld [tilespmem:s20+$0x0];
	_ =	sdelay $0x1  }
0xfa: {  	[tilespmem:$0x1FF10] =	vst v0;
	v0 =	vperm.xlane v0, v8;
	_ =	sdelay $0x1  }
0xfb: {  	s19 =	simm.s32 $0x10;
	v2 =	vimm.f32 $0.0e+00;
	[tilespmem:$0x1FF20] =	vst v0;
	v0 =	vimm.f32 $0.0e+00;
	s20 =	simm.s32 $0x3110  }
.LBB2_18:
0xfc: {  	s21 =	sand.u32 $0xF0, s19;
	p0 =	sne.s32 s19, $0xF0;
	s19 =	sadd.s32 $0x10, s19;
	v10 =	vmul.f32 v1, v3;
	v1 =	vld [tilespmem:s20+$0x0];
	v11 =	vmul.f32 v3, v3  }
.Ltmp8:
0xfd: {  	v3 =	vld [tilespmem:s21+$0x1600];
	(pc) =	sbr.rel @p0 .LBB2_18-.Ltmp8, $2  }
0xfe: {  	v0 =	vadd.f32 v10, v0;
	v2 =	vadd.f32 v11, v2;
	_ =	sdelay $0x2  }
0xff: {  	s20 =	sadd.s32 $0x10, s20  }
0x100: {  	v10 =	vmul.f32 v3, v3;
	_ =	sdelay $0x1  }
0x101: {  	v1 =	vmul.f32 v1, v3;
	v2 =	vadd.f32 v10, v2;
	_ =	sdelay $0x1  }
0x102: {  	v0 =	vadd.f32 v1, v0;
	v1 =	vperm.xlane v2, v5;
	_ =	sdelay $0x1  }
0x103: {  	v1 =	vadd.f32 v1, v2  }
0x104: {  	v3 =	vperm.xlane v0, v5  }
0x105: {  	v2 =	vperm.xlane v1, v6  }
0x106: {  	v0 =	vadd.f32 v3, v0  }
0x107: {  	v1 =	vadd.f32 v2, v1  }
0x108: {  	v3 =	vperm.xlane v0, v6  }
0x109: {  	v2 =	vperm.xlane v1, v7  }
0x10a: {  	v0 =	vadd.f32 v3, v0  }
0x10b: {  	v1 =	vadd.f32 v2, v1  }
0x10c: {  	s19 =	simm.s32 $0x0;
	v3 =	vperm.xlane v0, v7  }
0x10d: {  	s21 =	sand.u32 $0xF0, s19;
	v17 =	vmov v1;
	v1 =	vperm.xlane v1, v8  }
0x10e: {  	s20 =	simm.s32 $0x3100;
	v0 =	vadd.f32 v3, v0;
	v3 =	vld [tilespmem:s21+$0x1700]  }
0x10f: {  	[tilespmem:$0x1FED0] =	vst v1;
	v1 =	vld [tilespmem:s20+$0x0];
	_ =	sdelay $0x1  }
0x110: {  	[tilespmem:$0x1FEE0] =	vst v0;
	v0 =	vperm.xlane v0, v8;
	_ =	sdelay $0x1  }
0x111: {  	s19 =	simm.s32 $0x10;
	v2 =	vimm.f32 $0.0e+00;
	[tilespmem:$0x1FEF0] =	vst v0;
	v0 =	vimm.f32 $0.0e+00;
	s20 =	simm.s32 $0x3110  }
.LBB2_20:
0x112: {  	s21 =	sand.u32 $0xF0, s19;
	p0 =	sne.s32 s19, $0xF0;
	s19 =	sadd.s32 $0x10, s19;
	v10 =	vmul.f32 v1, v3;
	v1 =	vld [tilespmem:s20+$0x0];
	v11 =	vmul.f32 v3, v3  }
.Ltmp9:
0x113: {  	v3 =	vld [tilespmem:s21+$0x1700];
	(pc) =	sbr.rel @p0 .LBB2_20-.Ltmp9, $2  }
0x114: {  	v0 =	vadd.f32 v10, v0;
	v2 =	vadd.f32 v11, v2;
	_ =	sdelay $0x2  }
0x115: {  	s20 =	sadd.s32 $0x10, s20  }
0x116: {  	v10 =	vmul.f32 v3, v3;
	_ =	sdelay $0x1  }
0x117: {  	v1 =	vmul.f32 v1, v3;
	v2 =	vadd.f32 v10, v2;
	_ =	sdelay $0x1  }
0x118: {  	v0 =	vadd.f32 v1, v0;
	v1 =	vperm.xlane v2, v5;
	_ =	sdelay $0x1  }
0x119: {  	v1 =	vadd.f32 v1, v2;
	_ =	sdelay $0x1  }
0x11a: {  	v3 =	vperm.xlane v0, v5;
	v2 =	vperm.xlane v1, v6;
	_ =	sdelay $0x1  }
0x11b: {  	v0 =	vadd.f32 v3, v0;
	v1 =	vadd.f32 v2, v1;
	_ =	sdelay $0x1  }
0x11c: {  	v3 =	vperm.xlane v0, v6;
	v2 =	vperm.xlane v1, v7;
	_ =	sdelay $0x1  }
0x11d: {  	v0 =	vadd.f32 v3, v0;
	v1 =	vadd.f32 v2, v1  }
0x11e: {  	s19 =	simm.s32 $0x0  }
0x11f: {  	s21 =	sand.u32 $0xF0, s19;
	v3 =	vperm.xlane v0, v7;
	v27 =	vmov v1;
	v1 =	vperm.xlane v1, v8  }
0x120: {  	s20 =	simm.s32 $0x3100;
	v10 =	vld [tilespmem:s21+$0x1800]  }
0x121: {  	v0 =	vadd.f32 v3, v0;
	[tilespmem:$0x1FEA0] =	vst v1;
	v1 =	vld [tilespmem:s20+$0x0];
	_ =	sdelay $0x1  }
0x122: {  	[tilespmem:$0x1FEB0] =	vst v0;
	v0 =	vperm.xlane v0, v8;
	_ =	sdelay $0x1  }
0x123: {  	s19 =	simm.s32 $0x10;
	v3 =	vimm.f32 $0.0e+00;
	[tilespmem:$0x1FEC0] =	vst v0;
	v0 =	vimm.f32 $0.0e+00;
	s20 =	simm.s32 $0x3110  }
.LBB2_22:
0x124: {  	s21 =	sand.u32 $0xF0, s19;
	p0 =	sne.s32 s19, $0xF0;
	s19 =	sadd.s32 $0x10, s19;
	v11 =	vmul.f32 v1, v10;
	v1 =	vld [tilespmem:s20+$0x0];
	v12 =	vmul.f32 v10, v10  }
.Ltmp10:
0x125: {  	v10 =	vld [tilespmem:s21+$0x1800];
	(pc) =	sbr.rel @p0 .LBB2_22-.Ltmp10, $2  }
0x126: {  	v0 =	vadd.f32 v11, v0;
	v3 =	vadd.f32 v12, v3;
	_ =	sdelay $0x2  }
0x127: {  	s20 =	sadd.s32 $0x10, s20  }
0x128: {  	v11 =	vmul.f32 v10, v10;
	_ =	sdelay $0x1  }
0x129: {  	v1 =	vmul.f32 v1, v10;
	v3 =	vadd.f32 v11, v3;
	_ =	sdelay $0x1  }
0x12a: {  	v0 =	vadd.f32 v1, v0;
	v1 =	vperm.xlane v3, v5;
	_ =	sdelay $0x1  }
0x12b: {  	v1 =	vadd.f32 v1, v3  }
0x12c: {  	v10 =	vperm.xlane v0, v5  }
0x12d: {  	v3 =	vperm.xlane v1, v6  }
0x12e: {  	v0 =	vadd.f32 v10, v0  }
0x12f: {  	v1 =	vadd.f32 v3, v1  }
0x130: {  	v10 =	vperm.xlane v0, v6  }
0x131: {  	v3 =	vperm.xlane v1, v7  }
0x132: {  	v0 =	vadd.f32 v10, v0  }
0x133: {  	v1 =	vadd.f32 v3, v1  }
0x134: {  	s19 =	simm.s32 $0x0;
	v10 =	vperm.xlane v0, v7  }
0x135: {  	s21 =	sand.u32 $0xF0, s19;
	[tilespmem:$0x1FE60] =	vst v1;
	v1 =	vperm.xlane v1, v8  }
0x136: {  	s20 =	simm.s32 $0x3100;
	v0 =	vadd.f32 v10, v0;
	v10 =	vld [tilespmem:s21+$0x1900]  }
0x137: {  	[tilespmem:$0x1FE70] =	vst v1;
	v1 =	vld [tilespmem:s20+$0x0];
	_ =	sdelay $0x1  }
0x138: {  	[tilespmem:$0x1FE80] =	vst v0;
	v0 =	vperm.xlane v0, v8;
	_ =	sdelay $0x1  }
0x139: {  	s19 =	simm.s32 $0x10;
	v3 =	vimm.f32 $0.0e+00;
	[tilespmem:$0x1FE90] =	vst v0;
	v0 =	vimm.f32 $0.0e+00;
	s20 =	simm.s32 $0x3110  }
.LBB2_24:
0x13a: {  	s21 =	sand.u32 $0xF0, s19;
	p0 =	sne.s32 s19, $0xF0;
	s19 =	sadd.s32 $0x10, s19;
	v11 =	vmul.f32 v1, v10;
	v1 =	vld [tilespmem:s20+$0x0];
	v12 =	vmul.f32 v10, v10  }
.Ltmp11:
0x13b: {  	v10 =	vld [tilespmem:s21+$0x1900];
	(pc) =	sbr.rel @p0 .LBB2_24-.Ltmp11, $2  }
0x13c: {  	v0 =	vadd.f32 v11, v0;
	v3 =	vadd.f32 v12, v3;
	_ =	sdelay $0x2  }
0x13d: {  	s20 =	sadd.s32 $0x10, s20  }
0x13e: {  	v11 =	vmul.f32 v10, v10;
	_ =	sdelay $0x1  }
0x13f: {  	v1 =	vmul.f32 v1, v10;
	v3 =	vadd.f32 v11, v3;
	_ =	sdelay $0x1  }
0x140: {  	v0 =	vadd.f32 v1, v0;
	v1 =	vperm.xlane v3, v5;
	_ =	sdelay $0x1  }
0x141: {  	v1 =	vadd.f32 v1, v3  }
0x142: {  	v10 =	vperm.xlane v0, v5  }
0x143: {  	v3 =	vperm.xlane v1, v6  }
0x144: {  	v0 =	vadd.f32 v10, v0  }
0x145: {  	v1 =	vadd.f32 v3, v1  }
0x146: {  	v10 =	vperm.xlane v0, v6  }
0x147: {  	v3 =	vperm.xlane v1, v7  }
0x148: {  	v0 =	vadd.f32 v10, v0  }
0x149: {  	v1 =	vadd.f32 v3, v1  }
0x14a: {  	s19 =	simm.s32 $0x0;
	v10 =	vperm.xlane v0, v7  }
0x14b: {  	s21 =	sand.u32 $0xF0, s19;
	[tilespmem:$0x1FE20] =	vst v1;
	v1 =	vperm.xlane v1, v8  }
0x14c: {  	s20 =	simm.s32 $0x3100;
	v0 =	vadd.f32 v10, v0;
	v10 =	vld [tilespmem:s21+$0x1A00]  }
0x14d: {  	[tilespmem:$0x1FE30] =	vst v1;
	v1 =	vld [tilespmem:s20+$0x0];
	_ =	sdelay $0x1  }
0x14e: {  	[tilespmem:$0x1FE40] =	vst v0;
	v0 =	vperm.xlane v0, v8;
	_ =	sdelay $0x1  }
0x14f: {  	s19 =	simm.s32 $0x10;
	v3 =	vimm.f32 $0.0e+00;
	[tilespmem:$0x1FE50] =	vst v0;
	v0 =	vimm.f32 $0.0e+00;
	s20 =	simm.s32 $0x3110  }
.LBB2_26:
0x150: {  	s21 =	sand.u32 $0xF0, s19;
	p0 =	sne.s32 s19, $0xF0;
	s19 =	sadd.s32 $0x10, s19;
	v11 =	vmul.f32 v1, v10;
	v1 =	vld [tilespmem:s20+$0x0];
	v12 =	vmul.f32 v10, v10  }
.Ltmp12:
0x151: {  	v10 =	vld [tilespmem:s21+$0x1A00];
	(pc) =	sbr.rel @p0 .LBB2_26-.Ltmp12, $2  }
0x152: {  	v0 =	vadd.f32 v11, v0;
	v3 =	vadd.f32 v12, v3;
	_ =	sdelay $0x2  }
0x153: {  	s20 =	sadd.s32 $0x10, s20  }
0x154: {  	v11 =	vmul.f32 v10, v10;
	_ =	sdelay $0x1  }
0x155: {  	v1 =	vmul.f32 v1, v10;
	v3 =	vadd.f32 v11, v3;
	_ =	sdelay $0x1  }
0x156: {  	v0 =	vadd.f32 v1, v0;
	v1 =	vperm.xlane v3, v5;
	_ =	sdelay $0x1  }
0x157: {  	v1 =	vadd.f32 v1, v3  }
0x158: {  	v10 =	vperm.xlane v0, v5  }
0x159: {  	v3 =	vperm.xlane v1, v6  }
0x15a: {  	v0 =	vadd.f32 v10, v0  }
0x15b: {  	v1 =	vadd.f32 v3, v1  }
0x15c: {  	v10 =	vperm.xlane v0, v6  }
0x15d: {  	v3 =	vperm.xlane v1, v7  }
0x15e: {  	v0 =	vadd.f32 v10, v0  }
0x15f: {  	v1 =	vadd.f32 v3, v1  }
0x160: {  	s19 =	simm.s32 $0x0;
	v10 =	vperm.xlane v0, v7  }
0x161: {  	s21 =	sand.u32 $0xF0, s19;
	[tilespmem:$0x1FDE0] =	vst v1;
	v1 =	vperm.xlane v1, v8  }
0x162: {  	s20 =	simm.s32 $0x3100;
	v0 =	vadd.f32 v10, v0;
	v10 =	vld [tilespmem:s21+$0x1B00]  }
0x163: {  	[tilespmem:$0x1FDF0] =	vst v1;
	v1 =	vld [tilespmem:s20+$0x0];
	_ =	sdelay $0x1  }
0x164: {  	[tilespmem:$0x1FE00] =	vst v0;
	v0 =	vperm.xlane v0, v8;
	_ =	sdelay $0x1  }
0x165: {  	s19 =	simm.s32 $0x10;
	v3 =	vimm.f32 $0.0e+00;
	[tilespmem:$0x1FE10] =	vst v0;
	v0 =	vimm.f32 $0.0e+00;
	s20 =	simm.s32 $0x3110  }
.LBB2_28:
0x166: {  	s21 =	sand.u32 $0xF0, s19;
	p0 =	sne.s32 s19, $0xF0;
	s19 =	sadd.s32 $0x10, s19;
	v11 =	vmul.f32 v1, v10;
	v1 =	vld [tilespmem:s20+$0x0];
	v12 =	vmul.f32 v10, v10  }
.Ltmp13:
0x167: {  	v10 =	vld [tilespmem:s21+$0x1B00];
	(pc) =	sbr.rel @p0 .LBB2_28-.Ltmp13, $2  }
0x168: {  	v0 =	vadd.f32 v11, v0;
	v3 =	vadd.f32 v12, v3;
	_ =	sdelay $0x2  }
0x169: {  	s20 =	sadd.s32 $0x10, s20  }
0x16a: {  	v11 =	vmul.f32 v10, v10;
	_ =	sdelay $0x1  }
0x16b: {  	v1 =	vmul.f32 v1, v10;
	v3 =	vadd.f32 v11, v3;
	_ =	sdelay $0x1  }
0x16c: {  	v0 =	vadd.f32 v1, v0;
	v1 =	vperm.xlane v3, v5;
	_ =	sdelay $0x1  }
0x16d: {  	v1 =	vadd.f32 v1, v3  }
0x16e: {  	v10 =	vperm.xlane v0, v5  }
0x16f: {  	v3 =	vperm.xlane v1, v6  }
0x170: {  	v0 =	vadd.f32 v10, v0  }
0x171: {  	v1 =	vadd.f32 v3, v1  }
0x172: {  	v10 =	vperm.xlane v0, v6  }
0x173: {  	v3 =	vperm.xlane v1, v7  }
0x174: {  	v0 =	vadd.f32 v10, v0  }
0x175: {  	v40 =	vadd.f32 v3, v1  }
0x176: {  	s19 =	simm.s32 $0x0;
	v10 =	vperm.xlane v0, v7  }
0x177: {  	s21 =	sand.u32 $0xF0, s19;
	v1 =	vperm.xlane v40, v8  }
0x178: {  	s20 =	simm.s32 $0x3100;
	v0 =	vadd.f32 v10, v0;
	v10 =	vld [tilespmem:s21+$0x1C00]  }
0x179: {  	[tilespmem:$0x1FDB0] =	vst v1;
	v1 =	vld [tilespmem:s20+$0x0];
	_ =	sdelay $0x1  }
0x17a: {  	[tilespmem:$0x1FDC0] =	vst v0;
	v0 =	vperm.xlane v0, v8;
	_ =	sdelay $0x1  }
0x17b: {  	s19 =	simm.s32 $0x10;
	v3 =	vimm.f32 $0.0e+00;
	[tilespmem:$0x1FDD0] =	vst v0;
	v0 =	vimm.f32 $0.0e+00;
	s20 =	simm.s32 $0x3110  }
.LBB2_30:
0x17c: {  	s21 =	sand.u32 $0xF0, s19;
	p0 =	sne.s32 s19, $0xF0;
	s19 =	sadd.s32 $0x10, s19;
	v11 =	vmul.f32 v1, v10;
	v1 =	vld [tilespmem:s20+$0x0];
	v12 =	vmul.f32 v10, v10  }
.Ltmp14:
0x17d: {  	v10 =	vld [tilespmem:s21+$0x1C00];
	(pc) =	sbr.rel @p0 .LBB2_30-.Ltmp14, $2  }
0x17e: {  	v0 =	vadd.f32 v11, v0;
	v3 =	vadd.f32 v12, v3;
	_ =	sdelay $0x2  }
0x17f: {  	s20 =	sadd.s32 $0x10, s20  }
0x180: {  	v11 =	vmul.f32 v10, v10;
	_ =	sdelay $0x1  }
0x181: {  	v1 =	vmul.f32 v1, v10;
	v3 =	vadd.f32 v11, v3;
	_ =	sdelay $0x1  }
0x182: {  	v0 =	vadd.f32 v1, v0;
	v1 =	vperm.xlane v3, v5;
	_ =	sdelay $0x1  }
0x183: {  	v1 =	vadd.f32 v1, v3  }
0x184: {  	v10 =	vperm.xlane v0, v5  }
0x185: {  	v3 =	vperm.xlane v1, v6  }
0x186: {  	v0 =	vadd.f32 v10, v0  }
0x187: {  	v1 =	vadd.f32 v3, v1  }
0x188: {  	v10 =	vperm.xlane v0, v6  }
0x189: {  	v3 =	vperm.xlane v1, v7  }
0x18a: {  	v0 =	vadd.f32 v10, v0  }
0x18b: {  	v53 =	vadd.f32 v3, v1  }
0x18c: {  	s19 =	simm.s32 $0x0;
	v10 =	vperm.xlane v0, v7  }
0x18d: {  	s21 =	sand.u32 $0xF0, s19;
	v1 =	vperm.xlane v53, v8  }
0x18e: {  	s20 =	simm.s32 $0x3100;
	v0 =	vadd.f32 v10, v0;
	v10 =	vld [tilespmem:s21+$0x1D00]  }
0x18f: {  	[tilespmem:$0x1FD80] =	vst v1;
	v1 =	vld [tilespmem:s20+$0x0];
	_ =	sdelay $0x1  }
0x190: {  	[tilespmem:$0x1FD90] =	vst v0;
	v0 =	vperm.xlane v0, v8;
	_ =	sdelay $0x1  }
0x191: {  	s19 =	simm.s32 $0x10;
	v3 =	vimm.f32 $0.0e+00;
	[tilespmem:$0x1FDA0] =	vst v0;
	v0 =	vimm.f32 $0.0e+00;
	s20 =	simm.s32 $0x3110  }
.LBB2_32:
0x192: {  	s21 =	sand.u32 $0xF0, s19;
	p0 =	sne.s32 s19, $0xF0;
	s19 =	sadd.s32 $0x10, s19;
	v11 =	vmul.f32 v1, v10;
	v1 =	vld [tilespmem:s20+$0x0];
	v12 =	vmul.f32 v10, v10  }
.Ltmp15:
0x193: {  	v10 =	vld [tilespmem:s21+$0x1D00];
	(pc) =	sbr.rel @p0 .LBB2_32-.Ltmp15, $2  }
0x194: {  	v0 =	vadd.f32 v11, v0;
	v3 =	vadd.f32 v12, v3;
	_ =	sdelay $0x2  }
0x195: {  	s20 =	sadd.s32 $0x10, s20  }
0x196: {  	v11 =	vmul.f32 v10, v10;
	_ =	sdelay $0x1  }
0x197: {  	v1 =	vmul.f32 v1, v10;
	v3 =	vadd.f32 v11, v3;
	_ =	sdelay $0x1  }
0x198: {  	v0 =	vadd.f32 v1, v0;
	v1 =	vperm.xlane v3, v5;
	_ =	sdelay $0x1  }
0x199: {  	v1 =	vadd.f32 v1, v3  }
0x19a: {  	v10 =	vperm.xlane v0, v5  }
0x19b: {  	v3 =	vperm.xlane v1, v6  }
0x19c: {  	v0 =	vadd.f32 v10, v0  }
0x19d: {  	v1 =	vadd.f32 v3, v1  }
0x19e: {  	v10 =	vperm.xlane v0, v6  }
0x19f: {  	v3 =	vperm.xlane v1, v7  }
0x1a0: {  	v0 =	vadd.f32 v10, v0  }
0x1a1: {  	v50 =	vadd.f32 v3, v1  }
0x1a2: {  	s19 =	simm.s32 $0x0;
	v10 =	vperm.xlane v0, v7  }
0x1a3: {  	s21 =	sand.u32 $0xF0, s19;
	v1 =	vperm.xlane v50, v8  }
0x1a4: {  	s20 =	simm.s32 $0x3100;
	v0 =	vadd.f32 v10, v0;
	v10 =	vld [tilespmem:s21+$0x1E00]  }
0x1a5: {  	[tilespmem:$0x1FD50] =	vst v1;
	v1 =	vld [tilespmem:s20+$0x0];
	_ =	sdelay $0x1  }
0x1a6: {  	[tilespmem:$0x1FD60] =	vst v0;
	v0 =	vperm.xlane v0, v8;
	_ =	sdelay $0x1  }
0x1a7: {  	s19 =	simm.s32 $0x10;
	v3 =	vimm.f32 $0.0e+00;
	[tilespmem:$0x1FD70] =	vst v0;
	v0 =	vimm.f32 $0.0e+00;
	s20 =	simm.s32 $0x3110  }
.LBB2_34:
0x1a8: {  	s21 =	sand.u32 $0xF0, s19;
	p0 =	sne.s32 s19, $0xF0;
	s19 =	sadd.s32 $0x10, s19;
	v11 =	vmul.f32 v1, v10;
	v1 =	vld [tilespmem:s20+$0x0];
	v12 =	vmul.f32 v10, v10  }
.Ltmp16:
0x1a9: {  	v10 =	vld [tilespmem:s21+$0x1E00];
	(pc) =	sbr.rel @p0 .LBB2_34-.Ltmp16, $2  }
0x1aa: {  	v0 =	vadd.f32 v11, v0;
	v3 =	vadd.f32 v12, v3;
	_ =	sdelay $0x2  }
0x1ab: {  	s20 =	sadd.s32 $0x10, s20  }
0x1ac: {  	v11 =	vmul.f32 v10, v10  }
0x1ad: {  	v1 =	vmul.f32 v1, v10  }
0x1ae: {  	v3 =	vadd.f32 v11, v3  }
0x1af: {  	v0 =	vadd.f32 v1, v0  }
0x1b0: {  	v1 =	vperm.xlane v3, v5  }
0x1b1: {  	v10 =	vperm.xlane v0, v5  }
0x1b2: {  	v1 =	vadd.f32 v1, v3  }
0x1b3: {  	v0 =	vadd.f32 v10, v0  }
0x1b4: {  	v3 =	vperm.xlane v1, v6  }
0x1b5: {  	v10 =	vperm.xlane v0, v6  }
0x1b6: {  	v1 =	vadd.f32 v3, v1  }
0x1b7: {  	v3 =	vadd.f32 v10, v0  }
0x1b8: {  	s19 =	simm.s32 $0x0;
	v0 =	vperm.xlane v1, v7  }
0x1b9: {  	s21 =	sand.u32 $0xF0, s19;
	v10 =	vperm.xlane v3, v7  }
0x1ba: {  	s20 =	simm.s32 $0x3100;
	v11 =	vld [tilespmem:s21+$0x1F00];
	v0 =	vadd.f32 v0, v1  }
0x1bb: {  	v1 =	vadd.f32 v10, v3;
	v3 =	vld [tilespmem:s20+$0x0]  }
0x1bc: {  	v2 =	vperm.xlane v0, v8  }
0x1bd: {  	[tilespmem:$0x1FD30] =	vst v1;
	v1 =	vperm.xlane v1, v8  }
0x1be: {  	[tilespmem:$0x1FD20] =	vst v2  }
0x1bf: {  	s19 =	simm.s32 $0x10;
	s20 =	simm.s32 $0x3110;
	v10 =	vimm.f32 $0.0e+00;
	[tilespmem:$0x1FD40] =	vst v1;
	v1 =	vimm.f32 $0.0e+00  }
.LBB2_36:
0x1c0: {  	s21 =	sand.u32 $0xF0, s19;
	p0 =	sne.s32 s19, $0xF0;
	s19 =	sadd.s32 $0x10, s19;
	v12 =	vmul.f32 v3, v11;
	v3 =	vld [tilespmem:s20+$0x0];
	v13 =	vmul.f32 v11, v11  }
.Ltmp17:
0x1c1: {  	v11 =	vld [tilespmem:s21+$0x1F00];
	(pc) =	sbr.rel @p0 .LBB2_36-.Ltmp17, $2  }
0x1c2: {  	v1 =	vadd.f32 v12, v1;
	v10 =	vadd.f32 v13, v10;
	_ =	sdelay $0x2  }
0x1c3: {  	s20 =	sadd.s32 $0x10, s20  }
0x1c4: {  	v12 =	vmul.f32 v11, v11  }
0x1c5: {  	v3 =	vmul.f32 v3, v11  }
0x1c6: {  	v10 =	vadd.f32 v12, v10  }
0x1c7: {  	v1 =	vadd.f32 v3, v1  }
0x1c8: {  	v3 =	vperm.xlane v10, v5  }
0x1c9: {  	v11 =	vperm.xlane v1, v5  }
0x1ca: {  	v3 =	vadd.f32 v3, v10  }
0x1cb: {  	v1 =	vadd.f32 v11, v1  }
0x1cc: {  	v10 =	vperm.xlane v3, v6  }
0x1cd: {  	v11 =	vperm.xlane v1, v6  }
0x1ce: {  	v3 =	vadd.f32 v10, v3  }
0x1cf: {  	v1 =	vadd.f32 v11, v1  }
0x1d0: {  	v10 =	vperm.xlane v3, v7  }
0x1d1: {  	s19 =	simm.s32 $0x0;
	s20 =	simm.s32 $0x3100;
	v12 =	vperm.xlane v1, v7  }
0x1d2: {  	s21 =	sand.u32 $0xF0, s19;
	v11 =	vadd.f32 v10, v3;
	v3 =	vld [tilespmem:s20+$0x0]  }
0x1d3: {  	v1 =	vadd.f32 v12, v1;
	v12 =	vld [tilespmem:s21+$0x2000]  }
0x1d4: {  	v2 =	vperm.xlane v11, v8  }
0x1d5: {  	[tilespmem:$0x1FD00] =	vst v1;
	v1 =	vperm.xlane v1, v8  }
0x1d6: {  	[tilespmem:$0x1FCF0] =	vst v2  }
0x1d7: {  	s19 =	simm.s32 $0x10;
	s20 =	simm.s32 $0x3110;
	v10 =	vimm.f32 $0.0e+00;
	[tilespmem:$0x1FD10] =	vst v1;
	v1 =	vimm.f32 $0.0e+00  }
.LBB2_38:
0x1d8: {  	s21 =	sand.u32 $0xF0, s19;
	p0 =	sne.s32 s19, $0xF0;
	s19 =	sadd.s32 $0x10, s19;
	v13 =	vmul.f32 v3, v12;
	v3 =	vld [tilespmem:s20+$0x0];
	v14 =	vmul.f32 v12, v12  }
.Ltmp18:
0x1d9: {  	v12 =	vld [tilespmem:s21+$0x2000];
	(pc) =	sbr.rel @p0 .LBB2_38-.Ltmp18, $2  }
0x1da: {  	v1 =	vadd.f32 v13, v1;
	v10 =	vadd.f32 v14, v10;
	_ =	sdelay $0x2  }
0x1db: {  	s20 =	sadd.s32 $0x10, s20  }
0x1dc: {  	v13 =	vmul.f32 v12, v12  }
0x1dd: {  	v3 =	vmul.f32 v3, v12  }
0x1de: {  	v10 =	vadd.f32 v13, v10  }
0x1df: {  	v1 =	vadd.f32 v3, v1  }
0x1e0: {  	v3 =	vperm.xlane v10, v5  }
0x1e1: {  	v12 =	vperm.xlane v1, v5  }
0x1e2: {  	v3 =	vadd.f32 v3, v10  }
0x1e3: {  	v1 =	vadd.f32 v12, v1  }
0x1e4: {  	v10 =	vperm.xlane v3, v6  }
0x1e5: {  	v12 =	vperm.xlane v1, v6  }
0x1e6: {  	v3 =	vadd.f32 v10, v3  }
0x1e7: {  	v1 =	vadd.f32 v12, v1  }
0x1e8: {  	v10 =	vperm.xlane v3, v7  }
0x1e9: {  	s19 =	simm.s32 $0x0;
	s20 =	simm.s32 $0x3100;
	v12 =	vperm.xlane v1, v7  }
0x1ea: {  	s21 =	sand.u32 $0xF0, s19;
	v25 =	vadd.f32 v10, v3;
	v3 =	vld [tilespmem:s20+$0x0]  }
0x1eb: {  	v1 =	vadd.f32 v12, v1;
	v12 =	vld [tilespmem:s21+$0x2100]  }
0x1ec: {  	v2 =	vperm.xlane v25, v8  }
0x1ed: {  	[tilespmem:$0x1FCD0] =	vst v1;
	v1 =	vperm.xlane v1, v8  }
0x1ee: {  	[tilespmem:$0x1FCC0] =	vst v2  }
0x1ef: {  	s19 =	simm.s32 $0x10;
	s20 =	simm.s32 $0x3110;
	v10 =	vimm.f32 $0.0e+00;
	[tilespmem:$0x1FCE0] =	vst v1;
	v1 =	vimm.f32 $0.0e+00  }
.LBB2_40:
0x1f0: {  	s21 =	sand.u32 $0xF0, s19;
	p0 =	sne.s32 s19, $0xF0;
	s19 =	sadd.s32 $0x10, s19;
	v13 =	vmul.f32 v3, v12;
	v3 =	vld [tilespmem:s20+$0x0];
	v14 =	vmul.f32 v12, v12  }
.Ltmp19:
0x1f1: {  	v12 =	vld [tilespmem:s21+$0x2100];
	(pc) =	sbr.rel @p0 .LBB2_40-.Ltmp19, $2  }
0x1f2: {  	v1 =	vadd.f32 v13, v1;
	v10 =	vadd.f32 v14, v10;
	_ =	sdelay $0x2  }
0x1f3: {  	s20 =	sadd.s32 $0x10, s20  }
0x1f4: {  	v13 =	vmul.f32 v12, v12  }
0x1f5: {  	v3 =	vmul.f32 v3, v12  }
0x1f6: {  	v10 =	vadd.f32 v13, v10  }
0x1f7: {  	v1 =	vadd.f32 v3, v1  }
0x1f8: {  	v3 =	vperm.xlane v10, v5  }
0x1f9: {  	v12 =	vperm.xlane v1, v5  }
0x1fa: {  	v3 =	vadd.f32 v3, v10  }
0x1fb: {  	v1 =	vadd.f32 v12, v1  }
0x1fc: {  	v10 =	vperm.xlane v3, v6  }
0x1fd: {  	v12 =	vperm.xlane v1, v6  }
0x1fe: {  	v3 =	vadd.f32 v10, v3  }
0x1ff: {  	v1 =	vadd.f32 v12, v1  }
0x200: {  	v10 =	vperm.xlane v3, v7  }
0x201: {  	s19 =	simm.s32 $0x0;
	s20 =	simm.s32 $0x3100;
	v12 =	vperm.xlane v1, v7  }
0x202: {  	s21 =	sand.u32 $0xF0, s19;
	v39 =	vadd.f32 v10, v3;
	v3 =	vld [tilespmem:s20+$0x0]  }
0x203: {  	v1 =	vadd.f32 v12, v1;
	v12 =	vld [tilespmem:s21+$0x2200]  }
0x204: {  	v2 =	vperm.xlane v39, v8  }
0x205: {  	[tilespmem:$0x1FCA0] =	vst v1;
	v1 =	vperm.xlane v1, v8  }
0x206: {  	[tilespmem:$0x1FC90] =	vst v2  }
0x207: {  	s19 =	simm.s32 $0x10;
	s20 =	simm.s32 $0x3110;
	v10 =	vimm.f32 $0.0e+00;
	[tilespmem:$0x1FCB0] =	vst v1;
	v1 =	vimm.f32 $0.0e+00  }
.LBB2_42:
0x208: {  	s21 =	sand.u32 $0xF0, s19;
	p0 =	sne.s32 s19, $0xF0;
	s19 =	sadd.s32 $0x10, s19;
	v13 =	vmul.f32 v3, v12;
	v3 =	vld [tilespmem:s20+$0x0];
	v14 =	vmul.f32 v12, v12  }
.Ltmp20:
0x209: {  	v12 =	vld [tilespmem:s21+$0x2200];
	(pc) =	sbr.rel @p0 .LBB2_42-.Ltmp20, $2  }
0x20a: {  	v1 =	vadd.f32 v13, v1;
	v10 =	vadd.f32 v14, v10;
	_ =	sdelay $0x2  }
0x20b: {  	s20 =	sadd.s32 $0x10, s20  }
0x20c: {  	v13 =	vmul.f32 v12, v12  }
0x20d: {  	v3 =	vmul.f32 v3, v12  }
0x20e: {  	v10 =	vadd.f32 v13, v10  }
0x20f: {  	v1 =	vadd.f32 v3, v1  }
0x210: {  	v3 =	vperm.xlane v10, v5  }
0x211: {  	v12 =	vperm.xlane v1, v5  }
0x212: {  	v3 =	vadd.f32 v3, v10  }
0x213: {  	v1 =	vadd.f32 v12, v1  }
0x214: {  	v10 =	vperm.xlane v3, v6  }
0x215: {  	v12 =	vperm.xlane v1, v6  }
0x216: {  	v3 =	vadd.f32 v10, v3  }
0x217: {  	v1 =	vadd.f32 v12, v1  }
0x218: {  	v10 =	vperm.xlane v3, v7  }
0x219: {  	s19 =	simm.s32 $0x0;
	s20 =	simm.s32 $0x3100;
	v12 =	vperm.xlane v1, v7  }
0x21a: {  	s21 =	sand.u32 $0xF0, s19;
	v51 =	vadd.f32 v10, v3;
	v3 =	vld [tilespmem:s20+$0x0]  }
0x21b: {  	v1 =	vadd.f32 v12, v1;
	v12 =	vld [tilespmem:s21+$0x2300]  }
0x21c: {  	v2 =	vperm.xlane v51, v8  }
0x21d: {  	[tilespmem:$0x1FC70] =	vst v1;
	v1 =	vperm.xlane v1, v8  }
0x21e: {  	[tilespmem:$0x1FC60] =	vst v2  }
0x21f: {  	s19 =	simm.s32 $0x10;
	s20 =	simm.s32 $0x3110;
	v10 =	vimm.f32 $0.0e+00;
	[tilespmem:$0x1FC80] =	vst v1;
	v1 =	vimm.f32 $0.0e+00  }
.LBB2_44:
0x220: {  	s21 =	sand.u32 $0xF0, s19;
	p0 =	sne.s32 s19, $0xF0;
	s19 =	sadd.s32 $0x10, s19;
	v13 =	vmul.f32 v3, v12;
	v3 =	vld [tilespmem:s20+$0x0];
	v14 =	vmul.f32 v12, v12  }
.Ltmp21:
0x221: {  	v12 =	vld [tilespmem:s21+$0x2300];
	(pc) =	sbr.rel @p0 .LBB2_44-.Ltmp21, $2  }
0x222: {  	v1 =	vadd.f32 v13, v1;
	v10 =	vadd.f32 v14, v10;
	_ =	sdelay $0x2  }
0x223: {  	s20 =	sadd.s32 $0x10, s20  }
0x224: {  	v13 =	vmul.f32 v12, v12;
	_ =	sdelay $0x1  }
0x225: {  	v3 =	vmul.f32 v3, v12;
	v10 =	vadd.f32 v13, v10;
	_ =	sdelay $0x1  }
0x226: {  	v1 =	vadd.f32 v3, v1;
	v3 =	vperm.xlane v10, v5;
	_ =	sdelay $0x1  }
0x227: {  	v12 =	vperm.xlane v1, v5;
	v3 =	vadd.f32 v3, v10;
	_ =	sdelay $0x1  }
0x228: {  	v1 =	vadd.f32 v12, v1;
	v10 =	vperm.xlane v3, v6;
	_ =	sdelay $0x1  }
0x229: {  	v12 =	vperm.xlane v1, v6;
	v3 =	vadd.f32 v10, v3;
	_ =	sdelay $0x1  }
0x22a: {  	v1 =	vadd.f32 v12, v1;
	v10 =	vperm.xlane v3, v7;
	_ =	sdelay $0x1  }
0x22b: {  	s19 =	simm.s32 $0x0;
	s20 =	simm.s32 $0x3100;
	v12 =	vperm.xlane v1, v7;
	v61 =	vadd.f32 v10, v3  }
0x22c: {  	s21 =	sand.u32 $0xF0, s19;
	v3 =	vld [tilespmem:s20+$0x0]  }
0x22d: {  	v41 =	vadd.f32 v12, v1;
	v12 =	vld [tilespmem:s21+$0x2400];
	v1 =	vperm.xlane v61, v8;
	_ =	sdelay $0x1  }
0x22e: {  	[tilespmem:$0x1FC40] =	vst v1;
	v1 =	vperm.xlane v41, v8;
	_ =	sdelay $0x1  }
0x22f: {  	s19 =	simm.s32 $0x10;
	s20 =	simm.s32 $0x3110;
	v10 =	vimm.f32 $0.0e+00;
	[tilespmem:$0x1FC50] =	vst v1;
	v1 =	vimm.f32 $0.0e+00  }
.LBB2_46:
0x230: {  	s21 =	sand.u32 $0xF0, s19;
	p0 =	sne.s32 s19, $0xF0;
	s19 =	sadd.s32 $0x10, s19;
	v13 =	vmul.f32 v3, v12;
	v3 =	vld [tilespmem:s20+$0x0];
	v14 =	vmul.f32 v12, v12  }
.Ltmp22:
0x231: {  	v12 =	vld [tilespmem:s21+$0x2400];
	(pc) =	sbr.rel @p0 .LBB2_46-.Ltmp22, $2  }
0x232: {  	v1 =	vadd.f32 v13, v1;
	v10 =	vadd.f32 v14, v10;
	_ =	sdelay $0x2  }
0x233: {  	s20 =	sadd.s32 $0x10, s20  }
0x234: {  	v13 =	vmul.f32 v12, v12;
	_ =	sdelay $0x1  }
0x235: {  	v3 =	vmul.f32 v3, v12;
	v10 =	vadd.f32 v13, v10;
	_ =	sdelay $0x1  }
0x236: {  	v1 =	vadd.f32 v3, v1;
	v3 =	vperm.xlane v10, v5;
	_ =	sdelay $0x1  }
0x237: {  	v12 =	vperm.xlane v1, v5;
	v3 =	vadd.f32 v3, v10;
	_ =	sdelay $0x1  }
0x238: {  	v1 =	vadd.f32 v12, v1;
	v10 =	vperm.xlane v3, v6;
	_ =	sdelay $0x1  }
0x239: {  	v12 =	vperm.xlane v1, v6;
	v3 =	vadd.f32 v10, v3;
	_ =	sdelay $0x1  }
0x23a: {  	v1 =	vadd.f32 v12, v1;
	v10 =	vperm.xlane v3, v7;
	_ =	sdelay $0x1  }
0x23b: {  	s19 =	simm.s32 $0x0;
	s20 =	simm.s32 $0x3100;
	v12 =	vperm.xlane v1, v7;
	v21 =	vadd.f32 v10, v3  }
0x23c: {  	s21 =	sand.u32 $0xF0, s19;
	v3 =	vld [tilespmem:s20+$0x0]  }
0x23d: {  	v35 =	vadd.f32 v12, v1;
	v12 =	vld [tilespmem:s21+$0x2500];
	v1 =	vperm.xlane v21, v8;
	_ =	sdelay $0x1  }
0x23e: {  	[tilespmem:$0x1FC20] =	vst v1;
	v1 =	vperm.xlane v35, v8;
	_ =	sdelay $0x1  }
0x23f: {  	s19 =	simm.s32 $0x10;
	s20 =	simm.s32 $0x3110;
	v10 =	vimm.f32 $0.0e+00;
	[tilespmem:$0x1FC30] =	vst v1;
	v1 =	vimm.f32 $0.0e+00  }
.LBB2_48:
0x240: {  	s21 =	sand.u32 $0xF0, s19;
	p0 =	sne.s32 s19, $0xF0;
	s19 =	sadd.s32 $0x10, s19;
	v13 =	vmul.f32 v3, v12;
	v3 =	vld [tilespmem:s20+$0x0];
	v14 =	vmul.f32 v12, v12  }
.Ltmp23:
0x241: {  	v12 =	vld [tilespmem:s21+$0x2500];
	(pc) =	sbr.rel @p0 .LBB2_48-.Ltmp23, $2  }
0x242: {  	v1 =	vadd.f32 v13, v1;
	v10 =	vadd.f32 v14, v10;
	_ =	sdelay $0x2  }
0x243: {  	s20 =	sadd.s32 $0x10, s20  }
0x244: {  	v13 =	vmul.f32 v12, v12;
	_ =	sdelay $0x1  }
0x245: {  	v3 =	vmul.f32 v3, v12;
	v10 =	vadd.f32 v13, v10;
	_ =	sdelay $0x1  }
0x246: {  	v1 =	vadd.f32 v3, v1;
	v3 =	vperm.xlane v10, v5;
	_ =	sdelay $0x1  }
0x247: {  	v12 =	vperm.xlane v1, v5;
	v3 =	vadd.f32 v3, v10;
	_ =	sdelay $0x1  }
0x248: {  	v1 =	vadd.f32 v12, v1;
	v10 =	vperm.xlane v3, v6;
	_ =	sdelay $0x1  }
0x249: {  	v12 =	vperm.xlane v1, v6;
	v3 =	vadd.f32 v10, v3;
	_ =	sdelay $0x1  }
0x24a: {  	v1 =	vadd.f32 v12, v1;
	v10 =	vperm.xlane v3, v7;
	_ =	sdelay $0x1  }
0x24b: {  	s19 =	simm.s32 $0x0;
	s20 =	simm.s32 $0x3100;
	v12 =	vperm.xlane v1, v7;
	v44 =	vadd.f32 v10, v3  }
0x24c: {  	s21 =	sand.u32 $0xF0, s19;
	v3 =	vld [tilespmem:s20+$0x0]  }
0x24d: {  	v57 =	vadd.f32 v12, v1;
	v12 =	vld [tilespmem:s21+$0x2600];
	v1 =	vperm.xlane v44, v8;
	_ =	sdelay $0x1  }
0x24e: {  	[tilespmem:$0x1FC00] =	vst v1;
	v1 =	vperm.xlane v57, v8;
	_ =	sdelay $0x1  }
0x24f: {  	s19 =	simm.s32 $0x10;
	s20 =	simm.s32 $0x3110;
	v10 =	vimm.f32 $0.0e+00;
	[tilespmem:$0x1FC10] =	vst v1;
	v1 =	vimm.f32 $0.0e+00  }
.LBB2_50:
0x250: {  	s21 =	sand.u32 $0xF0, s19;
	p0 =	sne.s32 s19, $0xF0;
	s19 =	sadd.s32 $0x10, s19;
	v13 =	vmul.f32 v3, v12;
	v3 =	vld [tilespmem:s20+$0x0];
	v14 =	vmul.f32 v12, v12  }
.Ltmp24:
0x251: {  	v12 =	vld [tilespmem:s21+$0x2600];
	(pc) =	sbr.rel @p0 .LBB2_50-.Ltmp24, $2  }
0x252: {  	v1 =	vadd.f32 v13, v1;
	v10 =	vadd.f32 v14, v10;
	_ =	sdelay $0x2  }
0x253: {  	s20 =	sadd.s32 $0x10, s20  }
0x254: {  	v13 =	vmul.f32 v12, v12  }
0x255: {  	v3 =	vmul.f32 v3, v12  }
0x256: {  	v10 =	vadd.f32 v13, v10  }
0x257: {  	v1 =	vadd.f32 v3, v1  }
0x258: {  	v3 =	vperm.xlane v10, v5  }
0x259: {  	v12 =	vperm.xlane v1, v5  }
0x25a: {  	v3 =	vadd.f32 v3, v10  }
0x25b: {  	v1 =	vadd.f32 v12, v1  }
0x25c: {  	v10 =	vperm.xlane v3, v6  }
0x25d: {  	v12 =	vperm.xlane v1, v6  }
0x25e: {  	v3 =	vadd.f32 v10, v3  }
0x25f: {  	v1 =	vadd.f32 v12, v1  }
0x260: {  	v10 =	vperm.xlane v3, v7  }
0x261: {  	s19 =	simm.s32 $0x0;
	s20 =	simm.s32 $0x3100;
	v12 =	vperm.xlane v1, v7  }
0x262: {  	s21 =	sand.u32 $0xF0, s19;
	v31 =	vadd.f32 v10, v3;
	v3 =	vld [tilespmem:s20+$0x0]  }
0x263: {  	v1 =	vadd.f32 v12, v1;
	v12 =	vld [tilespmem:s21+$0x2700]  }
0x264: {  	v2 =	vperm.xlane v31, v8  }
0x265: {  	[tilespmem:$0x1FBE0] =	vst v1;
	v1 =	vperm.xlane v1, v8  }
0x266: {  	[tilespmem:$0x1FBD0] =	vst v2  }
0x267: {  	s19 =	simm.s32 $0x10;
	s20 =	simm.s32 $0x3110;
	v10 =	vimm.f32 $0.0e+00;
	[tilespmem:$0x1FBF0] =	vst v1;
	v1 =	vimm.f32 $0.0e+00  }
.LBB2_52:
0x268: {  	s21 =	sand.u32 $0xF0, s19;
	p0 =	sne.s32 s19, $0xF0;
	s19 =	sadd.s32 $0x10, s19;
	v13 =	vmul.f32 v3, v12;
	v3 =	vld [tilespmem:s20+$0x0];
	v14 =	vmul.f32 v12, v12  }
.Ltmp25:
0x269: {  	v12 =	vld [tilespmem:s21+$0x2700];
	(pc) =	sbr.rel @p0 .LBB2_52-.Ltmp25, $2  }
0x26a: {  	v1 =	vadd.f32 v13, v1;
	v10 =	vadd.f32 v14, v10;
	_ =	sdelay $0x2  }
0x26b: {  	s20 =	sadd.s32 $0x10, s20  }
0x26c: {  	v13 =	vmul.f32 v12, v12  }
0x26d: {  	v3 =	vmul.f32 v3, v12  }
0x26e: {  	v10 =	vadd.f32 v13, v10  }
0x26f: {  	v1 =	vadd.f32 v3, v1  }
0x270: {  	v3 =	vperm.xlane v10, v5  }
0x271: {  	v12 =	vperm.xlane v1, v5  }
0x272: {  	v3 =	vadd.f32 v3, v10  }
0x273: {  	v1 =	vadd.f32 v12, v1  }
0x274: {  	v10 =	vperm.xlane v3, v6  }
0x275: {  	v12 =	vperm.xlane v1, v6  }
0x276: {  	v3 =	vadd.f32 v10, v3  }
0x277: {  	v1 =	vadd.f32 v12, v1  }
0x278: {  	v10 =	vperm.xlane v3, v7  }
0x279: {  	s19 =	simm.s32 $0x0;
	s20 =	simm.s32 $0x3100;
	v13 =	vperm.xlane v1, v7  }
0x27a: {  	s21 =	sand.u32 $0xF0, s19;
	v12 =	vadd.f32 v10, v3;
	v3 =	vld [tilespmem:s20+$0x0]  }
0x27b: {  	v1 =	vadd.f32 v13, v1;
	v13 =	vld [tilespmem:s21+$0x2800]  }
0x27c: {  	v2 =	vperm.xlane v12, v8  }
0x27d: {  	[tilespmem:$0x1FBB0] =	vst v1;
	v1 =	vperm.xlane v1, v8  }
0x27e: {  	[tilespmem:$0x1FBA0] =	vst v2  }
0x27f: {  	s19 =	simm.s32 $0x10;
	s20 =	simm.s32 $0x3110;
	v10 =	vimm.f32 $0.0e+00;
	[tilespmem:$0x1FBC0] =	vst v1;
	v1 =	vimm.f32 $0.0e+00  }
.LBB2_54:
0x280: {  	s21 =	sand.u32 $0xF0, s19;
	p0 =	sne.s32 s19, $0xF0;
	s19 =	sadd.s32 $0x10, s19;
	v14 =	vmul.f32 v3, v13;
	v3 =	vld [tilespmem:s20+$0x0];
	v15 =	vmul.f32 v13, v13  }
.Ltmp26:
0x281: {  	v13 =	vld [tilespmem:s21+$0x2800];
	(pc) =	sbr.rel @p0 .LBB2_54-.Ltmp26, $2  }
0x282: {  	v1 =	vadd.f32 v14, v1;
	v10 =	vadd.f32 v15, v10;
	_ =	sdelay $0x2  }
0x283: {  	s20 =	sadd.s32 $0x10, s20  }
0x284: {  	v14 =	vmul.f32 v13, v13  }
0x285: {  	v3 =	vmul.f32 v3, v13  }
0x286: {  	v10 =	vadd.f32 v14, v10  }
0x287: {  	v1 =	vadd.f32 v3, v1  }
0x288: {  	v3 =	vperm.xlane v10, v5  }
0x289: {  	v13 =	vperm.xlane v1, v5  }
0x28a: {  	v3 =	vadd.f32 v3, v10  }
0x28b: {  	v1 =	vadd.f32 v13, v1  }
0x28c: {  	v10 =	vperm.xlane v3, v6  }
0x28d: {  	v13 =	vperm.xlane v1, v6  }
0x28e: {  	v3 =	vadd.f32 v10, v3  }
0x28f: {  	v1 =	vadd.f32 v13, v1  }
0x290: {  	s19 =	simm.s32 $0x0;
	v10 =	vperm.xlane v3, v7  }
0x291: {  	s21 =	sand.u32 $0xF0, s19;
	v13 =	vperm.xlane v1, v7  }
0x292: {  	s20 =	simm.s32 $0x3100;
	v14 =	vld [tilespmem:s21+$0x2900];
	v15 =	vadd.f32 v10, v3  }
0x293: {  	v1 =	vadd.f32 v13, v1;
	v10 =	vld [tilespmem:s20+$0x0]  }
0x294: {  	v2 =	vperm.xlane v15, v8  }
0x295: {  	[tilespmem:$0x1FB80] =	vst v1;
	v1 =	vperm.xlane v1, v8  }
0x296: {  	[tilespmem:$0x1FB70] =	vst v2  }
0x297: {  	s19 =	simm.s32 $0x10;
	s20 =	simm.s32 $0x3110;
	v13 =	vimm.f32 $0.0e+00;
	[tilespmem:$0x1FB90] =	vst v1;
	v1 =	vimm.f32 $0.0e+00  }
.LBB2_56:
0x298: {  	s21 =	sand.u32 $0xF0, s19;
	p0 =	sne.s32 s19, $0xF0;
	s19 =	sadd.s32 $0x10, s19;
	v18 =	vmul.f32 v10, v14;
	v10 =	vld [tilespmem:s20+$0x0];
	v19 =	vmul.f32 v14, v14  }
.Ltmp27:
0x299: {  	v14 =	vld [tilespmem:s21+$0x2900];
	(pc) =	sbr.rel @p0 .LBB2_56-.Ltmp27, $2  }
0x29a: {  	v1 =	vadd.f32 v18, v1;
	v13 =	vadd.f32 v19, v13;
	_ =	sdelay $0x2  }
0x29b: {  	s20 =	sadd.s32 $0x10, s20  }
0x29c: {  	v18 =	vmul.f32 v14, v14  }
0x29d: {  	v10 =	vmul.f32 v10, v14  }
0x29e: {  	v13 =	vadd.f32 v18, v13  }
0x29f: {  	v1 =	vadd.f32 v10, v1  }
0x2a0: {  	v10 =	vperm.xlane v13, v5  }
0x2a1: {  	v14 =	vperm.xlane v1, v5  }
0x2a2: {  	v10 =	vadd.f32 v10, v13  }
0x2a3: {  	v1 =	vadd.f32 v14, v1  }
0x2a4: {  	v13 =	vperm.xlane v10, v6  }
0x2a5: {  	v14 =	vperm.xlane v1, v6  }
0x2a6: {  	v10 =	vadd.f32 v13, v10  }
0x2a7: {  	v13 =	vadd.f32 v14, v1  }
0x2a8: {  	s19 =	simm.s32 $0x0;
	v1 =	vperm.xlane v10, v7  }
0x2a9: {  	s21 =	sand.u32 $0xF0, s19;
	v14 =	vperm.xlane v13, v7  }
0x2aa: {  	s20 =	simm.s32 $0x3100;
	v18 =	vld [tilespmem:s21+$0x2A00];
	v1 =	vadd.f32 v1, v10  }
0x2ab: {  	v2 =	vadd.f32 v14, v13;
	v13 =	vld [tilespmem:s20+$0x0]  }
0x2ac: {  	v3 =	vperm.xlane v1, v8  }
0x2ad: {  	[tilespmem:$0x1FB50] =	vst v2;
	v2 =	vperm.xlane v2, v8  }
0x2ae: {  	[tilespmem:$0x1FB40] =	vst v3  }
0x2af: {  	s19 =	simm.s32 $0x10;
	v10 =	vimm.f32 $0.0e+00;
	s20 =	simm.s32 $0x3110;
	v14 =	vimm.f32 $0.0e+00;
	[tilespmem:$0x1FB60] =	vst v2  }
.LBB2_58:
0x2b0: {  	s21 =	sand.u32 $0xF0, s19;
	p0 =	sne.s32 s19, $0xF0;
	s19 =	sadd.s32 $0x10, s19;
	v19 =	vmul.f32 v13, v18;
	v13 =	vld [tilespmem:s20+$0x0];
	v22 =	vmul.f32 v18, v18  }
.Ltmp28:
0x2b1: {  	v18 =	vld [tilespmem:s21+$0x2A00];
	(pc) =	sbr.rel @p0 .LBB2_58-.Ltmp28, $2  }
0x2b2: {  	v10 =	vadd.f32 v19, v10;
	v14 =	vadd.f32 v22, v14;
	_ =	sdelay $0x2  }
0x2b3: {  	s20 =	sadd.s32 $0x10, s20  }
0x2b4: {  	v19 =	vmul.f32 v18, v18;
	_ =	sdelay $0x1  }
0x2b5: {  	v13 =	vmul.f32 v13, v18;
	v14 =	vadd.f32 v19, v14;
	_ =	sdelay $0x1  }
0x2b6: {  	v10 =	vadd.f32 v13, v10;
	v13 =	vperm.xlane v14, v5;
	_ =	sdelay $0x1  }
0x2b7: {  	v18 =	vperm.xlane v10, v5;
	v13 =	vadd.f32 v13, v14;
	_ =	sdelay $0x1  }
0x2b8: {  	v10 =	vadd.f32 v18, v10;
	v14 =	vperm.xlane v13, v6;
	_ =	sdelay $0x1  }
0x2b9: {  	v18 =	vperm.xlane v10, v6;
	v13 =	vadd.f32 v14, v13;
	_ =	sdelay $0x1  }
0x2ba: {  	v10 =	vadd.f32 v18, v10;
	v14 =	vperm.xlane v13, v7;
	_ =	sdelay $0x1  }
0x2bb: {  	s19 =	simm.s32 $0x0;
	s20 =	simm.s32 $0x3100;
	v19 =	vperm.xlane v10, v7;
	v18 =	vadd.f32 v14, v13  }
0x2bc: {  	s21 =	sand.u32 $0xF0, s19;
	v13 =	vld [tilespmem:s20+$0x0]  }
0x2bd: {  	v47 =	vadd.f32 v19, v10;
	v19 =	vld [tilespmem:s21+$0x2B00];
	v2 =	vperm.xlane v18, v8;
	_ =	sdelay $0x1  }
0x2be: {  	[tilespmem:$0x1FB20] =	vst v2;
	v2 =	vperm.xlane v47, v8;
	_ =	sdelay $0x1  }
0x2bf: {  	s19 =	simm.s32 $0x10;
	v10 =	vimm.f32 $0.0e+00;
	s20 =	simm.s32 $0x3110;
	v14 =	vimm.f32 $0.0e+00;
	[tilespmem:$0x1FB30] =	vst v2  }
.LBB2_60:
0x2c0: {  	s21 =	sand.u32 $0xF0, s19;
	p0 =	sne.s32 s19, $0xF0;
	s19 =	sadd.s32 $0x10, s19;
	v22 =	vmul.f32 v13, v19;
	v13 =	vld [tilespmem:s20+$0x0];
	v24 =	vmul.f32 v19, v19  }
.Ltmp29:
0x2c1: {  	v19 =	vld [tilespmem:s21+$0x2B00];
	(pc) =	sbr.rel @p0 .LBB2_60-.Ltmp29, $2  }
0x2c2: {  	v10 =	vadd.f32 v22, v10;
	v14 =	vadd.f32 v24, v14;
	_ =	sdelay $0x2  }
0x2c3: {  	s20 =	sadd.s32 $0x10, s20  }
0x2c4: {  	v22 =	vmul.f32 v19, v19;
	_ =	sdelay $0x1  }
0x2c5: {  	v13 =	vmul.f32 v13, v19;
	v14 =	vadd.f32 v22, v14;
	_ =	sdelay $0x1  }
0x2c6: {  	v10 =	vadd.f32 v13, v10;
	v13 =	vperm.xlane v14, v5;
	_ =	sdelay $0x1  }
0x2c7: {  	v19 =	vperm.xlane v10, v5;
	v13 =	vadd.f32 v13, v14;
	_ =	sdelay $0x1  }
0x2c8: {  	v10 =	vadd.f32 v19, v10;
	v14 =	vperm.xlane v13, v6;
	_ =	sdelay $0x1  }
0x2c9: {  	v19 =	vperm.xlane v10, v6;
	v13 =	vadd.f32 v14, v13;
	_ =	sdelay $0x1  }
0x2ca: {  	v10 =	vadd.f32 v19, v10;
	v14 =	vperm.xlane v13, v7  }
0x2cb: {  	s19 =	simm.s32 $0x0  }
0x2cc: {  	s21 =	sand.u32 $0xF0, s19;
	v22 =	vperm.xlane v10, v7;
	v19 =	vadd.f32 v14, v13  }
0x2cd: {  	s20 =	simm.s32 $0x3100;
	v26 =	vld [tilespmem:s21+$0x2C00]  }
0x2ce: {  	v13 =	vadd.f32 v22, v10;
	v14 =	vld [tilespmem:s20+$0x0];
	v2 =	vperm.xlane v19, v8;
	_ =	sdelay $0x1  }
0x2cf: {  	[tilespmem:$0x1FB00] =	vst v2;
	v2 =	vperm.xlane v13, v8;
	_ =	sdelay $0x1  }
0x2d0: {  	v24 =	vimm.f32 $0.0e+00;
	s19 =	simm.s32 $0x10;
	v10 =	vimm.f32 $0.0e+00;
	s20 =	simm.s32 $0x3110;
	[tilespmem:$0x1FB10] =	vst v2  }
.LBB2_62:
0x2d1: {  	s21 =	sand.u32 $0xF0, s19;
	p0 =	sne.s32 s19, $0xF0;
	s19 =	sadd.s32 $0x10, s19;
	v28 =	vmul.f32 v14, v26;
	v14 =	vld [tilespmem:s20+$0x0];
	v29 =	vmul.f32 v26, v26  }
.Ltmp30:
0x2d2: {  	v26 =	vld [tilespmem:s21+$0x2C00];
	(pc) =	sbr.rel @p0 .LBB2_62-.Ltmp30, $2  }
0x2d3: {  	v10 =	vadd.f32 v28, v10;
	v24 =	vadd.f32 v29, v24;
	_ =	sdelay $0x2  }
0x2d4: {  	s20 =	sadd.s32 $0x10, s20  }
0x2d5: {  	v28 =	vmul.f32 v26, v26;
	_ =	sdelay $0x1  }
0x2d6: {  	v14 =	vmul.f32 v14, v26;
	v24 =	vadd.f32 v28, v24;
	_ =	sdelay $0x1  }
0x2d7: {  	v10 =	vadd.f32 v14, v10;
	v14 =	vperm.xlane v24, v5;
	_ =	sdelay $0x1  }
0x2d8: {  	v26 =	vperm.xlane v10, v5;
	v14 =	vadd.f32 v14, v24;
	_ =	sdelay $0x1  }
0x2d9: {  	v10 =	vadd.f32 v26, v10;
	v24 =	vperm.xlane v14, v6;
	_ =	sdelay $0x1  }
0x2da: {  	v26 =	vperm.xlane v10, v6;
	v14 =	vadd.f32 v24, v14;
	_ =	sdelay $0x1  }
0x2db: {  	v10 =	vadd.f32 v26, v10;
	v24 =	vperm.xlane v14, v7  }
0x2dc: {  	s19 =	simm.s32 $0x0  }
0x2dd: {  	s21 =	sand.u32 $0xF0, s19;
	v26 =	vperm.xlane v10, v7;
	v14 =	vadd.f32 v24, v14  }
0x2de: {  	s20 =	simm.s32 $0x3100;
	v29 =	vld [tilespmem:s21+$0x2D00]  }
0x2df: {  	v34 =	vadd.f32 v26, v10;
	v26 =	vld [tilespmem:s20+$0x0];
	v2 =	vperm.xlane v14, v8;
	_ =	sdelay $0x1  }
0x2e0: {  	[tilespmem:$0x1FAE0] =	vst v2;
	v2 =	vperm.xlane v34, v8;
	_ =	sdelay $0x1  }
0x2e1: {  	s19 =	simm.s32 $0x10;
	v28 =	vimm.f32 $0.0e+00;
	v10 =	vimm.f32 $0.0e+00;
	s20 =	simm.s32 $0x3110;
	[tilespmem:$0x1FAF0] =	vst v2  }
.LBB2_64:
0x2e2: {  	s21 =	sand.u32 $0xF0, s19;
	p0 =	sne.s32 s19, $0xF0;
	s19 =	sadd.s32 $0x10, s19;
	v32 =	vmul.f32 v26, v29;
	v26 =	vld [tilespmem:s20+$0x0];
	v33 =	vmul.f32 v29, v29  }
.Ltmp31:
0x2e3: {  	v29 =	vld [tilespmem:s21+$0x2D00];
	(pc) =	sbr.rel @p0 .LBB2_64-.Ltmp31, $2  }
0x2e4: {  	v10 =	vadd.f32 v32, v10;
	v28 =	vadd.f32 v33, v28;
	_ =	sdelay $0x2  }
0x2e5: {  	s20 =	sadd.s32 $0x10, s20  }
0x2e6: {  	v32 =	vmul.f32 v29, v29;
	_ =	sdelay $0x1  }
0x2e7: {  	v26 =	vmul.f32 v26, v29;
	v28 =	vadd.f32 v32, v28;
	_ =	sdelay $0x1  }
0x2e8: {  	v10 =	vadd.f32 v26, v10;
	v26 =	vperm.xlane v28, v5;
	_ =	sdelay $0x1  }
0x2e9: {  	v29 =	vperm.xlane v10, v5;
	v26 =	vadd.f32 v26, v28;
	_ =	sdelay $0x1  }
0x2ea: {  	v10 =	vadd.f32 v29, v10;
	v28 =	vperm.xlane v26, v6;
	_ =	sdelay $0x1  }
0x2eb: {  	v29 =	vperm.xlane v10, v6;
	v26 =	vadd.f32 v28, v26;
	_ =	sdelay $0x1  }
0x2ec: {  	v10 =	vadd.f32 v29, v10;
	v28 =	vperm.xlane v26, v7  }
0x2ed: {  	s19 =	simm.s32 $0x0  }
0x2ee: {  	s21 =	sand.u32 $0xF0, s19;
	v29 =	vperm.xlane v10, v7;
	v26 =	vadd.f32 v28, v26  }
0x2ef: {  	s20 =	simm.s32 $0x3100;
	v33 =	vld [tilespmem:s21+$0x2E00]  }
0x2f0: {  	v60 =	vadd.f32 v29, v10;
	v29 =	vld [tilespmem:s20+$0x0];
	v2 =	vperm.xlane v26, v8;
	_ =	sdelay $0x1  }
0x2f1: {  	[tilespmem:$0x1FAC0] =	vst v2;
	v2 =	vperm.xlane v60, v8;
	_ =	sdelay $0x1  }
0x2f2: {  	s19 =	simm.s32 $0x10;
	v32 =	vimm.f32 $0.0e+00;
	v10 =	vimm.f32 $0.0e+00;
	s20 =	simm.s32 $0x3110;
	[tilespmem:$0x1FAD0] =	vst v2  }
.LBB2_66:
0x2f3: {  	s21 =	sand.u32 $0xF0, s19;
	p0 =	sne.s32 s19, $0xF0;
	s19 =	sadd.s32 $0x10, s19;
	v37 =	vmul.f32 v29, v33;
	v29 =	vld [tilespmem:s20+$0x0];
	v38 =	vmul.f32 v33, v33  }
.Ltmp32:
0x2f4: {  	v33 =	vld [tilespmem:s21+$0x2E00];
	(pc) =	sbr.rel @p0 .LBB2_66-.Ltmp32, $2  }
0x2f5: {  	v10 =	vadd.f32 v37, v10;
	v32 =	vadd.f32 v38, v32;
	_ =	sdelay $0x2  }
0x2f6: {  	s20 =	sadd.s32 $0x10, s20  }
0x2f7: {  	v37 =	vmul.f32 v33, v33;
	_ =	sdelay $0x1  }
0x2f8: {  	v29 =	vmul.f32 v29, v33;
	v32 =	vadd.f32 v37, v32;
	_ =	sdelay $0x1  }
0x2f9: {  	v10 =	vadd.f32 v29, v10;
	v29 =	vperm.xlane v32, v5;
	_ =	sdelay $0x1  }
0x2fa: {  	v55 =	vperm.xlane v10, v5;
	v29 =	vadd.f32 v29, v32;
	_ =	sdelay $0x1  }
0x2fb: {  	v10 =	vadd.f32 v55, v10;
	v32 =	vperm.xlane v29, v6;
	_ =	sdelay $0x1  }
0x2fc: {  	v33 =	vperm.xlane v10, v6;
	v29 =	vadd.f32 v32, v29;
	_ =	sdelay $0x1  }
0x2fd: {  	v10 =	vadd.f32 v33, v10;
	v32 =	vperm.xlane v29, v7;
	_ =	sdelay $0x1  }
0x2fe: {  	s19 =	simm.s32 $0x0;
	s20 =	simm.s32 $0x3100;
	v33 =	vperm.xlane v10, v7;
	v29 =	vadd.f32 v32, v29  }
0x2ff: {  	s21 =	sand.u32 $0xF0, s19;
	v38 =	vld [tilespmem:s20+$0x0]  }
0x300: {  	v37 =	vld [tilespmem:s21+$0x2F00];
	v55 =	vadd.f32 v33, v10;
	v2 =	vperm.xlane v29, v8;
	_ =	sdelay $0x1  }
0x301: {  	[tilespmem:$0x1FAA0] =	vst v2;
	v2 =	vperm.xlane v55, v8;
	_ =	sdelay $0x1  }
0x302: {  	s19 =	simm.s32 $0x10;
	s20 =	simm.s32 $0x3110;
	v33 =	vimm.f32 $0.0e+00;
	v10 =	vimm.f32 $0.0e+00;
	[tilespmem:$0x1FAB0] =	vst v2  }
.LBB2_68:
0x303: {  	s21 =	sand.u32 $0xF0, s19;
	p0 =	sne.s32 s19, $0xF0;
	s19 =	sadd.s32 $0x10, s19;
	v36 =	vmul.f32 v38, v37;
	v38 =	vld [tilespmem:s20+$0x0];
	v45 =	vmul.f32 v37, v37  }
.Ltmp33:
0x304: {  	v37 =	vld [tilespmem:s21+$0x2F00];
	(pc) =	sbr.rel @p0 .LBB2_68-.Ltmp33, $2  }
0x305: {  	v33 =	vadd.f32 v36, v33;
	v10 =	vadd.f32 v45, v10;
	_ =	sdelay $0x2  }
0x306: {  	s20 =	sadd.s32 $0x10, s20  }
0x307: {  	v36 =	vadd.f32 v30, v20  }
0x308: {  	v45 =	vadd.f32 v43, v42  }
0x309: {  	v20 =	vmax.f32 v36, $1.000000000e-30  }
0x30a: {  	v42 =	vmax.f32 v45, $1.000000000e-30;
	v22 =	vshra.s32 v20, $0x1;
	v20 =	vmul.f32 $5.000000000e-01, v20  }
0x30b: {  	v30 =	vshra.s32 v42, $0x1;
	v42 =	vmul.f32 $5.000000000e-01, v42;
	v22 =	vsub.s32 $0x5F3759DF, v22  }
0x30c: {  	v24 =	vadd.f32 v48, v46;
	v43 =	vsub.s32 $0x5F3759DF, v30;
	v32 =	vmul.f32 v22, v20  }
0x30d: {  	v52 =	vmul.f32 v43, v42  }
0x30e: {  	v49 =	vmax.f32 v24, $1.000000000e-30;
	v46 =	vmul.f32 v22, v32  }
0x30f: {  	v48 =	vmul.f32 v43, v52;
	v52 =	vshra.s32 v49, $0x1;
	v49 =	vmul.f32 $5.000000000e-01, v49  }
0x310: {  	v52 =	vsub.s32 $0x5F3759DF, v52;
	v46 =	vsub.f32 $1.500000000e+00, v46  }
0x311: {  	v48 =	vsub.f32 $1.500000000e+00, v48;
	v28 =	vmul.f32 v52, v49  }
0x312: {  	v22 =	vmul.f32 v22, v46  }
0x313: {  	v43 =	vmul.f32 v43, v48;
	v28 =	vmul.f32 v52, v28  }
0x314: {  	v46 =	vmul.f32 v22, v20  }
0x315: {  	v28 =	vsub.f32 $1.500000000e+00, v28;
	v48 =	vmul.f32 v43, v42  }
0x316: {  	v46 =	vmul.f32 v46, v22  }
0x317: {  	v28 =	vmul.f32 v52, v28;
	v48 =	vmul.f32 v48, v43  }
0x318: {  	v46 =	vsub.f32 $1.500000000e+00, v46  }
0x319: {  	v48 =	vsub.f32 $1.500000000e+00, v48;
	v52 =	vmul.f32 v28, v49  }
0x31a: {  	v22 =	vmul.f32 v46, v22  }
0x31b: {  	v43 =	vmul.f32 v48, v43;
	v2 =	vmul.f32 v52, v28  }
0x31c: {  	v30 =	vmul.f32 v22, v20  }
0x31d: {  	v46 =	vsub.f32 $1.500000000e+00, v2;
	v32 =	vmul.f32 v43, v42  }
0x31e: {  	v48 =	vmul.f32 v30, v22  }
0x31f: {  	v28 =	vmul.f32 v46, v28;
	v52 =	vmul.f32 v32, v43  }
0x320: {  	v48 =	vsub.f32 $1.500000000e+00, v48  }
0x321: {  	v46 =	vsub.f32 $1.500000000e+00, v52;
	v2 =	vmul.f32 v28, v49  }
0x322: {  	v22 =	vmul.f32 v48, v22  }
0x323: {  	v43 =	vmul.f32 v46, v43;
	v30 =	vmul.f32 v2, v28  }
0x324: {  	v20 =	vmul.f32 v22, v20  }
0x325: {  	v42 =	vmul.f32 v43, v42;
	v46 =	vsub.f32 $1.500000000e+00, v30  }
0x326: {  	v20 =	vmul.f32 v20, v22  }
0x327: {  	v28 =	vmul.f32 v46, v28;
	v46 =	vadd.f32 v56, v54;
	v42 =	vmul.f32 v42, v43;
	_ =	sdelay $0x1  }
0x328: {  	v20 =	vsub.f32 $1.500000000e+00, v20;
	v42 =	vsub.f32 $1.500000000e+00, v42;
	v56 =	vmax.f32 v46, $1.000000000e-30  }
0x329: {  	v32 =	vmul.f32 v28, v49;
	v2 =	vshra.s32 v56, $0x1;
	v52 =	vmul.f32 $5.000000000e-01, v56  }
0x32a: {  	v20 =	vmul.f32 v20, v22;
	v42 =	vmul.f32 v42, v43;
	v22 =	vsub.s32 $0x5F3759DF, v2  }
0x32b: {  	v30 =	vmul.f32 v32, v28;
	v32 =	vmul.f32 v22, v52  }
0x32c: {  	v20 =	vmul.f32 v20, v36;
	v42 =	vmul.f32 v42, v45  }
0x32d: {  	v49 =	vmul.f32 v22, v32  }
0x32e: {  	v2 =	vld [tilespmem:$0x1FF30];
	v45 =	vsub.f32 $1.500000000e+00, v30;
	v36 =	vmax.f32 v20, $9.999999960e-13;
	v54 =	vmax.f32 v42, $9.999999960e-13  }
0x32f: {  	v20 =	vmul.f32 v54, v36;
	v56 =	vsub.f32 $1.500000000e+00, v49  }
0x330: {  	v28 =	vmul.f32 v45, v28  }
0x331: {  	(erf) = vrcp.f32 v20;
	v20 =	vmul.f32 v22, v56;
	v22 =	vadd.f32 v62, v59;
	v59 =	vld [tilespmem:$0x1FF00];
	_ =	sdelay $0x1  }
0x332: {  	v24 =	vmul.f32 v28, v24;
	v28 =	vadd.f32 v2, v63;
	_ =	sdelay $0x1  }
0x333: {  	v2 =	vmax.f32 v28, $1.000000000e-30  }
0x334: {  	v42 =	vmul.f32 v20, v52;
	v62 =	vmax.f32 v22, $1.000000000e-30;
	v43 =	vadd.f32 v59, v58  }
0x335: {  	v30 =	vshra.s32 v2, $0x1;
	v63 =	vshra.s32 v62, $0x1  }
0x336: {  	v45 =	vmul.f32 $5.000000000e-01, v62;
	v42 =	vmul.f32 v42, v20;
	v62 =	vmax.f32 v43, $1.000000000e-30  }
0x337: {  	v48 =	vsub.s32 $0x5F3759DF, v63;
	v63 =	vshra.s32 v62, $0x1;
	v56 =	vmul.f32 $5.000000000e-01, v62  }
0x338: {  	v32 =	vmul.f32 v48, v45;
	v42 =	vsub.f32 $1.500000000e+00, v42;
	v59 =	vsub.s32 $0x5F3759DF, v63  }
0x339: {  	v54 =	vmul.f32 $5.000000000e-01, v2;
	v58 =	vsub.s32 $0x5F3759DF, v30;
	v30 =	vmul.f32 v59, v56  }
0x33a: {  	v49 =	vmul.f32 v48, v32;
	v20 =	vmul.f32 v42, v20  }
0x33b: {  	v2 =	vmul.f32 v58, v54;
	v63 =	vmul.f32 v59, v30;
	v30 =	vld [tilespmem:$0x1FFB0]  }
0x33c: {  	v24 =	vmax.f32 v24, $9.999999960e-13;
	v32 =	vsub.f32 $1.500000000e+00, v49;
	v49 =	vmul.f32 v20, v52  }
0x33d: {  	v24 =	vmul.f32 v24, v36;
	v62 =	vmul.f32 v58, v2  }
0x33e: {  	v49 =	vmul.f32 v49, v20  }
0x33f: {  	(erf) = vrcp.f32 v24;
	v2 =	vsub.f32 $1.500000000e+00, v62;
	v24 =	vmul.f32 v48, v32  }
0x340: {  	v49 =	vsub.f32 $1.500000000e+00, v49;
	v32 =	vadd.f32 v30, v16;
	v16 =	vld [tilespmem:$0x1FFA0]  }
0x341: {  	v48 =	vmul.f32 v58, v2;
	v58 =	vmul.f32 v24, v45  }
0x342: {  	v42 =	vsub.f32 $1.500000000e+00, v63;
	v20 =	vmul.f32 v49, v20  }
0x343: {  	v63 =	vmul.f32 v48, v54;
	v58 =	vmul.f32 v58, v24  }
0x344: {  	v3 =	vld [tilespmem:$0x1FEA0];
	v2 =	vpop (erf);
	v59 =	vmul.f32 v59, v42;
	v52 =	vmul.f32 v20, v52  }
0x345: {  	v63 =	vmul.f32 v63, v48;
	v42 =	vmul.f32 v2, v32;
	v32 =	vadd.f32 v16, v23;
	v23 =	vld [tilespmem:$0x1FED0]  }
0x346: {  	v58 =	vsub.f32 $1.500000000e+00, v58;
	v62 =	vmul.f32 v59, v56;
	v52 =	vmul.f32 v52, v20  }
0x347: {  	v16 =	vsub.f32 $1.500000000e+00, v63  }
0x348: {  	v30 =	vpop (erf);
	v24 =	vmul.f32 v58, v24;
	v62 =	vmul.f32 v62, v59;
	v52 =	vsub.f32 $1.500000000e+00, v52  }
0x349: {  	v49 =	vmul.f32 v30, v32;
	v32 =	vmul.f32 v16, v48;
	v48 =	vadd.f32 v3, v27  }
0x34a: {  	v30 =	vmul.f32 v24, v45;
	v2 =	vadd.f32 v23, v17;
	v17 =	vsub.f32 $1.500000000e+00, v62  }
0x34b: {  	v20 =	vmul.f32 v52, v20;
	v3 =	vmax.f32 v48, $1.000000000e-30  }
0x34c: {  	v63 =	vmul.f32 v30, v24;
	v23 =	vmax.f32 v2, $1.000000000e-30;
	v58 =	vmul.f32 v17, v59  }
0x34d: {  	v27 =	vshra.s32 v23, $0x1;
	v62 =	vmul.f32 $5.000000000e-01, v23;
	v23 =	vshra.s32 v3, $0x1  }
0x34e: {  	v3 =	vmul.f32 $5.000000000e-01, v3;
	v59 =	vsub.s32 $0x5F3759DF, v27;
	v27 =	vmul.f32 v32, v54  }
0x34f: {  	v20 =	vmul.f32 v20, v46;
	v16 =	vsub.s32 $0x5F3759DF, v23;
	v30 =	vmul.f32 v59, v62  }
0x350: {  	v17 =	vmul.f32 v27, v32;
	v27 =	vmul.f32 v16, v3  }
0x351: {  	v63 =	vsub.f32 $1.500000000e+00, v63;
	v23 =	vmul.f32 v59, v30  }
0x352: {  	v20 =	vmax.f32 v20, $9.999999960e-13;
	v30 =	vmul.f32 v58, v56;
	v27 =	vmul.f32 v16, v27  }
0x353: {  	v20 =	vmul.f32 v20, v36;
	v17 =	vsub.f32 $1.500000000e+00, v17;
	v23 =	vsub.f32 $1.500000000e+00, v23  }
0x354: {  	v24 =	vmul.f32 v63, v24;
	v30 =	vmul.f32 v30, v58;
	v27 =	vsub.f32 $1.500000000e+00, v27  }
0x355: {  	v17 =	vmul.f32 v17, v32;
	v23 =	vmul.f32 v59, v23  }
0x356: {  	v30 =	vsub.f32 $1.500000000e+00, v30;
	v59 =	vmul.f32 v24, v45;
	v16 =	vmul.f32 v16, v27  }
0x357: {  	v54 =	vmul.f32 v17, v54;
	v63 =	vmul.f32 v23, v62  }
0x358: {  	v30 =	vmul.f32 v30, v58;
	v27 =	vmul.f32 v59, v24  }
0x359: {  	v52 =	vmul.f32 v16, v3;
	v32 =	vmul.f32 v63, v23  }
0x35a: {  	v46 =	vmul.f32 v54, v17;
	v27 =	vsub.f32 $1.500000000e+00, v27;
	v56 =	vmul.f32 v30, v56  }
0x35b: {  	(erf) = vrcp.f32 v20;
	v45 =	vmul.f32 v52, v16;
	v32 =	vsub.f32 $1.500000000e+00, v32  }
0x35c: {  	v58 =	vsub.f32 $1.500000000e+00, v46;
	v24 =	vmul.f32 v27, v24;
	v20 =	vmul.f32 v56, v30  }
0x35d: {  	v45 =	vsub.f32 $1.500000000e+00, v45;
	v23 =	vmul.f32 v32, v23  }
0x35e: {  	v54 =	vld [tilespmem:$0x1FF90];
	v17 =	vmul.f32 v58, v17;
	v22 =	vmul.f32 v24, v22;
	v20 =	vsub.f32 $1.500000000e+00, v20  }
0x35f: {  	v56 =	vld [tilespmem:$0x1FE60];
	v16 =	vmul.f32 v45, v16;
	v59 =	vmul.f32 v23, v62  }
0x360: {  	v58 =	vld [tilespmem:$0x1FE70];
	v17 =	vmul.f32 v17, v28;
	v20 =	vmul.f32 v20, v30  }
0x361: {  	v52 =	vld [tilespmem:$0x1FF80];
	v22 =	vmax.f32 v22, $9.999999960e-13;
	v63 =	vmul.f32 v16, v3;
	v27 =	vmul.f32 v59, v23  }
0x362: {  	v45 =	vld [tilespmem:$0x1FE30];
	v22 =	vmul.f32 v22, v36;
	v17 =	vmax.f32 v17, $9.999999960e-13  }
0x363: {  	v20 =	vmul.f32 v20, v43;
	v43 =	vld [tilespmem:$0x1FE20];
	v24 =	vmul.f32 v63, v16;
	v27 =	vsub.f32 $1.500000000e+00, v27  }
0x364: {  	v17 =	vmul.f32 v17, v36;
	(erf) = vrcp.f32 v22  }
0x365: {  	v24 =	vsub.f32 $1.500000000e+00, v24;
	v22 =	vmul.f32 v27, v23;
	v27 =	vadd.f32 v58, v56  }
0x366: {  	v32 =	vadd.f32 v54, v52;
	(erf) = vrcp.f32 v17  }
0x367: {  	v59 =	vmax.f32 v20, $9.999999960e-13;
	v16 =	vmul.f32 v24, v16;
	v23 =	vmax.f32 v27, $1.000000000e-30  }
0x368: {  	v24 =	vadd.f32 v45, v43;
	v46 =	vshra.s32 v23, $0x1;
	v30 =	vmul.f32 $5.000000000e-01, v23  }
0x369: {  	v17 =	vmul.f32 v59, v36;
	v63 =	vmul.f32 v22, v62;
	v20 =	vsub.s32 $0x5F3759DF, v46  }
0x36a: {  	v3 =	vmul.f32 v16, v3;
	v54 =	vmax.f32 v24, $1.000000000e-30;
	v23 =	vmul.f32 v20, v30  }
0x36b: {  	v52 =	vmul.f32 v63, v22;
	v56 =	vshra.s32 v54, $0x1;
	v28 =	vmul.f32 $5.000000000e-01, v54  }
0x36c: {  	v3 =	vmul.f32 v3, v16;
	v43 =	vsub.s32 $0x5F3759DF, v56;
	v23 =	vmul.f32 v20, v23  }
0x36d: {  	(erf) = vrcp.f32 v17;
	v46 =	vld [tilespmem:$0x1FF60];
	v17 =	vsub.f32 $1.500000000e+00, v52;
	v59 =	vmul.f32 v43, v28  }
0x36e: {  	v52 =	vld [tilespmem:$0x1FF70];
	v3 =	vsub.f32 $1.500000000e+00, v3;
	v62 =	vsub.f32 $1.500000000e+00, v23  }
0x36f: {  	v54 =	vmul.f32 v43, v59;
	v59 =	vld [tilespmem:$0x1FF40]  }
0x370: {  	v3 =	vmul.f32 v3, v16;
	v16 =	vmul.f32 v20, v62;
	v62 =	vld [tilespmem:$0x1FF50];
	_ =	sdelay $0x2  }
0x371: {  	v56 =	vld [tilespmem:$0x1FDE0]  }
0x372: {  	v58 =	vpop (erf);
	v17 =	vmul.f32 v17, v22;
	v23 =	vadd.f32 v52, v46;
	v46 =	vld [tilespmem:$0x1FF10]  }
0x373: {  	v63 =	vmul.f32 v58, v32;
	v20 =	vadd.f32 v62, v59;
	v62 =	vld [tilespmem:$0x1FDF0]  }
0x374: {  	v58 =	vpop (erf);
	v2 =	vmul.f32 v17, v2;
	v17 =	vsub.f32 $1.500000000e+00, v54;
	v3 =	vmul.f32 v3, v48;
	v48 =	vld [tilespmem:$0x1FF20]  }
0x375: {  	v45 =	vpop (erf);
	v58 =	vmul.f32 v58, v23;
	v32 =	vmul.f32 v16, v30  }
0x376: {  	v2 =	vmax.f32 v2, $9.999999960e-13;
	v23 =	vmul.f32 v43, v17;
	v59 =	vmul.f32 v45, v20;
	v45 =	vld [tilespmem:$0x1FDB0]  }
0x377: {  	v2 =	vmul.f32 v2, v36;
	v54 =	vmax.f32 v3, $9.999999960e-13  }
0x378: {  	v52 =	vmul.f32 v32, v16;
	v3 =	vmul.f32 v23, v28;
	v22 =	vadd.f32 v62, v56;
	v56 =	vld [tilespmem:$0x1FEE0]  }
0x379: {  	(erf) = vrcp.f32 v2;
	v2 =	vmul.f32 v54, v36;
	v17 =	vadd.f32 v48, v46;
	v62 =	vld [tilespmem:$0x1FEF0]  }
0x37a: {  	v43 =	vpop (erf);
	v3 =	vmul.f32 v3, v23;
	v20 =	vsub.f32 $1.500000000e+00, v52  }
0x37b: {  	(erf) = vrcp.f32 v2;
	v17 =	vmul.f32 v43, v17;
	v32 =	vadd.f32 v45, v40  }
0x37c: {  	v3 =	vsub.f32 $1.500000000e+00, v3;
	v2 =	vmul.f32 v20, v16;
	v46 =	vmax.f32 v22, $1.000000000e-30  }
0x37d: {  	v48 =	vshra.s32 v46, $0x1;
	v16 =	vmul.f32 $5.000000000e-01, v46;
	v40 =	vmax.f32 v32, $1.000000000e-30  }
0x37e: {  	v52 =	vshra.s32 v40, $0x1;
	v40 =	vmul.f32 $5.000000000e-01, v40;
	v45 =	vadd.f32 v62, v56;
	v56 =	vld [tilespmem:$0x1FD80]  }
0x37f: {  	v54 =	vmul.f32 v2, v30;
	v20 =	vsub.s32 $0x5F3759DF, v48;
	v43 =	vsub.s32 $0x5F3759DF, v52  }
0x380: {  	v46 =	vmul.f32 v20, v16;
	v48 =	vmul.f32 v43, v40  }
0x381: {  	v3 =	vmul.f32 v3, v23;
	v23 =	vmul.f32 v54, v2  }
0x382: {  	v46 =	vmul.f32 v20, v46;
	v48 =	vmul.f32 v43, v48  }
0x383: {  	v54 =	vmul.f32 v3, v28;
	v62 =	vpop (erf);
	v52 =	vadd.f32 v56, v53;
	v53 =	vsub.f32 $1.500000000e+00, v23  }
0x384: {  	v23 =	vmul.f32 v62, v45;
	v56 =	vsub.f32 $1.500000000e+00, v46;
	v62 =	vsub.f32 $1.500000000e+00, v48  }
0x385: {  	v48 =	vmul.f32 v53, v2;
	v53 =	vmul.f32 v54, v3;
	v54 =	vmax.f32 v52, $1.000000000e-30  }
0x386: {  	v20 =	vmul.f32 v20, v56;
	v43 =	vmul.f32 v43, v62;
	v56 =	vshra.s32 v54, $0x1;
	v62 =	vld [tilespmem:$0x1FEC0]  }
0x387: {  	v46 =	vsub.s32 $0x5F3759DF, v56;
	v56 =	vld [tilespmem:$0x1FEB0]  }
0x388: {  	v45 =	vmul.f32 $5.000000000e-01, v54;
	v2 =	vsub.f32 $1.500000000e+00, v53  }
0x389: {  	v53 =	vmul.f32 v20, v16;
	v54 =	vmul.f32 v43, v40  }
0x38a: {  	v3 =	vmul.f32 v2, v3;
	v2 =	vmul.f32 v46, v45  }
0x38b: {  	v30 =	vmul.f32 v48, v30;
	v53 =	vmul.f32 v53, v20  }
0x38c: {  	v54 =	vmul.f32 v54, v43;
	v56 =	vadd.f32 v62, v56;
	v62 =	vmul.f32 v46, v2  }
0x38d: {  	v30 =	vmul.f32 v30, v48;
	v28 =	vmul.f32 v3, v28  }
0x38e: {  	v54 =	vsub.f32 $1.500000000e+00, v54;
	v62 =	vsub.f32 $1.500000000e+00, v62  }
0x38f: {  	v53 =	vsub.f32 $1.500000000e+00, v53;
	v30 =	vsub.f32 $1.500000000e+00, v30;
	v28 =	vmul.f32 v28, v3  }
0x390: {  	v43 =	vmul.f32 v54, v43;
	v46 =	vmul.f32 v46, v62  }
0x391: {  	v20 =	vmul.f32 v53, v20;
	v30 =	vmul.f32 v30, v48;
	v28 =	vsub.f32 $1.500000000e+00, v28  }
0x392: {  	v54 =	vmul.f32 v43, v40;
	v62 =	vmul.f32 v46, v45  }
0x393: {  	v53 =	vmul.f32 v20, v16;
	v3 =	vmul.f32 v28, v3  }
0x394: {  	v54 =	vmul.f32 v54, v43;
	v28 =	vmul.f32 v62, v46;
	v62 =	vld [tilespmem:$0x1FD50]  }
0x395: {  	v2 =	vpop (erf);
	v53 =	vmul.f32 v53, v20  }
0x396: {  	v2 =	vmul.f32 v2, v56;
	v27 =	vmul.f32 v30, v27;
	v56 =	vsub.f32 $1.500000000e+00, v54  }
0x397: {  	v53 =	vsub.f32 $1.500000000e+00, v53  }
0x398: {  	v27 =	vmax.f32 v27, $9.999999960e-13;
	v3 =	vmul.f32 v3, v24;
	v30 =	vmul.f32 v56, v43  }
0x399: {  	v20 =	vmul.f32 v53, v20;
	v28 =	vsub.f32 $1.500000000e+00, v28;
	v24 =	vadd.f32 v62, v50  }
0x39a: {  	v27 =	vmul.f32 v27, v36;
	v40 =	vmul.f32 v30, v40  }
0x39b: {  	v16 =	vmul.f32 v20, v16;
	v28 =	vmul.f32 v28, v46;
	v50 =	vmax.f32 v24, $1.000000000e-30  }
0x39c: {  	v40 =	vmul.f32 v40, v30;
	v53 =	vshra.s32 v50, $0x1;
	v48 =	vmul.f32 $5.000000000e-01, v50  }
0x39d: {  	v3 =	vmax.f32 v3, $9.999999960e-13;
	v54 =	vmul.f32 v28, v45;
	v43 =	vsub.s32 $0x5F3759DF, v53  }
0x39e: {  	v16 =	vmul.f32 v16, v20;
	v62 =	vsub.f32 $1.500000000e+00, v40;
	v56 =	vmul.f32 v43, v48  }
0x39f: {  	v3 =	vmul.f32 v3, v36;
	v46 =	vmul.f32 v54, v28  }
0x3a0: {  	v16 =	vsub.f32 $1.500000000e+00, v16;
	v50 =	vmul.f32 v43, v56;
	v56 =	vmul.f32 v62, v30;
	v30 =	vld [tilespmem:$0x1FD20]  }
0x3a1: {  	(erf) = vrcp.f32 v27;
	v53 =	vsub.f32 $1.500000000e+00, v46  }
0x3a2: {  	(erf) = vrcp.f32 v3;
	v3 =	vmul.f32 v16, v20  }
0x3a3: {  	v62 =	vmul.f32 v53, v28;
	v54 =	vsub.f32 $1.500000000e+00, v50  }
0x3a4: {  	v3 =	vmul.f32 v3, v22  }
0x3a5: {  	v16 =	vmul.f32 v43, v54;
	v43 =	vmul.f32 v62, v45;
	v22 =	vadd.f32 v30, v0  }
0x3a6: {  	v3 =	vmax.f32 v3, $9.999999960e-13;
	v40 =	vmul.f32 v56, v32  }
0x3a7: {  	v56 =	vld [tilespmem:$0x1FE80];
	v45 =	vmul.f32 v16, v48;
	v20 =	vmul.f32 v43, v62;
	v46 =	vmax.f32 v22, $1.000000000e-30  }
0x3a8: {  	v3 =	vmul.f32 v3, v36;
	v43 =	vld [tilespmem:$0x1FCF0];
	v50 =	vshra.s32 v46, $0x1;
	v30 =	vmul.f32 $5.000000000e-01, v46  }
0x3a9: {  	v28 =	vmul.f32 v45, v16;
	v20 =	vsub.f32 $1.500000000e+00, v20;
	v46 =	vld [tilespmem:$0x1FE40];
	v32 =	vsub.s32 $0x5F3759DF, v50  }
0x3aa: {  	(erf) = vrcp.f32 v3;
	v0 =	vmax.f32 v40, $9.999999960e-13;
	v50 =	vld [tilespmem:$0x1FE50];
	v53 =	vmul.f32 v32, v30  }
0x3ab: {  	v0 =	vmul.f32 v0, v36;
	v3 =	vsub.f32 $1.500000000e+00, v28;
	v20 =	vmul.f32 v20, v62;
	v62 =	vld [tilespmem:$0x1FE90]  }
0x3ac: {  	v54 =	vmul.f32 v32, v53  }
0x3ad: {  	(erf) = vrcp.f32 v0;
	v0 =	vmul.f32 v3, v16;
	v16 =	vadd.f32 v43, v11  }
0x3ae: {  	v3 =	vmul.f32 v20, v52;
	v45 =	vsub.f32 $1.500000000e+00, v54  }
0x3af: {  	v27 =	vadd.f32 v50, v46;
	v52 =	vmul.f32 v0, v48;
	v53 =	vmax.f32 v16, $1.000000000e-30  }
0x3b0: {  	v11 =	vpop (erf);
	v3 =	vmax.f32 v3, $9.999999960e-13;
	v28 =	vadd.f32 v62, v56;
	v54 =	vshra.s32 v53, $0x1  }
0x3b1: {  	v3 =	vmul.f32 v3, v36;
	v56 =	vpop (erf);
	v20 =	vmul.f32 v32, v45;
	v45 =	vsub.s32 $0x5F3759DF, v54;
	v54 =	vld [tilespmem:$0x1FE00]  }
0x3b2: {  	v32 =	vmul.f32 $5.000000000e-01, v53;
	v40 =	vmul.f32 v56, v27;
	v56 =	vld [tilespmem:$0x1FE10]  }
0x3b3: {  	v11 =	vmul.f32 v11, v28;
	v28 =	vmul.f32 v52, v0  }
0x3b4: {  	v62 =	vmul.f32 v20, v30;
	v53 =	vmul.f32 v45, v32  }
0x3b5: {  	(erf) = vrcp.f32 v3  }
0x3b6: {  	v52 =	vsub.f32 $1.500000000e+00, v28;
	v3 =	vmul.f32 v62, v20;
	v62 =	vmul.f32 v45, v53;
	v53 =	vld [tilespmem:$0x1FDD0]  }
0x3b7: {  	v46 =	vadd.f32 v56, v54;
	v54 =	vld [tilespmem:$0x1FCC0]  }
0x3b8: {  	v27 =	vmul.f32 v52, v0;
	v52 =	vld [tilespmem:$0x1FDC0];
	_ =	sdelay $0x2  }
0x3b9: {  	v50 =	vpop (erf);
	v3 =	vsub.f32 $1.500000000e+00, v3  }
0x3ba: {  	v62 =	vsub.f32 $1.500000000e+00, v62;
	v43 =	vmul.f32 v50, v46;
	v46 =	vadd.f32 v54, v25  }
0x3bb: {  	v56 =	vmul.f32 v27, v48;
	v28 =	vadd.f32 v53, v52  }
0x3bc: {  	v3 =	vmul.f32 v3, v20;
	v20 =	vmul.f32 v45, v62;
	v62 =	vld [tilespmem:$0x1FDA0];
	v52 =	vpop (erf);
	v53 =	vmax.f32 v46, $1.000000000e-30  }
0x3bd: {  	v0 =	vmul.f32 v52, v28;
	v54 =	vshra.s32 v53, $0x1;
	v28 =	vmul.f32 $5.000000000e-01, v53;
	v53 =	vld [tilespmem:$0x1FD90]  }
0x3be: {  	v50 =	vmul.f32 v20, v32  }
0x3bf: {  	v25 =	vmul.f32 v56, v27  }
0x3c0: {  	v56 =	vmul.f32 v3, v30;
	v50 =	vmul.f32 v50, v20;
	v45 =	vsub.s32 $0x5F3759DF, v54;
	v54 =	vld [tilespmem:$0x1FC90]  }
0x3c1: {  	v25 =	vsub.f32 $1.500000000e+00, v25  }
0x3c2: {  	v48 =	vmul.f32 v56, v3;
	v53 =	vadd.f32 v62, v53;
	v62 =	vsub.f32 $1.500000000e+00, v50  }
0x3c3: {  	v27 =	vmul.f32 v25, v27  }
0x3c4: {  	v48 =	vsub.f32 $1.500000000e+00, v48;
	v20 =	vmul.f32 v62, v20  }
0x3c5: {  	v52 =	vmul.f32 v45, v28;
	v24 =	vmul.f32 v27, v24;
	v39 =	vadd.f32 v54, v39  }
0x3c6: {  	v56 =	vpop (erf);
	v3 =	vmul.f32 v48, v3;
	v62 =	vmul.f32 v20, v32  }
0x3c7: {  	v52 =	vmul.f32 v45, v52;
	v25 =	vmul.f32 v56, v53;
	v54 =	vmax.f32 v39, $1.000000000e-30  }
0x3c8: {  	v56 =	vshra.s32 v54, $0x1;
	v50 =	vmul.f32 $5.000000000e-01, v54;
	v48 =	vmul.f32 v62, v20;
	v62 =	vld [tilespmem:$0x1FC60]  }
0x3c9: {  	v53 =	vsub.f32 $1.500000000e+00, v52;
	v27 =	vsub.s32 $0x5F3759DF, v56  }
0x3ca: {  	v30 =	vmul.f32 v3, v30;
	v24 =	vmax.f32 v24, $9.999999960e-13;
	v56 =	vmul.f32 v27, v50  }
0x3cb: {  	v24 =	vmul.f32 v24, v36;
	v45 =	vmul.f32 v45, v53  }
0x3cc: {  	v30 =	vmul.f32 v30, v3;
	v52 =	vmul.f32 v27, v56  }
0x3cd: {  	v56 =	vmul.f32 v45, v28;
	v51 =	vadd.f32 v62, v51  }
0x3ce: {  	(erf) = vrcp.f32 v24;
	v30 =	vsub.f32 $1.500000000e+00, v30;
	v52 =	vsub.f32 $1.500000000e+00, v52  }
0x3cf: {  	v53 =	vmul.f32 v56, v45;
	v62 =	vsub.f32 $1.500000000e+00, v48;
	v54 =	vmax.f32 v51, $1.000000000e-30  }
0x3d0: {  	v24 =	vmul.f32 v27, v52;
	v56 =	vshra.s32 v54, $0x1;
	v27 =	vmul.f32 $5.000000000e-01, v54  }
0x3d1: {  	v20 =	vmul.f32 v62, v20;
	v48 =	vsub.s32 $0x5F3759DF, v56  }
0x3d2: {  	v3 =	vmul.f32 v30, v3;
	v30 =	vsub.f32 $1.500000000e+00, v53;
	v56 =	vmul.f32 v48, v27  }
0x3d3: {  	v62 =	vmul.f32 v24, v50;
	v32 =	vmul.f32 v20, v32  }
0x3d4: {  	v30 =	vmul.f32 v30, v45;
	v45 =	vmul.f32 v48, v56;
	v56 =	vld [tilespmem:$0x1FC40]  }
0x3d5: {  	v52 =	vmul.f32 v62, v24;
	v32 =	vmul.f32 v32, v20  }
0x3d6: {  	v3 =	vmul.f32 v3, v22;
	v53 =	vmul.f32 v30, v28  }
0x3d7: {  	v62 =	vsub.f32 $1.500000000e+00, v52;
	v22 =	vsub.f32 $1.500000000e+00, v32  }
0x3d8: {  	v3 =	vmax.f32 v3, $9.999999960e-13;
	v53 =	vmul.f32 v53, v30;
	v45 =	vsub.f32 $1.500000000e+00, v45  }
0x3d9: {  	v20 =	vmul.f32 v22, v20;
	v22 =	vmul.f32 v62, v24;
	v52 =	vadd.f32 v56, v61  }
0x3da: {  	v3 =	vmul.f32 v3, v36;
	v24 =	vmul.f32 v48, v45  }
0x3db: {  	v32 =	vsub.f32 $1.500000000e+00, v53;
	v56 =	vmul.f32 v22, v50;
	v61 =	vmax.f32 v52, $1.000000000e-30  }
0x3dc: {  	v62 =	vshra.s32 v61, $0x1;
	v45 =	vmul.f32 $5.000000000e-01, v61;
	v61 =	vmul.f32 v24, v27  }
0x3dd: {  	v30 =	vmul.f32 v32, v30;
	v53 =	vmul.f32 v56, v22;
	v32 =	vsub.s32 $0x5F3759DF, v62  }
0x3de: {  	v62 =	vmul.f32 v32, v45;
	v48 =	vmul.f32 v61, v24;
	v61 =	vld [tilespmem:$0x1FC20]  }
0x3df: {  	(erf) = vrcp.f32 v3;
	v3 =	vmul.f32 v20, v16;
	v53 =	vsub.f32 $1.500000000e+00, v53  }
0x3e0: {  	v28 =	vmul.f32 v30, v28;
	v54 =	vmul.f32 v32, v62  }
0x3e1: {  	v3 =	vmax.f32 v3, $9.999999960e-13;
	v20 =	vmul.f32 v53, v22;
	v48 =	vsub.f32 $1.500000000e+00, v48  }
0x3e2: {  	v3 =	vmul.f32 v3, v36;
	v53 =	vmul.f32 v28, v30;
	v56 =	vsub.f32 $1.500000000e+00, v54  }
0x3e3: {  	v28 =	vmul.f32 v20, v50;
	v16 =	vmul.f32 v48, v24;
	v24 =	vadd.f32 v61, v21  }
0x3e4: {  	(erf) = vrcp.f32 v3;
	v22 =	vsub.f32 $1.500000000e+00, v53;
	v21 =	vmul.f32 v32, v56  }
0x3e5: {  	v28 =	vmul.f32 v28, v20;
	v62 =	vmul.f32 v16, v27;
	v54 =	vmax.f32 v24, $1.000000000e-30  }
0x3e6: {  	v56 =	vshra.s32 v54, $0x1;
	v53 =	vmul.f32 $5.000000000e-01, v54;
	v61 =	vmul.f32 v21, v45  }
0x3e7: {  	v3 =	vmul.f32 v22, v30;
	v32 =	vmul.f32 v62, v16;
	v50 =	vsub.s32 $0x5F3759DF, v56  }
0x3e8: {  	v48 =	vmul.f32 v61, v21;
	v62 =	vmul.f32 v50, v53  }
0x3e9: {  	v28 =	vsub.f32 $1.500000000e+00, v28;
	v56 =	vsub.f32 $1.500000000e+00, v32  }
0x3ea: {  	v3 =	vmul.f32 v3, v46;
	v61 =	vsub.f32 $1.500000000e+00, v48;
	v62 =	vmul.f32 v50, v62;
	v48 =	vld [tilespmem:$0x1FC00]  }
0x3eb: {  	v20 =	vmul.f32 v28, v20;
	v16 =	vmul.f32 v56, v16  }
0x3ec: {  	v3 =	vmax.f32 v3, $9.999999960e-13;
	v21 =	vmul.f32 v61, v21;
	v46 =	vsub.f32 $1.500000000e+00, v62  }
0x3ed: {  	v3 =	vmul.f32 v3, v36;
	v27 =	vmul.f32 v16, v27  }
0x3ee: {  	v22 =	vmul.f32 v50, v46;
	v50 =	vmul.f32 v21, v45  }
0x3ef: {  	v20 =	vmul.f32 v20, v39;
	v27 =	vmul.f32 v27, v16;
	v48 =	vadd.f32 v48, v44  }
0x3f0: {  	(erf) = vrcp.f32 v3;
	v28 =	vmul.f32 v50, v21  }
0x3f1: {  	v61 =	vmul.f32 v22, v53;
	v27 =	vsub.f32 $1.500000000e+00, v27;
	v54 =	vmax.f32 v48, $1.000000000e-30  }
0x3f2: {  	v56 =	vshra.s32 v54, $0x1;
	v30 =	vmul.f32 $5.000000000e-01, v54;
	v50 =	vsub.f32 $1.500000000e+00, v28  }
0x3f3: {  	v44 =	vmul.f32 v61, v22;
	v3 =	vmul.f32 v27, v16;
	v32 =	vsub.s32 $0x5F3759DF, v56  }
0x3f4: {  	v62 =	vmul.f32 v32, v30;
	v16 =	vmul.f32 v50, v21  }
0x3f5: {  	v20 =	vmax.f32 v20, $9.999999960e-13;
	v46 =	vld [tilespmem:$0x1FD70]  }
0x3f6: {  	v54 =	vsub.f32 $1.500000000e+00, v44;
	v56 =	vmul.f32 v32, v62;
	v62 =	vmul.f32 v16, v45;
	v45 =	vld [tilespmem:$0x1FD60]  }
0x3f7: {  	v20 =	vmul.f32 v20, v36  }
0x3f8: {  	v3 =	vmul.f32 v3, v51;
	v51 =	vld [tilespmem:$0x1FD30];
	v22 =	vmul.f32 v54, v22;
	v61 =	vsub.f32 $1.500000000e+00, v56  }
0x3f9: {  	(erf) = vrcp.f32 v20;
	v54 =	vld [tilespmem:$0x1FD40]  }
0x3fa: {  	v50 =	vmul.f32 v22, v53;
	v56 =	vmul.f32 v62, v16  }
0x3fb: {  	v3 =	vmax.f32 v3, $9.999999960e-13;
	v32 =	vmul.f32 v32, v61;
	v28 =	vadd.f32 v46, v45  }
0x3fc: {  	v3 =	vmul.f32 v3, v36;
	v21 =	vmul.f32 v50, v22;
	v20 =	vsub.f32 $1.500000000e+00, v56;
	v56 =	vld [tilespmem:$0x1FCE0];
	v61 =	vpop (erf)  }
0x3fd: {  	v62 =	vmul.f32 v32, v30;
	v44 =	vmul.f32 v61, v28;
	v61 =	vld [tilespmem:$0x1FBD0]  }
0x3fe: {  	v39 =	vadd.f32 v54, v51;
	v54 =	vld [tilespmem:$0x1FCD0];
	v50 =	vsub.f32 $1.500000000e+00, v21  }
0x3ff: {  	(erf) = vrcp.f32 v3;
	v51 =	vmul.f32 v62, v32  }
0x400: {  	v3 =	vmul.f32 v20, v16;
	v20 =	vmul.f32 v50, v22;
	v50 =	vld [tilespmem:$0x1FCA0]  }
0x401: {  	v62 =	vsub.f32 $1.500000000e+00, v51;
	v51 =	vld [tilespmem:$0x1FCB0]  }
0x402: {  	v46 =	vpop (erf);
	v22 =	vadd.f32 v61, v31  }
0x403: {  	v21 =	vpop (erf);
	v45 =	vadd.f32 v56, v54;
	v28 =	vmul.f32 v62, v32  }
0x404: {  	v39 =	vmul.f32 v46, v39;
	v46 =	vpop (erf);
	v53 =	vmul.f32 v20, v53;
	v54 =	vmax.f32 v22, $1.000000000e-30  }
0x405: {  	v31 =	vmul.f32 v46, v45;
	v62 =	vmul.f32 v28, v30  }
0x406: {  	v61 =	vmul.f32 v53, v20;
	v27 =	vadd.f32 v51, v50;
	v56 =	vshra.s32 v54, $0x1  }
0x407: {  	v32 =	vmul.f32 $5.000000000e-01, v54;
	v45 =	vsub.s32 $0x5F3759DF, v56;
	v56 =	vmul.f32 v62, v28;
	v62 =	vld [tilespmem:$0x1FC80];
	v54 =	vpop (erf)  }
0x408: {  	v3 =	vmul.f32 v3, v52;
	v16 =	vmul.f32 v54, v27;
	v27 =	vsub.f32 $1.500000000e+00, v61;
	v61 =	vld [tilespmem:$0x1FC70];
	_ =	sdelay $0x1  }
0x409: {  	v3 =	vmax.f32 v3, $9.999999960e-13  }
0x40a: {  	v3 =	vmul.f32 v3, v36;
	v51 =	vmul.f32 v45, v32  }
0x40b: {  	v54 =	vld [tilespmem:$0x1FBA0]  }
0x40c: {  	(erf) = vrcp.f32 v3;
	v3 =	vmul.f32 v45, v51;
	v50 =	vadd.f32 v62, v61;
	v61 =	vld [tilespmem:$0x1FB70];
	_ =	sdelay $0x1  }
0x40d: {  	v3 =	vsub.f32 $1.500000000e+00, v3  }
0x40e: {  	v20 =	vmul.f32 v27, v20  }
0x40f: {  	v46 =	vsub.f32 $1.500000000e+00, v56;
	v56 =	vpop (erf);
	v27 =	vadd.f32 v54, v12;
	v3 =	vmul.f32 v45, v3  }
0x410: {  	v62 =	vmul.f32 v20, v24;
	v12 =	vmul.f32 v56, v50;
	v50 =	vadd.f32 v61, v15;
	v61 =	vld [tilespmem:$0x1FC50]  }
0x411: {  	v20 =	vmul.f32 v46, v28;
	v52 =	vmax.f32 v27, $1.000000000e-30;
	v51 =	vmul.f32 v3, v32  }
0x412: {  	v53 =	vshra.s32 v52, $0x1;
	v24 =	vmul.f32 $5.000000000e-01, v52;
	v54 =	vmax.f32 v50, $1.000000000e-30  }
0x413: {  	v28 =	vsub.s32 $0x5F3759DF, v53;
	v56 =	vshra.s32 v54, $0x1;
	v45 =	vmul.f32 $5.000000000e-01, v54  }
0x414: {  	v51 =	vmul.f32 v51, v3;
	v52 =	vmul.f32 v28, v24;
	v46 =	vsub.s32 $0x5F3759DF, v56  }
0x415: {  	v15 =	vmax.f32 v62, $9.999999960e-13;
	v53 =	vmul.f32 v46, v45;
	v41 =	vadd.f32 v61, v41  }
0x416: {  	v62 =	vmul.f32 v15, v36;
	v52 =	vmul.f32 v28, v52;
	v56 =	vpop (erf)  }
0x417: {  	v61 =	vsub.f32 $1.500000000e+00, v51;
	v53 =	vmul.f32 v46, v53;
	v15 =	vmul.f32 v56, v41;
	v56 =	vld [tilespmem:$0x1FB40]  }
0x418: {  	v30 =	vmul.f32 v20, v30;
	v51 =	vsub.f32 $1.500000000e+00, v52  }
0x419: {  	(erf) = vrcp.f32 v62;
	v3 =	vmul.f32 v61, v3;
	v62 =	vsub.f32 $1.500000000e+00, v53  }
0x41a: {  	v61 =	vmul.f32 v30, v20;
	v28 =	vmul.f32 v28, v51  }
0x41b: {  	v30 =	vmul.f32 v46, v62;
	v46 =	vmul.f32 v3, v32  }
0x41c: {  	v41 =	vadd.f32 v56, v1;
	v1 =	vsub.f32 $1.500000000e+00, v61;
	v61 =	vmul.f32 v28, v24;
	_ =	sdelay $0x1  }
0x41d: {  	v46 =	vmul.f32 v46, v3;
	v62 =	vmax.f32 v41, $1.000000000e-30;
	v53 =	vmul.f32 v61, v28  }
0x41e: {  	v1 =	vmul.f32 v1, v20;
	v56 =	vshra.s32 v62, $0x1;
	v51 =	vmul.f32 $5.000000000e-01, v62  }
0x41f: {  	v62 =	vmul.f32 v30, v45;
	v46 =	vsub.f32 $1.500000000e+00, v46;
	v52 =	vsub.s32 $0x5F3759DF, v56  }
0x420: {  	v53 =	vsub.f32 $1.500000000e+00, v53;
	v48 =	vmul.f32 v1, v48;
	v61 =	vmul.f32 v52, v51  }
0x421: {  	v20 =	vmul.f32 v62, v30;
	v3 =	vmul.f32 v46, v3  }
0x422: {  	v28 =	vmul.f32 v53, v28;
	v62 =	vmul.f32 v52, v61  }
0x423: {  	v61 =	vmul.f32 v38, v37;
	v20 =	vsub.f32 $1.500000000e+00, v20;
	v32 =	vmul.f32 v3, v32  }
0x424: {  	v46 =	vmul.f32 v37, v37;
	v53 =	vmul.f32 v28, v24;
	v62 =	vsub.f32 $1.500000000e+00, v62  }
0x425: {  	v1 =	vadd.f32 v61, v33;
	v30 =	vmul.f32 v20, v30;
	v32 =	vmul.f32 v32, v3;
	v61 =	vld [tilespmem:$0x1FC30]  }
0x426: {  	v20 =	vmul.f32 v53, v28;
	v33 =	vmul.f32 v52, v62;
	v52 =	vmax.f32 v48, $9.999999960e-13  }
0x427: {  	v38 =	vadd.f32 v46, v10;
	v54 =	vmul.f32 v30, v45;
	v10 =	vmul.f32 v52, v36  }
0x428: {  	v32 =	vsub.f32 $1.500000000e+00, v32  }
0x429: {  	v20 =	vsub.f32 $1.500000000e+00, v20;
	v56 =	vmul.f32 v33, v51;
	v37 =	vmul.f32 v54, v30  }
0x42a: {  	v3 =	vmul.f32 v32, v3;
	v35 =	vadd.f32 v61, v35;
	(erf) = vrcp.f32 v10  }
0x42b: {  	v28 =	vmul.f32 v20, v28;
	v46 =	vmul.f32 v56, v33;
	v10 =	vpop (erf)  }
0x42c: {  	v3 =	vmul.f32 v3, v22;
	v10 =	vmul.f32 v10, v35;
	v35 =	vld [tilespmem:$0x1FB20]  }
0x42d: {  	v62 =	vsub.f32 $1.500000000e+00, v37;
	v24 =	vmul.f32 v28, v24;
	v37 =	vsub.f32 $1.500000000e+00, v46;
	v46 =	vld [tilespmem:$0x1FC10]  }
0x42e: {  	vm0 =	vmmov $0x1;
	vm1 =	vmmov $0x3;
	v3 =	vmax.f32 v3, $9.999999960e-13  }
0x42f: {  	v42 =	vsel vm0, v42, v49;
	v53 =	vmul.f32 v24, v28;
	v3 =	vmul.f32 v3, v36  }
0x430: {  	v42 =	vsel vm1, v42, v63;
	v22 =	vmul.f32 v62, v30;
	v48 =	vmul.f32 v37, v33  }
0x431: {  	v62 =	vsub.f32 $1.500000000e+00, v53;
	(erf) = vrcp.f32 v3;
	v20 =	vadd.f32 v35, v18  }
0x432: {  	v56 =	vmul.f32 v48, v51;
	v35 =	vadd.f32 v46, v57;
	v57 =	vmul.f32 v22, v45  }
0x433: {  	v28 =	vmul.f32 v62, v28;
	v46 =	vsel vm4, v42, v58;
	v49 =	vmax.f32 v20, $1.000000000e-30  }
0x434: {  	v32 =	vmul.f32 v56, v48;
	v52 =	vshra.s32 v49, $0x1;
	v33 =	vmul.f32 $5.000000000e-01, v49  }
0x435: {  	v53 =	vld [tilespmem:$0x1FB00];
	v37 =	vmul.f32 v57, v22;
	v27 =	vmul.f32 v28, v27;
	v54 =	vsub.s32 $0x5F3759DF, v52  }
0x436: {  	v63 =	vpop (erf);
	v30 =	vsel vm3, v46, v59;
	v57 =	vperm.xlane v38, v5;
	v61 =	vmul.f32 v54, v33  }
0x437: {  	v18 =	vmul.f32 v63, v35;
	v17 =	vsel vm5, v30, v17;
	v3 =	vsub.f32 $1.500000000e+00, v37  }
0x438: {  	v49 =	vmax.f32 v27, $9.999999960e-13;
	v30 =	vadd.f32 v57, v38;
	v45 =	vmul.f32 v54, v61  }
0x439: {  	v32 =	vsub.f32 $1.500000000e+00, v32;
	v24 =	vmul.f32 v49, v36;
	v3 =	vmul.f32 v3, v22  }
0x43a: {  	v19 =	vadd.f32 v53, v19;
	v62 =	vperm.xlane v30, v6;
	v37 =	vsub.f32 $1.500000000e+00, v45  }
0x43b: {  	v49 =	vld [tilespmem:$0x1FAC0];
	(erf) = vrcp.f32 v24;
	v3 =	vmul.f32 v3, v50  }
0x43c: {  	v35 =	vmax.f32 v19, $1.000000000e-30;
	v61 =	vld [tilespmem:$0x1FAE0];
	v45 =	vmul.f32 v32, v48;
	v48 =	vmul.f32 v54, v37  }
0x43d: {  	v3 =	vmax.f32 v3, $9.999999960e-13;
	v54 =	vshra.s32 v35, $0x1;
	v35 =	vmul.f32 $5.000000000e-01, v35  }
0x43e: {  	v51 =	vmul.f32 v45, v51;
	v37 =	vsub.s32 $0x5F3759DF, v54;
	v52 =	vmul.f32 v48, v33  }
0x43f: {  	v17 =	vsel vm2, v17, v23;
	v3 =	vmul.f32 v3, v36;
	v56 =	vmul.f32 v37, v35  }
0x440: {  	v26 =	vadd.f32 v49, v26;
	v27 =	vmul.f32 v51, v45;
	v32 =	vmul.f32 v52, v48  }
0x441: {  	v14 =	vadd.f32 v61, v14;
	(erf) = vrcp.f32 v3;
	v28 =	vmul.f32 v37, v56  }
0x442: {  	v54 =	vld [tilespmem:$0x1FAA0];
	v51 =	vmax.f32 v26, $1.000000000e-30;
	v27 =	vsub.f32 $1.500000000e+00, v27;
	v32 =	vsub.f32 $1.500000000e+00, v32  }
0x443: {  	v38 =	vmax.f32 v14, $1.000000000e-30;
	v59 =	vsub.f32 $1.500000000e+00, v28;
	v28 =	vadd.f32 v62, v30  }
0x444: {  	v42 =	vshra.s32 v38, $0x1;
	v27 =	vmul.f32 v27, v45;
	v22 =	vmul.f32 v32, v48  }
0x445: {  	v52 =	vshra.s32 v51, $0x1;
	v63 =	vmul.f32 v37, v59;
	v46 =	vperm.xlane v28, v7  }
0x446: {  	v45 =	vsub.s32 $0x5F3759DF, v42;
	v27 =	vmul.f32 v27, v41;
	v58 =	vmul.f32 v22, v33  }
0x447: {  	v29 =	vadd.f32 v54, v29;
	v41 =	vmul.f32 v63, v35;
	v28 =	vadd.f32 v46, v28  }
0x448: {  	v3 =	vmax.f32 v27, $9.999999960e-13;
	v27 =	vmul.f32 $5.000000000e-01, v38;
	v24 =	vmul.f32 v58, v22  }
0x449: {  	v57 =	vmax.f32 v29, $1.000000000e-30;
	v30 =	vmul.f32 v41, v63;
	v53 =	vperm.xlane v28, v8  }
0x44a: {  	v3 =	vmul.f32 v3, v36;
	v48 =	vmul.f32 v45, v27;
	v24 =	vsub.f32 $1.500000000e+00, v24  }
0x44b: {  	v59 =	vshra.s32 v57, $0x1;
	v30 =	vsub.f32 $1.500000000e+00, v30;
	v28 =	vadd.f32 v53, v28  }
0x44c: {  	v38 =	vsub.s32 $0x5F3759DF, v59;
	(erf) = vrcp.f32 v3;
	v50 =	vmul.f32 v45, v48  }
0x44d: {  	v22 =	vmul.f32 v24, v22;
	v23 =	vmul.f32 v30, v63;
	v61 =	vmax.f32 v28, $1.000000000e-30  }
0x44e: {  	v32 =	vsub.f32 $1.500000000e+00, v50;
	v30 =	vmul.f32 $5.000000000e-01, v57;
	v41 =	vmul.f32 $5.000000000e-01, v61  }
0x44f: {  	v62 =	vshra.s32 v61, $0x1;
	v3 =	vmul.f32 v22, v33;
	v33 =	vmul.f32 $5.000000000e-01, v51  }
0x450: {  	v24 =	vmul.f32 v45, v32;
	v42 =	vsub.s32 $0x5F3759DF, v62;
	v63 =	vmul.f32 v38, v30  }
0x451: {  	v37 =	vsub.s32 $0x5F3759DF, v52;
	v52 =	vmul.f32 v23, v35;
	v48 =	vmul.f32 v42, v41  }
0x452: {  	v3 =	vmul.f32 v3, v22;
	v56 =	vmul.f32 v37, v33  }
0x453: {  	v50 =	vmul.f32 v38, v63;
	v51 =	vmul.f32 v42, v48  }
0x454: {  	v49 =	vmul.f32 v24, v27;
	v58 =	vmul.f32 v37, v56;
	v3 =	vsub.f32 $1.500000000e+00, v3  }
0x455: {  	v2 =	vsel vm6, v17, v2;
	v53 =	vsub.f32 $1.500000000e+00, v50;
	v54 =	vsub.f32 $1.500000000e+00, v51  }
0x456: {  	v17 =	vmul.f32 v49, v24;
	v56 =	vmul.f32 v52, v23;
	v32 =	vsub.f32 $1.500000000e+00, v58  }
0x457: {  	v2 =	vsel vm7, v2, v11;
	v11 =	vmul.f32 v38, v53;
	v58 =	vmul.f32 v42, v54  }
0x458: {  	v3 =	vmul.f32 v3, v22;
	v17 =	vsub.f32 $1.500000000e+00, v17;
	v32 =	vmul.f32 v37, v32  }
0x459: {  	v38 =	vmul.f32 v11, v30;
	v42 =	vmul.f32 v58, v41  }
0x45a: {  	v17 =	vmul.f32 v17, v24;
	v57 =	vmul.f32 v32, v33  }
0x45b: {  	v59 =	vsub.f32 $1.500000000e+00, v56;
	v38 =	vmul.f32 v38, v11;
	v63 =	vmul.f32 v42, v58  }
0x45c: {  	v2 =	vsel vm8, v2, v40;
	v62 =	vmul.f32 v17, v27;
	v61 =	vmul.f32 v57, v32  }
0x45d: {  	v23 =	vmul.f32 v59, v23;
	v48 =	vsub.f32 $1.500000000e+00, v38;
	v49 =	vsub.f32 $1.500000000e+00, v63  }
0x45e: {  	v3 =	vmul.f32 v3, v20;
	v46 =	vmul.f32 v62, v17;
	v24 =	vsub.f32 $1.500000000e+00, v61  }
0x45f: {  	v2 =	vsel vm9, v2, v43;
	v11 =	vmul.f32 v48, v11;
	v22 =	vmul.f32 v49, v58  }
0x460: {  	v45 =	vmul.f32 v23, v35;
	v35 =	vsub.f32 $1.500000000e+00, v46;
	v24 =	vmul.f32 v24, v32  }
0x461: {  	v0 =	vsel vm10, v2, v0;
	v53 =	vmul.f32 v11, v30;
	v56 =	vmul.f32 v22, v41  }
0x462: {  	v0 =	vsel vm11, v0, v25;
	v32 =	vmul.f32 v45, v23;
	v52 =	vmul.f32 v35, v17  }
0x463: {  	v3 =	vmax.f32 v3, $9.999999960e-13;
	v17 =	vmul.f32 v53, v11;
	v57 =	vmul.f32 v56, v22  }
0x464: {  	v3 =	vmul.f32 v3, v36;
	v50 =	vmul.f32 v24, v33;
	v32 =	vsub.f32 $1.500000000e+00, v32  }
0x465: {  	v27 =	vmul.f32 v52, v27;
	v17 =	vsub.f32 $1.500000000e+00, v17;
	v25 =	vsub.f32 $1.500000000e+00, v57  }
0x466: {  	v51 =	vmul.f32 v50, v24;
	v23 =	vmul.f32 v32, v23  }
0x467: {  	v11 =	vmul.f32 v17, v11;
	v62 =	vmul.f32 v25, v22  }
0x468: {  	v58 =	vmul.f32 v27, v52;
	v54 =	vsub.f32 $1.500000000e+00, v51;
	v19 =	vmul.f32 v23, v19  }
0x469: {  	v25 =	vmul.f32 v11, v30;
	v27 =	vmul.f32 v62, v41  }
0x46a: {  	(erf) = vrcp.f32 v3;
	v24 =	vmul.f32 v54, v24  }
0x46b: {  	v19 =	vmax.f32 v19, $9.999999960e-13;
	v30 =	vmul.f32 v25, v11;
	v32 =	vmul.f32 v27, v62  }
0x46c: {  	v16 =	vsel vm0, v31, v16;
	v40 =	vld [tilespmem:$0x1FBE0];
	v3 =	vmul.f32 v19, v36;
	v59 =	vmul.f32 v24, v33  }
0x46d: {  	v12 =	vsel vm1, v16, v12;
	v41 =	vld [tilespmem:$0x1FBF0];
	v16 =	vsub.f32 $1.500000000e+00, v30;
	v35 =	vsub.f32 $1.500000000e+00, v32  }
0x46e: {  	(erf) = vrcp.f32 v3;
	v63 =	vmul.f32 v59, v24  }
0x46f: {  	v61 =	vsub.f32 $1.500000000e+00, v58;
	v3 =	vmul.f32 v16, v11;
	v11 =	vmul.f32 v35, v62  }
0x470: {  	v22 =	vsub.f32 $1.500000000e+00, v63  }
0x471: {  	v2 =	vmul.f32 v61, v52  }
0x472: {  	v12 =	vsel vm4, v12, v15;
	v15 =	vadd.f32 v41, v40;
	v31 =	vmul.f32 v22, v24  }
0x473: {  	v0 =	vsel vm12, v0, v44;
	v44 =	vld [tilespmem:$0x1FBB0];
	v2 =	vmul.f32 v2, v14;
	v42 =	vmul.f32 v11, v28;
	v11 =	vpop (erf)  }
0x474: {  	v10 =	vsel vm3, v12, v10;
	v45 =	vld [tilespmem:$0x1FBC0];
	v33 =	vmul.f32 v31, v26;
	v11 =	vmul.f32 v11, v15  }
0x475: {  	v10 =	vsel vm5, v10, v18;
	v49 =	vld [tilespmem:$0x1FB60];
	v2 =	vmax.f32 v2, $9.999999960e-13;
	v3 =	vmul.f32 v3, v29  }
0x476: {  	v2 =	vmul.f32 v2, v36;
	v14 =	vmax.f32 v33, $9.999999960e-13;
	v10 =	vsel vm2, v10, v11;
	v11 =	vld [tilespmem:$0x1FB50]  }
0x477: {  	v3 =	vmax.f32 v3, $9.999999960e-13;
	v37 =	vmul.f32 v14, v36  }
0x478: {  	(erf) = vrcp.f32 v2;
	v3 =	vmul.f32 v3, v36;
	v2 =	vmax.f32 v42, $9.999999960e-13  }
0x479: {  	v46 =	vld [tilespmem:$0x1FB90];
	v2 =	vmul.f32 v2, v36;
	v14 =	vadd.f32 v45, v44;
	(erf) = vrcp.f32 v37  }
0x47a: {  	v48 =	vpop (erf);
	(erf) = vrcp.f32 v3;
	v3 =	vld [tilespmem:$0x1FB80]  }
0x47b: {  	v50 =	vpop (erf);
	(erf) = vrcp.f32 v2;
	v2 =	vmul.f32 v48, v14;
	v11 =	vadd.f32 v49, v11  }
0x47c: {  	v53 =	vpop (erf)  }
0x47d: {  	v2 =	vsel vm6, v10, v2;
	v10 =	vmul.f32 v53, v11;
	v11 =	vld [tilespmem:$0x1FB30];
	_ =	sdelay $0x1  }
0x47e: {  	v3 =	vadd.f32 v46, v3;
	_ =	sdelay $0x1  }
0x47f: {  	v3 =	vmul.f32 v50, v3  }
0x480: {  	v11 =	vadd.f32 v11, v47  }
0x481: {  	v56 =	vpop (erf);
	v2 =	vsel vm7, v2, v3  }
0x482: {  	v2 =	vsel vm8, v2, v10;
	v10 =	vmul.f32 v56, v11;
	v11 =	vld [tilespmem:$0x1FAF0]  }
0x483: {  	v38 =	vperm.xlane v1, v5;
	_ =	sdelay $0x1  }
0x484: {  	v1 =	vadd.f32 v38, v1;
	_ =	sdelay $0x1  }
0x485: {  	v43 =	vperm.xlane v1, v6;
	v51 =	vld [tilespmem:$0x1FD00];
	v57 =	vpop (erf);
	v11 =	vadd.f32 v11, v34  }
0x486: {  	v58 =	vpop (erf);
	v3 =	vld [tilespmem:$0x1FB10]  }
0x487: {  	v1 =	vadd.f32 v43, v1;
	v2 =	vsel vm9, v2, v10;
	v10 =	vmul.f32 v58, v11;
	v11 =	vld [tilespmem:$0x1FAB0]  }
0x488: {  	v59 =	vld [tilespmem:$0x1FAD0]  }
0x489: {  	v52 =	vld [tilespmem:$0x1FD10];
	v54 =	vperm.xlane v1, v7;
	_ =	sdelay $0x1  }
0x48a: {  	v1 =	vadd.f32 v54, v1;
	v3 =	vadd.f32 v3, v13  }
0x48b: {  	v11 =	vadd.f32 v11, v55  }
0x48c: {  	v13 =	vadd.f32 v59, v60;
	v60 =	vperm.xlane v1, v8;
	v3 =	vmul.f32 v57, v3  }
0x48d: {  	vm0 =	vmmov $0x3fff;
	vm1 =	vmmov $0x7fff;
	v14 =	vadd.f32 v52, v51;
	v61 =	vpop (erf)  }
0x48e: {  	v62 =	vpop (erf);
	v1 =	vadd.f32 v60, v1;
	v2 =	vsel vm10, v2, v3;
	v3 =	vmul.f32 v61, v13  }
0x48f: {  	v63 =	vmul.f32 v21, v14;
	v2 =	vsel vm11, v2, v10;
	v10 =	vmul.f32 v62, v11;
	v11 =	vpop (erf)  }
0x490: {  	v0 =	vsel vm0, v0, v39;
	v2 =	vsel vm12, v2, v3;
	v1 =	vmul.f32 v11, v1  }
0x491: {  	s18 =	sadd.s32 $0x1, s18;
	v0 =	vsel vm1, v0, v63;
	v2 =	vsel vm0, v2, v10  }
0x492: {  	p0 =	sne.s32 s18, s7;
	[tilespmem:$0x3200] =	vst v0;
	v1 =	vsel vm1, v2, v1  }
.Ltmp34:
0x493: {  	[tilespmem:$0x3210] =	vst v1;
	(pc) =	sbr.rel @p0 .LBB2_1-.Ltmp34, $4  }
0x494: {  	[hbm4b:s6+s1] =	stream.linear.scatter [tilespmem:s17], [sflag:$0x2], $0x80, $0x38;
	[tilespmem:$0x3280] =	vst v63  }
0x495: {  	_ =	swait.ge [sflag:s10], $0x80  }
0x496: {  	[sflag:s10] =	ssyncset.done $0x0  }
0x497: {  	[sflag:s10] =	ssyncadd.s32 $0xFFFFFF80  }
0x498: {  	_ =	sfence.sel $0x180000  }
0x499: {  	[bflag:$0x0] =	sbarrier.arrive $0xFFFF  }
0x49a: {  	p0 =	sne.s32 s0, $0x0;
	_ =	strace $0x90000047  }
0x49b: {  	s0 =	sadd.s32 @!p0 $0x100000, s2;
	[bflag:$0x2] =	sbarrier.arrive $0xFFFF  }
0x49c: {  	[sflag:s0] =	ssyncadd.tile.s32 @!p0 $0x1;
	_ =	shalt  }
.Lfunc_end2:
_tile_overlayer_lowered:
.L_overlay_start_2:
0x49d: {  	(tag) =	ssettag $0x2  }
0x49e: {  	s0 =	rddreg [dreg:$0x0];
	s2 =	stileid.u32  }
0x49f: {  	s1 =	rddreg [dreg:$0x1];
	p0 =	sne.s32 s2, $0x0  }
0x4a0: {  	s3 =	rddreg [dreg:$0x2];
	[bflag:$0x3] =	sbarrier.arrive $0xFFFF;
	s2 =	simm.s32 @!p0 $0x1C02  }
0x4a1: {  	[timem:s3], [sflag:s2] =	dma.local @!p0 [hbm:s0], s1  }
0x4a2: {  	s0 =	simm.s32 @!p0 $0x2  }
0x4a3: {  	_ =	swait.ge @!p0 [sflag:s0], s1  }
0x4a4: {  	s1 =	ssub.s32 @!p0 $0x0, s1;
	[sflag:s0] =	ssyncset.done @!p0 $0x0  }
0x4a5: {  	[sflag:s0] =	ssyncadd.s32 @!p0 s1  }
0x4a6: {  	[bflag:$0x3] =	sbarrier.arrive $0xFFFF  }
0x4a7: {  	_ =	shalt  }

</sc_bundles>
